<compile_context>
chip_gen: v7x
topology: tpu7x:2x2x1
jax: 0.10.2.dev20260603
libtpu: 0.0.44.dev20260713+nightly
codegen_flags: <defaults>
</compile_context>

<pallas_src>
import functools

import jax
import jax.numpy as jnp
from jax import lax
from jax.experimental import pallas as pl
from jax.experimental.pallas import tpu as pltpu
from jax.experimental.pallas import tpu_sc as plsc

NC = 2
NS = 16
EW = 128
K0 = 144
K1 = 16
BTOT = NS * (K0 + K1)
P = 6
PH0 = K0 // P
NB = 2


def _sc_mesh():
    return plsc.VectorSubcoreMesh(core_axis_name="c", subcore_axis_name="s")


def _make_hist_kernel(NPAD):
    rps = NPAD // NS
    KH = BTOT // (NC * NS)

    @functools.partial(
        pl.kernel,
        mesh=_sc_mesh(),
        out_type=(
            jax.ShapeDtypeStruct((NC, NPAD), jnp.float32),
            jax.ShapeDtypeStruct((NC, NPAD), jnp.float32),
        ),
        scratch_types=[
            pltpu.VMEM((KH, EW), jnp.int32),
            pltpu.VMEM((KH, EW), jnp.int32),
            pltpu.VMEM((EW,), jnp.float32),
            pltpu.VMEM_SHARED((NPAD,), jnp.float32),
            pltpu.VMEM_SHARED((NPAD,), jnp.float32),
        ],
    )
    def hist(src_hbm, dst_hbm, ones_hbm, z1_hbm, do_out, di_out,
             src_v, dst_v, ones_v, do_sh, di_sh):
        cid = lax.axis_index("c")
        sid = lax.axis_index("s")
        wid = sid * NC + cid
        pltpu.sync_copy(z1_hbm, do_sh.at[pl.ds(sid * rps, rps)])
        pltpu.sync_copy(z1_hbm, di_sh.at[pl.ds(sid * rps, rps)])
        pltpu.sync_copy(ones_hbm, ones_v)
        pltpu.sync_copy(src_hbm.at[pl.ds(wid * KH, KH)], src_v)
        pltpu.sync_copy(dst_hbm.at[pl.ds(wid * KH, KH)], dst_v)
        plsc.subcore_barrier()

        def body(j, carry):
            pltpu.sync_copy(ones_v, do_sh.at[src_v.at[j]], add=True)
            pltpu.sync_copy(ones_v, di_sh.at[dst_v.at[j]], add=True)
            return carry

        lax.fori_loop(0, KH, body, 0)
        plsc.subcore_barrier()
        pltpu.sync_copy(do_sh.at[pl.ds(sid * rps, rps)],
                        do_out.at[cid, pl.ds(sid * rps, rps)])
        pltpu.sync_copy(di_sh.at[pl.ds(sid * rps, rps)],
                        di_out.at[cid, pl.ds(sid * rps, rps)])

    return hist


def _make_edge_kernel(NPAD, Dh):
    rps = NPAD // NS

    @functools.partial(
        pl.kernel,
        mesh=_sc_mesh(),
        out_type=(
            jax.ShapeDtypeStruct((NC, NPAD, Dh), jnp.float32),
            jax.ShapeDtypeStruct((NC, NPAD), jnp.float32),
        ),
        scratch_types=[
            pltpu.VMEM((PH0, EW), jnp.int32),
            pltpu.VMEM((PH0, EW), jnp.int32),
            pltpu.VMEM((NB, EW, Dh), jnp.float32),
            pltpu.VMEM((PH0, EW), jnp.float32),
            pltpu.VMEM_SHARED((NPAD, Dh), jnp.float32),
            pltpu.VMEM_SHARED((NPAD,), jnp.float32),
            pltpu.VMEM_SHARED((NPAD,), jnp.float32),
            pltpu.SemaphoreType.DMA,
            pltpu.SemaphoreType.DMA,
            pltpu.SemaphoreType.DMA,
            pltpu.SemaphoreType.DMA,
        ],
    )
    def edge(src_hbm, dst_hbm, y0_hbm, y1_hbm, nd_hbm, z1_hbm,
             agg_out, c_out, src_v, dst_v, rows_v, ndv_v,
             agg_sh, c_sh, nd_sh, sem_y0, sem_y1, sem_n, sem_c):
        cid = lax.axis_index("c")
        sid = lax.axis_index("s")

        def zfill(i, carry):
            r = i // (Dh // 16)
            cc = i % (Dh // 16)
            rows_v[0, r, pl.ds(cc * 16, 16)] = jnp.zeros((16,), jnp.float32)
            return carry

        with jax.named_scope("agg_zero"):
            lax.fori_loop(0, EW * (Dh // 16), zfill, 0)
            for q in range(rps // EW):
                pltpu.sync_copy(rows_v.at[0],
                                agg_sh.at[pl.ds(sid * rps + q * EW, EW)])
        pltpu.sync_copy(z1_hbm, c_sh.at[pl.ds(sid * rps, rps)])
        pltpu.sync_copy(nd_hbm.at[pl.ds(sid * rps, rps)],
                        nd_sh.at[pl.ds(sid * rps, rps)])

        @pl.when(cid != 0)
        def _():
            pltpu.sync_copy(src_hbm.at[pl.ds(NS * K0 + sid * K1, K1)],
                            src_v.at[pl.ds(0, K1)])
            pltpu.sync_copy(dst_hbm.at[pl.ds(NS * K0 + sid * K1, K1)],
                            dst_v.at[pl.ds(0, K1)])

        plsc.subcore_barrier()
        semys = (sem_y0, sem_y1)

        def row_loop(y_hbm, n):
            def fire_y(j, b):
                pltpu.async_copy(y_hbm.at[src_v.at[j]], rows_v.at[b],
                                 semys[b])

            def drain_y(j, b):
                pltpu.make_async_copy(y_hbm.at[src_v.at[j]],
                                      rows_v.at[b], semys[b]).wait()

            for b in range(NB):
                fire_y(b, b)

            def body(tt, carry):
                for b in range(NB):
                    j = tt * NB + b
                    drain_y(j, b)
                    pltpu.sync_copy(rows_v.at[b],
                                    agg_sh.at[dst_v.at[j]], add=True)

                    @pl.when(j + NB < n)
                    def _():
                        fire_y(j + NB, b)
                return carry

            lax.fori_loop(0, n // NB, body, 0)

        def phase_work(y_hbm, n):
            def fire_nd(j, carry):
                pltpu.async_copy(nd_sh.at[dst_v.at[j]], ndv_v.at[j], sem_n)
                return carry

            lax.fori_loop(0, n, fire_nd, 0)
            with jax.named_scope("row_loop"):
                row_loop(y_hbm, n)

            with jax.named_scope("c_part"):
                def drain_nd(j, carry):
                    pltpu.make_async_copy(nd_sh.at[dst_v.at[j]],
                                          ndv_v.at[j], sem_n).wait()
                    return carry

                lax.fori_loop(0, n, drain_nd, 0)

                def fire_c(j, carry):
                    pltpu.async_copy(ndv_v.at[j], c_sh.at[src_v.at[j]],
                                     sem_c, add=True)
                    return carry

                lax.fori_loop(0, n, fire_c, 0)

                def drain_c(j, carry):
                    pltpu.make_async_copy(ndv_v.at[j], c_sh.at[src_v.at[j]],
                                          sem_c).wait()
                    return carry

                lax.fori_loop(0, n, drain_c, 0)

        for p in range(P):
            @pl.when(cid == 0)
            def _():
                pstart = sid * K0 + p * PH0
                pltpu.sync_copy(src_hbm.at[pl.ds(pstart, PH0)], src_v)
                pltpu.sync_copy(dst_hbm.at[pl.ds(pstart, PH0)], dst_v)
                phase_work(y0_hbm, PH0)

            if p == 0:
                @pl.when(cid != 0)
                def _():
                    phase_work(y1_hbm, K1)

        plsc.subcore_barrier()

        with jax.named_scope("agg_writeback"):
            pltpu.sync_copy(agg_sh.at[pl.ds(sid * rps, rps)],
                            agg_out.at[cid, pl.ds(sid * rps, rps)])
        pltpu.sync_copy(c_sh.at[pl.ds(sid * rps, rps)],
                        c_out.at[cid, pl.ds(sid * rps, rps)])

    return edge


def _dense1(do_p, di_p, xpad, W1, NPAD, BN):
    Din = xpad.shape[1]
    Dh = W1.shape[1]

    def body(do_ref, di_ref, x_ref, w1_ref, y_ref, y2_ref, ns_ref, nd_ref):
        deg_o = do_ref[0, :] + do_ref[1, :]
        deg_i = di_ref[0, :] + di_ref[1, :]
        ns = jnp.where(deg_o > 0, lax.rsqrt(jnp.maximum(deg_o, 1e-12)), 0.0)
        nd = jnp.where(deg_i > 0, lax.rsqrt(jnp.maximum(deg_i, 1e-12)), 0.0)
        ns_ref[0, :] = ns
        nd_ref[0, :] = nd
        yv = jnp.dot(x_ref[...], w1_ref[...],
                     preferred_element_type=jnp.float32) * ns[:, None]
        y_ref[...] = yv
        y2_ref[...] = yv

    grid = (NPAD // BN,)
    return pl.pallas_call(
        body,
        grid=grid,
        in_specs=[
            pl.BlockSpec((NC, BN), lambda i: (0, i)),
            pl.BlockSpec((NC, BN), lambda i: (0, i)),
            pl.BlockSpec((BN, Din), lambda i: (i, 0)),
            pl.BlockSpec((Din, Dh), lambda i: (0, 0)),
        ],
        out_specs=[
            pl.BlockSpec((BN, Dh), lambda i: (i, 0)),
            pl.BlockSpec((BN, Dh), lambda i: (i, 0)),
            pl.BlockSpec((1, BN), lambda i: (0, i)),
            pl.BlockSpec((1, BN), lambda i: (0, i)),
        ],
        out_shape=[
            jax.ShapeDtypeStruct((NPAD, Dh), jnp.float32),
            jax.ShapeDtypeStruct((NPAD, Dh), jnp.float32),
            jax.ShapeDtypeStruct((1, NPAD), jnp.float32),
            jax.ShapeDtypeStruct((1, NPAD), jnp.float32),
        ],
    )(do_p, di_p, xpad, W1)


def _dense2(agg_p, c_p, ns, nd, b1, W2, b2, NPAD, N, BN):
    Dh = agg_p.shape[2]
    ncls = W2.shape[1]
    grid_n = NPAD // BN

    def body(agg_ref, c_ref, ns_ref, nd_ref, b1_ref, w2_ref, b2_ref,
             out_ref, s_ref):
        i = pl.program_id(0)
        agg = agg_ref[0] + agg_ref[1]
        h1 = jnp.maximum(nd_ref[0, :][:, None] * agg + b1_ref[0, :][None, :],
                         0.0)
        w = ns_ref[0, :] * (c_ref[0, :] + c_ref[1, :])
        row = i * BN + lax.broadcasted_iota(jnp.int32, (1, BN), 1)[0]
        w = jnp.where(row < N, w, 0.0)
        part = jnp.dot(w[None, :], h1, preferred_element_type=jnp.float32)

        @pl.when(i == 0)
        def _():
            s_ref[...] = part

        @pl.when(i > 0)
        def _():
            s_ref[...] = s_ref[...] + part

        @pl.when(i == grid_n - 1)
        def _():
            out_ref[...] = jnp.dot(s_ref[...] * (1.0 / N), w2_ref[...],
                                   preferred_element_type=jnp.float32) \
                + b2_ref[...]

    return pl.pallas_call(
        body,
        grid=(grid_n,),
        in_specs=[
            pl.BlockSpec((NC, BN, Dh), lambda i: (0, i, 0)),
            pl.BlockSpec((NC, BN), lambda i: (0, i)),
            pl.BlockSpec((1, BN), lambda i: (0, i)),
            pl.BlockSpec((1, BN), lambda i: (0, i)),
            pl.BlockSpec((1, Dh), lambda i: (0, 0)),
            pl.BlockSpec((Dh, ncls), lambda i: (0, 0)),
            pl.BlockSpec((1, ncls), lambda i: (0, 0)),
        ],
        out_specs=pl.BlockSpec((1, ncls), lambda i: (0, 0)),
        out_shape=jax.ShapeDtypeStruct((1, ncls), jnp.float32),
        scratch_shapes=[pltpu.VMEM((1, Dh), jnp.float32)],
    )(agg_p, c_p, ns, nd, b1, W2, b2)


def kernel(x, edge_index, W1, b1, W2, b2):
    N, Din = x.shape
    Dh = W1.shape[1]
    E = edge_index.shape[1]
    NPAD = -(-N // 2048) * 2048
    BT = BTOT
    EPAD = BT * EW
    assert EPAD >= E

    src = edge_index[0]
    dst = edge_index[1]
    padv = jnp.full((EPAD - E,), N, jnp.int32)
    srcp = jnp.concatenate([src, padv]).reshape(BT, EW)
    dstp = jnp.concatenate([dst, padv]).reshape(BT, EW)
    xpad = jnp.pad(x, ((0, NPAD - N), (0, 0)))
    rps = NPAD // NS
    z1 = jnp.zeros((rps,), jnp.float32)
    ones = jnp.ones((EW,), jnp.float32)

    do_p, di_p = _make_hist_kernel(NPAD)(srcp, dstp, ones, z1)
    y, y2, ns, nd = _dense1(do_p, di_p, xpad, W1, NPAD, 1024)
    agg_p, c_p = _make_edge_kernel(NPAD, Dh)(
        srcp, dstp, y, y2, nd.reshape(NPAD), z1)
    out = _dense2(agg_p, c_p, ns, nd, b1.reshape(1, Dh), W2,
                  b2.reshape(1, W2.shape[1]), NPAD, N, 1024)
    return out

# --- scband reference (transcript-rebuilt; emitter-appended) ---
"""Pipeline reference for scband-gcn-88639535055109 (READ-ONLY COPY).

The authoritative reference and input builder live on the scoring server;
editing this copy changes nothing except your own understanding.
"""

import jax, jax.numpy as jnp
import numpy as np

N_NODES = 10000
N_EDGES = 320000
D_IN = 128
D_H = 128
N_CLASSES = 40


def setup_inputs(seed: int = 0) -> dict:
    key = jax.random.key(seed)
    ks = jax.random.split(key, 6)
    x = jax.random.normal(ks[0], (N_NODES, D_IN), dtype=jnp.float32)
    edge_index = jax.random.randint(ks[1], (2, N_EDGES), 0, N_NODES, dtype=jnp.int32)
    # Learned params sized per init_kwargs (in_feats=128, h_feats=128, num_classes=40)
    W1 = jax.random.normal(ks[2], (D_IN, D_H), dtype=jnp.float32) * (1.0 / np.sqrt(D_IN))
    b1 = jnp.zeros((D_H,), dtype=jnp.float32)
    W2 = jax.random.normal(ks[3], (D_H, N_CLASSES), dtype=jnp.float32) * (1.0 / np.sqrt(D_H))
    b2 = jnp.zeros((N_CLASSES,), dtype=jnp.float32)
    return {"x": x, "edge_index": edge_index, "W1": W1, "b1": b1, "W2": W2, "b2": b2}


def _graph_conv(x, src, dst, W, b, n_nodes):
    # DGL GraphConv with norm='both': h = D_dst^{-1/2} A D_src^{-1/2} x W + b
    ones = jnp.ones((src.shape[0],), dtype=jnp.float32)
    deg_out = jax.ops.segment_sum(ones, src, num_segments=n_nodes)
    deg_in = jax.ops.segment_sum(ones, dst, num_segments=n_nodes)
    norm_src = jnp.where(deg_out > 0, jax.lax.rsqrt(jnp.maximum(deg_out, 1e-12)), 0.0)
    norm_dst = jnp.where(deg_in > 0, jax.lax.rsqrt(jnp.maximum(deg_in, 1e-12)), 0.0)
    h = x * norm_src[:, None]
    msg = jnp.take(h, src, axis=0)  # gather over edges
    agg = jax.ops.segment_sum(msg, dst, num_segments=n_nodes)  # scatter-add
    agg = agg * norm_dst[:, None]
    return agg @ W + b


def reference(x, edge_index, W1, b1, W2, b2):
    src = edge_index[0]
    dst = edge_index[1]
    n_nodes = x.shape[0]
    h = _graph_conv(x, src, dst, W1, b1, n_nodes)
    h = jax.nn.relu(h)
    h = _graph_conv(h, src, dst, W2, b2, n_nodes)
    # dgl.mean_nodes over a single graph -> mean over all nodes, shape [1, num_classes]
    return jnp.mean(h, axis=0, keepdims=True)

if __name__ == "__main__":
    import jax
    _d = setup_inputs()
    print(jax.jit(kernel)(*tuple(_d.values())))

</pallas_src>

<mosaic_0001>
#map = affine_map<(d0, d1) -> (0, 0)>
#map1 = affine_map<(d0, d1) -> (0)>
#map2 = affine_map<(d0, d1) -> (0, 0, 0)>
module attributes {stable_mosaic.version = 14 : i64} {
  func.func @edge(%arg0: i32, %arg1: i32, %arg2: memref<2560x128xi32, #tpu.memory_space<hbm>>, %arg3: memref<2560x128xi32, #tpu.memory_space<hbm>>, %arg4: memref<10240x128xf32, #tpu.memory_space<hbm>>, %arg5: memref<10240x128xf32, #tpu.memory_space<hbm>>, %arg6: memref<10240xf32, #tpu.memory_space<hbm>>, %arg7: memref<640xf32, #tpu.memory_space<hbm>>, %arg8: memref<2x10240x128xf32, #tpu.memory_space<hbm>>, %arg9: memref<2x10240xf32, #tpu.memory_space<hbm>>, %arg10: memref<24x128xi32, #tpu.memory_space<vmem>>, %arg11: memref<24x128xi32, #tpu.memory_space<vmem>>, %arg12: memref<2x128x128xf32, #tpu.memory_space<vmem>>, %arg13: memref<24x128xf32, #tpu.memory_space<vmem>>, %arg14: memref<10240x128xf32, #tpu.memory_space<vmem_shared>>, %arg15: memref<10240xf32, #tpu.memory_space<vmem_shared>>, %arg16: memref<10240xf32, #tpu.memory_space<vmem_shared>>, %arg17: memref<!tpu.dma_semaphore, #tpu.memory_space<semaphore_mem>>, %arg18: memref<!tpu.dma_semaphore, #tpu.memory_space<semaphore_mem>>, %arg19: memref<!tpu.dma_semaphore, #tpu.memory_space<semaphore_mem>>, %arg20: memref<!tpu.dma_semaphore, #tpu.memory_space<semaphore_mem>>) attributes {dimension_semantics = [#tpu.dimension_semantics<core_parallel>, #tpu.dimension_semantics<subcore_parallel>], iteration_bounds = array<i64: 2, 16>, scalar_prefetch = 0 : i64, scratch_operands = 11 : i64, tpu.core_type = #tpu.core_type<sc_vector_subcore>, window_params = [{transform_indices = #map}, {transform_indices = #map}, {transform_indices = #map}, {transform_indices = #map}, {transform_indices = #map1}, {transform_indices = #map1}, {transform_indices = #map2}, {transform_indices = #map}]} {
    "tpu.trace_start"() <{level = 10 : i32, message = "agg_zero"}> : () -> ()
    %scan3A = arith.constant 0 : i32
    %scan3A_0 = arith.constant 0 : i32
    %scan3A_1 = arith.constant 1024 : i32
    %scan3A_2 = arith.addi %scan3A_0, %scan3A_1 : i32
    %scan3A_3 = arith.constant 1 : i32
    scf.for %scan3A_78 = %scan3A_0 to %scan3A_2 step %scan3A_3  : i32 {
      %jit3A = arith.constant 8 : i32
      %div3A = arith.divsi %scan3A_78, %jit3A : i32
      %sign3A = arith.constant 0 : i32
      %sign3A_79 = arith.cmpi sgt, %scan3A_78, %sign3A : i32
      %sign3A_80 = arith.extui %sign3A_79 : i1 to i32
      %sign3A_81 = arith.constant 0 : i32
      %sign3A_82 = arith.cmpi slt, %scan3A_78, %sign3A_81 : i32
      %sign3A_83 = arith.extui %sign3A_82 : i1 to i32
      %sign3A_84 = arith.subi %sign3A_80, %sign3A_83 : i32
      %sign3A_85 = arith.constant 0 : i32
      %sign3A_86 = arith.cmpi sgt, %jit3A, %sign3A_85 : i32
      %sign3A_87 = arith.extui %sign3A_86 : i1 to i32
      %sign3A_88 = arith.constant 0 : i32
      %sign3A_89 = arith.cmpi slt, %jit3A, %sign3A_88 : i32
      %sign3A_90 = arith.extui %sign3A_89 : i1 to i32
      %sign3A_91 = arith.subi %sign3A_87, %sign3A_90 : i32
      %ne3A_92 = arith.cmpi ne, %sign3A_84, %sign3A_91 : i32
      %rem3A = arith.remsi %scan3A_78, %jit3A : i32
      %ne3A_93 = arith.constant 0 : i32
      %ne3A_94 = arith.cmpi ne, %rem3A, %ne3A_93 : i32
      %and3A = arith.andi %ne3A_92, %ne3A_94 : i1
      %sub3A = arith.constant 1 : i32
      %sub3A_95 = arith.subi %div3A, %sub3A : i32
      %select_n3A = arith.select %and3A, %sub3A_95, %div3A : i32
      %jit3A_96 = arith.constant 8 : i32
      %eq3A_97 = arith.constant 0 : i32
      %eq3A_98 = arith.cmpi eq, %jit3A_96, %eq3A_97 : i32
      %jit3A_99 = arith.constant 1 : i32
      %select_n3A_100 = arith.select %eq3A_98, %jit3A_99, %jit3A_96 : i32
      %rem3A_101 = arith.remsi %scan3A_78, %select_n3A_100 : i32
      %ne3A_102 = arith.constant 0 : i32
      %ne3A_103 = arith.cmpi ne, %rem3A_101, %ne3A_102 : i32
      %lt3A = arith.constant 0 : i32
      %lt3A_104 = arith.cmpi slt, %rem3A_101, %lt3A : i32
      %lt3A_105 = arith.constant 0 : i32
      %lt3A_106 = arith.cmpi slt, %select_n3A_100, %lt3A_105 : i32
      %ne3A_107 = arith.xori %lt3A_104, %lt3A_106 : i1
      %and3A_108 = arith.andi %ne3A_107, %ne3A_103 : i1
      %add3A_109 = arith.addi %rem3A_101, %select_n3A_100 : i32
      %select_n3A_110 = arith.select %and3A_108, %add3A_109, %rem3A_101 : i32
      %broadcast_in_dim3A = arith.constant 0.000000e+00 : f32
      %broadcast_in_dim3A_111 = vector.broadcast %broadcast_in_dim3A : f32 to vector<16xf32>
      %mul3A_112 = arith.constant 16 : i32
      %mul3A_113 = arith.muli %select_n3A_110, %mul3A_112 : i32
      %swap3A = arith.constant 0 : i32
      %swap3A_114 = arith.index_cast %swap3A : i32 to index
      %swap3A_115 = arith.index_cast %select_n3A : i32 to index
      %swap3A_116 = arith.index_cast %mul3A_113 : i32 to index
      %swap3A_117 = tpu.vector_load %arg12[%swap3A_114, %swap3A_115, %swap3A_116] {strides = array<i32>} : memref<2x128x128xf32, #tpu.memory_space<vmem>>, vector<1x1x16xf32>,
      %swap3A_118 = vector.shape_cast %swap3A_117 : vector<1x1x16xf32> to vector<16xf32>
      %swap3A_119 = vector.shape_cast %broadcast_in_dim3A_111 : vector<16xf32> to vector<1x1x16xf32>
      tpu.vector_store %arg12[%swap3A_114, %swap3A_115, %swap3A_116], %swap3A_119 {strides = array<i32>} : memref<2x128x128xf32, #tpu.memory_space<vmem>>, vector<1x1x16xf32>,
    }
    %scan3A_4 = arith.constant 1024 : i32
    %mul3A = arith.constant 640 : i32
    %mul3A_5 = arith.muli %arg1, %mul3A : i32
    %add3A = arith.constant 0 : i32
    %add3A_6 = arith.addi %mul3A_5, %add3A : i32
    %run_scoped3A = arith.constant 0 : i32
    "tpu.region"() ({
      %run_scoped3A_78 = tpu.sem_alloc : memref<!tpu.dma_semaphore, #tpu.memory_space<semaphore_mem>>
      %dma_start3A = arith.constant 0 : i32
      %dma_start3A_79 = arith.constant 0 : i32
      %dma_start3A_80 = tpu.memref_slice %arg12[%run_scoped3A, %dma_start3A, %dma_start3A_79] : memref<2x128x128xf32, #tpu.memory_space<vmem>> -> memref<1x128x128xf32, #tpu.memory_space<vmem>>
      %dma_start3A_81 = tpu.memref_squeeze %dma_start3A_80 : memref<1x128x128xf32, #tpu.memory_space<vmem>> -> memref<128x128xf32, #tpu.memory_space<vmem>>
      %dma_start3A_82 = arith.constant 0 : i32
      %dma_start3A_83 = tpu.memref_slice %arg14[%add3A_6, %dma_start3A_82] : memref<10240x128xf32, #tpu.memory_space<vmem_shared>> -> memref<128x128xf32, #tpu.memory_space<vmem_shared>>
      %dma_start3A_84 = arith.constant 0 : i32
      %dma_start3A_85 = tpu.memref_slice %arg14[%add3A_6, %dma_start3A_84] : memref<10240x128xf32, #tpu.memory_space<vmem_shared>> -> memref<128x128xf32, #tpu.memory_space<vmem_shared>>
      %dma_start3A_86 = arith.constant 0 : i32
      %dma_start3A_87 = arith.constant 0 : i32
      %dma_start3A_88 = tpu.memref_slice %arg12[%run_scoped3A, %dma_start3A_86, %dma_start3A_87] : memref<2x128x128xf32, #tpu.memory_space<vmem>> -> memref<1x128x128xf32, #tpu.memory_space<vmem>>
      %dma_start3A_89 = tpu.memref_squeeze %dma_start3A_88 : memref<1x128x128xf32, #tpu.memory_space<vmem>> -> memref<128x128xf32, #tpu.memory_space<vmem>>
      tpu.enqueue_dma source(%dma_start3A_89 : memref<128x128xf32, #tpu.memory_space<vmem>>) target(%dma_start3A_85 : memref<128x128xf32, #tpu.memory_space<vmem_shared>>) target_semaphore(%run_scoped3A_78 : memref<!tpu.dma_semaphore, #tpu.memory_space<semaphore_mem>>)
      %dma_wait3A = arith.constant 0 : i32
      %dma_wait3A_90 = arith.constant 0 : i32
      %dma_wait3A_91 = tpu.memref_slice %arg12[%run_scoped3A, %dma_wait3A, %dma_wait3A_90] : memref<2x128x128xf32, #tpu.memory_space<vmem>> -> memref<1x128x128xf32, #tpu.memory_space<vmem>>
      %dma_wait3A_92 = tpu.memref_squeeze %dma_wait3A_91 : memref<1x128x128xf32, #tpu.memory_space<vmem>> -> memref<128x128xf32, #tpu.memory_space<vmem>>
      %dma_wait3A_93 = arith.constant 0 : i32
      %dma_wait3A_94 = tpu.memref_slice %arg14[%add3A_6, %dma_wait3A_93] : memref<10240x128xf32, #tpu.memory_space<vmem_shared>> -> memref<128x128xf32, #tpu.memory_space<vmem_shared>>
      %dma_wait3A_95 = arith.constant 0 : i32
      %dma_wait3A_96 = tpu.memref_slice %arg14[%add3A_6, %dma_wait3A_95] : memref<10240x128xf32, #tpu.memory_space<vmem_shared>> -> memref<128x128xf32, #tpu.memory_space<vmem_shared>>
      %dma_wait3A_97 = arith.constant 0 : i32
      %dma_wait3A_98 = arith.constant 0 : i32
      %dma_wait3A_99 = tpu.memref_slice %arg12[%run_scoped3A, %dma_wait3A_97, %dma_wait3A_98] : memref<2x128x128xf32, #tpu.memory_space<vmem>> -> memref<1x128x128xf32, #tpu.memory_space<vmem>>
      %dma_wait3A_100 = tpu.memref_squeeze %dma_wait3A_99 : memref<1x128x128xf32, #tpu.memory_space<vmem>> -> memref<128x128xf32, #tpu.memory_space<vmem>>
      tpu.wait_dma2 semaphore(%run_scoped3A_78 : memref<!tpu.dma_semaphore, #tpu.memory_space<semaphore_mem>>) src(%dma_wait3A_100 : memref<128x128xf32, #tpu.memory_space<vmem>>) dst(%dma_wait3A_96 : memref<128x128xf32, #tpu.memory_space<vmem_shared>>)
      tpu.yield
    }) : () -> ()
    %mul3A_7 = arith.constant 640 : i32
    %mul3A_8 = arith.muli %arg1, %mul3A_7 : i32
    %add3A_9 = arith.constant 128 : i32
    %add3A_10 = arith.addi %mul3A_8, %add3A_9 : i32
    %run_scoped3A_11 = arith.constant 0 : i32
    "tpu.region"() ({
      %run_scoped3A_78 = tpu.sem_alloc : memref<!tpu.dma_semaphore, #tpu.memory_space<semaphore_mem>>
      %dma_start3A = arith.constant 0 : i32
      %dma_start3A_79 = arith.constant 0 : i32
      %dma_start3A_80 = tpu.memref_slice %arg12[%run_scoped3A_11, %dma_start3A, %dma_start3A_79] : memref<2x128x128xf32, #tpu.memory_space<vmem>> -> memref<1x128x128xf32, #tpu.memory_space<vmem>>
      %dma_start3A_81 = tpu.memref_squeeze %dma_start3A_80 : memref<1x128x128xf32, #tpu.memory_space<vmem>> -> memref<128x128xf32, #tpu.memory_space<vmem>>
      %dma_start3A_82 = arith.constant 0 : i32
      %dma_start3A_83 = tpu.memref_slice %arg14[%add3A_10, %dma_start3A_82] : memref<10240x128xf32, #tpu.memory_space<vmem_shared>> -> memref<128x128xf32, #tpu.memory_space<vmem_shared>>
      %dma_start3A_84 = arith.constant 0 : i32
      %dma_start3A_85 = tpu.memref_slice %arg14[%add3A_10, %dma_start3A_84] : memref<10240x128xf32, #tpu.memory_space<vmem_shared>> -> memref<128x128xf32, #tpu.memory_space<vmem_shared>>
      %dma_start3A_86 = arith.constant 0 : i32
      %dma_start3A_87 = arith.constant 0 : i32
      %dma_start3A_88 = tpu.memref_slice %arg12[%run_scoped3A_11, %dma_start3A_86, %dma_start3A_87] : memref<2x128x128xf32, #tpu.memory_space<vmem>> -> memref<1x128x128xf32, #tpu.memory_space<vmem>>
      %dma_start3A_89 = tpu.memref_squeeze %dma_start3A_88 : memref<1x128x128xf32, #tpu.memory_space<vmem>> -> memref<128x128xf32, #tpu.memory_space<vmem>>
      tpu.enqueue_dma source(%dma_start3A_89 : memref<128x128xf32, #tpu.memory_space<vmem>>) target(%dma_start3A_85 : memref<128x128xf32, #tpu.memory_space<vmem_shared>>) target_semaphore(%run_scoped3A_78 : memref<!tpu.dma_semaphore, #tpu.memory_space<semaphore_mem>>)
      %dma_wait3A = arith.constant 0 : i32
      %dma_wait3A_90 = arith.constant 0 : i32
      %dma_wait3A_91 = tpu.memref_slice %arg12[%run_scoped3A_11, %dma_wait3A, %dma_wait3A_90] : memref<2x128x128xf32, #tpu.memory_space<vmem>> -> memref<1x128x128xf32, #tpu.memory_space<vmem>>
      %dma_wait3A_92 = tpu.memref_squeeze %dma_wait3A_91 : memref<1x128x128xf32, #tpu.memory_space<vmem>> -> memref<128x128xf32, #tpu.memory_space<vmem>>
      %dma_wait3A_93 = arith.constant 0 : i32
      %dma_wait3A_94 = tpu.memref_slice %arg14[%add3A_10, %dma_wait3A_93] : memref<10240x128xf32, #tpu.memory_space<vmem_shared>> -> memref<128x128xf32, #tpu.memory_space<vmem_shared>>
      %dma_wait3A_95 = arith.constant 0 : i32
      %dma_wait3A_96 = tpu.memref_slice %arg14[%add3A_10, %dma_wait3A_95] : memref<10240x128xf32, #tpu.memory_space<vmem_shared>> -> memref<128x128xf32, #tpu.memory_space<vmem_shared>>
      %dma_wait3A_97 = arith.constant 0 : i32
      %dma_wait3A_98 = arith.constant 0 : i32
      %dma_wait3A_99 = tpu.memref_slice %arg12[%run_scoped3A_11, %dma_wait3A_97, %dma_wait3A_98] : memref<2x128x128xf32, #tpu.memory_space<vmem>> -> memref<1x128x128xf32, #tpu.memory_space<vmem>>
      %dma_wait3A_100 = tpu.memref_squeeze %dma_wait3A_99 : memref<1x128x128xf32, #tpu.memory_space<vmem>> -> memref<128x128xf32, #tpu.memory_space<vmem>>
      tpu.wait_dma2 semaphore(%run_scoped3A_78 : memref<!tpu.dma_semaphore, #tpu.memory_space<semaphore_mem>>) src(%dma_wait3A_100 : memref<128x128xf32, #tpu.memory_space<vmem>>) dst(%dma_wait3A_96 : memref<128x128xf32, #tpu.memory_space<vmem_shared>>)
      tpu.yield
    }) : () -> ()
    %mul3A_12 = arith.constant 640 : i32
    %mul3A_13 = arith.muli %arg1, %mul3A_12 : i32
    %add3A_14 = arith.constant 256 : i32
    %add3A_15 = arith.addi %mul3A_13, %add3A_14 : i32
    %run_scoped3A_16 = arith.constant 0 : i32
    "tpu.region"() ({
      %run_scoped3A_78 = tpu.sem_alloc : memref<!tpu.dma_semaphore, #tpu.memory_space<semaphore_mem>>
      %dma_start3A = arith.constant 0 : i32
      %dma_start3A_79 = arith.constant 0 : i32
      %dma_start3A_80 = tpu.memref_slice %arg12[%run_scoped3A_16, %dma_start3A, %dma_start3A_79] : memref<2x128x128xf32, #tpu.memory_space<vmem>> -> memref<1x128x128xf32, #tpu.memory_space<vmem>>
      %dma_start3A_81 = tpu.memref_squeeze %dma_start3A_80 : memref<1x128x128xf32, #tpu.memory_space<vmem>> -> memref<128x128xf32, #tpu.memory_space<vmem>>
      %dma_start3A_82 = arith.constant 0 : i32
      %dma_start3A_83 = tpu.memref_slice %arg14[%add3A_15, %dma_start3A_82] : memref<10240x128xf32, #tpu.memory_space<vmem_shared>> -> memref<128x128xf32, #tpu.memory_space<vmem_shared>>
      %dma_start3A_84 = arith.constant 0 : i32
      %dma_start3A_85 = tpu.memref_slice %arg14[%add3A_15, %dma_start3A_84] : memref<10240x128xf32, #tpu.memory_space<vmem_shared>> -> memref<128x128xf32, #tpu.memory_space<vmem_shared>>
      %dma_start3A_86 = arith.constant 0 : i32
      %dma_start3A_87 = arith.constant 0 : i32
      %dma_start3A_88 = tpu.memref_slice %arg12[%run_scoped3A_16, %dma_start3A_86, %dma_start3A_87] : memref<2x128x128xf32, #tpu.memory_space<vmem>> -> memref<1x128x128xf32, #tpu.memory_space<vmem>>
      %dma_start3A_89 = tpu.memref_squeeze %dma_start3A_88 : memref<1x128x128xf32, #tpu.memory_space<vmem>> -> memref<128x128xf32, #tpu.memory_space<vmem>>
      tpu.enqueue_dma source(%dma_start3A_89 : memref<128x128xf32, #tpu.memory_space<vmem>>) target(%dma_start3A_85 : memref<128x128xf32, #tpu.memory_space<vmem_shared>>) target_semaphore(%run_scoped3A_78 : memref<!tpu.dma_semaphore, #tpu.memory_space<semaphore_mem>>)
      %dma_wait3A = arith.constant 0 : i32
      %dma_wait3A_90 = arith.constant 0 : i32
      %dma_wait3A_91 = tpu.memref_slice %arg12[%run_scoped3A_16, %dma_wait3A, %dma_wait3A_90] : memref<2x128x128xf32, #tpu.memory_space<vmem>> -> memref<1x128x128xf32, #tpu.memory_space<vmem>>
      %dma_wait3A_92 = tpu.memref_squeeze %dma_wait3A_91 : memref<1x128x128xf32, #tpu.memory_space<vmem>> -> memref<128x128xf32, #tpu.memory_space<vmem>>
      %dma_wait3A_93 = arith.constant 0 : i32
      %dma_wait3A_94 = tpu.memref_slice %arg14[%add3A_15, %dma_wait3A_93] : memref<10240x128xf32, #tpu.memory_space<vmem_shared>> -> memref<128x128xf32, #tpu.memory_space<vmem_shared>>
      %dma_wait3A_95 = arith.constant 0 : i32
      %dma_wait3A_96 = tpu.memref_slice %arg14[%add3A_15, %dma_wait3A_95] : memref<10240x128xf32, #tpu.memory_space<vmem_shared>> -> memref<128x128xf32, #tpu.memory_space<vmem_shared>>
      %dma_wait3A_97 = arith.constant 0 : i32
      %dma_wait3A_98 = arith.constant 0 : i32
      %dma_wait3A_99 = tpu.memref_slice %arg12[%run_scoped3A_16, %dma_wait3A_97, %dma_wait3A_98] : memref<2x128x128xf32, #tpu.memory_space<vmem>> -> memref<1x128x128xf32, #tpu.memory_space<vmem>>
      %dma_wait3A_100 = tpu.memref_squeeze %dma_wait3A_99 : memref<1x128x128xf32, #tpu.memory_space<vmem>> -> memref<128x128xf32, #tpu.memory_space<vmem>>
      tpu.wait_dma2 semaphore(%run_scoped3A_78 : memref<!tpu.dma_semaphore, #tpu.memory_space<semaphore_mem>>) src(%dma_wait3A_100 : memref<128x128xf32, #tpu.memory_space<vmem>>) dst(%dma_wait3A_96 : memref<128x128xf32, #tpu.memory_space<vmem_shared>>)
      tpu.yield
    }) : () -> ()
    %mul3A_17 = arith.constant 640 : i32
    %mul3A_18 = arith.muli %arg1, %mul3A_17 : i32
    %add3A_19 = arith.constant 384 : i32
    %add3A_20 = arith.addi %mul3A_18, %add3A_19 : i32
    %run_scoped3A_21 = arith.constant 0 : i32
    "tpu.region"() ({
      %run_scoped3A_78 = tpu.sem_alloc : memref<!tpu.dma_semaphore, #tpu.memory_space<semaphore_mem>>
      %dma_start3A = arith.constant 0 : i32
      %dma_start3A_79 = arith.constant 0 : i32
      %dma_start3A_80 = tpu.memref_slice %arg12[%run_scoped3A_21, %dma_start3A, %dma_start3A_79] : memref<2x128x128xf32, #tpu.memory_space<vmem>> -> memref<1x128x128xf32, #tpu.memory_space<vmem>>
      %dma_start3A_81 = tpu.memref_squeeze %dma_start3A_80 : memref<1x128x128xf32, #tpu.memory_space<vmem>> -> memref<128x128xf32, #tpu.memory_space<vmem>>
      %dma_start3A_82 = arith.constant 0 : i32
      %dma_start3A_83 = tpu.memref_slice %arg14[%add3A_20, %dma_start3A_82] : memref<10240x128xf32, #tpu.memory_space<vmem_shared>> -> memref<128x128xf32, #tpu.memory_space<vmem_shared>>
      %dma_start3A_84 = arith.constant 0 : i32
      %dma_start3A_85 = tpu.memref_slice %arg14[%add3A_20, %dma_start3A_84] : memref<10240x128xf32, #tpu.memory_space<vmem_shared>> -> memref<128x128xf32, #tpu.memory_space<vmem_shared>>
      %dma_start3A_86 = arith.constant 0 : i32
      %dma_start3A_87 = arith.constant 0 : i32
      %dma_start3A_88 = tpu.memref_slice %arg12[%run_scoped3A_21, %dma_start3A_86, %dma_start3A_87] : memref<2x128x128xf32, #tpu.memory_space<vmem>> -> memref<1x128x128xf32, #tpu.memory_space<vmem>>
      %dma_start3A_89 = tpu.memref_squeeze %dma_start3A_88 : memref<1x128x128xf32, #tpu.memory_space<vmem>> -> memref<128x128xf32, #tpu.memory_space<vmem>>
      tpu.enqueue_dma source(%dma_start3A_89 : memref<128x128xf32, #tpu.memory_space<vmem>>) target(%dma_start3A_85 : memref<128x128xf32, #tpu.memory_space<vmem_shared>>) target_semaphore(%run_scoped3A_78 : memref<!tpu.dma_semaphore, #tpu.memory_space<semaphore_mem>>)
      %dma_wait3A = arith.constant 0 : i32
      %dma_wait3A_90 = arith.constant 0 : i32
      %dma_wait3A_91 = tpu.memref_slice %arg12[%run_scoped3A_21, %dma_wait3A, %dma_wait3A_90] : memref<2x128x128xf32, #tpu.memory_space<vmem>> -> memref<1x128x128xf32, #tpu.memory_space<vmem>>
      %dma_wait3A_92 = tpu.memref_squeeze %dma_wait3A_91 : memref<1x128x128xf32, #tpu.memory_space<vmem>> -> memref<128x128xf32, #tpu.memory_space<vmem>>
      %dma_wait3A_93 = arith.constant 0 : i32
      %dma_wait3A_94 = tpu.memref_slice %arg14[%add3A_20, %dma_wait3A_93] : memref<10240x128xf32, #tpu.memory_space<vmem_shared>> -> memref<128x128xf32, #tpu.memory_space<vmem_shared>>
      %dma_wait3A_95 = arith.constant 0 : i32
      %dma_wait3A_96 = tpu.memref_slice %arg14[%add3A_20, %dma_wait3A_95] : memref<10240x128xf32, #tpu.memory_space<vmem_shared>> -> memref<128x128xf32, #tpu.memory_space<vmem_shared>>
      %dma_wait3A_97 = arith.constant 0 : i32
      %dma_wait3A_98 = arith.constant 0 : i32
      %dma_wait3A_99 = tpu.memref_slice %arg12[%run_scoped3A_21, %dma_wait3A_97, %dma_wait3A_98] : memref<2x128x128xf32, #tpu.memory_space<vmem>> -> memref<1x128x128xf32, #tpu.memory_space<vmem>>
      %dma_wait3A_100 = tpu.memref_squeeze %dma_wait3A_99 : memref<1x128x128xf32, #tpu.memory_space<vmem>> -> memref<128x128xf32, #tpu.memory_space<vmem>>
      tpu.wait_dma2 semaphore(%run_scoped3A_78 : memref<!tpu.dma_semaphore, #tpu.memory_space<semaphore_mem>>) src(%dma_wait3A_100 : memref<128x128xf32, #tpu.memory_space<vmem>>) dst(%dma_wait3A_96 : memref<128x128xf32, #tpu.memory_space<vmem_shared>>)
      tpu.yield
    }) : () -> ()
    %mul3A_22 = arith.constant 640 : i32
    %mul3A_23 = arith.muli %arg1, %mul3A_22 : i32
    %add3A_24 = arith.constant 512 : i32
    %add3A_25 = arith.addi %mul3A_23, %add3A_24 : i32
    %run_scoped3A_26 = arith.constant 0 : i32
    "tpu.region"() ({
      %run_scoped3A_78 = tpu.sem_alloc : memref<!tpu.dma_semaphore, #tpu.memory_space<semaphore_mem>>
      %dma_start3A = arith.constant 0 : i32
      %dma_start3A_79 = arith.constant 0 : i32
      %dma_start3A_80 = tpu.memref_slice %arg12[%run_scoped3A_26, %dma_start3A, %dma_start3A_79] : memref<2x128x128xf32, #tpu.memory_space<vmem>> -> memref<1x128x128xf32, #tpu.memory_space<vmem>>
      %dma_start3A_81 = tpu.memref_squeeze %dma_start3A_80 : memref<1x128x128xf32, #tpu.memory_space<vmem>> -> memref<128x128xf32, #tpu.memory_space<vmem>>
      %dma_start3A_82 = arith.constant 0 : i32
      %dma_start3A_83 = tpu.memref_slice %arg14[%add3A_25, %dma_start3A_82] : memref<10240x128xf32, #tpu.memory_space<vmem_shared>> -> memref<128x128xf32, #tpu.memory_space<vmem_shared>>
      %dma_start3A_84 = arith.constant 0 : i32
      %dma_start3A_85 = tpu.memref_slice %arg14[%add3A_25, %dma_start3A_84] : memref<10240x128xf32, #tpu.memory_space<vmem_shared>> -> memref<128x128xf32, #tpu.memory_space<vmem_shared>>
      %dma_start3A_86 = arith.constant 0 : i32
      %dma_start3A_87 = arith.constant 0 : i32
      %dma_start3A_88 = tpu.memref_slice %arg12[%run_scoped3A_26, %dma_start3A_86, %dma_start3A_87] : memref<2x128x128xf32, #tpu.memory_space<vmem>> -> memref<1x128x128xf32, #tpu.memory_space<vmem>>
      %dma_start3A_89 = tpu.memref_squeeze %dma_start3A_88 : memref<1x128x128xf32, #tpu.memory_space<vmem>> -> memref<128x128xf32, #tpu.memory_space<vmem>>
      tpu.enqueue_dma source(%dma_start3A_89 : memref<128x128xf32, #tpu.memory_space<vmem>>) target(%dma_start3A_85 : memref<128x128xf32, #tpu.memory_space<vmem_shared>>) target_semaphore(%run_scoped3A_78 : memref<!tpu.dma_semaphore, #tpu.memory_space<semaphore_mem>>)
      %dma_wait3A = arith.constant 0 : i32
      %dma_wait3A_90 = arith.constant 0 : i32
      %dma_wait3A_91 = tpu.memref_slice %arg12[%run_scoped3A_26, %dma_wait3A, %dma_wait3A_90] : memref<2x128x128xf32, #tpu.memory_space<vmem>> -> memref<1x128x128xf32, #tpu.memory_space<vmem>>
      %dma_wait3A_92 = tpu.memref_squeeze %dma_wait3A_91 : memref<1x128x128xf32, #tpu.memory_space<vmem>> -> memref<128x128xf32, #tpu.memory_space<vmem>>
      %dma_wait3A_93 = arith.constant 0 : i32
      %dma_wait3A_94 = tpu.memref_slice %arg14[%add3A_25, %dma_wait3A_93] : memref<10240x128xf32, #tpu.memory_space<vmem_shared>> -> memref<128x128xf32, #tpu.memory_space<vmem_shared>>
      %dma_wait3A_95 = arith.constant 0 : i32
      %dma_wait3A_96 = tpu.memref_slice %arg14[%add3A_25, %dma_wait3A_95] : memref<10240x128xf32, #tpu.memory_space<vmem_shared>> -> memref<128x128xf32, #tpu.memory_space<vmem_shared>>
      %dma_wait3A_97 = arith.constant 0 : i32
      %dma_wait3A_98 = arith.constant 0 : i32
      %dma_wait3A_99 = tpu.memref_slice %arg12[%run_scoped3A_26, %dma_wait3A_97, %dma_wait3A_98] : memref<2x128x128xf32, #tpu.memory_space<vmem>> -> memref<1x128x128xf32, #tpu.memory_space<vmem>>
      %dma_wait3A_100 = tpu.memref_squeeze %dma_wait3A_99 : memref<1x128x128xf32, #tpu.memory_space<vmem>> -> memref<128x128xf32, #tpu.memory_space<vmem>>
      tpu.wait_dma2 semaphore(%run_scoped3A_78 : memref<!tpu.dma_semaphore, #tpu.memory_space<semaphore_mem>>) src(%dma_wait3A_100 : memref<128x128xf32, #tpu.memory_space<vmem>>) dst(%dma_wait3A_96 : memref<128x128xf32, #tpu.memory_space<vmem_shared>>)
      tpu.yield
    }) : () -> ()
    "tpu.trace_stop"() : () -> ()
    %mul3A_27 = arith.constant 640 : i32
    %mul3A_28 = arith.muli %arg1, %mul3A_27 : i32
    "tpu.region"() ({
      %run_scoped3A_78 = tpu.sem_alloc : memref<!tpu.dma_semaphore, #tpu.memory_space<semaphore_mem>>
      %dma_start3A = tpu.memref_slice %arg15[%mul3A_28] : memref<10240xf32, #tpu.memory_space<vmem_shared>> -> memref<640xf32, #tpu.memory_space<vmem_shared>>
      tpu.enqueue_dma source(%arg7 : memref<640xf32, #tpu.memory_space<hbm>>) target(%dma_start3A : memref<640xf32, #tpu.memory_space<vmem_shared>>) target_semaphore(%run_scoped3A_78 : memref<!tpu.dma_semaphore, #tpu.memory_space<semaphore_mem>>)
      %dma_wait3A = tpu.memref_slice %arg15[%mul3A_28] : memref<10240xf32, #tpu.memory_space<vmem_shared>> -> memref<640xf32, #tpu.memory_space<vmem_shared>>
      tpu.wait_dma2 semaphore(%run_scoped3A_78 : memref<!tpu.dma_semaphore, #tpu.memory_space<semaphore_mem>>) src(%arg7 : memref<640xf32, #tpu.memory_space<hbm>>) dst(%dma_wait3A : memref<640xf32, #tpu.memory_space<vmem_shared>>)
      tpu.yield
    }) : () -> ()
    %mul3A_29 = arith.constant 640 : i32
    %mul3A_30 = arith.muli %arg1, %mul3A_29 : i32
    %mul3A_31 = arith.constant 640 : i32
    %mul3A_32 = arith.muli %arg1, %mul3A_31 : i32
    "tpu.region"() ({
      %run_scoped3A_78 = tpu.sem_alloc : memref<!tpu.dma_semaphore, #tpu.memory_space<semaphore_mem>>
      %dma_start3A = tpu.memref_slice %arg16[%mul3A_32] : memref<10240xf32, #tpu.memory_space<vmem_shared>> -> memref<640xf32, #tpu.memory_space<vmem_shared>>
      %dma_start3A_79 = tpu.memref_slice %arg6[%mul3A_30] : memref<10240xf32, #tpu.memory_space<hbm>> -> memref<640xf32, #tpu.memory_space<hbm>>
      tpu.enqueue_dma source(%dma_start3A_79 : memref<640xf32, #tpu.memory_space<hbm>>) target(%dma_start3A : memref<640xf32, #tpu.memory_space<vmem_shared>>) target_semaphore(%run_scoped3A_78 : memref<!tpu.dma_semaphore, #tpu.memory_space<semaphore_mem>>)
      %dma_wait3A = tpu.memref_slice %arg16[%mul3A_32] : memref<10240xf32, #tpu.memory_space<vmem_shared>> -> memref<640xf32, #tpu.memory_space<vmem_shared>>
      %dma_wait3A_80 = tpu.memref_slice %arg6[%mul3A_30] : memref<10240xf32, #tpu.memory_space<hbm>> -> memref<640xf32, #tpu.memory_space<hbm>>
      tpu.wait_dma2 semaphore(%run_scoped3A_78 : memref<!tpu.dma_semaphore, #tpu.memory_space<semaphore_mem>>) src(%dma_wait3A_80 : memref<640xf32, #tpu.memory_space<hbm>>) dst(%dma_wait3A : memref<640xf32, #tpu.memory_space<vmem_shared>>)
      tpu.yield
    }) : () -> ()
    %ne3A = arith.constant 0 : i32
    %ne3A_33 = arith.cmpi ne, %arg0, %ne3A : i32
    %convert_element_type3A = arith.extui %ne3A_33 : i1 to i32
    %cond3A = arith.constant 0 : i32
    %cond3A_34 = arith.cmpi ne, %convert_element_type3A, %cond3A : i32
    scf.if %cond3A_34 {
      %mul3A_78 = arith.constant 16 : i32
      %mul3A_79 = arith.muli %arg1, %mul3A_78 : i32
      %add3A_80 = arith.constant 2304 : i32
      %add3A_81 = arith.addi %add3A_80, %mul3A_79 : i32
      "tpu.region"() ({
        %run_scoped3A_86 = tpu.sem_alloc : memref<!tpu.dma_semaphore, #tpu.memory_space<semaphore_mem>>
        %dma_start3A = arith.constant 0 : i32
        %dma_start3A_87 = arith.constant 0 : i32
        %dma_start3A_88 = tpu.memref_slice %arg10[%dma_start3A, %dma_start3A_87] : memref<24x128xi32, #tpu.memory_space<vmem>> -> memref<16x128xi32, #tpu.memory_space<vmem>>
        %dma_start3A_89 = arith.constant 0 : i32
        %dma_start3A_90 = tpu.memref_slice %arg2[%add3A_81, %dma_start3A_89] : memref<2560x128xi32, #tpu.memory_space<hbm>> -> memref<16x128xi32, #tpu.memory_space<hbm>>
        %dma_start3A_91 = arith.constant 0 : i32
        %dma_start3A_92 = arith.constant 0 : i32
        %dma_start3A_93 = tpu.memref_slice %arg10[%dma_start3A_91, %dma_start3A_92] : memref<24x128xi32, #tpu.memory_space<vmem>> -> memref<16x128xi32, #tpu.memory_space<vmem>>
        %dma_start3A_94 = arith.constant 0 : i32
        %dma_start3A_95 = tpu.memref_slice %arg2[%add3A_81, %dma_start3A_94] : memref<2560x128xi32, #tpu.memory_space<hbm>> -> memref<16x128xi32, #tpu.memory_space<hbm>>
        tpu.enqueue_dma source(%dma_start3A_95 : memref<16x128xi32, #tpu.memory_space<hbm>>) target(%dma_start3A_93 : memref<16x128xi32, #tpu.memory_space<vmem>>) target_semaphore(%run_scoped3A_86 : memref<!tpu.dma_semaphore, #tpu.memory_space<semaphore_mem>>)
        %dma_wait3A = arith.constant 0 : i32
        %dma_wait3A_96 = arith.constant 0 : i32
        %dma_wait3A_97 = tpu.memref_slice %arg10[%dma_wait3A, %dma_wait3A_96] : memref<24x128xi32, #tpu.memory_space<vmem>> -> memref<16x128xi32, #tpu.memory_space<vmem>>
        %dma_wait3A_98 = arith.constant 0 : i32
        %dma_wait3A_99 = tpu.memref_slice %arg2[%add3A_81, %dma_wait3A_98] : memref<2560x128xi32, #tpu.memory_space<hbm>> -> memref<16x128xi32, #tpu.memory_space<hbm>>
        %dma_wait3A_100 = arith.constant 0 : i32
        %dma_wait3A_101 = arith.constant 0 : i32
        %dma_wait3A_102 = tpu.memref_slice %arg10[%dma_wait3A_100, %dma_wait3A_101] : memref<24x128xi32, #tpu.memory_space<vmem>> -> memref<16x128xi32, #tpu.memory_space<vmem>>
        %dma_wait3A_103 = arith.constant 0 : i32
        %dma_wait3A_104 = tpu.memref_slice %arg2[%add3A_81, %dma_wait3A_103] : memref<2560x128xi32, #tpu.memory_space<hbm>> -> memref<16x128xi32, #tpu.memory_space<hbm>>
        tpu.wait_dma2 semaphore(%run_scoped3A_86 : memref<!tpu.dma_semaphore, #tpu.memory_space<semaphore_mem>>) src(%dma_wait3A_104 : memref<16x128xi32, #tpu.memory_space<hbm>>) dst(%dma_wait3A_102 : memref<16x128xi32, #tpu.memory_space<vmem>>)
        tpu.yield
      }) : () -> ()
      %mul3A_82 = arith.constant 16 : i32
      %mul3A_83 = arith.muli %arg1, %mul3A_82 : i32
      %add3A_84 = arith.constant 2304 : i32
      %add3A_85 = arith.addi %add3A_84, %mul3A_83 : i32
      "tpu.region"() ({
        %run_scoped3A_86 = tpu.sem_alloc : memref<!tpu.dma_semaphore, #tpu.memory_space<semaphore_mem>>
        %dma_start3A = arith.constant 0 : i32
        %dma_start3A_87 = arith.constant 0 : i32
        %dma_start3A_88 = tpu.memref_slice %arg11[%dma_start3A, %dma_start3A_87] : memref<24x128xi32, #tpu.memory_space<vmem>> -> memref<16x128xi32, #tpu.memory_space<vmem>>
        %dma_start3A_89 = arith.constant 0 : i32
        %dma_start3A_90 = tpu.memref_slice %arg3[%add3A_85, %dma_start3A_89] : memref<2560x128xi32, #tpu.memory_space<hbm>> -> memref<16x128xi32, #tpu.memory_space<hbm>>
        %dma_start3A_91 = arith.constant 0 : i32
        %dma_start3A_92 = arith.constant 0 : i32
        %dma_start3A_93 = tpu.memref_slice %arg11[%dma_start3A_91, %dma_start3A_92] : memref<24x128xi32, #tpu.memory_space<vmem>> -> memref<16x128xi32, #tpu.memory_space<vmem>>
        %dma_start3A_94 = arith.constant 0 : i32
        %dma_start3A_95 = tpu.memref_slice %arg3[%add3A_85, %dma_start3A_94] : memref<2560x128xi32, #tpu.memory_space<hbm>> -> memref<16x128xi32, #tpu.memory_space<hbm>>
        tpu.enqueue_dma source(%dma_start3A_95 : memref<16x128xi32, #tpu.memory_space<hbm>>) target(%dma_start3A_93 : memref<16x128xi32, #tpu.memory_space<vmem>>) target_semaphore(%run_scoped3A_86 : memref<!tpu.dma_semaphore, #tpu.memory_space<semaphore_mem>>)
        %dma_wait3A = arith.constant 0 : i32
        %dma_wait3A_96 = arith.constant 0 : i32
        %dma_wait3A_97 = tpu.memref_slice %arg11[%dma_wait3A, %dma_wait3A_96] : memref<24x128xi32, #tpu.memory_space<vmem>> -> memref<16x128xi32, #tpu.memory_space<vmem>>
        %dma_wait3A_98 = arith.constant 0 : i32
        %dma_wait3A_99 = tpu.memref_slice %arg3[%add3A_85, %dma_wait3A_98] : memref<2560x128xi32, #tpu.memory_space<hbm>> -> memref<16x128xi32, #tpu.memory_space<hbm>>
        %dma_wait3A_100 = arith.constant 0 : i32
        %dma_wait3A_101 = arith.constant 0 : i32
        %dma_wait3A_102 = tpu.memref_slice %arg11[%dma_wait3A_100, %dma_wait3A_101] : memref<24x128xi32, #tpu.memory_space<vmem>> -> memref<16x128xi32, #tpu.memory_space<vmem>>
        %dma_wait3A_103 = arith.constant 0 : i32
        %dma_wait3A_104 = tpu.memref_slice %arg3[%add3A_85, %dma_wait3A_103] : memref<2560x128xi32, #tpu.memory_space<hbm>> -> memref<16x128xi32, #tpu.memory_space<hbm>>
        tpu.wait_dma2 semaphore(%run_scoped3A_86 : memref<!tpu.dma_semaphore, #tpu.memory_space<semaphore_mem>>) src(%dma_wait3A_104 : memref<16x128xi32, #tpu.memory_space<hbm>>) dst(%dma_wait3A_102 : memref<16x128xi32, #tpu.memory_space<vmem>>)
        tpu.yield
      }) : () -> ()
    } else {
    }
    %barrier3A = arith.constant 0 : index
    tpu.barrier barrier_id(%barrier3A)
    %eq3A = arith.constant 0 : i32
    %eq3A_35 = arith.cmpi eq, %arg0, %eq3A : i32
    %convert_element_type3A_36 = arith.extui %eq3A_35 : i1 to i32
    %cond3A_37 = arith.constant 0 : i32
    %cond3A_38 = arith.cmpi ne, %convert_element_type3A_36, %cond3A_37 : i32
    scf.if %cond3A_38 {
      %mul3A_78 = arith.constant 144 : i32
      %mul3A_79 = arith.muli %arg1, %mul3A_78 : i32
      %add3A_80 = arith.constant 0 : i32
      %add3A_81 = arith.addi %mul3A_79, %add3A_80 : i32
      "tpu.region"() ({
        %run_scoped3A_135 = tpu.sem_alloc : memref<!tpu.dma_semaphore, #tpu.memory_space<semaphore_mem>>
        %dma_start3A_136 = arith.constant 0 : i32
        %dma_start3A_137 = tpu.memref_slice %arg2[%add3A_81, %dma_start3A_136] : memref<2560x128xi32, #tpu.memory_space<hbm>> -> memref<24x128xi32, #tpu.memory_space<hbm>>
        %dma_start3A_138 = arith.constant 0 : i32
        %dma_start3A_139 = tpu.memref_slice %arg2[%add3A_81, %dma_start3A_138] : memref<2560x128xi32, #tpu.memory_space<hbm>> -> memref<24x128xi32, #tpu.memory_space<hbm>>
        tpu.enqueue_dma source(%dma_start3A_139 : memref<24x128xi32, #tpu.memory_space<hbm>>) target(%arg10 : memref<24x128xi32, #tpu.memory_space<vmem>>) target_semaphore(%run_scoped3A_135 : memref<!tpu.dma_semaphore, #tpu.memory_space<semaphore_mem>>)
        %dma_wait3A = arith.constant 0 : i32
        %dma_wait3A_140 = tpu.memref_slice %arg2[%add3A_81, %dma_wait3A] : memref<2560x128xi32, #tpu.memory_space<hbm>> -> memref<24x128xi32, #tpu.memory_space<hbm>>
        %dma_wait3A_141 = arith.constant 0 : i32
        %dma_wait3A_142 = tpu.memref_slice %arg2[%add3A_81, %dma_wait3A_141] : memref<2560x128xi32, #tpu.memory_space<hbm>> -> memref<24x128xi32, #tpu.memory_space<hbm>>
        tpu.wait_dma2 semaphore(%run_scoped3A_135 : memref<!tpu.dma_semaphore, #tpu.memory_space<semaphore_mem>>) src(%dma_wait3A_142 : memref<24x128xi32, #tpu.memory_space<hbm>>) dst(%arg10 : memref<24x128xi32, #tpu.memory_space<vmem>>)
        tpu.yield
      }) : () -> ()
      "tpu.region"() ({
        %run_scoped3A_135 = tpu.sem_alloc : memref<!tpu.dma_semaphore, #tpu.memory_space<semaphore_mem>>
        %dma_start3A_136 = arith.constant 0 : i32
        %dma_start3A_137 = tpu.memref_slice %arg3[%add3A_81, %dma_start3A_136] : memref<2560x128xi32, #tpu.memory_space<hbm>> -> memref<24x128xi32, #tpu.memory_space<hbm>>
        %dma_start3A_138 = arith.constant 0 : i32
        %dma_start3A_139 = tpu.memref_slice %arg3[%add3A_81, %dma_start3A_138] : memref<2560x128xi32, #tpu.memory_space<hbm>> -> memref<24x128xi32, #tpu.memory_space<hbm>>
        tpu.enqueue_dma source(%dma_start3A_139 : memref<24x128xi32, #tpu.memory_space<hbm>>) target(%arg11 : memref<24x128xi32, #tpu.memory_space<vmem>>) target_semaphore(%run_scoped3A_135 : memref<!tpu.dma_semaphore, #tpu.memory_space<semaphore_mem>>)
        %dma_wait3A = arith.constant 0 : i32
        %dma_wait3A_140 = tpu.memref_slice %arg3[%add3A_81, %dma_wait3A] : memref<2560x128xi32, #tpu.memory_space<hbm>> -> memref<24x128xi32, #tpu.memory_space<hbm>>
        %dma_wait3A_141 = arith.constant 0 : i32
        %dma_wait3A_142 = tpu.memref_slice %arg3[%add3A_81, %dma_wait3A_141] : memref<2560x128xi32, #tpu.memory_space<hbm>> -> memref<24x128xi32, #tpu.memory_space<hbm>>
        tpu.wait_dma2 semaphore(%run_scoped3A_135 : memref<!tpu.dma_semaphore, #tpu.memory_space<semaphore_mem>>) src(%dma_wait3A_142 : memref<24x128xi32, #tpu.memory_space<hbm>>) dst(%arg11 : memref<24x128xi32, #tpu.memory_space<vmem>>)
        tpu.yield
      }) : () -> ()
      %scan3A_82 = arith.constant 0 : i32
      %scan3A_83 = arith.constant 0 : i32
      %scan3A_84 = arith.constant 24 : i32
      %scan3A_85 = arith.addi %scan3A_83, %scan3A_84 : i32
      %scan3A_86 = arith.constant 1 : i32
      scf.for %scan3A_135 = %scan3A_83 to %scan3A_85 step %scan3A_86  : i32 {
        %dma_start3A_136 = arith.constant 0 : i32
        %dma_start3A_137 = tpu.memref_slice %arg13[%scan3A_135, %dma_start3A_136] : memref<24x128xf32, #tpu.memory_space<vmem>> -> memref<1x128xf32, #tpu.memory_space<vmem>>
        %dma_start3A_138 = tpu.memref_squeeze %dma_start3A_137 : memref<1x128xf32, #tpu.memory_space<vmem>> -> memref<128xf32, #tpu.memory_space<vmem>>
        %dma_start3A_139 = arith.constant 0 : i32
        %dma_start3A_140 = tpu.memref_slice %arg11[%scan3A_135, %dma_start3A_139] : memref<24x128xi32, #tpu.memory_space<vmem>> -> memref<1x128xi32, #tpu.memory_space<vmem>>
        %dma_start3A_141 = tpu.memref_squeeze %dma_start3A_140 : memref<1x128xi32, #tpu.memory_space<vmem>> -> memref<128xi32, #tpu.memory_space<vmem>>
        %dma_start3A_142 = arith.constant 0 : i32
        %dma_start3A_143 = tpu.memref_slice %arg16[%dma_start3A_142] : memref<10240xf32, #tpu.memory_space<vmem_shared>> -> memref<10240xf32, #tpu.memory_space<vmem_shared>>
        tpu.enqueue_indirect_dma source(%dma_start3A_143 : memref<10240xf32, #tpu.memory_space<vmem_shared>>) target(%dma_start3A_138 : memref<128xf32, #tpu.memory_space<vmem>>) offsets(%dma_start3A_141 : memref<128xi32, #tpu.memory_space<vmem>>) semaphore(%arg19 : memref<!tpu.dma_semaphore, #tpu.memory_space<semaphore_mem>>)
      }
      %scan3A_87 = arith.constant 24 : i32
      %dma_start3A = arith.constant 0 : i32
      %dma_start3A_88 = arith.constant 0 : i32
      "tpu.trace_start"() <{level = 10 : i32, message = "row_loop"}> : () -> ()
      %dma_start3A_89 = arith.constant 0 : i32
      %dma_start3A_90 = arith.constant 0 : i32
      %dma_start3A_91 = tpu.memref_slice %arg12[%dma_start3A_88, %dma_start3A_89, %dma_start3A_90] : memref<2x128x128xf32, #tpu.memory_space<vmem>> -> memref<1x128x128xf32, #tpu.memory_space<vmem>>
      %dma_start3A_92 = tpu.memref_squeeze %dma_start3A_91 : memref<1x128x128xf32, #tpu.memory_space<vmem>> -> memref<128x128xf32, #tpu.memory_space<vmem>>
      %dma_start3A_93 = arith.constant 0 : i32
      %dma_start3A_94 = tpu.memref_slice %arg10[%dma_start3A, %dma_start3A_93] : memref<24x128xi32, #tpu.memory_space<vmem>> -> memref<1x128xi32, #tpu.memory_space<vmem>>
      %dma_start3A_95 = tpu.memref_squeeze %dma_start3A_94 : memref<1x128xi32, #tpu.memory_space<vmem>> -> memref<128xi32, #tpu.memory_space<vmem>>
      %dma_start3A_96 = arith.constant 0 : i32
      %dma_start3A_97 = arith.constant 0 : i32
      %dma_start3A_98 = tpu.memref_slice %arg4[%dma_start3A_96, %dma_start3A_97] : memref<10240x128xf32, #tpu.memory_space<hbm>> -> memref<10240x128xf32, #tpu.memory_space<hbm>>
      tpu.enqueue_indirect_dma source(%dma_start3A_98 : memref<10240x128xf32, #tpu.memory_space<hbm>>) target(%dma_start3A_92 : memref<128x128xf32, #tpu.memory_space<vmem>>) offsets(%dma_start3A_95 : memref<128xi32, #tpu.memory_space<vmem>>) semaphore(%arg17 : memref<!tpu.dma_semaphore, #tpu.memory_space<semaphore_mem>>)
      %dma_start3A_99 = arith.constant 1 : i32
      %dma_start3A_100 = arith.constant 1 : i32
      %dma_start3A_101 = arith.constant 0 : i32
      %dma_start3A_102 = arith.constant 0 : i32
      %dma_start3A_103 = tpu.memref_slice %arg12[%dma_start3A_100, %dma_start3A_101, %dma_start3A_102] : memref<2x128x128xf32, #tpu.memory_space<vmem>> -> memref<1x128x128xf32, #tpu.memory_space<vmem>>
      %dma_start3A_104 = tpu.memref_squeeze %dma_start3A_103 : memref<1x128x128xf32, #tpu.memory_space<vmem>> -> memref<128x128xf32, #tpu.memory_space<vmem>>
      %dma_start3A_105 = arith.constant 0 : i32
      %dma_start3A_106 = tpu.memref_slice %arg10[%dma_start3A_99, %dma_start3A_105] : memref<24x128xi32, #tpu.memory_space<vmem>> -> memref<1x128xi32, #tpu.memory_space<vmem>>
      %dma_start3A_107 = tpu.memref_squeeze %dma_start3A_106 : memref<1x128xi32, #tpu.memory_space<vmem>> -> memref<128xi32, #tpu.memory_space<vmem>>
      %dma_start3A_108 = arith.constant 0 : i32
      %dma_start3A_109 = arith.constant 0 : i32
      %dma_start3A_110 = tpu.memref_slice %arg4[%dma_start3A_108, %dma_start3A_109] : memref<10240x128xf32, #tpu.memory_space<hbm>> -> memref<10240x128xf32, #tpu.memory_space<hbm>>
      tpu.enqueue_indirect_dma source(%dma_start3A_110 : memref<10240x128xf32, #tpu.memory_space<hbm>>) target(%dma_start3A_104 : memref<128x128xf32, #tpu.memory_space<vmem>>) offsets(%dma_start3A_107 : memref<128xi32, #tpu.memory_space<vmem>>) semaphore(%arg18 : memref<!tpu.dma_semaphore, #tpu.memory_space<semaphore_mem>>)
      %scan3A_111 = arith.constant 0 : i32
      %scan3A_112 = arith.constant 0 : i32
      %scan3A_113 = arith.constant 12 : i32
      %scan3A_114 = arith.addi %scan3A_112, %scan3A_113 : i32
      %scan3A_115 = arith.constant 1 : i32
      scf.for %scan3A_135 = %scan3A_112 to %scan3A_114 step %scan3A_115  : i32 {
        %mul3A_136 = arith.constant 2 : i32
        %mul3A_137 = arith.muli %scan3A_135, %mul3A_136 : i32
        %add3A_138 = arith.constant 0 : i32
        %add3A_139 = arith.addi %mul3A_137, %add3A_138 : i32
        %dma_wait3A = arith.constant 0 : i32
        %dma_wait3A_140 = arith.constant 0 : i32
        %dma_wait3A_141 = arith.constant 0 : i32
        %dma_wait3A_142 = tpu.memref_slice %arg12[%dma_wait3A, %dma_wait3A_140, %dma_wait3A_141] : memref<2x128x128xf32, #tpu.memory_space<vmem>> -> memref<1x128x128xf32, #tpu.memory_space<vmem>>
        %dma_wait3A_143 = tpu.memref_squeeze %dma_wait3A_142 : memref<1x128x128xf32, #tpu.memory_space<vmem>> -> memref<128x128xf32, #tpu.memory_space<vmem>>
        %dma_wait3A_144 = arith.constant 0 : i32
        %dma_wait3A_145 = tpu.memref_slice %arg10[%add3A_139, %dma_wait3A_144] : memref<24x128xi32, #tpu.memory_space<vmem>> -> memref<1x128xi32, #tpu.memory_space<vmem>>
        %dma_wait3A_146 = tpu.memref_squeeze %dma_wait3A_145 : memref<1x128xi32, #tpu.memory_space<vmem>> -> memref<128xi32, #tpu.memory_space<vmem>>
        %dma_wait3A_147 = arith.constant 0 : i32
        %dma_wait3A_148 = arith.constant 0 : i32
        %dma_wait3A_149 = tpu.memref_slice %arg4[%dma_wait3A_147, %dma_wait3A_148] : memref<10240x128xf32, #tpu.memory_space<hbm>> -> memref<10240x128xf32, #tpu.memory_space<hbm>>
        tpu.wait_indirect_dma semaphore(%arg17 : memref<!tpu.dma_semaphore, #tpu.memory_space<semaphore_mem>>) src(%dma_wait3A_149 : memref<10240x128xf32, #tpu.memory_space<hbm>>) dst(%dma_wait3A_143 : memref<128x128xf32, #tpu.memory_space<vmem>>)
        %run_scoped3A_150 = arith.constant 0 : i32
        "tpu.region"() ({
          %run_scoped3A_180 = tpu.sem_alloc : memref<!tpu.dma_semaphore, #tpu.memory_space<semaphore_mem>>
          %dma_start3A_181 = arith.constant 0 : i32
          %dma_start3A_182 = arith.constant 0 : i32
          %dma_start3A_183 = tpu.memref_slice %arg12[%run_scoped3A_150, %dma_start3A_181, %dma_start3A_182] : memref<2x128x128xf32, #tpu.memory_space<vmem>> -> memref<1x128x128xf32, #tpu.memory_space<vmem>>
          %dma_start3A_184 = tpu.memref_squeeze %dma_start3A_183 : memref<1x128x128xf32, #tpu.memory_space<vmem>> -> memref<128x128xf32, #tpu.memory_space<vmem>>
          %dma_start3A_185 = arith.constant 0 : i32
          %dma_start3A_186 = tpu.memref_slice %arg11[%add3A_139, %dma_start3A_185] : memref<24x128xi32, #tpu.memory_space<vmem>> -> memref<1x128xi32, #tpu.memory_space<vmem>>
          %dma_start3A_187 = tpu.memref_squeeze %dma_start3A_186 : memref<1x128xi32, #tpu.memory_space<vmem>> -> memref<128xi32, #tpu.memory_space<vmem>>
          %dma_start3A_188 = arith.constant 0 : i32
          %dma_start3A_189 = arith.constant 0 : i32
          %dma_start3A_190 = tpu.memref_slice %arg14[%dma_start3A_188, %dma_start3A_189] : memref<10240x128xf32, #tpu.memory_space<vmem_shared>> -> memref<10240x128xf32, #tpu.memory_space<vmem_shared>>
          tpu.enqueue_indirect_dma source(%dma_start3A_184 : memref<128x128xf32, #tpu.memory_space<vmem>>) target(%dma_start3A_190 : memref<10240x128xf32, #tpu.memory_space<vmem_shared>>) offsets(%dma_start3A_187 : memref<128xi32, #tpu.memory_space<vmem>>) semaphore(%run_scoped3A_180 : memref<!tpu.dma_semaphore, #tpu.memory_space<semaphore_mem>>) {add = true}
          %dma_wait3A_191 = arith.constant 0 : i32
          %dma_wait3A_192 = arith.constant 0 : i32
          %dma_wait3A_193 = tpu.memref_slice %arg12[%run_scoped3A_150, %dma_wait3A_191, %dma_wait3A_192] : memref<2x128x128xf32, #tpu.memory_space<vmem>> -> memref<1x128x128xf32, #tpu.memory_space<vmem>>
          %dma_wait3A_194 = tpu.memref_squeeze %dma_wait3A_193 : memref<1x128x128xf32, #tpu.memory_space<vmem>> -> memref<128x128xf32, #tpu.memory_space<vmem>>
          %dma_wait3A_195 = arith.constant 0 : i32
          %dma_wait3A_196 = tpu.memref_slice %arg11[%add3A_139, %dma_wait3A_195] : memref<24x128xi32, #tpu.memory_space<vmem>> -> memref<1x128xi32, #tpu.memory_space<vmem>>
          %dma_wait3A_197 = tpu.memref_squeeze %dma_wait3A_196 : memref<1x128xi32, #tpu.memory_space<vmem>> -> memref<128xi32, #tpu.memory_space<vmem>>
          %dma_wait3A_198 = arith.constant 0 : i32
          %dma_wait3A_199 = arith.constant 0 : i32
          %dma_wait3A_200 = tpu.memref_slice %arg14[%dma_wait3A_198, %dma_wait3A_199] : memref<10240x128xf32, #tpu.memory_space<vmem_shared>> -> memref<10240x128xf32, #tpu.memory_space<vmem_shared>>
          tpu.wait_indirect_dma semaphore(%run_scoped3A_180 : memref<!tpu.dma_semaphore, #tpu.memory_space<semaphore_mem>>) src(%dma_wait3A_194 : memref<128x128xf32, #tpu.memory_space<vmem>>) dst(%dma_wait3A_200 : memref<10240x128xf32, #tpu.memory_space<vmem_shared>>)
          tpu.yield
        }) : () -> ()
        %add3A_151 = arith.constant 2 : i32
        %add3A_152 = arith.addi %add3A_139, %add3A_151 : i32
        %lt3A = arith.constant 24 : i32
        %lt3A_153 = arith.cmpi slt, %add3A_152, %lt3A : i32
        %convert_element_type3A_154 = arith.extui %lt3A_153 : i1 to i32
        %cond3A_155 = arith.constant 0 : i32
        %cond3A_156 = arith.cmpi ne, %convert_element_type3A_154, %cond3A_155 : i32
        scf.if %cond3A_156 {
          %add3A_180 = arith.constant 2 : i32
          %add3A_181 = arith.addi %add3A_139, %add3A_180 : i32
          %dma_start3A_182 = arith.constant 0 : i32
          %dma_start3A_183 = arith.constant 0 : i32
          %dma_start3A_184 = arith.constant 0 : i32
          %dma_start3A_185 = tpu.memref_slice %arg12[%dma_start3A_182, %dma_start3A_183, %dma_start3A_184] : memref<2x128x128xf32, #tpu.memory_space<vmem>> -> memref<1x128x128xf32, #tpu.memory_space<vmem>>
          %dma_start3A_186 = tpu.memref_squeeze %dma_start3A_185 : memref<1x128x128xf32, #tpu.memory_space<vmem>> -> memref<128x128xf32, #tpu.memory_space<vmem>>
          %dma_start3A_187 = arith.constant 0 : i32
          %dma_start3A_188 = tpu.memref_slice %arg10[%add3A_181, %dma_start3A_187] : memref<24x128xi32, #tpu.memory_space<vmem>> -> memref<1x128xi32, #tpu.memory_space<vmem>>
          %dma_start3A_189 = tpu.memref_squeeze %dma_start3A_188 : memref<1x128xi32, #tpu.memory_space<vmem>> -> memref<128xi32, #tpu.memory_space<vmem>>
          %dma_start3A_190 = arith.constant 0 : i32
          %dma_start3A_191 = arith.constant 0 : i32
          %dma_start3A_192 = tpu.memref_slice %arg4[%dma_start3A_190, %dma_start3A_191] : memref<10240x128xf32, #tpu.memory_space<hbm>> -> memref<10240x128xf32, #tpu.memory_space<hbm>>
          tpu.enqueue_indirect_dma source(%dma_start3A_192 : memref<10240x128xf32, #tpu.memory_space<hbm>>) target(%dma_start3A_186 : memref<128x128xf32, #tpu.memory_space<vmem>>) offsets(%dma_start3A_189 : memref<128xi32, #tpu.memory_space<vmem>>) semaphore(%arg17 : memref<!tpu.dma_semaphore, #tpu.memory_space<semaphore_mem>>)
        } else {
        }
        %mul3A_157 = arith.constant 2 : i32
        %mul3A_158 = arith.muli %scan3A_135, %mul3A_157 : i32
        %add3A_159 = arith.constant 1 : i32
        %add3A_160 = arith.addi %mul3A_158, %add3A_159 : i32
        %dma_wait3A_161 = arith.constant 1 : i32
        %dma_wait3A_162 = arith.constant 0 : i32
        %dma_wait3A_163 = arith.constant 0 : i32
        %dma_wait3A_164 = tpu.memref_slice %arg12[%dma_wait3A_161, %dma_wait3A_162, %dma_wait3A_163] : memref<2x128x128xf32, #tpu.memory_space<vmem>> -> memref<1x128x128xf32, #tpu.memory_space<vmem>>
        %dma_wait3A_165 = tpu.memref_squeeze %dma_wait3A_164 : memref<1x128x128xf32, #tpu.memory_space<vmem>> -> memref<128x128xf32, #tpu.memory_space<vmem>>
        %dma_wait3A_166 = arith.constant 0 : i32
        %dma_wait3A_167 = tpu.memref_slice %arg10[%add3A_160, %dma_wait3A_166] : memref<24x128xi32, #tpu.memory_space<vmem>> -> memref<1x128xi32, #tpu.memory_space<vmem>>
        %dma_wait3A_168 = tpu.memref_squeeze %dma_wait3A_167 : memref<1x128xi32, #tpu.memory_space<vmem>> -> memref<128xi32, #tpu.memory_space<vmem>>
        %dma_wait3A_169 = arith.constant 0 : i32
        %dma_wait3A_170 = arith.constant 0 : i32
        %dma_wait3A_171 = tpu.memref_slice %arg4[%dma_wait3A_169, %dma_wait3A_170] : memref<10240x128xf32, #tpu.memory_space<hbm>> -> memref<10240x128xf32, #tpu.memory_space<hbm>>
        tpu.wait_indirect_dma semaphore(%arg18 : memref<!tpu.dma_semaphore, #tpu.memory_space<semaphore_mem>>) src(%dma_wait3A_171 : memref<10240x128xf32, #tpu.memory_space<hbm>>) dst(%dma_wait3A_165 : memref<128x128xf32, #tpu.memory_space<vmem>>)
        %run_scoped3A_172 = arith.constant 1 : i32
        "tpu.region"() ({
          %run_scoped3A_180 = tpu.sem_alloc : memref<!tpu.dma_semaphore, #tpu.memory_space<semaphore_mem>>
          %dma_start3A_181 = arith.constant 0 : i32
          %dma_start3A_182 = arith.constant 0 : i32
          %dma_start3A_183 = tpu.memref_slice %arg12[%run_scoped3A_172, %dma_start3A_181, %dma_start3A_182] : memref<2x128x128xf32, #tpu.memory_space<vmem>> -> memref<1x128x128xf32, #tpu.memory_space<vmem>>
          %dma_start3A_184 = tpu.memref_squeeze %dma_start3A_183 : memref<1x128x128xf32, #tpu.memory_space<vmem>> -> memref<128x128xf32, #tpu.memory_space<vmem>>
          %dma_start3A_185 = arith.constant 0 : i32
          %dma_start3A_186 = tpu.memref_slice %arg11[%add3A_160, %dma_start3A_185] : memref<24x128xi32, #tpu.memory_space<vmem>> -> memref<1x128xi32, #tpu.memory_space<vmem>>
          %dma_start3A_187 = tpu.memref_squeeze %dma_start3A_186 : memref<1x128xi32, #tpu.memory_space<vmem>> -> memref<128xi32, #tpu.memory_space<vmem>>
          %dma_start3A_188 = arith.constant 0 : i32
          %dma_start3A_189 = arith.constant 0 : i32
          %dma_start3A_190 = tpu.memref_slice %arg14[%dma_start3A_188, %dma_start3A_189] : memref<10240x128xf32, #tpu.memory_space<vmem_shared>> -> memref<10240x128xf32, #tpu.memory_space<vmem_shared>>
          tpu.enqueue_indirect_dma source(%dma_start3A_184 : memref<128x128xf32, #tpu.memory_space<vmem>>) target(%dma_start3A_190 : memref<10240x128xf32, #tpu.memory_space<vmem_shared>>) offsets(%dma_start3A_187 : memref<128xi32, #tpu.memory_space<vmem>>) semaphore(%run_scoped3A_180 : memref<!tpu.dma_semaphore, #tpu.memory_space<semaphore_mem>>) {add = true}
          %dma_wait3A_191 = arith.constant 0 : i32
          %dma_wait3A_192 = arith.constant 0 : i32
          %dma_wait3A_193 = tpu.memref_slice %arg12[%run_scoped3A_172, %dma_wait3A_191, %dma_wait3A_192] : memref<2x128x128xf32, #tpu.memory_space<vmem>> -> memref<1x128x128xf32, #tpu.memory_space<vmem>>
          %dma_wait3A_194 = tpu.memref_squeeze %dma_wait3A_193 : memref<1x128x128xf32, #tpu.memory_space<vmem>> -> memref<128x128xf32, #tpu.memory_space<vmem>>
          %dma_wait3A_195 = arith.constant 0 : i32
          %dma_wait3A_196 = tpu.memref_slice %arg11[%add3A_160, %dma_wait3A_195] : memref<24x128xi32, #tpu.memory_space<vmem>> -> memref<1x128xi32, #tpu.memory_space<vmem>>
          %dma_wait3A_197 = tpu.memref_squeeze %dma_wait3A_196 : memref<1x128xi32, #tpu.memory_space<vmem>> -> memref<128xi32, #tpu.memory_space<vmem>>
          %dma_wait3A_198 = arith.constant 0 : i32
          %dma_wait3A_199 = arith.constant 0 : i32
          %dma_wait3A_200 = tpu.memref_slice %arg14[%dma_wait3A_198, %dma_wait3A_199] : memref<10240x128xf32, #tpu.memory_space<vmem_shared>> -> memref<10240x128xf32, #tpu.memory_space<vmem_shared>>
          tpu.wait_indirect_dma semaphore(%run_scoped3A_180 : memref<!tpu.dma_semaphore, #tpu.memory_space<semaphore_mem>>) src(%dma_wait3A_194 : memref<128x128xf32, #tpu.memory_space<vmem>>) dst(%dma_wait3A_200 : memref<10240x128xf32, #tpu.memory_space<vmem_shared>>)
          tpu.yield
        }) : () -> ()
        %add3A_173 = arith.constant 2 : i32
        %add3A_174 = arith.addi %add3A_160, %add3A_173 : i32
        %lt3A_175 = arith.constant 24 : i32
        %lt3A_176 = arith.cmpi slt, %add3A_174, %lt3A_175 : i32
        %convert_element_type3A_177 = arith.extui %lt3A_176 : i1 to i32
        %cond3A_178 = arith.constant 0 : i32
        %cond3A_179 = arith.cmpi ne, %convert_element_type3A_177, %cond3A_178 : i32
        scf.if %cond3A_179 {
          %add3A_180 = arith.constant 2 : i32
          %add3A_181 = arith.addi %add3A_160, %add3A_180 : i32
          %dma_start3A_182 = arith.constant 1 : i32
          %dma_start3A_183 = arith.constant 0 : i32
          %dma_start3A_184 = arith.constant 0 : i32
          %dma_start3A_185 = tpu.memref_slice %arg12[%dma_start3A_182, %dma_start3A_183, %dma_start3A_184] : memref<2x128x128xf32, #tpu.memory_space<vmem>> -> memref<1x128x128xf32, #tpu.memory_space<vmem>>
          %dma_start3A_186 = tpu.memref_squeeze %dma_start3A_185 : memref<1x128x128xf32, #tpu.memory_space<vmem>> -> memref<128x128xf32, #tpu.memory_space<vmem>>
          %dma_start3A_187 = arith.constant 0 : i32
          %dma_start3A_188 = tpu.memref_slice %arg10[%add3A_181, %dma_start3A_187] : memref<24x128xi32, #tpu.memory_space<vmem>> -> memref<1x128xi32, #tpu.memory_space<vmem>>
          %dma_start3A_189 = tpu.memref_squeeze %dma_start3A_188 : memref<1x128xi32, #tpu.memory_space<vmem>> -> memref<128xi32, #tpu.memory_space<vmem>>
          %dma_start3A_190 = arith.constant 0 : i32
          %dma_start3A_191 = arith.constant 0 : i32
          %dma_start3A_192 = tpu.memref_slice %arg4[%dma_start3A_190, %dma_start3A_191] : memref<10240x128xf32, #tpu.memory_space<hbm>> -> memref<10240x128xf32, #tpu.memory_space<hbm>>
          tpu.enqueue_indirect_dma source(%dma_start3A_192 : memref<10240x128xf32, #tpu.memory_space<hbm>>) target(%dma_start3A_186 : memref<128x128xf32, #tpu.memory_space<vmem>>) offsets(%dma_start3A_189 : memref<128xi32, #tpu.memory_space<vmem>>) semaphore(%arg18 : memref<!tpu.dma_semaphore, #tpu.memory_space<semaphore_mem>>)
        } else {
        }
      }
      %scan3A_116 = arith.constant 12 : i32
      "tpu.trace_stop"() : () -> ()
      "tpu.trace_start"() <{level = 10 : i32, message = "c_part"}> : () -> ()
      %scan3A_117 = arith.constant 0 : i32
      %scan3A_118 = arith.constant 0 : i32
      %scan3A_119 = arith.constant 24 : i32
      %scan3A_120 = arith.addi %scan3A_118, %scan3A_119 : i32
      %scan3A_121 = arith.constant 1 : i32
      scf.for %scan3A_135 = %scan3A_118 to %scan3A_120 step %scan3A_121  : i32 {
        %dma_wait3A = arith.constant 0 : i32
        %dma_wait3A_136 = tpu.memref_slice %arg13[%scan3A_135, %dma_wait3A] : memref<24x128xf32, #tpu.memory_space<vmem>> -> memref<1x128xf32, #tpu.memory_space<vmem>>
        %dma_wait3A_137 = tpu.memref_squeeze %dma_wait3A_136 : memref<1x128xf32, #tpu.memory_space<vmem>> -> memref<128xf32, #tpu.memory_space<vmem>>
        %dma_wait3A_138 = arith.constant 0 : i32
        %dma_wait3A_139 = tpu.memref_slice %arg11[%scan3A_135, %dma_wait3A_138] : memref<24x128xi32, #tpu.memory_space<vmem>> -> memref<1x128xi32, #tpu.memory_space<vmem>>
        %dma_wait3A_140 = tpu.memref_squeeze %dma_wait3A_139 : memref<1x128xi32, #tpu.memory_space<vmem>> -> memref<128xi32, #tpu.memory_space<vmem>>
        %dma_wait3A_141 = arith.constant 0 : i32
        %dma_wait3A_142 = tpu.memref_slice %arg16[%dma_wait3A_141] : memref<10240xf32, #tpu.memory_space<vmem_shared>> -> memref<10240xf32, #tpu.memory_space<vmem_shared>>
        tpu.wait_indirect_dma semaphore(%arg19 : memref<!tpu.dma_semaphore, #tpu.memory_space<semaphore_mem>>) src(%dma_wait3A_142 : memref<10240xf32, #tpu.memory_space<vmem_shared>>) dst(%dma_wait3A_137 : memref<128xf32, #tpu.memory_space<vmem>>)
      }
      %scan3A_122 = arith.constant 24 : i32
      %scan3A_123 = arith.constant 0 : i32
      %scan3A_124 = arith.constant 0 : i32
      %scan3A_125 = arith.constant 24 : i32
      %scan3A_126 = arith.addi %scan3A_124, %scan3A_125 : i32
      %scan3A_127 = arith.constant 1 : i32
      scf.for %scan3A_135 = %scan3A_124 to %scan3A_126 step %scan3A_127  : i32 {
        %dma_start3A_136 = arith.constant 0 : i32
        %dma_start3A_137 = tpu.memref_slice %arg13[%scan3A_135, %dma_start3A_136] : memref<24x128xf32, #tpu.memory_space<vmem>> -> memref<1x128xf32, #tpu.memory_space<vmem>>
        %dma_start3A_138 = tpu.memref_squeeze %dma_start3A_137 : memref<1x128xf32, #tpu.memory_space<vmem>> -> memref<128xf32, #tpu.memory_space<vmem>>
        %dma_start3A_139 = arith.constant 0 : i32
        %dma_start3A_140 = tpu.memref_slice %arg10[%scan3A_135, %dma_start3A_139] : memref<24x128xi32, #tpu.memory_space<vmem>> -> memref<1x128xi32, #tpu.memory_space<vmem>>
        %dma_start3A_141 = tpu.memref_squeeze %dma_start3A_140 : memref<1x128xi32, #tpu.memory_space<vmem>> -> memref<128xi32, #tpu.memory_space<vmem>>
        %dma_start3A_142 = arith.constant 0 : i32
        %dma_start3A_143 = tpu.memref_slice %arg15[%dma_start3A_142] : memref<10240xf32, #tpu.memory_space<vmem_shared>> -> memref<10240xf32, #tpu.memory_space<vmem_shared>>
        tpu.enqueue_indirect_dma source(%dma_start3A_138 : memref<128xf32, #tpu.memory_space<vmem>>) target(%dma_start3A_143 : memref<10240xf32, #tpu.memory_space<vmem_shared>>) offsets(%dma_start3A_141 : memref<128xi32, #tpu.memory_space<vmem>>) semaphore(%arg20 : memref<!tpu.dma_semaphore, #tpu.memory_space<semaphore_mem>>) {add = true}
      }
      %scan3A_128 = arith.constant 24 : i32
      %scan3A_129 = arith.constant 0 : i32
      %scan3A_130 = arith.constant 0 : i32
      %scan3A_131 = arith.constant 24 : i32
      %scan3A_132 = arith.addi %scan3A_130, %scan3A_131 : i32
      %scan3A_133 = arith.constant 1 : i32
      scf.for %scan3A_135 = %scan3A_130 to %scan3A_132 step %scan3A_133  : i32 {
        %dma_wait3A = arith.constant 0 : i32
        %dma_wait3A_136 = tpu.memref_slice %arg13[%scan3A_135, %dma_wait3A] : memref<24x128xf32, #tpu.memory_space<vmem>> -> memref<1x128xf32, #tpu.memory_space<vmem>>
        %dma_wait3A_137 = tpu.memref_squeeze %dma_wait3A_136 : memref<1x128xf32, #tpu.memory_space<vmem>> -> memref<128xf32, #tpu.memory_space<vmem>>
        %dma_wait3A_138 = arith.constant 0 : i32
        %dma_wait3A_139 = tpu.memref_slice %arg10[%scan3A_135, %dma_wait3A_138] : memref<24x128xi32, #tpu.memory_space<vmem>> -> memref<1x128xi32, #tpu.memory_space<vmem>>
        %dma_wait3A_140 = tpu.memref_squeeze %dma_wait3A_139 : memref<1x128xi32, #tpu.memory_space<vmem>> -> memref<128xi32, #tpu.memory_space<vmem>>
        %dma_wait3A_141 = arith.constant 0 : i32
        %dma_wait3A_142 = tpu.memref_slice %arg15[%dma_wait3A_141] : memref<10240xf32, #tpu.memory_space<vmem_shared>> -> memref<10240xf32, #tpu.memory_space<vmem_shared>>
        tpu.wait_indirect_dma semaphore(%arg20 : memref<!tpu.dma_semaphore, #tpu.memory_space<semaphore_mem>>) src(%dma_wait3A_137 : memref<128xf32, #tpu.memory_space<vmem>>) dst(%dma_wait3A_142 : memref<10240xf32, #tpu.memory_space<vmem_shared>>)
      }
      %scan3A_134 = arith.constant 24 : i32
      "tpu.trace_stop"() : () -> ()
    } else {
    }
    %ne3A_39 = arith.constant 0 : i32
    %ne3A_40 = arith.cmpi ne, %arg0, %ne3A_39 : i32
    %convert_element_type3A_41 = arith.extui %ne3A_40 : i1 to i32
    %cond3A_42 = arith.constant 0 : i32
    %cond3A_43 = arith.cmpi ne, %convert_element_type3A_41, %cond3A_42 : i32
    scf.if %cond3A_43 {
      %scan3A_78 = arith.constant 0 : i32
      %scan3A_79 = arith.constant 0 : i32
      %scan3A_80 = arith.constant 16 : i32
      %scan3A_81 = arith.addi %scan3A_79, %scan3A_80 : i32
      %scan3A_82 = arith.constant 1 : i32
      scf.for %scan3A_131 = %scan3A_79 to %scan3A_81 step %scan3A_82  : i32 {
        %dma_start3A_132 = arith.constant 0 : i32
        %dma_start3A_133 = tpu.memref_slice %arg13[%scan3A_131, %dma_start3A_132] : memref<24x128xf32, #tpu.memory_space<vmem>> -> memref<1x128xf32, #tpu.memory_space<vmem>>
        %dma_start3A_134 = tpu.memref_squeeze %dma_start3A_133 : memref<1x128xf32, #tpu.memory_space<vmem>> -> memref<128xf32, #tpu.memory_space<vmem>>
        %dma_start3A_135 = arith.constant 0 : i32
        %dma_start3A_136 = tpu.memref_slice %arg11[%scan3A_131, %dma_start3A_135] : memref<24x128xi32, #tpu.memory_space<vmem>> -> memref<1x128xi32, #tpu.memory_space<vmem>>
        %dma_start3A_137 = tpu.memref_squeeze %dma_start3A_136 : memref<1x128xi32, #tpu.memory_space<vmem>> -> memref<128xi32, #tpu.memory_space<vmem>>
        %dma_start3A_138 = arith.constant 0 : i32
        %dma_start3A_139 = tpu.memref_slice %arg16[%dma_start3A_138] : memref<10240xf32, #tpu.memory_space<vmem_shared>> -> memref<10240xf32, #tpu.memory_space<vmem_shared>>
        tpu.enqueue_indirect_dma source(%dma_start3A_139 : memref<10240xf32, #tpu.memory_space<vmem_shared>>) target(%dma_start3A_134 : memref<128xf32, #tpu.memory_space<vmem>>) offsets(%dma_start3A_137 : memref<128xi32, #tpu.memory_space<vmem>>) semaphore(%arg19 : memref<!tpu.dma_semaphore, #tpu.memory_space<semaphore_mem>>)
      }
      %scan3A_83 = arith.constant 16 : i32
      %dma_start3A = arith.constant 0 : i32
      %dma_start3A_84 = arith.constant 0 : i32
      "tpu.trace_start"() <{level = 10 : i32, message = "row_loop"}> : () -> ()
      %dma_start3A_85 = arith.constant 0 : i32
      %dma_start3A_86 = arith.constant 0 : i32
      %dma_start3A_87 = tpu.memref_slice %arg12[%dma_start3A_84, %dma_start3A_85, %dma_start3A_86] : memref<2x128x128xf32, #tpu.memory_space<vmem>> -> memref<1x128x128xf32, #tpu.memory_space<vmem>>
      %dma_start3A_88 = tpu.memref_squeeze %dma_start3A_87 : memref<1x128x128xf32, #tpu.memory_space<vmem>> -> memref<128x128xf32, #tpu.memory_space<vmem>>
      %dma_start3A_89 = arith.constant 0 : i32
      %dma_start3A_90 = tpu.memref_slice %arg10[%dma_start3A, %dma_start3A_89] : memref<24x128xi32, #tpu.memory_space<vmem>> -> memref<1x128xi32, #tpu.memory_space<vmem>>
      %dma_start3A_91 = tpu.memref_squeeze %dma_start3A_90 : memref<1x128xi32, #tpu.memory_space<vmem>> -> memref<128xi32, #tpu.memory_space<vmem>>
      %dma_start3A_92 = arith.constant 0 : i32
      %dma_start3A_93 = arith.constant 0 : i32
      %dma_start3A_94 = tpu.memref_slice %arg5[%dma_start3A_92, %dma_start3A_93] : memref<10240x128xf32, #tpu.memory_space<hbm>> -> memref<10240x128xf32, #tpu.memory_space<hbm>>
      tpu.enqueue_indirect_dma source(%dma_start3A_94 : memref<10240x128xf32, #tpu.memory_space<hbm>>) target(%dma_start3A_88 : memref<128x128xf32, #tpu.memory_space<vmem>>) offsets(%dma_start3A_91 : memref<128xi32, #tpu.memory_space<vmem>>) semaphore(%arg17 : memref<!tpu.dma_semaphore, #tpu.memory_space<semaphore_mem>>)
      %dma_start3A_95 = arith.constant 1 : i32
      %dma_start3A_96 = arith.constant 1 : i32
      %dma_start3A_97 = arith.constant 0 : i32
      %dma_start3A_98 = arith.constant 0 : i32
      %dma_start3A_99 = tpu.memref_slice %arg12[%dma_start3A_96, %dma_start3A_97, %dma_start3A_98] : memref<2x128x128xf32, #tpu.memory_space<vmem>> -> memref<1x128x128xf32, #tpu.memory_space<vmem>>
      %dma_start3A_100 = tpu.memref_squeeze %dma_start3A_99 : memref<1x128x128xf32, #tpu.memory_space<vmem>> -> memref<128x128xf32, #tpu.memory_space<vmem>>
      %dma_start3A_101 = arith.constant 0 : i32
      %dma_start3A_102 = tpu.memref_slice %arg10[%dma_start3A_95, %dma_start3A_101] : memref<24x128xi32, #tpu.memory_space<vmem>> -> memref<1x128xi32, #tpu.memory_space<vmem>>
      %dma_start3A_103 = tpu.memref_squeeze %dma_start3A_102 : memref<1x128xi32, #tpu.memory_space<vmem>> -> memref<128xi32, #tpu.memory_space<vmem>>
      %dma_start3A_104 = arith.constant 0 : i32
      %dma_start3A_105 = arith.constant 0 : i32
      %dma_start3A_106 = tpu.memref_slice %arg5[%dma_start3A_104, %dma_start3A_105] : memref<10240x128xf32, #tpu.memory_space<hbm>> -> memref<10240x128xf32, #tpu.memory_space<hbm>>
      tpu.enqueue_indirect_dma source(%dma_start3A_106 : memref<10240x128xf32, #tpu.memory_space<hbm>>) target(%dma_start3A_100 : memref<128x128xf32, #tpu.memory_space<vmem>>) offsets(%dma_start3A_103 : memref<128xi32, #tpu.memory_space<vmem>>) semaphore(%arg18 : memref<!tpu.dma_semaphore, #tpu.memory_space<semaphore_mem>>)
      %scan3A_107 = arith.constant 0 : i32
      %scan3A_108 = arith.constant 0 : i32
      %scan3A_109 = arith.constant 8 : i32
      %scan3A_110 = arith.addi %scan3A_108, %scan3A_109 : i32
      %scan3A_111 = arith.constant 1 : i32
      scf.for %scan3A_131 = %scan3A_108 to %scan3A_110 step %scan3A_111  : i32 {
        %mul3A_132 = arith.constant 2 : i32
        %mul3A_133 = arith.muli %scan3A_131, %mul3A_132 : i32
        %add3A_134 = arith.constant 0 : i32
        %add3A_135 = arith.addi %mul3A_133, %add3A_134 : i32
        %dma_wait3A = arith.constant 0 : i32
        %dma_wait3A_136 = arith.constant 0 : i32
        %dma_wait3A_137 = arith.constant 0 : i32
        %dma_wait3A_138 = tpu.memref_slice %arg12[%dma_wait3A, %dma_wait3A_136, %dma_wait3A_137] : memref<2x128x128xf32, #tpu.memory_space<vmem>> -> memref<1x128x128xf32, #tpu.memory_space<vmem>>
        %dma_wait3A_139 = tpu.memref_squeeze %dma_wait3A_138 : memref<1x128x128xf32, #tpu.memory_space<vmem>> -> memref<128x128xf32, #tpu.memory_space<vmem>>
        %dma_wait3A_140 = arith.constant 0 : i32
        %dma_wait3A_141 = tpu.memref_slice %arg10[%add3A_135, %dma_wait3A_140] : memref<24x128xi32, #tpu.memory_space<vmem>> -> memref<1x128xi32, #tpu.memory_space<vmem>>
        %dma_wait3A_142 = tpu.memref_squeeze %dma_wait3A_141 : memref<1x128xi32, #tpu.memory_space<vmem>> -> memref<128xi32, #tpu.memory_space<vmem>>
        %dma_wait3A_143 = arith.constant 0 : i32
        %dma_wait3A_144 = arith.constant 0 : i32
        %dma_wait3A_145 = tpu.memref_slice %arg5[%dma_wait3A_143, %dma_wait3A_144] : memref<10240x128xf32, #tpu.memory_space<hbm>> -> memref<10240x128xf32, #tpu.memory_space<hbm>>
        tpu.wait_indirect_dma semaphore(%arg17 : memref<!tpu.dma_semaphore, #tpu.memory_space<semaphore_mem>>) src(%dma_wait3A_145 : memref<10240x128xf32, #tpu.memory_space<hbm>>) dst(%dma_wait3A_139 : memref<128x128xf32, #tpu.memory_space<vmem>>)
        %run_scoped3A_146 = arith.constant 0 : i32
        "tpu.region"() ({
          %run_scoped3A_176 = tpu.sem_alloc : memref<!tpu.dma_semaphore, #tpu.memory_space<semaphore_mem>>
          %dma_start3A_177 = arith.constant 0 : i32
          %dma_start3A_178 = arith.constant 0 : i32
          %dma_start3A_179 = tpu.memref_slice %arg12[%run_scoped3A_146, %dma_start3A_177, %dma_start3A_178] : memref<2x128x128xf32, #tpu.memory_space<vmem>> -> memref<1x128x128xf32, #tpu.memory_space<vmem>>
          %dma_start3A_180 = tpu.memref_squeeze %dma_start3A_179 : memref<1x128x128xf32, #tpu.memory_space<vmem>> -> memref<128x128xf32, #tpu.memory_space<vmem>>
          %dma_start3A_181 = arith.constant 0 : i32
          %dma_start3A_182 = tpu.memref_slice %arg11[%add3A_135, %dma_start3A_181] : memref<24x128xi32, #tpu.memory_space<vmem>> -> memref<1x128xi32, #tpu.memory_space<vmem>>
          %dma_start3A_183 = tpu.memref_squeeze %dma_start3A_182 : memref<1x128xi32, #tpu.memory_space<vmem>> -> memref<128xi32, #tpu.memory_space<vmem>>
          %dma_start3A_184 = arith.constant 0 : i32
          %dma_start3A_185 = arith.constant 0 : i32
          %dma_start3A_186 = tpu.memref_slice %arg14[%dma_start3A_184, %dma_start3A_185] : memref<10240x128xf32, #tpu.memory_space<vmem_shared>> -> memref<10240x128xf32, #tpu.memory_space<vmem_shared>>
          tpu.enqueue_indirect_dma source(%dma_start3A_180 : memref<128x128xf32, #tpu.memory_space<vmem>>) target(%dma_start3A_186 : memref<10240x128xf32, #tpu.memory_space<vmem_shared>>) offsets(%dma_start3A_183 : memref<128xi32, #tpu.memory_space<vmem>>) semaphore(%run_scoped3A_176 : memref<!tpu.dma_semaphore, #tpu.memory_space<semaphore_mem>>) {add = true}
          %dma_wait3A_187 = arith.constant 0 : i32
          %dma_wait3A_188 = arith.constant 0 : i32
          %dma_wait3A_189 = tpu.memref_slice %arg12[%run_scoped3A_146, %dma_wait3A_187, %dma_wait3A_188] : memref<2x128x128xf32, #tpu.memory_space<vmem>> -> memref<1x128x128xf32, #tpu.memory_space<vmem>>
          %dma_wait3A_190 = tpu.memref_squeeze %dma_wait3A_189 : memref<1x128x128xf32, #tpu.memory_space<vmem>> -> memref<128x128xf32, #tpu.memory_space<vmem>>
          %dma_wait3A_191 = arith.constant 0 : i32
          %dma_wait3A_192 = tpu.memref_slice %arg11[%add3A_135, %dma_wait3A_191] : memref<24x128xi32, #tpu.memory_space<vmem>> -> memref<1x128xi32, #tpu.memory_space<vmem>>
          %dma_wait3A_193 = tpu.memref_squeeze %dma_wait3A_192 : memref<1x128xi32, #tpu.memory_space<vmem>> -> memref<128xi32, #tpu.memory_space<vmem>>
          %dma_wait3A_194 = arith.constant 0 : i32
          %dma_wait3A_195 = arith.constant 0 : i32
          %dma_wait3A_196 = tpu.memref_slice %arg14[%dma_wait3A_194, %dma_wait3A_195] : memref<10240x128xf32, #tpu.memory_space<vmem_shared>> -> memref<10240x128xf32, #tpu.memory_space<vmem_shared>>
          tpu.wait_indirect_dma semaphore(%run_scoped3A_176 : memref<!tpu.dma_semaphore, #tpu.memory_space<semaphore_mem>>) src(%dma_wait3A_190 : memref<128x128xf32, #tpu.memory_space<vmem>>) dst(%dma_wait3A_196 : memref<10240x128xf32, #tpu.memory_space<vmem_shared>>)
          tpu.yield
        }) : () -> ()
        %add3A_147 = arith.constant 2 : i32
        %add3A_148 = arith.addi %add3A_135, %add3A_147 : i32
        %lt3A = arith.constant 16 : i32
        %lt3A_149 = arith.cmpi slt, %add3A_148, %lt3A : i32
        %convert_element_type3A_150 = arith.extui %lt3A_149 : i1 to i32
        %cond3A_151 = arith.constant 0 : i32
        %cond3A_152 = arith.cmpi ne, %convert_element_type3A_150, %cond3A_151 : i32
        scf.if %cond3A_152 {
          %add3A_176 = arith.constant 2 : i32
          %add3A_177 = arith.addi %add3A_135, %add3A_176 : i32
          %dma_start3A_178 = arith.constant 0 : i32
          %dma_start3A_179 = arith.constant 0 : i32
          %dma_start3A_180 = arith.constant 0 : i32
          %dma_start3A_181 = tpu.memref_slice %arg12[%dma_start3A_178, %dma_start3A_179, %dma_start3A_180] : memref<2x128x128xf32, #tpu.memory_space<vmem>> -> memref<1x128x128xf32, #tpu.memory_space<vmem>>
          %dma_start3A_182 = tpu.memref_squeeze %dma_start3A_181 : memref<1x128x128xf32, #tpu.memory_space<vmem>> -> memref<128x128xf32, #tpu.memory_space<vmem>>
          %dma_start3A_183 = arith.constant 0 : i32
          %dma_start3A_184 = tpu.memref_slice %arg10[%add3A_177, %dma_start3A_183] : memref<24x128xi32, #tpu.memory_space<vmem>> -> memref<1x128xi32, #tpu.memory_space<vmem>>
          %dma_start3A_185 = tpu.memref_squeeze %dma_start3A_184 : memref<1x128xi32, #tpu.memory_space<vmem>> -> memref<128xi32, #tpu.memory_space<vmem>>
          %dma_start3A_186 = arith.constant 0 : i32
          %dma_start3A_187 = arith.constant 0 : i32
          %dma_start3A_188 = tpu.memref_slice %arg5[%dma_start3A_186, %dma_start3A_187] : memref<10240x128xf32, #tpu.memory_space<hbm>> -> memref<10240x128xf32, #tpu.memory_space<hbm>>
          tpu.enqueue_indirect_dma source(%dma_start3A_188 : memref<10240x128xf32, #tpu.memory_space<hbm>>) target(%dma_start3A_182 : memref<128x128xf32, #tpu.memory_space<vmem>>) offsets(%dma_start3A_185 : memref<128xi32, #tpu.memory_space<vmem>>) semaphore(%arg17 : memref<!tpu.dma_semaphore, #tpu.memory_space<semaphore_mem>>)
        } else {
        }
        %mul3A_153 = arith.constant 2 : i32
        %mul3A_154 = arith.muli %scan3A_131, %mul3A_153 : i32
        %add3A_155 = arith.constant 1 : i32
        %add3A_156 = arith.addi %mul3A_154, %add3A_155 : i32
        %dma_wait3A_157 = arith.constant 1 : i32
        %dma_wait3A_158 = arith.constant 0 : i32
        %dma_wait3A_159 = arith.constant 0 : i32
        %dma_wait3A_160 = tpu.memref_slice %arg12[%dma_wait3A_157, %dma_wait3A_158, %dma_wait3A_159] : memref<2x128x128xf32, #tpu.memory_space<vmem>> -> memref<1x128x128xf32, #tpu.memory_space<vmem>>
        %dma_wait3A_161 = tpu.memref_squeeze %dma_wait3A_160 : memref<1x128x128xf32, #tpu.memory_space<vmem>> -> memref<128x128xf32, #tpu.memory_space<vmem>>
        %dma_wait3A_162 = arith.constant 0 : i32
        %dma_wait3A_163 = tpu.memref_slice %arg10[%add3A_156, %dma_wait3A_162] : memref<24x128xi32, #tpu.memory_space<vmem>> -> memref<1x128xi32, #tpu.memory_space<vmem>>
        %dma_wait3A_164 = tpu.memref_squeeze %dma_wait3A_163 : memref<1x128xi32, #tpu.memory_space<vmem>> -> memref<128xi32, #tpu.memory_space<vmem>>
        %dma_wait3A_165 = arith.constant 0 : i32
        %dma_wait3A_166 = arith.constant 0 : i32
        %dma_wait3A_167 = tpu.memref_slice %arg5[%dma_wait3A_165, %dma_wait3A_166] : memref<10240x128xf32, #tpu.memory_space<hbm>> -> memref<10240x128xf32, #tpu.memory_space<hbm>>
        tpu.wait_indirect_dma semaphore(%arg18 : memref<!tpu.dma_semaphore, #tpu.memory_space<semaphore_mem>>) src(%dma_wait3A_167 : memref<10240x128xf32, #tpu.memory_space<hbm>>) dst(%dma_wait3A_161 : memref<128x128xf32, #tpu.memory_space<vmem>>)
        %run_scoped3A_168 = arith.constant 1 : i32
        "tpu.region"() ({
          %run_scoped3A_176 = tpu.sem_alloc : memref<!tpu.dma_semaphore, #tpu.memory_space<semaphore_mem>>
          %dma_start3A_177 = arith.constant 0 : i32
          %dma_start3A_178 = arith.constant 0 : i32
          %dma_start3A_179 = tpu.memref_slice %arg12[%run_scoped3A_168, %dma_start3A_177, %dma_start3A_178] : memref<2x128x128xf32, #tpu.memory_space<vmem>> -> memref<1x128x128xf32, #tpu.memory_space<vmem>>
          %dma_start3A_180 = tpu.memref_squeeze %dma_start3A_179 : memref<1x128x128xf32, #tpu.memory_space<vmem>> -> memref<128x128xf32, #tpu.memory_space<vmem>>
          %dma_start3A_181 = arith.constant 0 : i32
          %dma_start3A_182 = tpu.memref_slice %arg11[%add3A_156, %dma_start3A_181] : memref<24x128xi32, #tpu.memory_space<vmem>> -> memref<1x128xi32, #tpu.memory_space<vmem>>
          %dma_start3A_183 = tpu.memref_squeeze %dma_start3A_182 : memref<1x128xi32, #tpu.memory_space<vmem>> -> memref<128xi32, #tpu.memory_space<vmem>>
          %dma_start3A_184 = arith.constant 0 : i32
          %dma_start3A_185 = arith.constant 0 : i32
          %dma_start3A_186 = tpu.memref_slice %arg14[%dma_start3A_184, %dma_start3A_185] : memref<10240x128xf32, #tpu.memory_space<vmem_shared>> -> memref<10240x128xf32, #tpu.memory_space<vmem_shared>>
          tpu.enqueue_indirect_dma source(%dma_start3A_180 : memref<128x128xf32, #tpu.memory_space<vmem>>) target(%dma_start3A_186 : memref<10240x128xf32, #tpu.memory_space<vmem_shared>>) offsets(%dma_start3A_183 : memref<128xi32, #tpu.memory_space<vmem>>) semaphore(%run_scoped3A_176 : memref<!tpu.dma_semaphore, #tpu.memory_space<semaphore_mem>>) {add = true}
          %dma_wait3A_187 = arith.constant 0 : i32
          %dma_wait3A_188 = arith.constant 0 : i32
          %dma_wait3A_189 = tpu.memref_slice %arg12[%run_scoped3A_168, %dma_wait3A_187, %dma_wait3A_188] : memref<2x128x128xf32, #tpu.memory_space<vmem>> -> memref<1x128x128xf32, #tpu.memory_space<vmem>>
          %dma_wait3A_190 = tpu.memref_squeeze %dma_wait3A_189 : memref<1x128x128xf32, #tpu.memory_space<vmem>> -> memref<128x128xf32, #tpu.memory_space<vmem>>
          %dma_wait3A_191 = arith.constant 0 : i32
          %dma_wait3A_192 = tpu.memref_slice %arg11[%add3A_156, %dma_wait3A_191] : memref<24x128xi32, #tpu.memory_space<vmem>> -> memref<1x128xi32, #tpu.memory_space<vmem>>
          %dma_wait3A_193 = tpu.memref_squeeze %dma_wait3A_192 : memref<1x128xi32, #tpu.memory_space<vmem>> -> memref<128xi32, #tpu.memory_space<vmem>>
          %dma_wait3A_194 = arith.constant 0 : i32
          %dma_wait3A_195 = arith.constant 0 : i32
          %dma_wait3A_196 = tpu.memref_slice %arg14[%dma_wait3A_194, %dma_wait3A_195] : memref<10240x128xf32, #tpu.memory_space<vmem_shared>> -> memref<10240x128xf32, #tpu.memory_space<vmem_shared>>
          tpu.wait_indirect_dma semaphore(%run_scoped3A_176 : memref<!tpu.dma_semaphore, #tpu.memory_space<semaphore_mem>>) src(%dma_wait3A_190 : memref<128x128xf32, #tpu.memory_space<vmem>>) dst(%dma_wait3A_196 : memref<10240x128xf32, #tpu.memory_space<vmem_shared>>)
          tpu.yield
        }) : () -> ()
        %add3A_169 = arith.constant 2 : i32
        %add3A_170 = arith.addi %add3A_156, %add3A_169 : i32
        %lt3A_171 = arith.constant 16 : i32
        %lt3A_172 = arith.cmpi slt, %add3A_170, %lt3A_171 : i32
        %convert_element_type3A_173 = arith.extui %lt3A_172 : i1 to i32
        %cond3A_174 = arith.constant 0 : i32
        %cond3A_175 = arith.cmpi ne, %convert_element_type3A_173, %cond3A_174 : i32
        scf.if %cond3A_175 {
          %add3A_176 = arith.constant 2 : i32
          %add3A_177 = arith.addi %add3A_156, %add3A_176 : i32
          %dma_start3A_178 = arith.constant 1 : i32
          %dma_start3A_179 = arith.constant 0 : i32
          %dma_start3A_180 = arith.constant 0 : i32
          %dma_start3A_181 = tpu.memref_slice %arg12[%dma_start3A_178, %dma_start3A_179, %dma_start3A_180] : memref<2x128x128xf32, #tpu.memory_space<vmem>> -> memref<1x128x128xf32, #tpu.memory_space<vmem>>
          %dma_start3A_182 = tpu.memref_squeeze %dma_start3A_181 : memref<1x128x128xf32, #tpu.memory_space<vmem>> -> memref<128x128xf32, #tpu.memory_space<vmem>>
          %dma_start3A_183 = arith.constant 0 : i32
          %dma_start3A_184 = tpu.memref_slice %arg10[%add3A_177, %dma_start3A_183] : memref<24x128xi32, #tpu.memory_space<vmem>> -> memref<1x128xi32, #tpu.memory_space<vmem>>
          %dma_start3A_185 = tpu.memref_squeeze %dma_start3A_184 : memref<1x128xi32, #tpu.memory_space<vmem>> -> memref<128xi32, #tpu.memory_space<vmem>>
          %dma_start3A_186 = arith.constant 0 : i32
          %dma_start3A_187 = arith.constant 0 : i32
          %dma_start3A_188 = tpu.memref_slice %arg5[%dma_start3A_186, %dma_start3A_187] : memref<10240x128xf32, #tpu.memory_space<hbm>> -> memref<10240x128xf32, #tpu.memory_space<hbm>>
          tpu.enqueue_indirect_dma source(%dma_start3A_188 : memref<10240x128xf32, #tpu.memory_space<hbm>>) target(%dma_start3A_182 : memref<128x128xf32, #tpu.memory_space<vmem>>) offsets(%dma_start3A_185 : memref<128xi32, #tpu.memory_space<vmem>>) semaphore(%arg18 : memref<!tpu.dma_semaphore, #tpu.memory_space<semaphore_mem>>)
        } else {
        }
      }
      %scan3A_112 = arith.constant 8 : i32
      "tpu.trace_stop"() : () -> ()
      "tpu.trace_start"() <{level = 10 : i32, message = "c_part"}> : () -> ()
      %scan3A_113 = arith.constant 0 : i32
      %scan3A_114 = arith.constant 0 : i32
      %scan3A_115 = arith.constant 16 : i32
      %scan3A_116 = arith.addi %scan3A_114, %scan3A_115 : i32
      %scan3A_117 = arith.constant 1 : i32
      scf.for %scan3A_131 = %scan3A_114 to %scan3A_116 step %scan3A_117  : i32 {
        %dma_wait3A = arith.constant 0 : i32
        %dma_wait3A_132 = tpu.memref_slice %arg13[%scan3A_131, %dma_wait3A] : memref<24x128xf32, #tpu.memory_space<vmem>> -> memref<1x128xf32, #tpu.memory_space<vmem>>
        %dma_wait3A_133 = tpu.memref_squeeze %dma_wait3A_132 : memref<1x128xf32, #tpu.memory_space<vmem>> -> memref<128xf32, #tpu.memory_space<vmem>>
        %dma_wait3A_134 = arith.constant 0 : i32
        %dma_wait3A_135 = tpu.memref_slice %arg11[%scan3A_131, %dma_wait3A_134] : memref<24x128xi32, #tpu.memory_space<vmem>> -> memref<1x128xi32, #tpu.memory_space<vmem>>
        %dma_wait3A_136 = tpu.memref_squeeze %dma_wait3A_135 : memref<1x128xi32, #tpu.memory_space<vmem>> -> memref<128xi32, #tpu.memory_space<vmem>>
        %dma_wait3A_137 = arith.constant 0 : i32
        %dma_wait3A_138 = tpu.memref_slice %arg16[%dma_wait3A_137] : memref<10240xf32, #tpu.memory_space<vmem_shared>> -> memref<10240xf32, #tpu.memory_space<vmem_shared>>
        tpu.wait_indirect_dma semaphore(%arg19 : memref<!tpu.dma_semaphore, #tpu.memory_space<semaphore_mem>>) src(%dma_wait3A_138 : memref<10240xf32, #tpu.memory_space<vmem_shared>>) dst(%dma_wait3A_133 : memref<128xf32, #tpu.memory_space<vmem>>)
      }
      %scan3A_118 = arith.constant 16 : i32
      %scan3A_119 = arith.constant 0 : i32
      %scan3A_120 = arith.constant 0 : i32
      %scan3A_121 = arith.constant 16 : i32
      %scan3A_122 = arith.addi %scan3A_120, %scan3A_121 : i32
      %scan3A_123 = arith.constant 1 : i32
      scf.for %scan3A_131 = %scan3A_120 to %scan3A_122 step %scan3A_123  : i32 {
        %dma_start3A_132 = arith.constant 0 : i32
        %dma_start3A_133 = tpu.memref_slice %arg13[%scan3A_131, %dma_start3A_132] : memref<24x128xf32, #tpu.memory_space<vmem>> -> memref<1x128xf32, #tpu.memory_space<vmem>>
        %dma_start3A_134 = tpu.memref_squeeze %dma_start3A_133 : memref<1x128xf32, #tpu.memory_space<vmem>> -> memref<128xf32, #tpu.memory_space<vmem>>
        %dma_start3A_135 = arith.constant 0 : i32
        %dma_start3A_136 = tpu.memref_slice %arg10[%scan3A_131, %dma_start3A_135] : memref<24x128xi32, #tpu.memory_space<vmem>> -> memref<1x128xi32, #tpu.memory_space<vmem>>
        %dma_start3A_137 = tpu.memref_squeeze %dma_start3A_136 : memref<1x128xi32, #tpu.memory_space<vmem>> -> memref<128xi32, #tpu.memory_space<vmem>>
        %dma_start3A_138 = arith.constant 0 : i32
        %dma_start3A_139 = tpu.memref_slice %arg15[%dma_start3A_138] : memref<10240xf32, #tpu.memory_space<vmem_shared>> -> memref<10240xf32, #tpu.memory_space<vmem_shared>>
        tpu.enqueue_indirect_dma source(%dma_start3A_134 : memref<128xf32, #tpu.memory_space<vmem>>) target(%dma_start3A_139 : memref<10240xf32, #tpu.memory_space<vmem_shared>>) offsets(%dma_start3A_137 : memref<128xi32, #tpu.memory_space<vmem>>) semaphore(%arg20 : memref<!tpu.dma_semaphore, #tpu.memory_space<semaphore_mem>>) {add = true}
      }
      %scan3A_124 = arith.constant 16 : i32
      %scan3A_125 = arith.constant 0 : i32
      %scan3A_126 = arith.constant 0 : i32
      %scan3A_127 = arith.constant 16 : i32
      %scan3A_128 = arith.addi %scan3A_126, %scan3A_127 : i32
      %scan3A_129 = arith.constant 1 : i32
      scf.for %scan3A_131 = %scan3A_126 to %scan3A_128 step %scan3A_129  : i32 {
        %dma_wait3A = arith.constant 0 : i32
        %dma_wait3A_132 = tpu.memref_slice %arg13[%scan3A_131, %dma_wait3A] : memref<24x128xf32, #tpu.memory_space<vmem>> -> memref<1x128xf32, #tpu.memory_space<vmem>>
        %dma_wait3A_133 = tpu.memref_squeeze %dma_wait3A_132 : memref<1x128xf32, #tpu.memory_space<vmem>> -> memref<128xf32, #tpu.memory_space<vmem>>
        %dma_wait3A_134 = arith.constant 0 : i32
        %dma_wait3A_135 = tpu.memref_slice %arg10[%scan3A_131, %dma_wait3A_134] : memref<24x128xi32, #tpu.memory_space<vmem>> -> memref<1x128xi32, #tpu.memory_space<vmem>>
        %dma_wait3A_136 = tpu.memref_squeeze %dma_wait3A_135 : memref<1x128xi32, #tpu.memory_space<vmem>> -> memref<128xi32, #tpu.memory_space<vmem>>
        %dma_wait3A_137 = arith.constant 0 : i32
        %dma_wait3A_138 = tpu.memref_slice %arg15[%dma_wait3A_137] : memref<10240xf32, #tpu.memory_space<vmem_shared>> -> memref<10240xf32, #tpu.memory_space<vmem_shared>>
        tpu.wait_indirect_dma semaphore(%arg20 : memref<!tpu.dma_semaphore, #tpu.memory_space<semaphore_mem>>) src(%dma_wait3A_133 : memref<128xf32, #tpu.memory_space<vmem>>) dst(%dma_wait3A_138 : memref<10240xf32, #tpu.memory_space<vmem_shared>>)
      }
      %scan3A_130 = arith.constant 16 : i32
      "tpu.trace_stop"() : () -> ()
    } else {
    }
    %eq3A_44 = arith.constant 0 : i32
    %eq3A_45 = arith.cmpi eq, %arg0, %eq3A_44 : i32
    %convert_element_type3A_46 = arith.extui %eq3A_45 : i1 to i32
    %cond3A_47 = arith.constant 0 : i32
    %cond3A_48 = arith.cmpi ne, %convert_element_type3A_46, %cond3A_47 : i32
    scf.if %cond3A_48 {
      %mul3A_78 = arith.constant 144 : i32
      %mul3A_79 = arith.muli %arg1, %mul3A_78 : i32
      %add3A_80 = arith.constant 24 : i32
      %add3A_81 = arith.addi %mul3A_79, %add3A_80 : i32
      "tpu.region"() ({
        %run_scoped3A_135 = tpu.sem_alloc : memref<!tpu.dma_semaphore, #tpu.memory_space<semaphore_mem>>
        %dma_start3A_136 = arith.constant 0 : i32
        %dma_start3A_137 = tpu.memref_slice %arg2[%add3A_81, %dma_start3A_136] : memref<2560x128xi32, #tpu.memory_space<hbm>> -> memref<24x128xi32, #tpu.memory_space<hbm>>
        %dma_start3A_138 = arith.constant 0 : i32
        %dma_start3A_139 = tpu.memref_slice %arg2[%add3A_81, %dma_start3A_138] : memref<2560x128xi32, #tpu.memory_space<hbm>> -> memref<24x128xi32, #tpu.memory_space<hbm>>
        tpu.enqueue_dma source(%dma_start3A_139 : memref<24x128xi32, #tpu.memory_space<hbm>>) target(%arg10 : memref<24x128xi32, #tpu.memory_space<vmem>>) target_semaphore(%run_scoped3A_135 : memref<!tpu.dma_semaphore, #tpu.memory_space<semaphore_mem>>)
        %dma_wait3A = arith.constant 0 : i32
        %dma_wait3A_140 = tpu.memref_slice %arg2[%add3A_81, %dma_wait3A] : memref<2560x128xi32, #tpu.memory_space<hbm>> -> memref<24x128xi32, #tpu.memory_space<hbm>>
        %dma_wait3A_141 = arith.constant 0 : i32
        %dma_wait3A_142 = tpu.memref_slice %arg2[%add3A_81, %dma_wait3A_141] : memref<2560x128xi32, #tpu.memory_space<hbm>> -> memref<24x128xi32, #tpu.memory_space<hbm>>
        tpu.wait_dma2 semaphore(%run_scoped3A_135 : memref<!tpu.dma_semaphore, #tpu.memory_space<semaphore_mem>>) src(%dma_wait3A_142 : memref<24x128xi32, #tpu.memory_space<hbm>>) dst(%arg10 : memref<24x128xi32, #tpu.memory_space<vmem>>)
        tpu.yield
      }) : () -> ()
      "tpu.region"() ({
        %run_scoped3A_135 = tpu.sem_alloc : memref<!tpu.dma_semaphore, #tpu.memory_space<semaphore_mem>>
        %dma_start3A_136 = arith.constant 0 : i32
        %dma_start3A_137 = tpu.memref_slice %arg3[%add3A_81, %dma_start3A_136] : memref<2560x128xi32, #tpu.memory_space<hbm>> -> memref<24x128xi32, #tpu.memory_space<hbm>>
        %dma_start3A_138 = arith.constant 0 : i32
        %dma_start3A_139 = tpu.memref_slice %arg3[%add3A_81, %dma_start3A_138] : memref<2560x128xi32, #tpu.memory_space<hbm>> -> memref<24x128xi32, #tpu.memory_space<hbm>>
        tpu.enqueue_dma source(%dma_start3A_139 : memref<24x128xi32, #tpu.memory_space<hbm>>) target(%arg11 : memref<24x128xi32, #tpu.memory_space<vmem>>) target_semaphore(%run_scoped3A_135 : memref<!tpu.dma_semaphore, #tpu.memory_space<semaphore_mem>>)
        %dma_wait3A = arith.constant 0 : i32
        %dma_wait3A_140 = tpu.memref_slice %arg3[%add3A_81, %dma_wait3A] : memref<2560x128xi32, #tpu.memory_space<hbm>> -> memref<24x128xi32, #tpu.memory_space<hbm>>
        %dma_wait3A_141 = arith.constant 0 : i32
        %dma_wait3A_142 = tpu.memref_slice %arg3[%add3A_81, %dma_wait3A_141] : memref<2560x128xi32, #tpu.memory_space<hbm>> -> memref<24x128xi32, #tpu.memory_space<hbm>>
        tpu.wait_dma2 semaphore(%run_scoped3A_135 : memref<!tpu.dma_semaphore, #tpu.memory_space<semaphore_mem>>) src(%dma_wait3A_142 : memref<24x128xi32, #tpu.memory_space<hbm>>) dst(%arg11 : memref<24x128xi32, #tpu.memory_space<vmem>>)
        tpu.yield
      }) : () -> ()
      %scan3A_82 = arith.constant 0 : i32
      %scan3A_83 = arith.constant 0 : i32
      %scan3A_84 = arith.constant 24 : i32
      %scan3A_85 = arith.addi %scan3A_83, %scan3A_84 : i32
      %scan3A_86 = arith.constant 1 : i32
      scf.for %scan3A_135 = %scan3A_83 to %scan3A_85 step %scan3A_86  : i32 {
        %dma_start3A_136 = arith.constant 0 : i32
        %dma_start3A_137 = tpu.memref_slice %arg13[%scan3A_135, %dma_start3A_136] : memref<24x128xf32, #tpu.memory_space<vmem>> -> memref<1x128xf32, #tpu.memory_space<vmem>>
        %dma_start3A_138 = tpu.memref_squeeze %dma_start3A_137 : memref<1x128xf32, #tpu.memory_space<vmem>> -> memref<128xf32, #tpu.memory_space<vmem>>
        %dma_start3A_139 = arith.constant 0 : i32
        %dma_start3A_140 = tpu.memref_slice %arg11[%scan3A_135, %dma_start3A_139] : memref<24x128xi32, #tpu.memory_space<vmem>> -> memref<1x128xi32, #tpu.memory_space<vmem>>
        %dma_start3A_141 = tpu.memref_squeeze %dma_start3A_140 : memref<1x128xi32, #tpu.memory_space<vmem>> -> memref<128xi32, #tpu.memory_space<vmem>>
        %dma_start3A_142 = arith.constant 0 : i32
        %dma_start3A_143 = tpu.memref_slice %arg16[%dma_start3A_142] : memref<10240xf32, #tpu.memory_space<vmem_shared>> -> memref<10240xf32, #tpu.memory_space<vmem_shared>>
        tpu.enqueue_indirect_dma source(%dma_start3A_143 : memref<10240xf32, #tpu.memory_space<vmem_shared>>) target(%dma_start3A_138 : memref<128xf32, #tpu.memory_space<vmem>>) offsets(%dma_start3A_141 : memref<128xi32, #tpu.memory_space<vmem>>) semaphore(%arg19 : memref<!tpu.dma_semaphore, #tpu.memory_space<semaphore_mem>>)
      }
      %scan3A_87 = arith.constant 24 : i32
      %dma_start3A = arith.constant 0 : i32
      %dma_start3A_88 = arith.constant 0 : i32
      "tpu.trace_start"() <{level = 10 : i32, message = "row_loop"}> : () -> ()
      %dma_start3A_89 = arith.constant 0 : i32
      %dma_start3A_90 = arith.constant 0 : i32
      %dma_start3A_91 = tpu.memref_slice %arg12[%dma_start3A_88, %dma_start3A_89, %dma_start3A_90] : memref<2x128x128xf32, #tpu.memory_space<vmem>> -> memref<1x128x128xf32, #tpu.memory_space<vmem>>
      %dma_start3A_92 = tpu.memref_squeeze %dma_start3A_91 : memref<1x128x128xf32, #tpu.memory_space<vmem>> -> memref<128x128xf32, #tpu.memory_space<vmem>>
      %dma_start3A_93 = arith.constant 0 : i32
      %dma_start3A_94 = tpu.memref_slice %arg10[%dma_start3A, %dma_start3A_93] : memref<24x128xi32, #tpu.memory_space<vmem>> -> memref<1x128xi32, #tpu.memory_space<vmem>>
      %dma_start3A_95 = tpu.memref_squeeze %dma_start3A_94 : memref<1x128xi32, #tpu.memory_space<vmem>> -> memref<128xi32, #tpu.memory_space<vmem>>
      %dma_start3A_96 = arith.constant 0 : i32
      %dma_start3A_97 = arith.constant 0 : i32
      %dma_start3A_98 = tpu.memref_slice %arg4[%dma_start3A_96, %dma_start3A_97] : memref<10240x128xf32, #tpu.memory_space<hbm>> -> memref<10240x128xf32, #tpu.memory_space<hbm>>
      tpu.enqueue_indirect_dma source(%dma_start3A_98 : memref<10240x128xf32, #tpu.memory_space<hbm>>) target(%dma_start3A_92 : memref<128x128xf32, #tpu.memory_space<vmem>>) offsets(%dma_start3A_95 : memref<128xi32, #tpu.memory_space<vmem>>) semaphore(%arg17 : memref<!tpu.dma_semaphore, #tpu.memory_space<semaphore_mem>>)
      %dma_start3A_99 = arith.constant 1 : i32
      %dma_start3A_100 = arith.constant 1 : i32
      %dma_start3A_101 = arith.constant 0 : i32
      %dma_start3A_102 = arith.constant 0 : i32
      %dma_start3A_103 = tpu.memref_slice %arg12[%dma_start3A_100, %dma_start3A_101, %dma_start3A_102] : memref<2x128x128xf32, #tpu.memory_space<vmem>> -> memref<1x128x128xf32, #tpu.memory_space<vmem>>
      %dma_start3A_104 = tpu.memref_squeeze %dma_start3A_103 : memref<1x128x128xf32, #tpu.memory_space<vmem>> -> memref<128x128xf32, #tpu.memory_space<vmem>>
      %dma_start3A_105 = arith.constant 0 : i32
      %dma_start3A_106 = tpu.memref_slice %arg10[%dma_start3A_99, %dma_start3A_105] : memref<24x128xi32, #tpu.memory_space<vmem>> -> memref<1x128xi32, #tpu.memory_space<vmem>>
      %dma_start3A_107 = tpu.memref_squeeze %dma_start3A_106 : memref<1x128xi32, #tpu.memory_space<vmem>> -> memref<128xi32, #tpu.memory_space<vmem>>
      %dma_start3A_108 = arith.constant 0 : i32
      %dma_start3A_109 = arith.constant 0 : i32
      %dma_start3A_110 = tpu.memref_slice %arg4[%dma_start3A_108, %dma_start3A_109] : memref<10240x128xf32, #tpu.memory_space<hbm>> -> memref<10240x128xf32, #tpu.memory_space<hbm>>
      tpu.enqueue_indirect_dma source(%dma_start3A_110 : memref<10240x128xf32, #tpu.memory_space<hbm>>) target(%dma_start3A_104 : memref<128x128xf32, #tpu.memory_space<vmem>>) offsets(%dma_start3A_107 : memref<128xi32, #tpu.memory_space<vmem>>) semaphore(%arg18 : memref<!tpu.dma_semaphore, #tpu.memory_space<semaphore_mem>>)
      %scan3A_111 = arith.constant 0 : i32
      %scan3A_112 = arith.constant 0 : i32
      %scan3A_113 = arith.constant 12 : i32
      %scan3A_114 = arith.addi %scan3A_112, %scan3A_113 : i32
      %scan3A_115 = arith.constant 1 : i32
      scf.for %scan3A_135 = %scan3A_112 to %scan3A_114 step %scan3A_115  : i32 {
        %mul3A_136 = arith.constant 2 : i32
        %mul3A_137 = arith.muli %scan3A_135, %mul3A_136 : i32
        %add3A_138 = arith.constant 0 : i32
        %add3A_139 = arith.addi %mul3A_137, %add3A_138 : i32
        %dma_wait3A = arith.constant 0 : i32
        %dma_wait3A_140 = arith.constant 0 : i32
        %dma_wait3A_141 = arith.constant 0 : i32
        %dma_wait3A_142 = tpu.memref_slice %arg12[%dma_wait3A, %dma_wait3A_140, %dma_wait3A_141] : memref<2x128x128xf32, #tpu.memory_space<vmem>> -> memref<1x128x128xf32, #tpu.memory_space<vmem>>
        %dma_wait3A_143 = tpu.memref_squeeze %dma_wait3A_142 : memref<1x128x128xf32, #tpu.memory_space<vmem>> -> memref<128x128xf32, #tpu.memory_space<vmem>>
        %dma_wait3A_144 = arith.constant 0 : i32
        %dma_wait3A_145 = tpu.memref_slice %arg10[%add3A_139, %dma_wait3A_144] : memref<24x128xi32, #tpu.memory_space<vmem>> -> memref<1x128xi32, #tpu.memory_space<vmem>>
        %dma_wait3A_146 = tpu.memref_squeeze %dma_wait3A_145 : memref<1x128xi32, #tpu.memory_space<vmem>> -> memref<128xi32, #tpu.memory_space<vmem>>
        %dma_wait3A_147 = arith.constant 0 : i32
        %dma_wait3A_148 = arith.constant 0 : i32
        %dma_wait3A_149 = tpu.memref_slice %arg4[%dma_wait3A_147, %dma_wait3A_148] : memref<10240x128xf32, #tpu.memory_space<hbm>> -> memref<10240x128xf32, #tpu.memory_space<hbm>>
        tpu.wait_indirect_dma semaphore(%arg17 : memref<!tpu.dma_semaphore, #tpu.memory_space<semaphore_mem>>) src(%dma_wait3A_149 : memref<10240x128xf32, #tpu.memory_space<hbm>>) dst(%dma_wait3A_143 : memref<128x128xf32, #tpu.memory_space<vmem>>)
        %run_scoped3A_150 = arith.constant 0 : i32
        "tpu.region"() ({
          %run_scoped3A_180 = tpu.sem_alloc : memref<!tpu.dma_semaphore, #tpu.memory_space<semaphore_mem>>
          %dma_start3A_181 = arith.constant 0 : i32
          %dma_start3A_182 = arith.constant 0 : i32
          %dma_start3A_183 = tpu.memref_slice %arg12[%run_scoped3A_150, %dma_start3A_181, %dma_start3A_182] : memref<2x128x128xf32, #tpu.memory_space<vmem>> -> memref<1x128x128xf32, #tpu.memory_space<vmem>>
          %dma_start3A_184 = tpu.memref_squeeze %dma_start3A_183 : memref<1x128x128xf32, #tpu.memory_space<vmem>> -> memref<128x128xf32, #tpu.memory_space<vmem>>
          %dma_start3A_185 = arith.constant 0 : i32
          %dma_start3A_186 = tpu.memref_slice %arg11[%add3A_139, %dma_start3A_185] : memref<24x128xi32, #tpu.memory_space<vmem>> -> memref<1x128xi32, #tpu.memory_space<vmem>>
          %dma_start3A_187 = tpu.memref_squeeze %dma_start3A_186 : memref<1x128xi32, #tpu.memory_space<vmem>> -> memref<128xi32, #tpu.memory_space<vmem>>
          %dma_start3A_188 = arith.constant 0 : i32
          %dma_start3A_189 = arith.constant 0 : i32
          %dma_start3A_190 = tpu.memref_slice %arg14[%dma_start3A_188, %dma_start3A_189] : memref<10240x128xf32, #tpu.memory_space<vmem_shared>> -> memref<10240x128xf32, #tpu.memory_space<vmem_shared>>
          tpu.enqueue_indirect_dma source(%dma_start3A_184 : memref<128x128xf32, #tpu.memory_space<vmem>>) target(%dma_start3A_190 : memref<10240x128xf32, #tpu.memory_space<vmem_shared>>) offsets(%dma_start3A_187 : memref<128xi32, #tpu.memory_space<vmem>>) semaphore(%run_scoped3A_180 : memref<!tpu.dma_semaphore, #tpu.memory_space<semaphore_mem>>) {add = true}
          %dma_wait3A_191 = arith.constant 0 : i32
          %dma_wait3A_192 = arith.constant 0 : i32
          %dma_wait3A_193 = tpu.memref_slice %arg12[%run_scoped3A_150, %dma_wait3A_191, %dma_wait3A_192] : memref<2x128x128xf32, #tpu.memory_space<vmem>> -> memref<1x128x128xf32, #tpu.memory_space<vmem>>
          %dma_wait3A_194 = tpu.memref_squeeze %dma_wait3A_193 : memref<1x128x128xf32, #tpu.memory_space<vmem>> -> memref<128x128xf32, #tpu.memory_space<vmem>>
          %dma_wait3A_195 = arith.constant 0 : i32
          %dma_wait3A_196 = tpu.memref_slice %arg11[%add3A_139, %dma_wait3A_195] : memref<24x128xi32, #tpu.memory_space<vmem>> -> memref<1x128xi32, #tpu.memory_space<vmem>>
          %dma_wait3A_197 = tpu.memref_squeeze %dma_wait3A_196 : memref<1x128xi32, #tpu.memory_space<vmem>> -> memref<128xi32, #tpu.memory_space<vmem>>
          %dma_wait3A_198 = arith.constant 0 : i32
          %dma_wait3A_199 = arith.constant 0 : i32
          %dma_wait3A_200 = tpu.memref_slice %arg14[%dma_wait3A_198, %dma_wait3A_199] : memref<10240x128xf32, #tpu.memory_space<vmem_shared>> -> memref<10240x128xf32, #tpu.memory_space<vmem_shared>>
          tpu.wait_indirect_dma semaphore(%run_scoped3A_180 : memref<!tpu.dma_semaphore, #tpu.memory_space<semaphore_mem>>) src(%dma_wait3A_194 : memref<128x128xf32, #tpu.memory_space<vmem>>) dst(%dma_wait3A_200 : memref<10240x128xf32, #tpu.memory_space<vmem_shared>>)
          tpu.yield
        }) : () -> ()
        %add3A_151 = arith.constant 2 : i32
        %add3A_152 = arith.addi %add3A_139, %add3A_151 : i32
        %lt3A = arith.constant 24 : i32
        %lt3A_153 = arith.cmpi slt, %add3A_152, %lt3A : i32
        %convert_element_type3A_154 = arith.extui %lt3A_153 : i1 to i32
        %cond3A_155 = arith.constant 0 : i32
        %cond3A_156 = arith.cmpi ne, %convert_element_type3A_154, %cond3A_155 : i32
        scf.if %cond3A_156 {
          %add3A_180 = arith.constant 2 : i32
          %add3A_181 = arith.addi %add3A_139, %add3A_180 : i32
          %dma_start3A_182 = arith.constant 0 : i32
          %dma_start3A_183 = arith.constant 0 : i32
          %dma_start3A_184 = arith.constant 0 : i32
          %dma_start3A_185 = tpu.memref_slice %arg12[%dma_start3A_182, %dma_start3A_183, %dma_start3A_184] : memref<2x128x128xf32, #tpu.memory_space<vmem>> -> memref<1x128x128xf32, #tpu.memory_space<vmem>>
          %dma_start3A_186 = tpu.memref_squeeze %dma_start3A_185 : memref<1x128x128xf32, #tpu.memory_space<vmem>> -> memref<128x128xf32, #tpu.memory_space<vmem>>
          %dma_start3A_187 = arith.constant 0 : i32
          %dma_start3A_188 = tpu.memref_slice %arg10[%add3A_181, %dma_start3A_187] : memref<24x128xi32, #tpu.memory_space<vmem>> -> memref<1x128xi32, #tpu.memory_space<vmem>>
          %dma_start3A_189 = tpu.memref_squeeze %dma_start3A_188 : memref<1x128xi32, #tpu.memory_space<vmem>> -> memref<128xi32, #tpu.memory_space<vmem>>
          %dma_start3A_190 = arith.constant 0 : i32
          %dma_start3A_191 = arith.constant 0 : i32
          %dma_start3A_192 = tpu.memref_slice %arg4[%dma_start3A_190, %dma_start3A_191] : memref<10240x128xf32, #tpu.memory_space<hbm>> -> memref<10240x128xf32, #tpu.memory_space<hbm>>
          tpu.enqueue_indirect_dma source(%dma_start3A_192 : memref<10240x128xf32, #tpu.memory_space<hbm>>) target(%dma_start3A_186 : memref<128x128xf32, #tpu.memory_space<vmem>>) offsets(%dma_start3A_189 : memref<128xi32, #tpu.memory_space<vmem>>) semaphore(%arg17 : memref<!tpu.dma_semaphore, #tpu.memory_space<semaphore_mem>>)
        } else {
        }
        %mul3A_157 = arith.constant 2 : i32
        %mul3A_158 = arith.muli %scan3A_135, %mul3A_157 : i32
        %add3A_159 = arith.constant 1 : i32
        %add3A_160 = arith.addi %mul3A_158, %add3A_159 : i32
        %dma_wait3A_161 = arith.constant 1 : i32
        %dma_wait3A_162 = arith.constant 0 : i32
        %dma_wait3A_163 = arith.constant 0 : i32
        %dma_wait3A_164 = tpu.memref_slice %arg12[%dma_wait3A_161, %dma_wait3A_162, %dma_wait3A_163] : memref<2x128x128xf32, #tpu.memory_space<vmem>> -> memref<1x128x128xf32, #tpu.memory_space<vmem>>
        %dma_wait3A_165 = tpu.memref_squeeze %dma_wait3A_164 : memref<1x128x128xf32, #tpu.memory_space<vmem>> -> memref<128x128xf32, #tpu.memory_space<vmem>>
        %dma_wait3A_166 = arith.constant 0 : i32
        %dma_wait3A_167 = tpu.memref_slice %arg10[%add3A_160, %dma_wait3A_166] : memref<24x128xi32, #tpu.memory_space<vmem>> -> memref<1x128xi32, #tpu.memory_space<vmem>>
        %dma_wait3A_168 = tpu.memref_squeeze %dma_wait3A_167 : memref<1x128xi32, #tpu.memory_space<vmem>> -> memref<128xi32, #tpu.memory_space<vmem>>
        %dma_wait3A_169 = arith.constant 0 : i32
        %dma_wait3A_170 = arith.constant 0 : i32
        %dma_wait3A_171 = tpu.memref_slice %arg4[%dma_wait3A_169, %dma_wait3A_170] : memref<10240x128xf32, #tpu.memory_space<hbm>> -> memref<10240x128xf32, #tpu.memory_space<hbm>>
        tpu.wait_indirect_dma semaphore(%arg18 : memref<!tpu.dma_semaphore, #tpu.memory_space<semaphore_mem>>) src(%dma_wait3A_171 : memref<10240x128xf32, #tpu.memory_space<hbm>>) dst(%dma_wait3A_165 : memref<128x128xf32, #tpu.memory_space<vmem>>)
        %run_scoped3A_172 = arith.constant 1 : i32
        "tpu.region"() ({
          %run_scoped3A_180 = tpu.sem_alloc : memref<!tpu.dma_semaphore, #tpu.memory_space<semaphore_mem>>
          %dma_start3A_181 = arith.constant 0 : i32
          %dma_start3A_182 = arith.constant 0 : i32
          %dma_start3A_183 = tpu.memref_slice %arg12[%run_scoped3A_172, %dma_start3A_181, %dma_start3A_182] : memref<2x128x128xf32, #tpu.memory_space<vmem>> -> memref<1x128x128xf32, #tpu.memory_space<vmem>>
          %dma_start3A_184 = tpu.memref_squeeze %dma_start3A_183 : memref<1x128x128xf32, #tpu.memory_space<vmem>> -> memref<128x128xf32, #tpu.memory_space<vmem>>
          %dma_start3A_185 = arith.constant 0 : i32
          %dma_start3A_186 = tpu.memref_slice %arg11[%add3A_160, %dma_start3A_185] : memref<24x128xi32, #tpu.memory_space<vmem>> -> memref<1x128xi32, #tpu.memory_space<vmem>>
          %dma_start3A_187 = tpu.memref_squeeze %dma_start3A_186 : memref<1x128xi32, #tpu.memory_space<vmem>> -> memref<128xi32, #tpu.memory_space<vmem>>
          %dma_start3A_188 = arith.constant 0 : i32
          %dma_start3A_189 = arith.constant 0 : i32
          %dma_start3A_190 = tpu.memref_slice %arg14[%dma_start3A_188, %dma_start3A_189] : memref<10240x128xf32, #tpu.memory_space<vmem_shared>> -> memref<10240x128xf32, #tpu.memory_space<vmem_shared>>
          tpu.enqueue_indirect_dma source(%dma_start3A_184 : memref<128x128xf32, #tpu.memory_space<vmem>>) target(%dma_start3A_190 : memref<10240x128xf32, #tpu.memory_space<vmem_shared>>) offsets(%dma_start3A_187 : memref<128xi32, #tpu.memory_space<vmem>>) semaphore(%run_scoped3A_180 : memref<!tpu.dma_semaphore, #tpu.memory_space<semaphore_mem>>) {add = true}
          %dma_wait3A_191 = arith.constant 0 : i32
          %dma_wait3A_192 = arith.constant 0 : i32
          %dma_wait3A_193 = tpu.memref_slice %arg12[%run_scoped3A_172, %dma_wait3A_191, %dma_wait3A_192] : memref<2x128x128xf32, #tpu.memory_space<vmem>> -> memref<1x128x128xf32, #tpu.memory_space<vmem>>
          %dma_wait3A_194 = tpu.memref_squeeze %dma_wait3A_193 : memref<1x128x128xf32, #tpu.memory_space<vmem>> -> memref<128x128xf32, #tpu.memory_space<vmem>>
          %dma_wait3A_195 = arith.constant 0 : i32
          %dma_wait3A_196 = tpu.memref_slice %arg11[%add3A_160, %dma_wait3A_195] : memref<24x128xi32, #tpu.memory_space<vmem>> -> memref<1x128xi32, #tpu.memory_space<vmem>>
          %dma_wait3A_197 = tpu.memref_squeeze %dma_wait3A_196 : memref<1x128xi32, #tpu.memory_space<vmem>> -> memref<128xi32, #tpu.memory_space<vmem>>
          %dma_wait3A_198 = arith.constant 0 : i32
          %dma_wait3A_199 = arith.constant 0 : i32
          %dma_wait3A_200 = tpu.memref_slice %arg14[%dma_wait3A_198, %dma_wait3A_199] : memref<10240x128xf32, #tpu.memory_space<vmem_shared>> -> memref<10240x128xf32, #tpu.memory_space<vmem_shared>>
          tpu.wait_indirect_dma semaphore(%run_scoped3A_180 : memref<!tpu.dma_semaphore, #tpu.memory_space<semaphore_mem>>) src(%dma_wait3A_194 : memref<128x128xf32, #tpu.memory_space<vmem>>) dst(%dma_wait3A_200 : memref<10240x128xf32, #tpu.memory_space<vmem_shared>>)
          tpu.yield
        }) : () -> ()
        %add3A_173 = arith.constant 2 : i32
        %add3A_174 = arith.addi %add3A_160, %add3A_173 : i32
        %lt3A_175 = arith.constant 24 : i32
        %lt3A_176 = arith.cmpi slt, %add3A_174, %lt3A_175 : i32
        %convert_element_type3A_177 = arith.extui %lt3A_176 : i1 to i32
        %cond3A_178 = arith.constant 0 : i32
        %cond3A_179 = arith.cmpi ne, %convert_element_type3A_177, %cond3A_178 : i32
        scf.if %cond3A_179 {
          %add3A_180 = arith.constant 2 : i32
          %add3A_181 = arith.addi %add3A_160, %add3A_180 : i32
          %dma_start3A_182 = arith.constant 1 : i32
          %dma_start3A_183 = arith.constant 0 : i32
          %dma_start3A_184 = arith.constant 0 : i32
          %dma_start3A_185 = tpu.memref_slice %arg12[%dma_start3A_182, %dma_start3A_183, %dma_start3A_184] : memref<2x128x128xf32, #tpu.memory_space<vmem>> -> memref<1x128x128xf32, #tpu.memory_space<vmem>>
          %dma_start3A_186 = tpu.memref_squeeze %dma_start3A_185 : memref<1x128x128xf32, #tpu.memory_space<vmem>> -> memref<128x128xf32, #tpu.memory_space<vmem>>
          %dma_start3A_187 = arith.constant 0 : i32
          %dma_start3A_188 = tpu.memref_slice %arg10[%add3A_181, %dma_start3A_187] : memref<24x128xi32, #tpu.memory_space<vmem>> -> memref<1x128xi32, #tpu.memory_space<vmem>>
          %dma_start3A_189 = tpu.memref_squeeze %dma_start3A_188 : memref<1x128xi32, #tpu.memory_space<vmem>> -> memref<128xi32, #tpu.memory_space<vmem>>
          %dma_start3A_190 = arith.constant 0 : i32
          %dma_start3A_191 = arith.constant 0 : i32
          %dma_start3A_192 = tpu.memref_slice %arg4[%dma_start3A_190, %dma_start3A_191] : memref<10240x128xf32, #tpu.memory_space<hbm>> -> memref<10240x128xf32, #tpu.memory_space<hbm>>
          tpu.enqueue_indirect_dma source(%dma_start3A_192 : memref<10240x128xf32, #tpu.memory_space<hbm>>) target(%dma_start3A_186 : memref<128x128xf32, #tpu.memory_space<vmem>>) offsets(%dma_start3A_189 : memref<128xi32, #tpu.memory_space<vmem>>) semaphore(%arg18 : memref<!tpu.dma_semaphore, #tpu.memory_space<semaphore_mem>>)
        } else {
        }
      }
      %scan3A_116 = arith.constant 12 : i32
      "tpu.trace_stop"() : () -> ()
      "tpu.trace_start"() <{level = 10 : i32, message = "c_part"}> : () -> ()
      %scan3A_117 = arith.constant 0 : i32
      %scan3A_118 = arith.constant 0 : i32
      %scan3A_119 = arith.constant 24 : i32
      %scan3A_120 = arith.addi %scan3A_118, %scan3A_119 : i32
      %scan3A_121 = arith.constant 1 : i32
      scf.for %scan3A_135 = %scan3A_118 to %scan3A_120 step %scan3A_121  : i32 {
        %dma_wait3A = arith.constant 0 : i32
        %dma_wait3A_136 = tpu.memref_slice %arg13[%scan3A_135, %dma_wait3A] : memref<24x128xf32, #tpu.memory_space<vmem>> -> memref<1x128xf32, #tpu.memory_space<vmem>>
        %dma_wait3A_137 = tpu.memref_squeeze %dma_wait3A_136 : memref<1x128xf32, #tpu.memory_space<vmem>> -> memref<128xf32, #tpu.memory_space<vmem>>
        %dma_wait3A_138 = arith.constant 0 : i32
        %dma_wait3A_139 = tpu.memref_slice %arg11[%scan3A_135, %dma_wait3A_138] : memref<24x128xi32, #tpu.memory_space<vmem>> -> memref<1x128xi32, #tpu.memory_space<vmem>>
        %dma_wait3A_140 = tpu.memref_squeeze %dma_wait3A_139 : memref<1x128xi32, #tpu.memory_space<vmem>> -> memref<128xi32, #tpu.memory_space<vmem>>
        %dma_wait3A_141 = arith.constant 0 : i32
        %dma_wait3A_142 = tpu.memref_slice %arg16[%dma_wait3A_141] : memref<10240xf32, #tpu.memory_space<vmem_shared>> -> memref<10240xf32, #tpu.memory_space<vmem_shared>>
        tpu.wait_indirect_dma semaphore(%arg19 : memref<!tpu.dma_semaphore, #tpu.memory_space<semaphore_mem>>) src(%dma_wait3A_142 : memref<10240xf32, #tpu.memory_space<vmem_shared>>) dst(%dma_wait3A_137 : memref<128xf32, #tpu.memory_space<vmem>>)
      }
      %scan3A_122 = arith.constant 24 : i32
      %scan3A_123 = arith.constant 0 : i32
      %scan3A_124 = arith.constant 0 : i32
      %scan3A_125 = arith.constant 24 : i32
      %scan3A_126 = arith.addi %scan3A_124, %scan3A_125 : i32
      %scan3A_127 = arith.constant 1 : i32
      scf.for %scan3A_135 = %scan3A_124 to %scan3A_126 step %scan3A_127  : i32 {
        %dma_start3A_136 = arith.constant 0 : i32
        %dma_start3A_137 = tpu.memref_slice %arg13[%scan3A_135, %dma_start3A_136] : memref<24x128xf32, #tpu.memory_space<vmem>> -> memref<1x128xf32, #tpu.memory_space<vmem>>
        %dma_start3A_138 = tpu.memref_squeeze %dma_start3A_137 : memref<1x128xf32, #tpu.memory_space<vmem>> -> memref<128xf32, #tpu.memory_space<vmem>>
        %dma_start3A_139 = arith.constant 0 : i32
        %dma_start3A_140 = tpu.memref_slice %arg10[%scan3A_135, %dma_start3A_139] : memref<24x128xi32, #tpu.memory_space<vmem>> -> memref<1x128xi32, #tpu.memory_space<vmem>>
        %dma_start3A_141 = tpu.memref_squeeze %dma_start3A_140 : memref<1x128xi32, #tpu.memory_space<vmem>> -> memref<128xi32, #tpu.memory_space<vmem>>
        %dma_start3A_142 = arith.constant 0 : i32
        %dma_start3A_143 = tpu.memref_slice %arg15[%dma_start3A_142] : memref<10240xf32, #tpu.memory_space<vmem_shared>> -> memref<10240xf32, #tpu.memory_space<vmem_shared>>
        tpu.enqueue_indirect_dma source(%dma_start3A_138 : memref<128xf32, #tpu.memory_space<vmem>>) target(%dma_start3A_143 : memref<10240xf32, #tpu.memory_space<vmem_shared>>) offsets(%dma_start3A_141 : memref<128xi32, #tpu.memory_space<vmem>>) semaphore(%arg20 : memref<!tpu.dma_semaphore, #tpu.memory_space<semaphore_mem>>) {add = true}
      }
      %scan3A_128 = arith.constant 24 : i32
      %scan3A_129 = arith.constant 0 : i32
      %scan3A_130 = arith.constant 0 : i32
      %scan3A_131 = arith.constant 24 : i32
      %scan3A_132 = arith.addi %scan3A_130, %scan3A_131 : i32
      %scan3A_133 = arith.constant 1 : i32
      scf.for %scan3A_135 = %scan3A_130 to %scan3A_132 step %scan3A_133  : i32 {
        %dma_wait3A = arith.constant 0 : i32
        %dma_wait3A_136 = tpu.memref_slice %arg13[%scan3A_135, %dma_wait3A] : memref<24x128xf32, #tpu.memory_space<vmem>> -> memref<1x128xf32, #tpu.memory_space<vmem>>
        %dma_wait3A_137 = tpu.memref_squeeze %dma_wait3A_136 : memref<1x128xf32, #tpu.memory_space<vmem>> -> memref<128xf32, #tpu.memory_space<vmem>>
        %dma_wait3A_138 = arith.constant 0 : i32
        %dma_wait3A_139 = tpu.memref_slice %arg10[%scan3A_135, %dma_wait3A_138] : memref<24x128xi32, #tpu.memory_space<vmem>> -> memref<1x128xi32, #tpu.memory_space<vmem>>
        %dma_wait3A_140 = tpu.memref_squeeze %dma_wait3A_139 : memref<1x128xi32, #tpu.memory_space<vmem>> -> memref<128xi32, #tpu.memory_space<vmem>>
        %dma_wait3A_141 = arith.constant 0 : i32
        %dma_wait3A_142 = tpu.memref_slice %arg15[%dma_wait3A_141] : memref<10240xf32, #tpu.memory_space<vmem_shared>> -> memref<10240xf32, #tpu.memory_space<vmem_shared>>
        tpu.wait_indirect_dma semaphore(%arg20 : memref<!tpu.dma_semaphore, #tpu.memory_space<semaphore_mem>>) src(%dma_wait3A_137 : memref<128xf32, #tpu.memory_space<vmem>>) dst(%dma_wait3A_142 : memref<10240xf32, #tpu.memory_space<vmem_shared>>)
      }
      %scan3A_134 = arith.constant 24 : i32
      "tpu.trace_stop"() : () -> ()
    } else {
    }
    %eq3A_49 = arith.constant 0 : i32
    %eq3A_50 = arith.cmpi eq, %arg0, %eq3A_49 : i32
    %convert_element_type3A_51 = arith.extui %eq3A_50 : i1 to i32
    %cond3A_52 = arith.constant 0 : i32
    %cond3A_53 = arith.cmpi ne, %convert_element_type3A_51, %cond3A_52 : i32
    scf.if %cond3A_53 {
      %mul3A_78 = arith.constant 144 : i32
      %mul3A_79 = arith.muli %arg1, %mul3A_78 : i32
      %add3A_80 = arith.constant 48 : i32
      %add3A_81 = arith.addi %mul3A_79, %add3A_80 : i32
      "tpu.region"() ({
        %run_scoped3A_135 = tpu.sem_alloc : memref<!tpu.dma_semaphore, #tpu.memory_space<semaphore_mem>>
        %dma_start3A_136 = arith.constant 0 : i32
        %dma_start3A_137 = tpu.memref_slice %arg2[%add3A_81, %dma_start3A_136] : memref<2560x128xi32, #tpu.memory_space<hbm>> -> memref<24x128xi32, #tpu.memory_space<hbm>>
        %dma_start3A_138 = arith.constant 0 : i32
        %dma_start3A_139 = tpu.memref_slice %arg2[%add3A_81, %dma_start3A_138] : memref<2560x128xi32, #tpu.memory_space<hbm>> -> memref<24x128xi32, #tpu.memory_space<hbm>>
        tpu.enqueue_dma source(%dma_start3A_139 : memref<24x128xi32, #tpu.memory_space<hbm>>) target(%arg10 : memref<24x128xi32, #tpu.memory_space<vmem>>) target_semaphore(%run_scoped3A_135 : memref<!tpu.dma_semaphore, #tpu.memory_space<semaphore_mem>>)
        %dma_wait3A = arith.constant 0 : i32
        %dma_wait3A_140 = tpu.memref_slice %arg2[%add3A_81, %dma_wait3A] : memref<2560x128xi32, #tpu.memory_space<hbm>> -> memref<24x128xi32, #tpu.memory_space<hbm>>
        %dma_wait3A_141 = arith.constant 0 : i32
        %dma_wait3A_142 = tpu.memref_slice %arg2[%add3A_81, %dma_wait3A_141] : memref<2560x128xi32, #tpu.memory_space<hbm>> -> memref<24x128xi32, #tpu.memory_space<hbm>>
        tpu.wait_dma2 semaphore(%run_scoped3A_135 : memref<!tpu.dma_semaphore, #tpu.memory_space<semaphore_mem>>) src(%dma_wait3A_142 : memref<24x128xi32, #tpu.memory_space<hbm>>) dst(%arg10 : memref<24x128xi32, #tpu.memory_space<vmem>>)
        tpu.yield
      }) : () -> ()
      "tpu.region"() ({
        %run_scoped3A_135 = tpu.sem_alloc : memref<!tpu.dma_semaphore, #tpu.memory_space<semaphore_mem>>
        %dma_start3A_136 = arith.constant 0 : i32
        %dma_start3A_137 = tpu.memref_slice %arg3[%add3A_81, %dma_start3A_136] : memref<2560x128xi32, #tpu.memory_space<hbm>> -> memref<24x128xi32, #tpu.memory_space<hbm>>
        %dma_start3A_138 = arith.constant 0 : i32
        %dma_start3A_139 = tpu.memref_slice %arg3[%add3A_81, %dma_start3A_138] : memref<2560x128xi32, #tpu.memory_space<hbm>> -> memref<24x128xi32, #tpu.memory_space<hbm>>
        tpu.enqueue_dma source(%dma_start3A_139 : memref<24x128xi32, #tpu.memory_space<hbm>>) target(%arg11 : memref<24x128xi32, #tpu.memory_space<vmem>>) target_semaphore(%run_scoped3A_135 : memref<!tpu.dma_semaphore, #tpu.memory_space<semaphore_mem>>)
        %dma_wait3A = arith.constant 0 : i32
        %dma_wait3A_140 = tpu.memref_slice %arg3[%add3A_81, %dma_wait3A] : memref<2560x128xi32, #tpu.memory_space<hbm>> -> memref<24x128xi32, #tpu.memory_space<hbm>>
        %dma_wait3A_141 = arith.constant 0 : i32
        %dma_wait3A_142 = tpu.memref_slice %arg3[%add3A_81, %dma_wait3A_141] : memref<2560x128xi32, #tpu.memory_space<hbm>> -> memref<24x128xi32, #tpu.memory_space<hbm>>
        tpu.wait_dma2 semaphore(%run_scoped3A_135 : memref<!tpu.dma_semaphore, #tpu.memory_space<semaphore_mem>>) src(%dma_wait3A_142 : memref<24x128xi32, #tpu.memory_space<hbm>>) dst(%arg11 : memref<24x128xi32, #tpu.memory_space<vmem>>)
        tpu.yield
      }) : () -> ()
      %scan3A_82 = arith.constant 0 : i32
      %scan3A_83 = arith.constant 0 : i32
      %scan3A_84 = arith.constant 24 : i32
      %scan3A_85 = arith.addi %scan3A_83, %scan3A_84 : i32
      %scan3A_86 = arith.constant 1 : i32
      scf.for %scan3A_135 = %scan3A_83 to %scan3A_85 step %scan3A_86  : i32 {
        %dma_start3A_136 = arith.constant 0 : i32
        %dma_start3A_137 = tpu.memref_slice %arg13[%scan3A_135, %dma_start3A_136] : memref<24x128xf32, #tpu.memory_space<vmem>> -> memref<1x128xf32, #tpu.memory_space<vmem>>
        %dma_start3A_138 = tpu.memref_squeeze %dma_start3A_137 : memref<1x128xf32, #tpu.memory_space<vmem>> -> memref<128xf32, #tpu.memory_space<vmem>>
        %dma_start3A_139 = arith.constant 0 : i32
        %dma_start3A_140 = tpu.memref_slice %arg11[%scan3A_135, %dma_start3A_139] : memref<24x128xi32, #tpu.memory_space<vmem>> -> memref<1x128xi32, #tpu.memory_space<vmem>>
        %dma_start3A_141 = tpu.memref_squeeze %dma_start3A_140 : memref<1x128xi32, #tpu.memory_space<vmem>> -> memref<128xi32, #tpu.memory_space<vmem>>
        %dma_start3A_142 = arith.constant 0 : i32
        %dma_start3A_143 = tpu.memref_slice %arg16[%dma_start3A_142] : memref<10240xf32, #tpu.memory_space<vmem_shared>> -> memref<10240xf32, #tpu.memory_space<vmem_shared>>
        tpu.enqueue_indirect_dma source(%dma_start3A_143 : memref<10240xf32, #tpu.memory_space<vmem_shared>>) target(%dma_start3A_138 : memref<128xf32, #tpu.memory_space<vmem>>) offsets(%dma_start3A_141 : memref<128xi32, #tpu.memory_space<vmem>>) semaphore(%arg19 : memref<!tpu.dma_semaphore, #tpu.memory_space<semaphore_mem>>)
      }
      %scan3A_87 = arith.constant 24 : i32
      %dma_start3A = arith.constant 0 : i32
      %dma_start3A_88 = arith.constant 0 : i32
      "tpu.trace_start"() <{level = 10 : i32, message = "row_loop"}> : () -> ()
      %dma_start3A_89 = arith.constant 0 : i32
      %dma_start3A_90 = arith.constant 0 : i32
      %dma_start3A_91 = tpu.memref_slice %arg12[%dma_start3A_88, %dma_start3A_89, %dma_start3A_90] : memref<2x128x128xf32, #tpu.memory_space<vmem>> -> memref<1x128x128xf32, #tpu.memory_space<vmem>>
      %dma_start3A_92 = tpu.memref_squeeze %dma_start3A_91 : memref<1x128x128xf32, #tpu.memory_space<vmem>> -> memref<128x128xf32, #tpu.memory_space<vmem>>
      %dma_start3A_93 = arith.constant 0 : i32
      %dma_start3A_94 = tpu.memref_slice %arg10[%dma_start3A, %dma_start3A_93] : memref<24x128xi32, #tpu.memory_space<vmem>> -> memref<1x128xi32, #tpu.memory_space<vmem>>
      %dma_start3A_95 = tpu.memref_squeeze %dma_start3A_94 : memref<1x128xi32, #tpu.memory_space<vmem>> -> memref<128xi32, #tpu.memory_space<vmem>>
      %dma_start3A_96 = arith.constant 0 : i32
      %dma_start3A_97 = arith.constant 0 : i32
      %dma_start3A_98 = tpu.memref_slice %arg4[%dma_start3A_96, %dma_start3A_97] : memref<10240x128xf32, #tpu.memory_space<hbm>> -> memref<10240x128xf32, #tpu.memory_space<hbm>>
      tpu.enqueue_indirect_dma source(%dma_start3A_98 : memref<10240x128xf32, #tpu.memory_space<hbm>>) target(%dma_start3A_92 : memref<128x128xf32, #tpu.memory_space<vmem>>) offsets(%dma_start3A_95 : memref<128xi32, #tpu.memory_space<vmem>>) semaphore(%arg17 : memref<!tpu.dma_semaphore, #tpu.memory_space<semaphore_mem>>)
      %dma_start3A_99 = arith.constant 1 : i32
      %dma_start3A_100 = arith.constant 1 : i32
      %dma_start3A_101 = arith.constant 0 : i32
      %dma_start3A_102 = arith.constant 0 : i32
      %dma_start3A_103 = tpu.memref_slice %arg12[%dma_start3A_100, %dma_start3A_101, %dma_start3A_102] : memref<2x128x128xf32, #tpu.memory_space<vmem>> -> memref<1x128x128xf32, #tpu.memory_space<vmem>>
      %dma_start3A_104 = tpu.memref_squeeze %dma_start3A_103 : memref<1x128x128xf32, #tpu.memory_space<vmem>> -> memref<128x128xf32, #tpu.memory_space<vmem>>
      %dma_start3A_105 = arith.constant 0 : i32
      %dma_start3A_106 = tpu.memref_slice %arg10[%dma_start3A_99, %dma_start3A_105] : memref<24x128xi32, #tpu.memory_space<vmem>> -> memref<1x128xi32, #tpu.memory_space<vmem>>
      %dma_start3A_107 = tpu.memref_squeeze %dma_start3A_106 : memref<1x128xi32, #tpu.memory_space<vmem>> -> memref<128xi32, #tpu.memory_space<vmem>>
      %dma_start3A_108 = arith.constant 0 : i32
      %dma_start3A_109 = arith.constant 0 : i32
      %dma_start3A_110 = tpu.memref_slice %arg4[%dma_start3A_108, %dma_start3A_109] : memref<10240x128xf32, #tpu.memory_space<hbm>> -> memref<10240x128xf32, #tpu.memory_space<hbm>>
      tpu.enqueue_indirect_dma source(%dma_start3A_110 : memref<10240x128xf32, #tpu.memory_space<hbm>>) target(%dma_start3A_104 : memref<128x128xf32, #tpu.memory_space<vmem>>) offsets(%dma_start3A_107 : memref<128xi32, #tpu.memory_space<vmem>>) semaphore(%arg18 : memref<!tpu.dma_semaphore, #tpu.memory_space<semaphore_mem>>)
      %scan3A_111 = arith.constant 0 : i32
      %scan3A_112 = arith.constant 0 : i32
      %scan3A_113 = arith.constant 12 : i32
      %scan3A_114 = arith.addi %scan3A_112, %scan3A_113 : i32
      %scan3A_115 = arith.constant 1 : i32
      scf.for %scan3A_135 = %scan3A_112 to %scan3A_114 step %scan3A_115  : i32 {
        %mul3A_136 = arith.constant 2 : i32
        %mul3A_137 = arith.muli %scan3A_135, %mul3A_136 : i32
        %add3A_138 = arith.constant 0 : i32
        %add3A_139 = arith.addi %mul3A_137, %add3A_138 : i32
        %dma_wait3A = arith.constant 0 : i32
        %dma_wait3A_140 = arith.constant 0 : i32
        %dma_wait3A_141 = arith.constant 0 : i32
        %dma_wait3A_142 = tpu.memref_slice %arg12[%dma_wait3A, %dma_wait3A_140, %dma_wait3A_141] : memref<2x128x128xf32, #tpu.memory_space<vmem>> -> memref<1x128x128xf32, #tpu.memory_space<vmem>>
        %dma_wait3A_143 = tpu.memref_squeeze %dma_wait3A_142 : memref<1x128x128xf32, #tpu.memory_space<vmem>> -> memref<128x128xf32, #tpu.memory_space<vmem>>
        %dma_wait3A_144 = arith.constant 0 : i32
        %dma_wait3A_145 = tpu.memref_slice %arg10[%add3A_139, %dma_wait3A_144] : memref<24x128xi32, #tpu.memory_space<vmem>> -> memref<1x128xi32, #tpu.memory_space<vmem>>
        %dma_wait3A_146 = tpu.memref_squeeze %dma_wait3A_145 : memref<1x128xi32, #tpu.memory_space<vmem>> -> memref<128xi32, #tpu.memory_space<vmem>>
        %dma_wait3A_147 = arith.constant 0 : i32
        %dma_wait3A_148 = arith.constant 0 : i32
        %dma_wait3A_149 = tpu.memref_slice %arg4[%dma_wait3A_147, %dma_wait3A_148] : memref<10240x128xf32, #tpu.memory_space<hbm>> -> memref<10240x128xf32, #tpu.memory_space<hbm>>
        tpu.wait_indirect_dma semaphore(%arg17 : memref<!tpu.dma_semaphore, #tpu.memory_space<semaphore_mem>>) src(%dma_wait3A_149 : memref<10240x128xf32, #tpu.memory_space<hbm>>) dst(%dma_wait3A_143 : memref<128x128xf32, #tpu.memory_space<vmem>>)
        %run_scoped3A_150 = arith.constant 0 : i32
        "tpu.region"() ({
          %run_scoped3A_180 = tpu.sem_alloc : memref<!tpu.dma_semaphore, #tpu.memory_space<semaphore_mem>>
          %dma_start3A_181 = arith.constant 0 : i32
          %dma_start3A_182 = arith.constant 0 : i32
          %dma_start3A_183 = tpu.memref_slice %arg12[%run_scoped3A_150, %dma_start3A_181, %dma_start3A_182] : memref<2x128x128xf32, #tpu.memory_space<vmem>> -> memref<1x128x128xf32, #tpu.memory_space<vmem>>
          %dma_start3A_184 = tpu.memref_squeeze %dma_start3A_183 : memref<1x128x128xf32, #tpu.memory_space<vmem>> -> memref<128x128xf32, #tpu.memory_space<vmem>>
          %dma_start3A_185 = arith.constant 0 : i32
          %dma_start3A_186 = tpu.memref_slice %arg11[%add3A_139, %dma_start3A_185] : memref<24x128xi32, #tpu.memory_space<vmem>> -> memref<1x128xi32, #tpu.memory_space<vmem>>
          %dma_start3A_187 = tpu.memref_squeeze %dma_start3A_186 : memref<1x128xi32, #tpu.memory_space<vmem>> -> memref<128xi32, #tpu.memory_space<vmem>>
          %dma_start3A_188 = arith.constant 0 : i32
          %dma_start3A_189 = arith.constant 0 : i32
          %dma_start3A_190 = tpu.memref_slice %arg14[%dma_start3A_188, %dma_start3A_189] : memref<10240x128xf32, #tpu.memory_space<vmem_shared>> -> memref<10240x128xf32, #tpu.memory_space<vmem_shared>>
          tpu.enqueue_indirect_dma source(%dma_start3A_184 : memref<128x128xf32, #tpu.memory_space<vmem>>) target(%dma_start3A_190 : memref<10240x128xf32, #tpu.memory_space<vmem_shared>>) offsets(%dma_start3A_187 : memref<128xi32, #tpu.memory_space<vmem>>) semaphore(%run_scoped3A_180 : memref<!tpu.dma_semaphore, #tpu.memory_space<semaphore_mem>>) {add = true}
          %dma_wait3A_191 = arith.constant 0 : i32
          %dma_wait3A_192 = arith.constant 0 : i32
          %dma_wait3A_193 = tpu.memref_slice %arg12[%run_scoped3A_150, %dma_wait3A_191, %dma_wait3A_192] : memref<2x128x128xf32, #tpu.memory_space<vmem>> -> memref<1x128x128xf32, #tpu.memory_space<vmem>>
          %dma_wait3A_194 = tpu.memref_squeeze %dma_wait3A_193 : memref<1x128x128xf32, #tpu.memory_space<vmem>> -> memref<128x128xf32, #tpu.memory_space<vmem>>
          %dma_wait3A_195 = arith.constant 0 : i32
          %dma_wait3A_196 = tpu.memref_slice %arg11[%add3A_139, %dma_wait3A_195] : memref<24x128xi32, #tpu.memory_space<vmem>> -> memref<1x128xi32, #tpu.memory_space<vmem>>
          %dma_wait3A_197 = tpu.memref_squeeze %dma_wait3A_196 : memref<1x128xi32, #tpu.memory_space<vmem>> -> memref<128xi32, #tpu.memory_space<vmem>>
          %dma_wait3A_198 = arith.constant 0 : i32
          %dma_wait3A_199 = arith.constant 0 : i32
          %dma_wait3A_200 = tpu.memref_slice %arg14[%dma_wait3A_198, %dma_wait3A_199] : memref<10240x128xf32, #tpu.memory_space<vmem_shared>> -> memref<10240x128xf32, #tpu.memory_space<vmem_shared>>
          tpu.wait_indirect_dma semaphore(%run_scoped3A_180 : memref<!tpu.dma_semaphore, #tpu.memory_space<semaphore_mem>>) src(%dma_wait3A_194 : memref<128x128xf32, #tpu.memory_space<vmem>>) dst(%dma_wait3A_200 : memref<10240x128xf32, #tpu.memory_space<vmem_shared>>)
          tpu.yield
        }) : () -> ()
        %add3A_151 = arith.constant 2 : i32
        %add3A_152 = arith.addi %add3A_139, %add3A_151 : i32
        %lt3A = arith.constant 24 : i32
        %lt3A_153 = arith.cmpi slt, %add3A_152, %lt3A : i32
        %convert_element_type3A_154 = arith.extui %lt3A_153 : i1 to i32
        %cond3A_155 = arith.constant 0 : i32
        %cond3A_156 = arith.cmpi ne, %convert_element_type3A_154, %cond3A_155 : i32
        scf.if %cond3A_156 {
          %add3A_180 = arith.constant 2 : i32
          %add3A_181 = arith.addi %add3A_139, %add3A_180 : i32
          %dma_start3A_182 = arith.constant 0 : i32
          %dma_start3A_183 = arith.constant 0 : i32
          %dma_start3A_184 = arith.constant 0 : i32
          %dma_start3A_185 = tpu.memref_slice %arg12[%dma_start3A_182, %dma_start3A_183, %dma_start3A_184] : memref<2x128x128xf32, #tpu.memory_space<vmem>> -> memref<1x128x128xf32, #tpu.memory_space<vmem>>
          %dma_start3A_186 = tpu.memref_squeeze %dma_start3A_185 : memref<1x128x128xf32, #tpu.memory_space<vmem>> -> memref<128x128xf32, #tpu.memory_space<vmem>>
          %dma_start3A_187 = arith.constant 0 : i32
          %dma_start3A_188 = tpu.memref_slice %arg10[%add3A_181, %dma_start3A_187] : memref<24x128xi32, #tpu.memory_space<vmem>> -> memref<1x128xi32, #tpu.memory_space<vmem>>
          %dma_start3A_189 = tpu.memref_squeeze %dma_start3A_188 : memref<1x128xi32, #tpu.memory_space<vmem>> -> memref<128xi32, #tpu.memory_space<vmem>>
          %dma_start3A_190 = arith.constant 0 : i32
          %dma_start3A_191 = arith.constant 0 : i32
          %dma_start3A_192 = tpu.memref_slice %arg4[%dma_start3A_190, %dma_start3A_191] : memref<10240x128xf32, #tpu.memory_space<hbm>> -> memref<10240x128xf32, #tpu.memory_space<hbm>>
          tpu.enqueue_indirect_dma source(%dma_start3A_192 : memref<10240x128xf32, #tpu.memory_space<hbm>>) target(%dma_start3A_186 : memref<128x128xf32, #tpu.memory_space<vmem>>) offsets(%dma_start3A_189 : memref<128xi32, #tpu.memory_space<vmem>>) semaphore(%arg17 : memref<!tpu.dma_semaphore, #tpu.memory_space<semaphore_mem>>)
        } else {
        }
        %mul3A_157 = arith.constant 2 : i32
        %mul3A_158 = arith.muli %scan3A_135, %mul3A_157 : i32
        %add3A_159 = arith.constant 1 : i32
        %add3A_160 = arith.addi %mul3A_158, %add3A_159 : i32
        %dma_wait3A_161 = arith.constant 1 : i32
        %dma_wait3A_162 = arith.constant 0 : i32
        %dma_wait3A_163 = arith.constant 0 : i32
        %dma_wait3A_164 = tpu.memref_slice %arg12[%dma_wait3A_161, %dma_wait3A_162, %dma_wait3A_163] : memref<2x128x128xf32, #tpu.memory_space<vmem>> -> memref<1x128x128xf32, #tpu.memory_space<vmem>>
        %dma_wait3A_165 = tpu.memref_squeeze %dma_wait3A_164 : memref<1x128x128xf32, #tpu.memory_space<vmem>> -> memref<128x128xf32, #tpu.memory_space<vmem>>
        %dma_wait3A_166 = arith.constant 0 : i32
        %dma_wait3A_167 = tpu.memref_slice %arg10[%add3A_160, %dma_wait3A_166] : memref<24x128xi32, #tpu.memory_space<vmem>> -> memref<1x128xi32, #tpu.memory_space<vmem>>
        %dma_wait3A_168 = tpu.memref_squeeze %dma_wait3A_167 : memref<1x128xi32, #tpu.memory_space<vmem>> -> memref<128xi32, #tpu.memory_space<vmem>>
        %dma_wait3A_169 = arith.constant 0 : i32
        %dma_wait3A_170 = arith.constant 0 : i32
        %dma_wait3A_171 = tpu.memref_slice %arg4[%dma_wait3A_169, %dma_wait3A_170] : memref<10240x128xf32, #tpu.memory_space<hbm>> -> memref<10240x128xf32, #tpu.memory_space<hbm>>
        tpu.wait_indirect_dma semaphore(%arg18 : memref<!tpu.dma_semaphore, #tpu.memory_space<semaphore_mem>>) src(%dma_wait3A_171 : memref<10240x128xf32, #tpu.memory_space<hbm>>) dst(%dma_wait3A_165 : memref<128x128xf32, #tpu.memory_space<vmem>>)
        %run_scoped3A_172 = arith.constant 1 : i32
        "tpu.region"() ({
          %run_scoped3A_180 = tpu.sem_alloc : memref<!tpu.dma_semaphore, #tpu.memory_space<semaphore_mem>>
          %dma_start3A_181 = arith.constant 0 : i32
          %dma_start3A_182 = arith.constant 0 : i32
          %dma_start3A_183 = tpu.memref_slice %arg12[%run_scoped3A_172, %dma_start3A_181, %dma_start3A_182] : memref<2x128x128xf32, #tpu.memory_space<vmem>> -> memref<1x128x128xf32, #tpu.memory_space<vmem>>
          %dma_start3A_184 = tpu.memref_squeeze %dma_start3A_183 : memref<1x128x128xf32, #tpu.memory_space<vmem>> -> memref<128x128xf32, #tpu.memory_space<vmem>>
          %dma_start3A_185 = arith.constant 0 : i32
          %dma_start3A_186 = tpu.memref_slice %arg11[%add3A_160, %dma_start3A_185] : memref<24x128xi32, #tpu.memory_space<vmem>> -> memref<1x128xi32, #tpu.memory_space<vmem>>
          %dma_start3A_187 = tpu.memref_squeeze %dma_start3A_186 : memref<1x128xi32, #tpu.memory_space<vmem>> -> memref<128xi32, #tpu.memory_space<vmem>>
          %dma_start3A_188 = arith.constant 0 : i32
          %dma_start3A_189 = arith.constant 0 : i32
          %dma_start3A_190 = tpu.memref_slice %arg14[%dma_start3A_188, %dma_start3A_189] : memref<10240x128xf32, #tpu.memory_space<vmem_shared>> -> memref<10240x128xf32, #tpu.memory_space<vmem_shared>>
          tpu.enqueue_indirect_dma source(%dma_start3A_184 : memref<128x128xf32, #tpu.memory_space<vmem>>) target(%dma_start3A_190 : memref<10240x128xf32, #tpu.memory_space<vmem_shared>>) offsets(%dma_start3A_187 : memref<128xi32, #tpu.memory_space<vmem>>) semaphore(%run_scoped3A_180 : memref<!tpu.dma_semaphore, #tpu.memory_space<semaphore_mem>>) {add = true}
          %dma_wait3A_191 = arith.constant 0 : i32
          %dma_wait3A_192 = arith.constant 0 : i32
          %dma_wait3A_193 = tpu.memref_slice %arg12[%run_scoped3A_172, %dma_wait3A_191, %dma_wait3A_192] : memref<2x128x128xf32, #tpu.memory_space<vmem>> -> memref<1x128x128xf32, #tpu.memory_space<vmem>>
          %dma_wait3A_194 = tpu.memref_squeeze %dma_wait3A_193 : memref<1x128x128xf32, #tpu.memory_space<vmem>> -> memref<128x128xf32, #tpu.memory_space<vmem>>
          %dma_wait3A_195 = arith.constant 0 : i32
          %dma_wait3A_196 = tpu.memref_slice %arg11[%add3A_160, %dma_wait3A_195] : memref<24x128xi32, #tpu.memory_space<vmem>> -> memref<1x128xi32, #tpu.memory_space<vmem>>
          %dma_wait3A_197 = tpu.memref_squeeze %dma_wait3A_196 : memref<1x128xi32, #tpu.memory_space<vmem>> -> memref<128xi32, #tpu.memory_space<vmem>>
          %dma_wait3A_198 = arith.constant 0 : i32
          %dma_wait3A_199 = arith.constant 0 : i32
          %dma_wait3A_200 = tpu.memref_slice %arg14[%dma_wait3A_198, %dma_wait3A_199] : memref<10240x128xf32, #tpu.memory_space<vmem_shared>> -> memref<10240x128xf32, #tpu.memory_space<vmem_shared>>
          tpu.wait_indirect_dma semaphore(%run_scoped3A_180 : memref<!tpu.dma_semaphore, #tpu.memory_space<semaphore_mem>>) src(%dma_wait3A_194 : memref<128x128xf32, #tpu.memory_space<vmem>>) dst(%dma_wait3A_200 : memref<10240x128xf32, #tpu.memory_space<vmem_shared>>)
          tpu.yield
        }) : () -> ()
        %add3A_173 = arith.constant 2 : i32
        %add3A_174 = arith.addi %add3A_160, %add3A_173 : i32
        %lt3A_175 = arith.constant 24 : i32
        %lt3A_176 = arith.cmpi slt, %add3A_174, %lt3A_175 : i32
        %convert_element_type3A_177 = arith.extui %lt3A_176 : i1 to i32
        %cond3A_178 = arith.constant 0 : i32
        %cond3A_179 = arith.cmpi ne, %convert_element_type3A_177, %cond3A_178 : i32
        scf.if %cond3A_179 {
          %add3A_180 = arith.constant 2 : i32
          %add3A_181 = arith.addi %add3A_160, %add3A_180 : i32
          %dma_start3A_182 = arith.constant 1 : i32
          %dma_start3A_183 = arith.constant 0 : i32
          %dma_start3A_184 = arith.constant 0 : i32
          %dma_start3A_185 = tpu.memref_slice %arg12[%dma_start3A_182, %dma_start3A_183, %dma_start3A_184] : memref<2x128x128xf32, #tpu.memory_space<vmem>> -> memref<1x128x128xf32, #tpu.memory_space<vmem>>
          %dma_start3A_186 = tpu.memref_squeeze %dma_start3A_185 : memref<1x128x128xf32, #tpu.memory_space<vmem>> -> memref<128x128xf32, #tpu.memory_space<vmem>>
          %dma_start3A_187 = arith.constant 0 : i32
          %dma_start3A_188 = tpu.memref_slice %arg10[%add3A_181, %dma_start3A_187] : memref<24x128xi32, #tpu.memory_space<vmem>> -> memref<1x128xi32, #tpu.memory_space<vmem>>
          %dma_start3A_189 = tpu.memref_squeeze %dma_start3A_188 : memref<1x128xi32, #tpu.memory_space<vmem>> -> memref<128xi32, #tpu.memory_space<vmem>>
          %dma_start3A_190 = arith.constant 0 : i32
          %dma_start3A_191 = arith.constant 0 : i32
          %dma_start3A_192 = tpu.memref_slice %arg4[%dma_start3A_190, %dma_start3A_191] : memref<10240x128xf32, #tpu.memory_space<hbm>> -> memref<10240x128xf32, #tpu.memory_space<hbm>>
          tpu.enqueue_indirect_dma source(%dma_start3A_192 : memref<10240x128xf32, #tpu.memory_space<hbm>>) target(%dma_start3A_186 : memref<128x128xf32, #tpu.memory_space<vmem>>) offsets(%dma_start3A_189 : memref<128xi32, #tpu.memory_space<vmem>>) semaphore(%arg18 : memref<!tpu.dma_semaphore, #tpu.memory_space<semaphore_mem>>)
        } else {
        }
      }
      %scan3A_116 = arith.constant 12 : i32
      "tpu.trace_stop"() : () -> ()
      "tpu.trace_start"() <{level = 10 : i32, message = "c_part"}> : () -> ()
      %scan3A_117 = arith.constant 0 : i32
      %scan3A_118 = arith.constant 0 : i32
      %scan3A_119 = arith.constant 24 : i32
      %scan3A_120 = arith.addi %scan3A_118, %scan3A_119 : i32
      %scan3A_121 = arith.constant 1 : i32
      scf.for %scan3A_135 = %scan3A_118 to %scan3A_120 step %scan3A_121  : i32 {
        %dma_wait3A = arith.constant 0 : i32
        %dma_wait3A_136 = tpu.memref_slice %arg13[%scan3A_135, %dma_wait3A] : memref<24x128xf32, #tpu.memory_space<vmem>> -> memref<1x128xf32, #tpu.memory_space<vmem>>
        %dma_wait3A_137 = tpu.memref_squeeze %dma_wait3A_136 : memref<1x128xf32, #tpu.memory_space<vmem>> -> memref<128xf32, #tpu.memory_space<vmem>>
        %dma_wait3A_138 = arith.constant 0 : i32
        %dma_wait3A_139 = tpu.memref_slice %arg11[%scan3A_135, %dma_wait3A_138] : memref<24x128xi32, #tpu.memory_space<vmem>> -> memref<1x128xi32, #tpu.memory_space<vmem>>
        %dma_wait3A_140 = tpu.memref_squeeze %dma_wait3A_139 : memref<1x128xi32, #tpu.memory_space<vmem>> -> memref<128xi32, #tpu.memory_space<vmem>>
        %dma_wait3A_141 = arith.constant 0 : i32
        %dma_wait3A_142 = tpu.memref_slice %arg16[%dma_wait3A_141] : memref<10240xf32, #tpu.memory_space<vmem_shared>> -> memref<10240xf32, #tpu.memory_space<vmem_shared>>
        tpu.wait_indirect_dma semaphore(%arg19 : memref<!tpu.dma_semaphore, #tpu.memory_space<semaphore_mem>>) src(%dma_wait3A_142 : memref<10240xf32, #tpu.memory_space<vmem_shared>>) dst(%dma_wait3A_137 : memref<128xf32, #tpu.memory_space<vmem>>)
      }
      %scan3A_122 = arith.constant 24 : i32
      %scan3A_123 = arith.constant 0 : i32
      %scan3A_124 = arith.constant 0 : i32
      %scan3A_125 = arith.constant 24 : i32
      %scan3A_126 = arith.addi %scan3A_124, %scan3A_125 : i32
      %scan3A_127 = arith.constant 1 : i32
      scf.for %scan3A_135 = %scan3A_124 to %scan3A_126 step %scan3A_127  : i32 {
        %dma_start3A_136 = arith.constant 0 : i32
        %dma_start3A_137 = tpu.memref_slice %arg13[%scan3A_135, %dma_start3A_136] : memref<24x128xf32, #tpu.memory_space<vmem>> -> memref<1x128xf32, #tpu.memory_space<vmem>>
        %dma_start3A_138 = tpu.memref_squeeze %dma_start3A_137 : memref<1x128xf32, #tpu.memory_space<vmem>> -> memref<128xf32, #tpu.memory_space<vmem>>
        %dma_start3A_139 = arith.constant 0 : i32
        %dma_start3A_140 = tpu.memref_slice %arg10[%scan3A_135, %dma_start3A_139] : memref<24x128xi32, #tpu.memory_space<vmem>> -> memref<1x128xi32, #tpu.memory_space<vmem>>
        %dma_start3A_141 = tpu.memref_squeeze %dma_start3A_140 : memref<1x128xi32, #tpu.memory_space<vmem>> -> memref<128xi32, #tpu.memory_space<vmem>>
        %dma_start3A_142 = arith.constant 0 : i32
        %dma_start3A_143 = tpu.memref_slice %arg15[%dma_start3A_142] : memref<10240xf32, #tpu.memory_space<vmem_shared>> -> memref<10240xf32, #tpu.memory_space<vmem_shared>>
        tpu.enqueue_indirect_dma source(%dma_start3A_138 : memref<128xf32, #tpu.memory_space<vmem>>) target(%dma_start3A_143 : memref<10240xf32, #tpu.memory_space<vmem_shared>>) offsets(%dma_start3A_141 : memref<128xi32, #tpu.memory_space<vmem>>) semaphore(%arg20 : memref<!tpu.dma_semaphore, #tpu.memory_space<semaphore_mem>>) {add = true}
      }
      %scan3A_128 = arith.constant 24 : i32
      %scan3A_129 = arith.constant 0 : i32
      %scan3A_130 = arith.constant 0 : i32
      %scan3A_131 = arith.constant 24 : i32
      %scan3A_132 = arith.addi %scan3A_130, %scan3A_131 : i32
      %scan3A_133 = arith.constant 1 : i32
      scf.for %scan3A_135 = %scan3A_130 to %scan3A_132 step %scan3A_133  : i32 {
        %dma_wait3A = arith.constant 0 : i32
        %dma_wait3A_136 = tpu.memref_slice %arg13[%scan3A_135, %dma_wait3A] : memref<24x128xf32, #tpu.memory_space<vmem>> -> memref<1x128xf32, #tpu.memory_space<vmem>>
        %dma_wait3A_137 = tpu.memref_squeeze %dma_wait3A_136 : memref<1x128xf32, #tpu.memory_space<vmem>> -> memref<128xf32, #tpu.memory_space<vmem>>
        %dma_wait3A_138 = arith.constant 0 : i32
        %dma_wait3A_139 = tpu.memref_slice %arg10[%scan3A_135, %dma_wait3A_138] : memref<24x128xi32, #tpu.memory_space<vmem>> -> memref<1x128xi32, #tpu.memory_space<vmem>>
        %dma_wait3A_140 = tpu.memref_squeeze %dma_wait3A_139 : memref<1x128xi32, #tpu.memory_space<vmem>> -> memref<128xi32, #tpu.memory_space<vmem>>
        %dma_wait3A_141 = arith.constant 0 : i32
        %dma_wait3A_142 = tpu.memref_slice %arg15[%dma_wait3A_141] : memref<10240xf32, #tpu.memory_space<vmem_shared>> -> memref<10240xf32, #tpu.memory_space<vmem_shared>>
        tpu.wait_indirect_dma semaphore(%arg20 : memref<!tpu.dma_semaphore, #tpu.memory_space<semaphore_mem>>) src(%dma_wait3A_137 : memref<128xf32, #tpu.memory_space<vmem>>) dst(%dma_wait3A_142 : memref<10240xf32, #tpu.memory_space<vmem_shared>>)
      }
      %scan3A_134 = arith.constant 24 : i32
      "tpu.trace_stop"() : () -> ()
    } else {
    }
    %eq3A_54 = arith.constant 0 : i32
    %eq3A_55 = arith.cmpi eq, %arg0, %eq3A_54 : i32
    %convert_element_type3A_56 = arith.extui %eq3A_55 : i1 to i32
    %cond3A_57 = arith.constant 0 : i32
    %cond3A_58 = arith.cmpi ne, %convert_element_type3A_56, %cond3A_57 : i32
    scf.if %cond3A_58 {
      %mul3A_78 = arith.constant 144 : i32
      %mul3A_79 = arith.muli %arg1, %mul3A_78 : i32
      %add3A_80 = arith.constant 72 : i32
      %add3A_81 = arith.addi %mul3A_79, %add3A_80 : i32
      "tpu.region"() ({
        %run_scoped3A_135 = tpu.sem_alloc : memref<!tpu.dma_semaphore, #tpu.memory_space<semaphore_mem>>
        %dma_start3A_136 = arith.constant 0 : i32
        %dma_start3A_137 = tpu.memref_slice %arg2[%add3A_81, %dma_start3A_136] : memref<2560x128xi32, #tpu.memory_space<hbm>> -> memref<24x128xi32, #tpu.memory_space<hbm>>
        %dma_start3A_138 = arith.constant 0 : i32
        %dma_start3A_139 = tpu.memref_slice %arg2[%add3A_81, %dma_start3A_138] : memref<2560x128xi32, #tpu.memory_space<hbm>> -> memref<24x128xi32, #tpu.memory_space<hbm>>
        tpu.enqueue_dma source(%dma_start3A_139 : memref<24x128xi32, #tpu.memory_space<hbm>>) target(%arg10 : memref<24x128xi32, #tpu.memory_space<vmem>>) target_semaphore(%run_scoped3A_135 : memref<!tpu.dma_semaphore, #tpu.memory_space<semaphore_mem>>)
        %dma_wait3A = arith.constant 0 : i32
        %dma_wait3A_140 = tpu.memref_slice %arg2[%add3A_81, %dma_wait3A] : memref<2560x128xi32, #tpu.memory_space<hbm>> -> memref<24x128xi32, #tpu.memory_space<hbm>>
        %dma_wait3A_141 = arith.constant 0 : i32
        %dma_wait3A_142 = tpu.memref_slice %arg2[%add3A_81, %dma_wait3A_141] : memref<2560x128xi32, #tpu.memory_space<hbm>> -> memref<24x128xi32, #tpu.memory_space<hbm>>
        tpu.wait_dma2 semaphore(%run_scoped3A_135 : memref<!tpu.dma_semaphore, #tpu.memory_space<semaphore_mem>>) src(%dma_wait3A_142 : memref<24x128xi32, #tpu.memory_space<hbm>>) dst(%arg10 : memref<24x128xi32, #tpu.memory_space<vmem>>)
        tpu.yield
      }) : () -> ()
      "tpu.region"() ({
        %run_scoped3A_135 = tpu.sem_alloc : memref<!tpu.dma_semaphore, #tpu.memory_space<semaphore_mem>>
        %dma_start3A_136 = arith.constant 0 : i32
        %dma_start3A_137 = tpu.memref_slice %arg3[%add3A_81, %dma_start3A_136] : memref<2560x128xi32, #tpu.memory_space<hbm>> -> memref<24x128xi32, #tpu.memory_space<hbm>>
        %dma_start3A_138 = arith.constant 0 : i32
        %dma_start3A_139 = tpu.memref_slice %arg3[%add3A_81, %dma_start3A_138] : memref<2560x128xi32, #tpu.memory_space<hbm>> -> memref<24x128xi32, #tpu.memory_space<hbm>>
        tpu.enqueue_dma source(%dma_start3A_139 : memref<24x128xi32, #tpu.memory_space<hbm>>) target(%arg11 : memref<24x128xi32, #tpu.memory_space<vmem>>) target_semaphore(%run_scoped3A_135 : memref<!tpu.dma_semaphore, #tpu.memory_space<semaphore_mem>>)
        %dma_wait3A = arith.constant 0 : i32
        %dma_wait3A_140 = tpu.memref_slice %arg3[%add3A_81, %dma_wait3A] : memref<2560x128xi32, #tpu.memory_space<hbm>> -> memref<24x128xi32, #tpu.memory_space<hbm>>
        %dma_wait3A_141 = arith.constant 0 : i32
        %dma_wait3A_142 = tpu.memref_slice %arg3[%add3A_81, %dma_wait3A_141] : memref<2560x128xi32, #tpu.memory_space<hbm>> -> memref<24x128xi32, #tpu.memory_space<hbm>>
        tpu.wait_dma2 semaphore(%run_scoped3A_135 : memref<!tpu.dma_semaphore, #tpu.memory_space<semaphore_mem>>) src(%dma_wait3A_142 : memref<24x128xi32, #tpu.memory_space<hbm>>) dst(%arg11 : memref<24x128xi32, #tpu.memory_space<vmem>>)
        tpu.yield
      }) : () -> ()
      %scan3A_82 = arith.constant 0 : i32
      %scan3A_83 = arith.constant 0 : i32
      %scan3A_84 = arith.constant 24 : i32
      %scan3A_85 = arith.addi %scan3A_83, %scan3A_84 : i32
      %scan3A_86 = arith.constant 1 : i32
      scf.for %scan3A_135 = %scan3A_83 to %scan3A_85 step %scan3A_86  : i32 {
        %dma_start3A_136 = arith.constant 0 : i32
        %dma_start3A_137 = tpu.memref_slice %arg13[%scan3A_135, %dma_start3A_136] : memref<24x128xf32, #tpu.memory_space<vmem>> -> memref<1x128xf32, #tpu.memory_space<vmem>>
        %dma_start3A_138 = tpu.memref_squeeze %dma_start3A_137 : memref<1x128xf32, #tpu.memory_space<vmem>> -> memref<128xf32, #tpu.memory_space<vmem>>
        %dma_start3A_139 = arith.constant 0 : i32
        %dma_start3A_140 = tpu.memref_slice %arg11[%scan3A_135, %dma_start3A_139] : memref<24x128xi32, #tpu.memory_space<vmem>> -> memref<1x128xi32, #tpu.memory_space<vmem>>
        %dma_start3A_141 = tpu.memref_squeeze %dma_start3A_140 : memref<1x128xi32, #tpu.memory_space<vmem>> -> memref<128xi32, #tpu.memory_space<vmem>>
        %dma_start3A_142 = arith.constant 0 : i32
        %dma_start3A_143 = tpu.memref_slice %arg16[%dma_start3A_142] : memref<10240xf32, #tpu.memory_space<vmem_shared>> -> memref<10240xf32, #tpu.memory_space<vmem_shared>>
        tpu.enqueue_indirect_dma source(%dma_start3A_143 : memref<10240xf32, #tpu.memory_space<vmem_shared>>) target(%dma_start3A_138 : memref<128xf32, #tpu.memory_space<vmem>>) offsets(%dma_start3A_141 : memref<128xi32, #tpu.memory_space<vmem>>) semaphore(%arg19 : memref<!tpu.dma_semaphore, #tpu.memory_space<semaphore_mem>>)
      }
      %scan3A_87 = arith.constant 24 : i32
      %dma_start3A = arith.constant 0 : i32
      %dma_start3A_88 = arith.constant 0 : i32
      "tpu.trace_start"() <{level = 10 : i32, message = "row_loop"}> : () -> ()
      %dma_start3A_89 = arith.constant 0 : i32
      %dma_start3A_90 = arith.constant 0 : i32
      %dma_start3A_91 = tpu.memref_slice %arg12[%dma_start3A_88, %dma_start3A_89, %dma_start3A_90] : memref<2x128x128xf32, #tpu.memory_space<vmem>> -> memref<1x128x128xf32, #tpu.memory_space<vmem>>
      %dma_start3A_92 = tpu.memref_squeeze %dma_start3A_91 : memref<1x128x128xf32, #tpu.memory_space<vmem>> -> memref<128x128xf32, #tpu.memory_space<vmem>>
      %dma_start3A_93 = arith.constant 0 : i32
      %dma_start3A_94 = tpu.memref_slice %arg10[%dma_start3A, %dma_start3A_93] : memref<24x128xi32, #tpu.memory_space<vmem>> -> memref<1x128xi32, #tpu.memory_space<vmem>>
      %dma_start3A_95 = tpu.memref_squeeze %dma_start3A_94 : memref<1x128xi32, #tpu.memory_space<vmem>> -> memref<128xi32, #tpu.memory_space<vmem>>
      %dma_start3A_96 = arith.constant 0 : i32
      %dma_start3A_97 = arith.constant 0 : i32
      %dma_start3A_98 = tpu.memref_slice %arg4[%dma_start3A_96, %dma_start3A_97] : memref<10240x128xf32, #tpu.memory_space<hbm>> -> memref<10240x128xf32, #tpu.memory_space<hbm>>
      tpu.enqueue_indirect_dma source(%dma_start3A_98 : memref<10240x128xf32, #tpu.memory_space<hbm>>) target(%dma_start3A_92 : memref<128x128xf32, #tpu.memory_space<vmem>>) offsets(%dma_start3A_95 : memref<128xi32, #tpu.memory_space<vmem>>) semaphore(%arg17 : memref<!tpu.dma_semaphore, #tpu.memory_space<semaphore_mem>>)
      %dma_start3A_99 = arith.constant 1 : i32
      %dma_start3A_100 = arith.constant 1 : i32
      %dma_start3A_101 = arith.constant 0 : i32
      %dma_start3A_102 = arith.constant 0 : i32
      %dma_start3A_103 = tpu.memref_slice %arg12[%dma_start3A_100, %dma_start3A_101, %dma_start3A_102] : memref<2x128x128xf32, #tpu.memory_space<vmem>> -> memref<1x128x128xf32, #tpu.memory_space<vmem>>
      %dma_start3A_104 = tpu.memref_squeeze %dma_start3A_103 : memref<1x128x128xf32, #tpu.memory_space<vmem>> -> memref<128x128xf32, #tpu.memory_space<vmem>>
      %dma_start3A_105 = arith.constant 0 : i32
      %dma_start3A_106 = tpu.memref_slice %arg10[%dma_start3A_99, %dma_start3A_105] : memref<24x128xi32, #tpu.memory_space<vmem>> -> memref<1x128xi32, #tpu.memory_space<vmem>>
      %dma_start3A_107 = tpu.memref_squeeze %dma_start3A_106 : memref<1x128xi32, #tpu.memory_space<vmem>> -> memref<128xi32, #tpu.memory_space<vmem>>
      %dma_start3A_108 = arith.constant 0 : i32
      %dma_start3A_109 = arith.constant 0 : i32
      %dma_start3A_110 = tpu.memref_slice %arg4[%dma_start3A_108, %dma_start3A_109] : memref<10240x128xf32, #tpu.memory_space<hbm>> -> memref<10240x128xf32, #tpu.memory_space<hbm>>
      tpu.enqueue_indirect_dma source(%dma_start3A_110 : memref<10240x128xf32, #tpu.memory_space<hbm>>) target(%dma_start3A_104 : memref<128x128xf32, #tpu.memory_space<vmem>>) offsets(%dma_start3A_107 : memref<128xi32, #tpu.memory_space<vmem>>) semaphore(%arg18 : memref<!tpu.dma_semaphore, #tpu.memory_space<semaphore_mem>>)
      %scan3A_111 = arith.constant 0 : i32
      %scan3A_112 = arith.constant 0 : i32
      %scan3A_113 = arith.constant 12 : i32
      %scan3A_114 = arith.addi %scan3A_112, %scan3A_113 : i32
      %scan3A_115 = arith.constant 1 : i32
      scf.for %scan3A_135 = %scan3A_112 to %scan3A_114 step %scan3A_115  : i32 {
        %mul3A_136 = arith.constant 2 : i32
        %mul3A_137 = arith.muli %scan3A_135, %mul3A_136 : i32
        %add3A_138 = arith.constant 0 : i32
        %add3A_139 = arith.addi %mul3A_137, %add3A_138 : i32
        %dma_wait3A = arith.constant 0 : i32
        %dma_wait3A_140 = arith.constant 0 : i32
        %dma_wait3A_141 = arith.constant 0 : i32
        %dma_wait3A_142 = tpu.memref_slice %arg12[%dma_wait3A, %dma_wait3A_140, %dma_wait3A_141] : memref<2x128x128xf32, #tpu.memory_space<vmem>> -> memref<1x128x128xf32, #tpu.memory_space<vmem>>
        %dma_wait3A_143 = tpu.memref_squeeze %dma_wait3A_142 : memref<1x128x128xf32, #tpu.memory_space<vmem>> -> memref<128x128xf32, #tpu.memory_space<vmem>>
        %dma_wait3A_144 = arith.constant 0 : i32
        %dma_wait3A_145 = tpu.memref_slice %arg10[%add3A_139, %dma_wait3A_144] : memref<24x128xi32, #tpu.memory_space<vmem>> -> memref<1x128xi32, #tpu.memory_space<vmem>>
        %dma_wait3A_146 = tpu.memref_squeeze %dma_wait3A_145 : memref<1x128xi32, #tpu.memory_space<vmem>> -> memref<128xi32, #tpu.memory_space<vmem>>
        %dma_wait3A_147 = arith.constant 0 : i32
        %dma_wait3A_148 = arith.constant 0 : i32
        %dma_wait3A_149 = tpu.memref_slice %arg4[%dma_wait3A_147, %dma_wait3A_148] : memref<10240x128xf32, #tpu.memory_space<hbm>> -> memref<10240x128xf32, #tpu.memory_space<hbm>>
        tpu.wait_indirect_dma semaphore(%arg17 : memref<!tpu.dma_semaphore, #tpu.memory_space<semaphore_mem>>) src(%dma_wait3A_149 : memref<10240x128xf32, #tpu.memory_space<hbm>>) dst(%dma_wait3A_143 : memref<128x128xf32, #tpu.memory_space<vmem>>)
        %run_scoped3A_150 = arith.constant 0 : i32
        "tpu.region"() ({
          %run_scoped3A_180 = tpu.sem_alloc : memref<!tpu.dma_semaphore, #tpu.memory_space<semaphore_mem>>
          %dma_start3A_181 = arith.constant 0 : i32
          %dma_start3A_182 = arith.constant 0 : i32
          %dma_start3A_183 = tpu.memref_slice %arg12[%run_scoped3A_150, %dma_start3A_181, %dma_start3A_182] : memref<2x128x128xf32, #tpu.memory_space<vmem>> -> memref<1x128x128xf32, #tpu.memory_space<vmem>>
          %dma_start3A_184 = tpu.memref_squeeze %dma_start3A_183 : memref<1x128x128xf32, #tpu.memory_space<vmem>> -> memref<128x128xf32, #tpu.memory_space<vmem>>
          %dma_start3A_185 = arith.constant 0 : i32
          %dma_start3A_186 = tpu.memref_slice %arg11[%add3A_139, %dma_start3A_185] : memref<24x128xi32, #tpu.memory_space<vmem>> -> memref<1x128xi32, #tpu.memory_space<vmem>>
          %dma_start3A_187 = tpu.memref_squeeze %dma_start3A_186 : memref<1x128xi32, #tpu.memory_space<vmem>> -> memref<128xi32, #tpu.memory_space<vmem>>
          %dma_start3A_188 = arith.constant 0 : i32
          %dma_start3A_189 = arith.constant 0 : i32
          %dma_start3A_190 = tpu.memref_slice %arg14[%dma_start3A_188, %dma_start3A_189] : memref<10240x128xf32, #tpu.memory_space<vmem_shared>> -> memref<10240x128xf32, #tpu.memory_space<vmem_shared>>
          tpu.enqueue_indirect_dma source(%dma_start3A_184 : memref<128x128xf32, #tpu.memory_space<vmem>>) target(%dma_start3A_190 : memref<10240x128xf32, #tpu.memory_space<vmem_shared>>) offsets(%dma_start3A_187 : memref<128xi32, #tpu.memory_space<vmem>>) semaphore(%run_scoped3A_180 : memref<!tpu.dma_semaphore, #tpu.memory_space<semaphore_mem>>) {add = true}
          %dma_wait3A_191 = arith.constant 0 : i32
          %dma_wait3A_192 = arith.constant 0 : i32
          %dma_wait3A_193 = tpu.memref_slice %arg12[%run_scoped3A_150, %dma_wait3A_191, %dma_wait3A_192] : memref<2x128x128xf32, #tpu.memory_space<vmem>> -> memref<1x128x128xf32, #tpu.memory_space<vmem>>
          %dma_wait3A_194 = tpu.memref_squeeze %dma_wait3A_193 : memref<1x128x128xf32, #tpu.memory_space<vmem>> -> memref<128x128xf32, #tpu.memory_space<vmem>>
          %dma_wait3A_195 = arith.constant 0 : i32
          %dma_wait3A_196 = tpu.memref_slice %arg11[%add3A_139, %dma_wait3A_195] : memref<24x128xi32, #tpu.memory_space<vmem>> -> memref<1x128xi32, #tpu.memory_space<vmem>>
          %dma_wait3A_197 = tpu.memref_squeeze %dma_wait3A_196 : memref<1x128xi32, #tpu.memory_space<vmem>> -> memref<128xi32, #tpu.memory_space<vmem>>
          %dma_wait3A_198 = arith.constant 0 : i32
          %dma_wait3A_199 = arith.constant 0 : i32
          %dma_wait3A_200 = tpu.memref_slice %arg14[%dma_wait3A_198, %dma_wait3A_199] : memref<10240x128xf32, #tpu.memory_space<vmem_shared>> -> memref<10240x128xf32, #tpu.memory_space<vmem_shared>>
          tpu.wait_indirect_dma semaphore(%run_scoped3A_180 : memref<!tpu.dma_semaphore, #tpu.memory_space<semaphore_mem>>) src(%dma_wait3A_194 : memref<128x128xf32, #tpu.memory_space<vmem>>) dst(%dma_wait3A_200 : memref<10240x128xf32, #tpu.memory_space<vmem_shared>>)
          tpu.yield
        }) : () -> ()
        %add3A_151 = arith.constant 2 : i32
        %add3A_152 = arith.addi %add3A_139, %add3A_151 : i32
        %lt3A = arith.constant 24 : i32
        %lt3A_153 = arith.cmpi slt, %add3A_152, %lt3A : i32
        %convert_element_type3A_154 = arith.extui %lt3A_153 : i1 to i32
        %cond3A_155 = arith.constant 0 : i32
        %cond3A_156 = arith.cmpi ne, %convert_element_type3A_154, %cond3A_155 : i32
        scf.if %cond3A_156 {
          %add3A_180 = arith.constant 2 : i32
          %add3A_181 = arith.addi %add3A_139, %add3A_180 : i32
          %dma_start3A_182 = arith.constant 0 : i32
          %dma_start3A_183 = arith.constant 0 : i32
          %dma_start3A_184 = arith.constant 0 : i32
          %dma_start3A_185 = tpu.memref_slice %arg12[%dma_start3A_182, %dma_start3A_183, %dma_start3A_184] : memref<2x128x128xf32, #tpu.memory_space<vmem>> -> memref<1x128x128xf32, #tpu.memory_space<vmem>>
          %dma_start3A_186 = tpu.memref_squeeze %dma_start3A_185 : memref<1x128x128xf32, #tpu.memory_space<vmem>> -> memref<128x128xf32, #tpu.memory_space<vmem>>
          %dma_start3A_187 = arith.constant 0 : i32
          %dma_start3A_188 = tpu.memref_slice %arg10[%add3A_181, %dma_start3A_187] : memref<24x128xi32, #tpu.memory_space<vmem>> -> memref<1x128xi32, #tpu.memory_space<vmem>>
          %dma_start3A_189 = tpu.memref_squeeze %dma_start3A_188 : memref<1x128xi32, #tpu.memory_space<vmem>> -> memref<128xi32, #tpu.memory_space<vmem>>
          %dma_start3A_190 = arith.constant 0 : i32
          %dma_start3A_191 = arith.constant 0 : i32
          %dma_start3A_192 = tpu.memref_slice %arg4[%dma_start3A_190, %dma_start3A_191] : memref<10240x128xf32, #tpu.memory_space<hbm>> -> memref<10240x128xf32, #tpu.memory_space<hbm>>
          tpu.enqueue_indirect_dma source(%dma_start3A_192 : memref<10240x128xf32, #tpu.memory_space<hbm>>) target(%dma_start3A_186 : memref<128x128xf32, #tpu.memory_space<vmem>>) offsets(%dma_start3A_189 : memref<128xi32, #tpu.memory_space<vmem>>) semaphore(%arg17 : memref<!tpu.dma_semaphore, #tpu.memory_space<semaphore_mem>>)
        } else {
        }
        %mul3A_157 = arith.constant 2 : i32
        %mul3A_158 = arith.muli %scan3A_135, %mul3A_157 : i32
        %add3A_159 = arith.constant 1 : i32
        %add3A_160 = arith.addi %mul3A_158, %add3A_159 : i32
        %dma_wait3A_161 = arith.constant 1 : i32
        %dma_wait3A_162 = arith.constant 0 : i32
        %dma_wait3A_163 = arith.constant 0 : i32
        %dma_wait3A_164 = tpu.memref_slice %arg12[%dma_wait3A_161, %dma_wait3A_162, %dma_wait3A_163] : memref<2x128x128xf32, #tpu.memory_space<vmem>> -> memref<1x128x128xf32, #tpu.memory_space<vmem>>
        %dma_wait3A_165 = tpu.memref_squeeze %dma_wait3A_164 : memref<1x128x128xf32, #tpu.memory_space<vmem>> -> memref<128x128xf32, #tpu.memory_space<vmem>>
        %dma_wait3A_166 = arith.constant 0 : i32
        %dma_wait3A_167 = tpu.memref_slice %arg10[%add3A_160, %dma_wait3A_166] : memref<24x128xi32, #tpu.memory_space<vmem>> -> memref<1x128xi32, #tpu.memory_space<vmem>>
        %dma_wait3A_168 = tpu.memref_squeeze %dma_wait3A_167 : memref<1x128xi32, #tpu.memory_space<vmem>> -> memref<128xi32, #tpu.memory_space<vmem>>
        %dma_wait3A_169 = arith.constant 0 : i32
        %dma_wait3A_170 = arith.constant 0 : i32
        %dma_wait3A_171 = tpu.memref_slice %arg4[%dma_wait3A_169, %dma_wait3A_170] : memref<10240x128xf32, #tpu.memory_space<hbm>> -> memref<10240x128xf32, #tpu.memory_space<hbm>>
        tpu.wait_indirect_dma semaphore(%arg18 : memref<!tpu.dma_semaphore, #tpu.memory_space<semaphore_mem>>) src(%dma_wait3A_171 : memref<10240x128xf32, #tpu.memory_space<hbm>>) dst(%dma_wait3A_165 : memref<128x128xf32, #tpu.memory_space<vmem>>)
        %run_scoped3A_172 = arith.constant 1 : i32
        "tpu.region"() ({
          %run_scoped3A_180 = tpu.sem_alloc : memref<!tpu.dma_semaphore, #tpu.memory_space<semaphore_mem>>
          %dma_start3A_181 = arith.constant 0 : i32
          %dma_start3A_182 = arith.constant 0 : i32
          %dma_start3A_183 = tpu.memref_slice %arg12[%run_scoped3A_172, %dma_start3A_181, %dma_start3A_182] : memref<2x128x128xf32, #tpu.memory_space<vmem>> -> memref<1x128x128xf32, #tpu.memory_space<vmem>>
          %dma_start3A_184 = tpu.memref_squeeze %dma_start3A_183 : memref<1x128x128xf32, #tpu.memory_space<vmem>> -> memref<128x128xf32, #tpu.memory_space<vmem>>
          %dma_start3A_185 = arith.constant 0 : i32
          %dma_start3A_186 = tpu.memref_slice %arg11[%add3A_160, %dma_start3A_185] : memref<24x128xi32, #tpu.memory_space<vmem>> -> memref<1x128xi32, #tpu.memory_space<vmem>>
          %dma_start3A_187 = tpu.memref_squeeze %dma_start3A_186 : memref<1x128xi32, #tpu.memory_space<vmem>> -> memref<128xi32, #tpu.memory_space<vmem>>
          %dma_start3A_188 = arith.constant 0 : i32
          %dma_start3A_189 = arith.constant 0 : i32
          %dma_start3A_190 = tpu.memref_slice %arg14[%dma_start3A_188, %dma_start3A_189] : memref<10240x128xf32, #tpu.memory_space<vmem_shared>> -> memref<10240x128xf32, #tpu.memory_space<vmem_shared>>
          tpu.enqueue_indirect_dma source(%dma_start3A_184 : memref<128x128xf32, #tpu.memory_space<vmem>>) target(%dma_start3A_190 : memref<10240x128xf32, #tpu.memory_space<vmem_shared>>) offsets(%dma_start3A_187 : memref<128xi32, #tpu.memory_space<vmem>>) semaphore(%run_scoped3A_180 : memref<!tpu.dma_semaphore, #tpu.memory_space<semaphore_mem>>) {add = true}
          %dma_wait3A_191 = arith.constant 0 : i32
          %dma_wait3A_192 = arith.constant 0 : i32
          %dma_wait3A_193 = tpu.memref_slice %arg12[%run_scoped3A_172, %dma_wait3A_191, %dma_wait3A_192] : memref<2x128x128xf32, #tpu.memory_space<vmem>> -> memref<1x128x128xf32, #tpu.memory_space<vmem>>
          %dma_wait3A_194 = tpu.memref_squeeze %dma_wait3A_193 : memref<1x128x128xf32, #tpu.memory_space<vmem>> -> memref<128x128xf32, #tpu.memory_space<vmem>>
          %dma_wait3A_195 = arith.constant 0 : i32
          %dma_wait3A_196 = tpu.memref_slice %arg11[%add3A_160, %dma_wait3A_195] : memref<24x128xi32, #tpu.memory_space<vmem>> -> memref<1x128xi32, #tpu.memory_space<vmem>>
          %dma_wait3A_197 = tpu.memref_squeeze %dma_wait3A_196 : memref<1x128xi32, #tpu.memory_space<vmem>> -> memref<128xi32, #tpu.memory_space<vmem>>
          %dma_wait3A_198 = arith.constant 0 : i32
          %dma_wait3A_199 = arith.constant 0 : i32
          %dma_wait3A_200 = tpu.memref_slice %arg14[%dma_wait3A_198, %dma_wait3A_199] : memref<10240x128xf32, #tpu.memory_space<vmem_shared>> -> memref<10240x128xf32, #tpu.memory_space<vmem_shared>>
          tpu.wait_indirect_dma semaphore(%run_scoped3A_180 : memref<!tpu.dma_semaphore, #tpu.memory_space<semaphore_mem>>) src(%dma_wait3A_194 : memref<128x128xf32, #tpu.memory_space<vmem>>) dst(%dma_wait3A_200 : memref<10240x128xf32, #tpu.memory_space<vmem_shared>>)
          tpu.yield
        }) : () -> ()
        %add3A_173 = arith.constant 2 : i32
        %add3A_174 = arith.addi %add3A_160, %add3A_173 : i32
        %lt3A_175 = arith.constant 24 : i32
        %lt3A_176 = arith.cmpi slt, %add3A_174, %lt3A_175 : i32
        %convert_element_type3A_177 = arith.extui %lt3A_176 : i1 to i32
        %cond3A_178 = arith.constant 0 : i32
        %cond3A_179 = arith.cmpi ne, %convert_element_type3A_177, %cond3A_178 : i32
        scf.if %cond3A_179 {
          %add3A_180 = arith.constant 2 : i32
          %add3A_181 = arith.addi %add3A_160, %add3A_180 : i32
          %dma_start3A_182 = arith.constant 1 : i32
          %dma_start3A_183 = arith.constant 0 : i32
          %dma_start3A_184 = arith.constant 0 : i32
          %dma_start3A_185 = tpu.memref_slice %arg12[%dma_start3A_182, %dma_start3A_183, %dma_start3A_184] : memref<2x128x128xf32, #tpu.memory_space<vmem>> -> memref<1x128x128xf32, #tpu.memory_space<vmem>>
          %dma_start3A_186 = tpu.memref_squeeze %dma_start3A_185 : memref<1x128x128xf32, #tpu.memory_space<vmem>> -> memref<128x128xf32, #tpu.memory_space<vmem>>
          %dma_start3A_187 = arith.constant 0 : i32
          %dma_start3A_188 = tpu.memref_slice %arg10[%add3A_181, %dma_start3A_187] : memref<24x128xi32, #tpu.memory_space<vmem>> -> memref<1x128xi32, #tpu.memory_space<vmem>>
          %dma_start3A_189 = tpu.memref_squeeze %dma_start3A_188 : memref<1x128xi32, #tpu.memory_space<vmem>> -> memref<128xi32, #tpu.memory_space<vmem>>
          %dma_start3A_190 = arith.constant 0 : i32
          %dma_start3A_191 = arith.constant 0 : i32
          %dma_start3A_192 = tpu.memref_slice %arg4[%dma_start3A_190, %dma_start3A_191] : memref<10240x128xf32, #tpu.memory_space<hbm>> -> memref<10240x128xf32, #tpu.memory_space<hbm>>
          tpu.enqueue_indirect_dma source(%dma_start3A_192 : memref<10240x128xf32, #tpu.memory_space<hbm>>) target(%dma_start3A_186 : memref<128x128xf32, #tpu.memory_space<vmem>>) offsets(%dma_start3A_189 : memref<128xi32, #tpu.memory_space<vmem>>) semaphore(%arg18 : memref<!tpu.dma_semaphore, #tpu.memory_space<semaphore_mem>>)
        } else {
        }
      }
      %scan3A_116 = arith.constant 12 : i32
      "tpu.trace_stop"() : () -> ()
      "tpu.trace_start"() <{level = 10 : i32, message = "c_part"}> : () -> ()
      %scan3A_117 = arith.constant 0 : i32
      %scan3A_118 = arith.constant 0 : i32
      %scan3A_119 = arith.constant 24 : i32
      %scan3A_120 = arith.addi %scan3A_118, %scan3A_119 : i32
      %scan3A_121 = arith.constant 1 : i32
      scf.for %scan3A_135 = %scan3A_118 to %scan3A_120 step %scan3A_121  : i32 {
        %dma_wait3A = arith.constant 0 : i32
        %dma_wait3A_136 = tpu.memref_slice %arg13[%scan3A_135, %dma_wait3A] : memref<24x128xf32, #tpu.memory_space<vmem>> -> memref<1x128xf32, #tpu.memory_space<vmem>>
        %dma_wait3A_137 = tpu.memref_squeeze %dma_wait3A_136 : memref<1x128xf32, #tpu.memory_space<vmem>> -> memref<128xf32, #tpu.memory_space<vmem>>
        %dma_wait3A_138 = arith.constant 0 : i32
        %dma_wait3A_139 = tpu.memref_slice %arg11[%scan3A_135, %dma_wait3A_138] : memref<24x128xi32, #tpu.memory_space<vmem>> -> memref<1x128xi32, #tpu.memory_space<vmem>>
        %dma_wait3A_140 = tpu.memref_squeeze %dma_wait3A_139 : memref<1x128xi32, #tpu.memory_space<vmem>> -> memref<128xi32, #tpu.memory_space<vmem>>
        %dma_wait3A_141 = arith.constant 0 : i32
        %dma_wait3A_142 = tpu.memref_slice %arg16[%dma_wait3A_141] : memref<10240xf32, #tpu.memory_space<vmem_shared>> -> memref<10240xf32, #tpu.memory_space<vmem_shared>>
        tpu.wait_indirect_dma semaphore(%arg19 : memref<!tpu.dma_semaphore, #tpu.memory_space<semaphore_mem>>) src(%dma_wait3A_142 : memref<10240xf32, #tpu.memory_space<vmem_shared>>) dst(%dma_wait3A_137 : memref<128xf32, #tpu.memory_space<vmem>>)
      }
      %scan3A_122 = arith.constant 24 : i32
      %scan3A_123 = arith.constant 0 : i32
      %scan3A_124 = arith.constant 0 : i32
      %scan3A_125 = arith.constant 24 : i32
      %scan3A_126 = arith.addi %scan3A_124, %scan3A_125 : i32
      %scan3A_127 = arith.constant 1 : i32
      scf.for %scan3A_135 = %scan3A_124 to %scan3A_126 step %scan3A_127  : i32 {
        %dma_start3A_136 = arith.constant 0 : i32
        %dma_start3A_137 = tpu.memref_slice %arg13[%scan3A_135, %dma_start3A_136] : memref<24x128xf32, #tpu.memory_space<vmem>> -> memref<1x128xf32, #tpu.memory_space<vmem>>
        %dma_start3A_138 = tpu.memref_squeeze %dma_start3A_137 : memref<1x128xf32, #tpu.memory_space<vmem>> -> memref<128xf32, #tpu.memory_space<vmem>>
        %dma_start3A_139 = arith.constant 0 : i32
        %dma_start3A_140 = tpu.memref_slice %arg10[%scan3A_135, %dma_start3A_139] : memref<24x128xi32, #tpu.memory_space<vmem>> -> memref<1x128xi32, #tpu.memory_space<vmem>>
        %dma_start3A_141 = tpu.memref_squeeze %dma_start3A_140 : memref<1x128xi32, #tpu.memory_space<vmem>> -> memref<128xi32, #tpu.memory_space<vmem>>
        %dma_start3A_142 = arith.constant 0 : i32
        %dma_start3A_143 = tpu.memref_slice %arg15[%dma_start3A_142] : memref<10240xf32, #tpu.memory_space<vmem_shared>> -> memref<10240xf32, #tpu.memory_space<vmem_shared>>
        tpu.enqueue_indirect_dma source(%dma_start3A_138 : memref<128xf32, #tpu.memory_space<vmem>>) target(%dma_start3A_143 : memref<10240xf32, #tpu.memory_space<vmem_shared>>) offsets(%dma_start3A_141 : memref<128xi32, #tpu.memory_space<vmem>>) semaphore(%arg20 : memref<!tpu.dma_semaphore, #tpu.memory_space<semaphore_mem>>) {add = true}
      }
      %scan3A_128 = arith.constant 24 : i32
      %scan3A_129 = arith.constant 0 : i32
      %scan3A_130 = arith.constant 0 : i32
      %scan3A_131 = arith.constant 24 : i32
      %scan3A_132 = arith.addi %scan3A_130, %scan3A_131 : i32
      %scan3A_133 = arith.constant 1 : i32
      scf.for %scan3A_135 = %scan3A_130 to %scan3A_132 step %scan3A_133  : i32 {
        %dma_wait3A = arith.constant 0 : i32
        %dma_wait3A_136 = tpu.memref_slice %arg13[%scan3A_135, %dma_wait3A] : memref<24x128xf32, #tpu.memory_space<vmem>> -> memref<1x128xf32, #tpu.memory_space<vmem>>
        %dma_wait3A_137 = tpu.memref_squeeze %dma_wait3A_136 : memref<1x128xf32, #tpu.memory_space<vmem>> -> memref<128xf32, #tpu.memory_space<vmem>>
        %dma_wait3A_138 = arith.constant 0 : i32
        %dma_wait3A_139 = tpu.memref_slice %arg10[%scan3A_135, %dma_wait3A_138] : memref<24x128xi32, #tpu.memory_space<vmem>> -> memref<1x128xi32, #tpu.memory_space<vmem>>
        %dma_wait3A_140 = tpu.memref_squeeze %dma_wait3A_139 : memref<1x128xi32, #tpu.memory_space<vmem>> -> memref<128xi32, #tpu.memory_space<vmem>>
        %dma_wait3A_141 = arith.constant 0 : i32
        %dma_wait3A_142 = tpu.memref_slice %arg15[%dma_wait3A_141] : memref<10240xf32, #tpu.memory_space<vmem_shared>> -> memref<10240xf32, #tpu.memory_space<vmem_shared>>
        tpu.wait_indirect_dma semaphore(%arg20 : memref<!tpu.dma_semaphore, #tpu.memory_space<semaphore_mem>>) src(%dma_wait3A_137 : memref<128xf32, #tpu.memory_space<vmem>>) dst(%dma_wait3A_142 : memref<10240xf32, #tpu.memory_space<vmem_shared>>)
      }
      %scan3A_134 = arith.constant 24 : i32
      "tpu.trace_stop"() : () -> ()
    } else {
    }
    %eq3A_59 = arith.constant 0 : i32
    %eq3A_60 = arith.cmpi eq, %arg0, %eq3A_59 : i32
    %convert_element_type3A_61 = arith.extui %eq3A_60 : i1 to i32
    %cond3A_62 = arith.constant 0 : i32
    %cond3A_63 = arith.cmpi ne, %convert_element_type3A_61, %cond3A_62 : i32
    scf.if %cond3A_63 {
      %mul3A_78 = arith.constant 144 : i32
      %mul3A_79 = arith.muli %arg1, %mul3A_78 : i32
      %add3A_80 = arith.constant 96 : i32
      %add3A_81 = arith.addi %mul3A_79, %add3A_80 : i32
      "tpu.region"() ({
        %run_scoped3A_135 = tpu.sem_alloc : memref<!tpu.dma_semaphore, #tpu.memory_space<semaphore_mem>>
        %dma_start3A_136 = arith.constant 0 : i32
        %dma_start3A_137 = tpu.memref_slice %arg2[%add3A_81, %dma_start3A_136] : memref<2560x128xi32, #tpu.memory_space<hbm>> -> memref<24x128xi32, #tpu.memory_space<hbm>>
        %dma_start3A_138 = arith.constant 0 : i32
        %dma_start3A_139 = tpu.memref_slice %arg2[%add3A_81, %dma_start3A_138] : memref<2560x128xi32, #tpu.memory_space<hbm>> -> memref<24x128xi32, #tpu.memory_space<hbm>>
        tpu.enqueue_dma source(%dma_start3A_139 : memref<24x128xi32, #tpu.memory_space<hbm>>) target(%arg10 : memref<24x128xi32, #tpu.memory_space<vmem>>) target_semaphore(%run_scoped3A_135 : memref<!tpu.dma_semaphore, #tpu.memory_space<semaphore_mem>>)
        %dma_wait3A = arith.constant 0 : i32
        %dma_wait3A_140 = tpu.memref_slice %arg2[%add3A_81, %dma_wait3A] : memref<2560x128xi32, #tpu.memory_space<hbm>> -> memref<24x128xi32, #tpu.memory_space<hbm>>
        %dma_wait3A_141 = arith.constant 0 : i32
        %dma_wait3A_142 = tpu.memref_slice %arg2[%add3A_81, %dma_wait3A_141] : memref<2560x128xi32, #tpu.memory_space<hbm>> -> memref<24x128xi32, #tpu.memory_space<hbm>>
        tpu.wait_dma2 semaphore(%run_scoped3A_135 : memref<!tpu.dma_semaphore, #tpu.memory_space<semaphore_mem>>) src(%dma_wait3A_142 : memref<24x128xi32, #tpu.memory_space<hbm>>) dst(%arg10 : memref<24x128xi32, #tpu.memory_space<vmem>>)
        tpu.yield
      }) : () -> ()
      "tpu.region"() ({
        %run_scoped3A_135 = tpu.sem_alloc : memref<!tpu.dma_semaphore, #tpu.memory_space<semaphore_mem>>
        %dma_start3A_136 = arith.constant 0 : i32
        %dma_start3A_137 = tpu.memref_slice %arg3[%add3A_81, %dma_start3A_136] : memref<2560x128xi32, #tpu.memory_space<hbm>> -> memref<24x128xi32, #tpu.memory_space<hbm>>
        %dma_start3A_138 = arith.constant 0 : i32
        %dma_start3A_139 = tpu.memref_slice %arg3[%add3A_81, %dma_start3A_138] : memref<2560x128xi32, #tpu.memory_space<hbm>> -> memref<24x128xi32, #tpu.memory_space<hbm>>
        tpu.enqueue_dma source(%dma_start3A_139 : memref<24x128xi32, #tpu.memory_space<hbm>>) target(%arg11 : memref<24x128xi32, #tpu.memory_space<vmem>>) target_semaphore(%run_scoped3A_135 : memref<!tpu.dma_semaphore, #tpu.memory_space<semaphore_mem>>)
        %dma_wait3A = arith.constant 0 : i32
        %dma_wait3A_140 = tpu.memref_slice %arg3[%add3A_81, %dma_wait3A] : memref<2560x128xi32, #tpu.memory_space<hbm>> -> memref<24x128xi32, #tpu.memory_space<hbm>>
        %dma_wait3A_141 = arith.constant 0 : i32
        %dma_wait3A_142 = tpu.memref_slice %arg3[%add3A_81, %dma_wait3A_141] : memref<2560x128xi32, #tpu.memory_space<hbm>> -> memref<24x128xi32, #tpu.memory_space<hbm>>
        tpu.wait_dma2 semaphore(%run_scoped3A_135 : memref<!tpu.dma_semaphore, #tpu.memory_space<semaphore_mem>>) src(%dma_wait3A_142 : memref<24x128xi32, #tpu.memory_space<hbm>>) dst(%arg11 : memref<24x128xi32, #tpu.memory_space<vmem>>)
        tpu.yield
      }) : () -> ()
      %scan3A_82 = arith.constant 0 : i32
      %scan3A_83 = arith.constant 0 : i32
      %scan3A_84 = arith.constant 24 : i32
      %scan3A_85 = arith.addi %scan3A_83, %scan3A_84 : i32
      %scan3A_86 = arith.constant 1 : i32
      scf.for %scan3A_135 = %scan3A_83 to %scan3A_85 step %scan3A_86  : i32 {
        %dma_start3A_136 = arith.constant 0 : i32
        %dma_start3A_137 = tpu.memref_slice %arg13[%scan3A_135, %dma_start3A_136] : memref<24x128xf32, #tpu.memory_space<vmem>> -> memref<1x128xf32, #tpu.memory_space<vmem>>
        %dma_start3A_138 = tpu.memref_squeeze %dma_start3A_137 : memref<1x128xf32, #tpu.memory_space<vmem>> -> memref<128xf32, #tpu.memory_space<vmem>>
        %dma_start3A_139 = arith.constant 0 : i32
        %dma_start3A_140 = tpu.memref_slice %arg11[%scan3A_135, %dma_start3A_139] : memref<24x128xi32, #tpu.memory_space<vmem>> -> memref<1x128xi32, #tpu.memory_space<vmem>>
        %dma_start3A_141 = tpu.memref_squeeze %dma_start3A_140 : memref<1x128xi32, #tpu.memory_space<vmem>> -> memref<128xi32, #tpu.memory_space<vmem>>
        %dma_start3A_142 = arith.constant 0 : i32
        %dma_start3A_143 = tpu.memref_slice %arg16[%dma_start3A_142] : memref<10240xf32, #tpu.memory_space<vmem_shared>> -> memref<10240xf32, #tpu.memory_space<vmem_shared>>
        tpu.enqueue_indirect_dma source(%dma_start3A_143 : memref<10240xf32, #tpu.memory_space<vmem_shared>>) target(%dma_start3A_138 : memref<128xf32, #tpu.memory_space<vmem>>) offsets(%dma_start3A_141 : memref<128xi32, #tpu.memory_space<vmem>>) semaphore(%arg19 : memref<!tpu.dma_semaphore, #tpu.memory_space<semaphore_mem>>)
      }
      %scan3A_87 = arith.constant 24 : i32
      %dma_start3A = arith.constant 0 : i32
      %dma_start3A_88 = arith.constant 0 : i32
      "tpu.trace_start"() <{level = 10 : i32, message = "row_loop"}> : () -> ()
      %dma_start3A_89 = arith.constant 0 : i32
      %dma_start3A_90 = arith.constant 0 : i32
      %dma_start3A_91 = tpu.memref_slice %arg12[%dma_start3A_88, %dma_start3A_89, %dma_start3A_90] : memref<2x128x128xf32, #tpu.memory_space<vmem>> -> memref<1x128x128xf32, #tpu.memory_space<vmem>>
      %dma_start3A_92 = tpu.memref_squeeze %dma_start3A_91 : memref<1x128x128xf32, #tpu.memory_space<vmem>> -> memref<128x128xf32, #tpu.memory_space<vmem>>
      %dma_start3A_93 = arith.constant 0 : i32
      %dma_start3A_94 = tpu.memref_slice %arg10[%dma_start3A, %dma_start3A_93] : memref<24x128xi32, #tpu.memory_space<vmem>> -> memref<1x128xi32, #tpu.memory_space<vmem>>
      %dma_start3A_95 = tpu.memref_squeeze %dma_start3A_94 : memref<1x128xi32, #tpu.memory_space<vmem>> -> memref<128xi32, #tpu.memory_space<vmem>>
      %dma_start3A_96 = arith.constant 0 : i32
      %dma_start3A_97 = arith.constant 0 : i32
      %dma_start3A_98 = tpu.memref_slice %arg4[%dma_start3A_96, %dma_start3A_97] : memref<10240x128xf32, #tpu.memory_space<hbm>> -> memref<10240x128xf32, #tpu.memory_space<hbm>>
      tpu.enqueue_indirect_dma source(%dma_start3A_98 : memref<10240x128xf32, #tpu.memory_space<hbm>>) target(%dma_start3A_92 : memref<128x128xf32, #tpu.memory_space<vmem>>) offsets(%dma_start3A_95 : memref<128xi32, #tpu.memory_space<vmem>>) semaphore(%arg17 : memref<!tpu.dma_semaphore, #tpu.memory_space<semaphore_mem>>)
      %dma_start3A_99 = arith.constant 1 : i32
      %dma_start3A_100 = arith.constant 1 : i32
      %dma_start3A_101 = arith.constant 0 : i32
      %dma_start3A_102 = arith.constant 0 : i32
      %dma_start3A_103 = tpu.memref_slice %arg12[%dma_start3A_100, %dma_start3A_101, %dma_start3A_102] : memref<2x128x128xf32, #tpu.memory_space<vmem>> -> memref<1x128x128xf32, #tpu.memory_space<vmem>>
      %dma_start3A_104 = tpu.memref_squeeze %dma_start3A_103 : memref<1x128x128xf32, #tpu.memory_space<vmem>> -> memref<128x128xf32, #tpu.memory_space<vmem>>
      %dma_start3A_105 = arith.constant 0 : i32
      %dma_start3A_106 = tpu.memref_slice %arg10[%dma_start3A_99, %dma_start3A_105] : memref<24x128xi32, #tpu.memory_space<vmem>> -> memref<1x128xi32, #tpu.memory_space<vmem>>
      %dma_start3A_107 = tpu.memref_squeeze %dma_start3A_106 : memref<1x128xi32, #tpu.memory_space<vmem>> -> memref<128xi32, #tpu.memory_space<vmem>>
      %dma_start3A_108 = arith.constant 0 : i32
      %dma_start3A_109 = arith.constant 0 : i32
      %dma_start3A_110 = tpu.memref_slice %arg4[%dma_start3A_108, %dma_start3A_109] : memref<10240x128xf32, #tpu.memory_space<hbm>> -> memref<10240x128xf32, #tpu.memory_space<hbm>>
      tpu.enqueue_indirect_dma source(%dma_start3A_110 : memref<10240x128xf32, #tpu.memory_space<hbm>>) target(%dma_start3A_104 : memref<128x128xf32, #tpu.memory_space<vmem>>) offsets(%dma_start3A_107 : memref<128xi32, #tpu.memory_space<vmem>>) semaphore(%arg18 : memref<!tpu.dma_semaphore, #tpu.memory_space<semaphore_mem>>)
      %scan3A_111 = arith.constant 0 : i32
      %scan3A_112 = arith.constant 0 : i32
      %scan3A_113 = arith.constant 12 : i32
      %scan3A_114 = arith.addi %scan3A_112, %scan3A_113 : i32
      %scan3A_115 = arith.constant 1 : i32
      scf.for %scan3A_135 = %scan3A_112 to %scan3A_114 step %scan3A_115  : i32 {
        %mul3A_136 = arith.constant 2 : i32
        %mul3A_137 = arith.muli %scan3A_135, %mul3A_136 : i32
        %add3A_138 = arith.constant 0 : i32
        %add3A_139 = arith.addi %mul3A_137, %add3A_138 : i32
        %dma_wait3A = arith.constant 0 : i32
        %dma_wait3A_140 = arith.constant 0 : i32
        %dma_wait3A_141 = arith.constant 0 : i32
        %dma_wait3A_142 = tpu.memref_slice %arg12[%dma_wait3A, %dma_wait3A_140, %dma_wait3A_141] : memref<2x128x128xf32, #tpu.memory_space<vmem>> -> memref<1x128x128xf32, #tpu.memory_space<vmem>>
        %dma_wait3A_143 = tpu.memref_squeeze %dma_wait3A_142 : memref<1x128x128xf32, #tpu.memory_space<vmem>> -> memref<128x128xf32, #tpu.memory_space<vmem>>
        %dma_wait3A_144 = arith.constant 0 : i32
        %dma_wait3A_145 = tpu.memref_slice %arg10[%add3A_139, %dma_wait3A_144] : memref<24x128xi32, #tpu.memory_space<vmem>> -> memref<1x128xi32, #tpu.memory_space<vmem>>
        %dma_wait3A_146 = tpu.memref_squeeze %dma_wait3A_145 : memref<1x128xi32, #tpu.memory_space<vmem>> -> memref<128xi32, #tpu.memory_space<vmem>>
        %dma_wait3A_147 = arith.constant 0 : i32
        %dma_wait3A_148 = arith.constant 0 : i32
        %dma_wait3A_149 = tpu.memref_slice %arg4[%dma_wait3A_147, %dma_wait3A_148] : memref<10240x128xf32, #tpu.memory_space<hbm>> -> memref<10240x128xf32, #tpu.memory_space<hbm>>
        tpu.wait_indirect_dma semaphore(%arg17 : memref<!tpu.dma_semaphore, #tpu.memory_space<semaphore_mem>>) src(%dma_wait3A_149 : memref<10240x128xf32, #tpu.memory_space<hbm>>) dst(%dma_wait3A_143 : memref<128x128xf32, #tpu.memory_space<vmem>>)
        %run_scoped3A_150 = arith.constant 0 : i32
        "tpu.region"() ({
          %run_scoped3A_180 = tpu.sem_alloc : memref<!tpu.dma_semaphore, #tpu.memory_space<semaphore_mem>>
          %dma_start3A_181 = arith.constant 0 : i32
          %dma_start3A_182 = arith.constant 0 : i32
          %dma_start3A_183 = tpu.memref_slice %arg12[%run_scoped3A_150, %dma_start3A_181, %dma_start3A_182] : memref<2x128x128xf32, #tpu.memory_space<vmem>> -> memref<1x128x128xf32, #tpu.memory_space<vmem>>
          %dma_start3A_184 = tpu.memref_squeeze %dma_start3A_183 : memref<1x128x128xf32, #tpu.memory_space<vmem>> -> memref<128x128xf32, #tpu.memory_space<vmem>>
          %dma_start3A_185 = arith.constant 0 : i32
          %dma_start3A_186 = tpu.memref_slice %arg11[%add3A_139, %dma_start3A_185] : memref<24x128xi32, #tpu.memory_space<vmem>> -> memref<1x128xi32, #tpu.memory_space<vmem>>
          %dma_start3A_187 = tpu.memref_squeeze %dma_start3A_186 : memref<1x128xi32, #tpu.memory_space<vmem>> -> memref<128xi32, #tpu.memory_space<vmem>>
          %dma_start3A_188 = arith.constant 0 : i32
          %dma_start3A_189 = arith.constant 0 : i32
          %dma_start3A_190 = tpu.memref_slice %arg14[%dma_start3A_188, %dma_start3A_189] : memref<10240x128xf32, #tpu.memory_space<vmem_shared>> -> memref<10240x128xf32, #tpu.memory_space<vmem_shared>>
          tpu.enqueue_indirect_dma source(%dma_start3A_184 : memref<128x128xf32, #tpu.memory_space<vmem>>) target(%dma_start3A_190 : memref<10240x128xf32, #tpu.memory_space<vmem_shared>>) offsets(%dma_start3A_187 : memref<128xi32, #tpu.memory_space<vmem>>) semaphore(%run_scoped3A_180 : memref<!tpu.dma_semaphore, #tpu.memory_space<semaphore_mem>>) {add = true}
          %dma_wait3A_191 = arith.constant 0 : i32
          %dma_wait3A_192 = arith.constant 0 : i32
          %dma_wait3A_193 = tpu.memref_slice %arg12[%run_scoped3A_150, %dma_wait3A_191, %dma_wait3A_192] : memref<2x128x128xf32, #tpu.memory_space<vmem>> -> memref<1x128x128xf32, #tpu.memory_space<vmem>>
          %dma_wait3A_194 = tpu.memref_squeeze %dma_wait3A_193 : memref<1x128x128xf32, #tpu.memory_space<vmem>> -> memref<128x128xf32, #tpu.memory_space<vmem>>
          %dma_wait3A_195 = arith.constant 0 : i32
          %dma_wait3A_196 = tpu.memref_slice %arg11[%add3A_139, %dma_wait3A_195] : memref<24x128xi32, #tpu.memory_space<vmem>> -> memref<1x128xi32, #tpu.memory_space<vmem>>
          %dma_wait3A_197 = tpu.memref_squeeze %dma_wait3A_196 : memref<1x128xi32, #tpu.memory_space<vmem>> -> memref<128xi32, #tpu.memory_space<vmem>>
          %dma_wait3A_198 = arith.constant 0 : i32
          %dma_wait3A_199 = arith.constant 0 : i32
          %dma_wait3A_200 = tpu.memref_slice %arg14[%dma_wait3A_198, %dma_wait3A_199] : memref<10240x128xf32, #tpu.memory_space<vmem_shared>> -> memref<10240x128xf32, #tpu.memory_space<vmem_shared>>
          tpu.wait_indirect_dma semaphore(%run_scoped3A_180 : memref<!tpu.dma_semaphore, #tpu.memory_space<semaphore_mem>>) src(%dma_wait3A_194 : memref<128x128xf32, #tpu.memory_space<vmem>>) dst(%dma_wait3A_200 : memref<10240x128xf32, #tpu.memory_space<vmem_shared>>)
          tpu.yield
        }) : () -> ()
        %add3A_151 = arith.constant 2 : i32
        %add3A_152 = arith.addi %add3A_139, %add3A_151 : i32
        %lt3A = arith.constant 24 : i32
        %lt3A_153 = arith.cmpi slt, %add3A_152, %lt3A : i32
        %convert_element_type3A_154 = arith.extui %lt3A_153 : i1 to i32
        %cond3A_155 = arith.constant 0 : i32
        %cond3A_156 = arith.cmpi ne, %convert_element_type3A_154, %cond3A_155 : i32
        scf.if %cond3A_156 {
          %add3A_180 = arith.constant 2 : i32
          %add3A_181 = arith.addi %add3A_139, %add3A_180 : i32
          %dma_start3A_182 = arith.constant 0 : i32
          %dma_start3A_183 = arith.constant 0 : i32
          %dma_start3A_184 = arith.constant 0 : i32
          %dma_start3A_185 = tpu.memref_slice %arg12[%dma_start3A_182, %dma_start3A_183, %dma_start3A_184] : memref<2x128x128xf32, #tpu.memory_space<vmem>> -> memref<1x128x128xf32, #tpu.memory_space<vmem>>
          %dma_start3A_186 = tpu.memref_squeeze %dma_start3A_185 : memref<1x128x128xf32, #tpu.memory_space<vmem>> -> memref<128x128xf32, #tpu.memory_space<vmem>>
          %dma_start3A_187 = arith.constant 0 : i32
          %dma_start3A_188 = tpu.memref_slice %arg10[%add3A_181, %dma_start3A_187] : memref<24x128xi32, #tpu.memory_space<vmem>> -> memref<1x128xi32, #tpu.memory_space<vmem>>
          %dma_start3A_189 = tpu.memref_squeeze %dma_start3A_188 : memref<1x128xi32, #tpu.memory_space<vmem>> -> memref<128xi32, #tpu.memory_space<vmem>>
          %dma_start3A_190 = arith.constant 0 : i32
          %dma_start3A_191 = arith.constant 0 : i32
          %dma_start3A_192 = tpu.memref_slice %arg4[%dma_start3A_190, %dma_start3A_191] : memref<10240x128xf32, #tpu.memory_space<hbm>> -> memref<10240x128xf32, #tpu.memory_space<hbm>>
          tpu.enqueue_indirect_dma source(%dma_start3A_192 : memref<10240x128xf32, #tpu.memory_space<hbm>>) target(%dma_start3A_186 : memref<128x128xf32, #tpu.memory_space<vmem>>) offsets(%dma_start3A_189 : memref<128xi32, #tpu.memory_space<vmem>>) semaphore(%arg17 : memref<!tpu.dma_semaphore, #tpu.memory_space<semaphore_mem>>)
        } else {
        }
        %mul3A_157 = arith.constant 2 : i32
        %mul3A_158 = arith.muli %scan3A_135, %mul3A_157 : i32
        %add3A_159 = arith.constant 1 : i32
        %add3A_160 = arith.addi %mul3A_158, %add3A_159 : i32
        %dma_wait3A_161 = arith.constant 1 : i32
        %dma_wait3A_162 = arith.constant 0 : i32
        %dma_wait3A_163 = arith.constant 0 : i32
        %dma_wait3A_164 = tpu.memref_slice %arg12[%dma_wait3A_161, %dma_wait3A_162, %dma_wait3A_163] : memref<2x128x128xf32, #tpu.memory_space<vmem>> -> memref<1x128x128xf32, #tpu.memory_space<vmem>>
        %dma_wait3A_165 = tpu.memref_squeeze %dma_wait3A_164 : memref<1x128x128xf32, #tpu.memory_space<vmem>> -> memref<128x128xf32, #tpu.memory_space<vmem>>
        %dma_wait3A_166 = arith.constant 0 : i32
        %dma_wait3A_167 = tpu.memref_slice %arg10[%add3A_160, %dma_wait3A_166] : memref<24x128xi32, #tpu.memory_space<vmem>> -> memref<1x128xi32, #tpu.memory_space<vmem>>
        %dma_wait3A_168 = tpu.memref_squeeze %dma_wait3A_167 : memref<1x128xi32, #tpu.memory_space<vmem>> -> memref<128xi32, #tpu.memory_space<vmem>>
        %dma_wait3A_169 = arith.constant 0 : i32
        %dma_wait3A_170 = arith.constant 0 : i32
        %dma_wait3A_171 = tpu.memref_slice %arg4[%dma_wait3A_169, %dma_wait3A_170] : memref<10240x128xf32, #tpu.memory_space<hbm>> -> memref<10240x128xf32, #tpu.memory_space<hbm>>
        tpu.wait_indirect_dma semaphore(%arg18 : memref<!tpu.dma_semaphore, #tpu.memory_space<semaphore_mem>>) src(%dma_wait3A_171 : memref<10240x128xf32, #tpu.memory_space<hbm>>) dst(%dma_wait3A_165 : memref<128x128xf32, #tpu.memory_space<vmem>>)
        %run_scoped3A_172 = arith.constant 1 : i32
        "tpu.region"() ({
          %run_scoped3A_180 = tpu.sem_alloc : memref<!tpu.dma_semaphore, #tpu.memory_space<semaphore_mem>>
          %dma_start3A_181 = arith.constant 0 : i32
          %dma_start3A_182 = arith.constant 0 : i32
          %dma_start3A_183 = tpu.memref_slice %arg12[%run_scoped3A_172, %dma_start3A_181, %dma_start3A_182] : memref<2x128x128xf32, #tpu.memory_space<vmem>> -> memref<1x128x128xf32, #tpu.memory_space<vmem>>
          %dma_start3A_184 = tpu.memref_squeeze %dma_start3A_183 : memref<1x128x128xf32, #tpu.memory_space<vmem>> -> memref<128x128xf32, #tpu.memory_space<vmem>>
          %dma_start3A_185 = arith.constant 0 : i32
          %dma_start3A_186 = tpu.memref_slice %arg11[%add3A_160, %dma_start3A_185] : memref<24x128xi32, #tpu.memory_space<vmem>> -> memref<1x128xi32, #tpu.memory_space<vmem>>
          %dma_start3A_187 = tpu.memref_squeeze %dma_start3A_186 : memref<1x128xi32, #tpu.memory_space<vmem>> -> memref<128xi32, #tpu.memory_space<vmem>>
          %dma_start3A_188 = arith.constant 0 : i32
          %dma_start3A_189 = arith.constant 0 : i32
          %dma_start3A_190 = tpu.memref_slice %arg14[%dma_start3A_188, %dma_start3A_189] : memref<10240x128xf32, #tpu.memory_space<vmem_shared>> -> memref<10240x128xf32, #tpu.memory_space<vmem_shared>>
          tpu.enqueue_indirect_dma source(%dma_start3A_184 : memref<128x128xf32, #tpu.memory_space<vmem>>) target(%dma_start3A_190 : memref<10240x128xf32, #tpu.memory_space<vmem_shared>>) offsets(%dma_start3A_187 : memref<128xi32, #tpu.memory_space<vmem>>) semaphore(%run_scoped3A_180 : memref<!tpu.dma_semaphore, #tpu.memory_space<semaphore_mem>>) {add = true}
          %dma_wait3A_191 = arith.constant 0 : i32
          %dma_wait3A_192 = arith.constant 0 : i32
          %dma_wait3A_193 = tpu.memref_slice %arg12[%run_scoped3A_172, %dma_wait3A_191, %dma_wait3A_192] : memref<2x128x128xf32, #tpu.memory_space<vmem>> -> memref<1x128x128xf32, #tpu.memory_space<vmem>>
          %dma_wait3A_194 = tpu.memref_squeeze %dma_wait3A_193 : memref<1x128x128xf32, #tpu.memory_space<vmem>> -> memref<128x128xf32, #tpu.memory_space<vmem>>
          %dma_wait3A_195 = arith.constant 0 : i32
          %dma_wait3A_196 = tpu.memref_slice %arg11[%add3A_160, %dma_wait3A_195] : memref<24x128xi32, #tpu.memory_space<vmem>> -> memref<1x128xi32, #tpu.memory_space<vmem>>
          %dma_wait3A_197 = tpu.memref_squeeze %dma_wait3A_196 : memref<1x128xi32, #tpu.memory_space<vmem>> -> memref<128xi32, #tpu.memory_space<vmem>>
          %dma_wait3A_198 = arith.constant 0 : i32
          %dma_wait3A_199 = arith.constant 0 : i32
          %dma_wait3A_200 = tpu.memref_slice %arg14[%dma_wait3A_198, %dma_wait3A_199] : memref<10240x128xf32, #tpu.memory_space<vmem_shared>> -> memref<10240x128xf32, #tpu.memory_space<vmem_shared>>
          tpu.wait_indirect_dma semaphore(%run_scoped3A_180 : memref<!tpu.dma_semaphore, #tpu.memory_space<semaphore_mem>>) src(%dma_wait3A_194 : memref<128x128xf32, #tpu.memory_space<vmem>>) dst(%dma_wait3A_200 : memref<10240x128xf32, #tpu.memory_space<vmem_shared>>)
          tpu.yield
        }) : () -> ()
        %add3A_173 = arith.constant 2 : i32
        %add3A_174 = arith.addi %add3A_160, %add3A_173 : i32
        %lt3A_175 = arith.constant 24 : i32
        %lt3A_176 = arith.cmpi slt, %add3A_174, %lt3A_175 : i32
        %convert_element_type3A_177 = arith.extui %lt3A_176 : i1 to i32
        %cond3A_178 = arith.constant 0 : i32
        %cond3A_179 = arith.cmpi ne, %convert_element_type3A_177, %cond3A_178 : i32
        scf.if %cond3A_179 {
          %add3A_180 = arith.constant 2 : i32
          %add3A_181 = arith.addi %add3A_160, %add3A_180 : i32
          %dma_start3A_182 = arith.constant 1 : i32
          %dma_start3A_183 = arith.constant 0 : i32
          %dma_start3A_184 = arith.constant 0 : i32
          %dma_start3A_185 = tpu.memref_slice %arg12[%dma_start3A_182, %dma_start3A_183, %dma_start3A_184] : memref<2x128x128xf32, #tpu.memory_space<vmem>> -> memref<1x128x128xf32, #tpu.memory_space<vmem>>
          %dma_start3A_186 = tpu.memref_squeeze %dma_start3A_185 : memref<1x128x128xf32, #tpu.memory_space<vmem>> -> memref<128x128xf32, #tpu.memory_space<vmem>>
          %dma_start3A_187 = arith.constant 0 : i32
          %dma_start3A_188 = tpu.memref_slice %arg10[%add3A_181, %dma_start3A_187] : memref<24x128xi32, #tpu.memory_space<vmem>> -> memref<1x128xi32, #tpu.memory_space<vmem>>
          %dma_start3A_189 = tpu.memref_squeeze %dma_start3A_188 : memref<1x128xi32, #tpu.memory_space<vmem>> -> memref<128xi32, #tpu.memory_space<vmem>>
          %dma_start3A_190 = arith.constant 0 : i32
          %dma_start3A_191 = arith.constant 0 : i32
          %dma_start3A_192 = tpu.memref_slice %arg4[%dma_start3A_190, %dma_start3A_191] : memref<10240x128xf32, #tpu.memory_space<hbm>> -> memref<10240x128xf32, #tpu.memory_space<hbm>>
          tpu.enqueue_indirect_dma source(%dma_start3A_192 : memref<10240x128xf32, #tpu.memory_space<hbm>>) target(%dma_start3A_186 : memref<128x128xf32, #tpu.memory_space<vmem>>) offsets(%dma_start3A_189 : memref<128xi32, #tpu.memory_space<vmem>>) semaphore(%arg18 : memref<!tpu.dma_semaphore, #tpu.memory_space<semaphore_mem>>)
        } else {
        }
      }
      %scan3A_116 = arith.constant 12 : i32
      "tpu.trace_stop"() : () -> ()
      "tpu.trace_start"() <{level = 10 : i32, message = "c_part"}> : () -> ()
      %scan3A_117 = arith.constant 0 : i32
      %scan3A_118 = arith.constant 0 : i32
      %scan3A_119 = arith.constant 24 : i32
      %scan3A_120 = arith.addi %scan3A_118, %scan3A_119 : i32
      %scan3A_121 = arith.constant 1 : i32
      scf.for %scan3A_135 = %scan3A_118 to %scan3A_120 step %scan3A_121  : i32 {
        %dma_wait3A = arith.constant 0 : i32
        %dma_wait3A_136 = tpu.memref_slice %arg13[%scan3A_135, %dma_wait3A] : memref<24x128xf32, #tpu.memory_space<vmem>> -> memref<1x128xf32, #tpu.memory_space<vmem>>
        %dma_wait3A_137 = tpu.memref_squeeze %dma_wait3A_136 : memref<1x128xf32, #tpu.memory_space<vmem>> -> memref<128xf32, #tpu.memory_space<vmem>>
        %dma_wait3A_138 = arith.constant 0 : i32
        %dma_wait3A_139 = tpu.memref_slice %arg11[%scan3A_135, %dma_wait3A_138] : memref<24x128xi32, #tpu.memory_space<vmem>> -> memref<1x128xi32, #tpu.memory_space<vmem>>
        %dma_wait3A_140 = tpu.memref_squeeze %dma_wait3A_139 : memref<1x128xi32, #tpu.memory_space<vmem>> -> memref<128xi32, #tpu.memory_space<vmem>>
        %dma_wait3A_141 = arith.constant 0 : i32
        %dma_wait3A_142 = tpu.memref_slice %arg16[%dma_wait3A_141] : memref<10240xf32, #tpu.memory_space<vmem_shared>> -> memref<10240xf32, #tpu.memory_space<vmem_shared>>
        tpu.wait_indirect_dma semaphore(%arg19 : memref<!tpu.dma_semaphore, #tpu.memory_space<semaphore_mem>>) src(%dma_wait3A_142 : memref<10240xf32, #tpu.memory_space<vmem_shared>>) dst(%dma_wait3A_137 : memref<128xf32, #tpu.memory_space<vmem>>)
      }
      %scan3A_122 = arith.constant 24 : i32
      %scan3A_123 = arith.constant 0 : i32
      %scan3A_124 = arith.constant 0 : i32
      %scan3A_125 = arith.constant 24 : i32
      %scan3A_126 = arith.addi %scan3A_124, %scan3A_125 : i32
      %scan3A_127 = arith.constant 1 : i32
      scf.for %scan3A_135 = %scan3A_124 to %scan3A_126 step %scan3A_127  : i32 {
        %dma_start3A_136 = arith.constant 0 : i32
        %dma_start3A_137 = tpu.memref_slice %arg13[%scan3A_135, %dma_start3A_136] : memref<24x128xf32, #tpu.memory_space<vmem>> -> memref<1x128xf32, #tpu.memory_space<vmem>>
        %dma_start3A_138 = tpu.memref_squeeze %dma_start3A_137 : memref<1x128xf32, #tpu.memory_space<vmem>> -> memref<128xf32, #tpu.memory_space<vmem>>
        %dma_start3A_139 = arith.constant 0 : i32
        %dma_start3A_140 = tpu.memref_slice %arg10[%scan3A_135, %dma_start3A_139] : memref<24x128xi32, #tpu.memory_space<vmem>> -> memref<1x128xi32, #tpu.memory_space<vmem>>
        %dma_start3A_141 = tpu.memref_squeeze %dma_start3A_140 : memref<1x128xi32, #tpu.memory_space<vmem>> -> memref<128xi32, #tpu.memory_space<vmem>>
        %dma_start3A_142 = arith.constant 0 : i32
        %dma_start3A_143 = tpu.memref_slice %arg15[%dma_start3A_142] : memref<10240xf32, #tpu.memory_space<vmem_shared>> -> memref<10240xf32, #tpu.memory_space<vmem_shared>>
        tpu.enqueue_indirect_dma source(%dma_start3A_138 : memref<128xf32, #tpu.memory_space<vmem>>) target(%dma_start3A_143 : memref<10240xf32, #tpu.memory_space<vmem_shared>>) offsets(%dma_start3A_141 : memref<128xi32, #tpu.memory_space<vmem>>) semaphore(%arg20 : memref<!tpu.dma_semaphore, #tpu.memory_space<semaphore_mem>>) {add = true}
      }
      %scan3A_128 = arith.constant 24 : i32
      %scan3A_129 = arith.constant 0 : i32
      %scan3A_130 = arith.constant 0 : i32
      %scan3A_131 = arith.constant 24 : i32
      %scan3A_132 = arith.addi %scan3A_130, %scan3A_131 : i32
      %scan3A_133 = arith.constant 1 : i32
      scf.for %scan3A_135 = %scan3A_130 to %scan3A_132 step %scan3A_133  : i32 {
        %dma_wait3A = arith.constant 0 : i32
        %dma_wait3A_136 = tpu.memref_slice %arg13[%scan3A_135, %dma_wait3A] : memref<24x128xf32, #tpu.memory_space<vmem>> -> memref<1x128xf32, #tpu.memory_space<vmem>>
        %dma_wait3A_137 = tpu.memref_squeeze %dma_wait3A_136 : memref<1x128xf32, #tpu.memory_space<vmem>> -> memref<128xf32, #tpu.memory_space<vmem>>
        %dma_wait3A_138 = arith.constant 0 : i32
        %dma_wait3A_139 = tpu.memref_slice %arg10[%scan3A_135, %dma_wait3A_138] : memref<24x128xi32, #tpu.memory_space<vmem>> -> memref<1x128xi32, #tpu.memory_space<vmem>>
        %dma_wait3A_140 = tpu.memref_squeeze %dma_wait3A_139 : memref<1x128xi32, #tpu.memory_space<vmem>> -> memref<128xi32, #tpu.memory_space<vmem>>
        %dma_wait3A_141 = arith.constant 0 : i32
        %dma_wait3A_142 = tpu.memref_slice %arg15[%dma_wait3A_141] : memref<10240xf32, #tpu.memory_space<vmem_shared>> -> memref<10240xf32, #tpu.memory_space<vmem_shared>>
        tpu.wait_indirect_dma semaphore(%arg20 : memref<!tpu.dma_semaphore, #tpu.memory_space<semaphore_mem>>) src(%dma_wait3A_137 : memref<128xf32, #tpu.memory_space<vmem>>) dst(%dma_wait3A_142 : memref<10240xf32, #tpu.memory_space<vmem_shared>>)
      }
      %scan3A_134 = arith.constant 24 : i32
      "tpu.trace_stop"() : () -> ()
    } else {
    }
    %eq3A_64 = arith.constant 0 : i32
    %eq3A_65 = arith.cmpi eq, %arg0, %eq3A_64 : i32
    %convert_element_type3A_66 = arith.extui %eq3A_65 : i1 to i32
    %cond3A_67 = arith.constant 0 : i32
    %cond3A_68 = arith.cmpi ne, %convert_element_type3A_66, %cond3A_67 : i32
    scf.if %cond3A_68 {
      %mul3A_78 = arith.constant 144 : i32
      %mul3A_79 = arith.muli %arg1, %mul3A_78 : i32
      %add3A_80 = arith.constant 120 : i32
      %add3A_81 = arith.addi %mul3A_79, %add3A_80 : i32
      "tpu.region"() ({
        %run_scoped3A_135 = tpu.sem_alloc : memref<!tpu.dma_semaphore, #tpu.memory_space<semaphore_mem>>
        %dma_start3A_136 = arith.constant 0 : i32
        %dma_start3A_137 = tpu.memref_slice %arg2[%add3A_81, %dma_start3A_136] : memref<2560x128xi32, #tpu.memory_space<hbm>> -> memref<24x128xi32, #tpu.memory_space<hbm>>
        %dma_start3A_138 = arith.constant 0 : i32
        %dma_start3A_139 = tpu.memref_slice %arg2[%add3A_81, %dma_start3A_138] : memref<2560x128xi32, #tpu.memory_space<hbm>> -> memref<24x128xi32, #tpu.memory_space<hbm>>
        tpu.enqueue_dma source(%dma_start3A_139 : memref<24x128xi32, #tpu.memory_space<hbm>>) target(%arg10 : memref<24x128xi32, #tpu.memory_space<vmem>>) target_semaphore(%run_scoped3A_135 : memref<!tpu.dma_semaphore, #tpu.memory_space<semaphore_mem>>)
        %dma_wait3A = arith.constant 0 : i32
        %dma_wait3A_140 = tpu.memref_slice %arg2[%add3A_81, %dma_wait3A] : memref<2560x128xi32, #tpu.memory_space<hbm>> -> memref<24x128xi32, #tpu.memory_space<hbm>>
        %dma_wait3A_141 = arith.constant 0 : i32
        %dma_wait3A_142 = tpu.memref_slice %arg2[%add3A_81, %dma_wait3A_141] : memref<2560x128xi32, #tpu.memory_space<hbm>> -> memref<24x128xi32, #tpu.memory_space<hbm>>
        tpu.wait_dma2 semaphore(%run_scoped3A_135 : memref<!tpu.dma_semaphore, #tpu.memory_space<semaphore_mem>>) src(%dma_wait3A_142 : memref<24x128xi32, #tpu.memory_space<hbm>>) dst(%arg10 : memref<24x128xi32, #tpu.memory_space<vmem>>)
        tpu.yield
      }) : () -> ()
      "tpu.region"() ({
        %run_scoped3A_135 = tpu.sem_alloc : memref<!tpu.dma_semaphore, #tpu.memory_space<semaphore_mem>>
        %dma_start3A_136 = arith.constant 0 : i32
        %dma_start3A_137 = tpu.memref_slice %arg3[%add3A_81, %dma_start3A_136] : memref<2560x128xi32, #tpu.memory_space<hbm>> -> memref<24x128xi32, #tpu.memory_space<hbm>>
        %dma_start3A_138 = arith.constant 0 : i32
        %dma_start3A_139 = tpu.memref_slice %arg3[%add3A_81, %dma_start3A_138] : memref<2560x128xi32, #tpu.memory_space<hbm>> -> memref<24x128xi32, #tpu.memory_space<hbm>>
        tpu.enqueue_dma source(%dma_start3A_139 : memref<24x128xi32, #tpu.memory_space<hbm>>) target(%arg11 : memref<24x128xi32, #tpu.memory_space<vmem>>) target_semaphore(%run_scoped3A_135 : memref<!tpu.dma_semaphore, #tpu.memory_space<semaphore_mem>>)
        %dma_wait3A = arith.constant 0 : i32
        %dma_wait3A_140 = tpu.memref_slice %arg3[%add3A_81, %dma_wait3A] : memref<2560x128xi32, #tpu.memory_space<hbm>> -> memref<24x128xi32, #tpu.memory_space<hbm>>
        %dma_wait3A_141 = arith.constant 0 : i32
        %dma_wait3A_142 = tpu.memref_slice %arg3[%add3A_81, %dma_wait3A_141] : memref<2560x128xi32, #tpu.memory_space<hbm>> -> memref<24x128xi32, #tpu.memory_space<hbm>>
        tpu.wait_dma2 semaphore(%run_scoped3A_135 : memref<!tpu.dma_semaphore, #tpu.memory_space<semaphore_mem>>) src(%dma_wait3A_142 : memref<24x128xi32, #tpu.memory_space<hbm>>) dst(%arg11 : memref<24x128xi32, #tpu.memory_space<vmem>>)
        tpu.yield
      }) : () -> ()
      %scan3A_82 = arith.constant 0 : i32
      %scan3A_83 = arith.constant 0 : i32
      %scan3A_84 = arith.constant 24 : i32
      %scan3A_85 = arith.addi %scan3A_83, %scan3A_84 : i32
      %scan3A_86 = arith.constant 1 : i32
      scf.for %scan3A_135 = %scan3A_83 to %scan3A_85 step %scan3A_86  : i32 {
        %dma_start3A_136 = arith.constant 0 : i32
        %dma_start3A_137 = tpu.memref_slice %arg13[%scan3A_135, %dma_start3A_136] : memref<24x128xf32, #tpu.memory_space<vmem>> -> memref<1x128xf32, #tpu.memory_space<vmem>>
        %dma_start3A_138 = tpu.memref_squeeze %dma_start3A_137 : memref<1x128xf32, #tpu.memory_space<vmem>> -> memref<128xf32, #tpu.memory_space<vmem>>
        %dma_start3A_139 = arith.constant 0 : i32
        %dma_start3A_140 = tpu.memref_slice %arg11[%scan3A_135, %dma_start3A_139] : memref<24x128xi32, #tpu.memory_space<vmem>> -> memref<1x128xi32, #tpu.memory_space<vmem>>
        %dma_start3A_141 = tpu.memref_squeeze %dma_start3A_140 : memref<1x128xi32, #tpu.memory_space<vmem>> -> memref<128xi32, #tpu.memory_space<vmem>>
        %dma_start3A_142 = arith.constant 0 : i32
        %dma_start3A_143 = tpu.memref_slice %arg16[%dma_start3A_142] : memref<10240xf32, #tpu.memory_space<vmem_shared>> -> memref<10240xf32, #tpu.memory_space<vmem_shared>>
        tpu.enqueue_indirect_dma source(%dma_start3A_143 : memref<10240xf32, #tpu.memory_space<vmem_shared>>) target(%dma_start3A_138 : memref<128xf32, #tpu.memory_space<vmem>>) offsets(%dma_start3A_141 : memref<128xi32, #tpu.memory_space<vmem>>) semaphore(%arg19 : memref<!tpu.dma_semaphore, #tpu.memory_space<semaphore_mem>>)
      }
      %scan3A_87 = arith.constant 24 : i32
      %dma_start3A = arith.constant 0 : i32
      %dma_start3A_88 = arith.constant 0 : i32
      "tpu.trace_start"() <{level = 10 : i32, message = "row_loop"}> : () -> ()
      %dma_start3A_89 = arith.constant 0 : i32
      %dma_start3A_90 = arith.constant 0 : i32
      %dma_start3A_91 = tpu.memref_slice %arg12[%dma_start3A_88, %dma_start3A_89, %dma_start3A_90] : memref<2x128x128xf32, #tpu.memory_space<vmem>> -> memref<1x128x128xf32, #tpu.memory_space<vmem>>
      %dma_start3A_92 = tpu.memref_squeeze %dma_start3A_91 : memref<1x128x128xf32, #tpu.memory_space<vmem>> -> memref<128x128xf32, #tpu.memory_space<vmem>>
      %dma_start3A_93 = arith.constant 0 : i32
      %dma_start3A_94 = tpu.memref_slice %arg10[%dma_start3A, %dma_start3A_93] : memref<24x128xi32, #tpu.memory_space<vmem>> -> memref<1x128xi32, #tpu.memory_space<vmem>>
      %dma_start3A_95 = tpu.memref_squeeze %dma_start3A_94 : memref<1x128xi32, #tpu.memory_space<vmem>> -> memref<128xi32, #tpu.memory_space<vmem>>
      %dma_start3A_96 = arith.constant 0 : i32
      %dma_start3A_97 = arith.constant 0 : i32
      %dma_start3A_98 = tpu.memref_slice %arg4[%dma_start3A_96, %dma_start3A_97] : memref<10240x128xf32, #tpu.memory_space<hbm>> -> memref<10240x128xf32, #tpu.memory_space<hbm>>
      tpu.enqueue_indirect_dma source(%dma_start3A_98 : memref<10240x128xf32, #tpu.memory_space<hbm>>) target(%dma_start3A_92 : memref<128x128xf32, #tpu.memory_space<vmem>>) offsets(%dma_start3A_95 : memref<128xi32, #tpu.memory_space<vmem>>) semaphore(%arg17 : memref<!tpu.dma_semaphore, #tpu.memory_space<semaphore_mem>>)
      %dma_start3A_99 = arith.constant 1 : i32
      %dma_start3A_100 = arith.constant 1 : i32
      %dma_start3A_101 = arith.constant 0 : i32
      %dma_start3A_102 = arith.constant 0 : i32
      %dma_start3A_103 = tpu.memref_slice %arg12[%dma_start3A_100, %dma_start3A_101, %dma_start3A_102] : memref<2x128x128xf32, #tpu.memory_space<vmem>> -> memref<1x128x128xf32, #tpu.memory_space<vmem>>
      %dma_start3A_104 = tpu.memref_squeeze %dma_start3A_103 : memref<1x128x128xf32, #tpu.memory_space<vmem>> -> memref<128x128xf32, #tpu.memory_space<vmem>>
      %dma_start3A_105 = arith.constant 0 : i32
      %dma_start3A_106 = tpu.memref_slice %arg10[%dma_start3A_99, %dma_start3A_105] : memref<24x128xi32, #tpu.memory_space<vmem>> -> memref<1x128xi32, #tpu.memory_space<vmem>>
      %dma_start3A_107 = tpu.memref_squeeze %dma_start3A_106 : memref<1x128xi32, #tpu.memory_space<vmem>> -> memref<128xi32, #tpu.memory_space<vmem>>
      %dma_start3A_108 = arith.constant 0 : i32
      %dma_start3A_109 = arith.constant 0 : i32
      %dma_start3A_110 = tpu.memref_slice %arg4[%dma_start3A_108, %dma_start3A_109] : memref<10240x128xf32, #tpu.memory_space<hbm>> -> memref<10240x128xf32, #tpu.memory_space<hbm>>
      tpu.enqueue_indirect_dma source(%dma_start3A_110 : memref<10240x128xf32, #tpu.memory_space<hbm>>) target(%dma_start3A_104 : memref<128x128xf32, #tpu.memory_space<vmem>>) offsets(%dma_start3A_107 : memref<128xi32, #tpu.memory_space<vmem>>) semaphore(%arg18 : memref<!tpu.dma_semaphore, #tpu.memory_space<semaphore_mem>>)
      %scan3A_111 = arith.constant 0 : i32
      %scan3A_112 = arith.constant 0 : i32
      %scan3A_113 = arith.constant 12 : i32
      %scan3A_114 = arith.addi %scan3A_112, %scan3A_113 : i32
      %scan3A_115 = arith.constant 1 : i32
      scf.for %scan3A_135 = %scan3A_112 to %scan3A_114 step %scan3A_115  : i32 {
        %mul3A_136 = arith.constant 2 : i32
        %mul3A_137 = arith.muli %scan3A_135, %mul3A_136 : i32
        %add3A_138 = arith.constant 0 : i32
        %add3A_139 = arith.addi %mul3A_137, %add3A_138 : i32
        %dma_wait3A = arith.constant 0 : i32
        %dma_wait3A_140 = arith.constant 0 : i32
        %dma_wait3A_141 = arith.constant 0 : i32
        %dma_wait3A_142 = tpu.memref_slice %arg12[%dma_wait3A, %dma_wait3A_140, %dma_wait3A_141] : memref<2x128x128xf32, #tpu.memory_space<vmem>> -> memref<1x128x128xf32, #tpu.memory_space<vmem>>
        %dma_wait3A_143 = tpu.memref_squeeze %dma_wait3A_142 : memref<1x128x128xf32, #tpu.memory_space<vmem>> -> memref<128x128xf32, #tpu.memory_space<vmem>>
        %dma_wait3A_144 = arith.constant 0 : i32
        %dma_wait3A_145 = tpu.memref_slice %arg10[%add3A_139, %dma_wait3A_144] : memref<24x128xi32, #tpu.memory_space<vmem>> -> memref<1x128xi32, #tpu.memory_space<vmem>>
        %dma_wait3A_146 = tpu.memref_squeeze %dma_wait3A_145 : memref<1x128xi32, #tpu.memory_space<vmem>> -> memref<128xi32, #tpu.memory_space<vmem>>
        %dma_wait3A_147 = arith.constant 0 : i32
        %dma_wait3A_148 = arith.constant 0 : i32
        %dma_wait3A_149 = tpu.memref_slice %arg4[%dma_wait3A_147, %dma_wait3A_148] : memref<10240x128xf32, #tpu.memory_space<hbm>> -> memref<10240x128xf32, #tpu.memory_space<hbm>>
        tpu.wait_indirect_dma semaphore(%arg17 : memref<!tpu.dma_semaphore, #tpu.memory_space<semaphore_mem>>) src(%dma_wait3A_149 : memref<10240x128xf32, #tpu.memory_space<hbm>>) dst(%dma_wait3A_143 : memref<128x128xf32, #tpu.memory_space<vmem>>)
        %run_scoped3A_150 = arith.constant 0 : i32
        "tpu.region"() ({
          %run_scoped3A_180 = tpu.sem_alloc : memref<!tpu.dma_semaphore, #tpu.memory_space<semaphore_mem>>
          %dma_start3A_181 = arith.constant 0 : i32
          %dma_start3A_182 = arith.constant 0 : i32
          %dma_start3A_183 = tpu.memref_slice %arg12[%run_scoped3A_150, %dma_start3A_181, %dma_start3A_182] : memref<2x128x128xf32, #tpu.memory_space<vmem>> -> memref<1x128x128xf32, #tpu.memory_space<vmem>>
          %dma_start3A_184 = tpu.memref_squeeze %dma_start3A_183 : memref<1x128x128xf32, #tpu.memory_space<vmem>> -> memref<128x128xf32, #tpu.memory_space<vmem>>
          %dma_start3A_185 = arith.constant 0 : i32
          %dma_start3A_186 = tpu.memref_slice %arg11[%add3A_139, %dma_start3A_185] : memref<24x128xi32, #tpu.memory_space<vmem>> -> memref<1x128xi32, #tpu.memory_space<vmem>>
          %dma_start3A_187 = tpu.memref_squeeze %dma_start3A_186 : memref<1x128xi32, #tpu.memory_space<vmem>> -> memref<128xi32, #tpu.memory_space<vmem>>
          %dma_start3A_188 = arith.constant 0 : i32
          %dma_start3A_189 = arith.constant 0 : i32
          %dma_start3A_190 = tpu.memref_slice %arg14[%dma_start3A_188, %dma_start3A_189] : memref<10240x128xf32, #tpu.memory_space<vmem_shared>> -> memref<10240x128xf32, #tpu.memory_space<vmem_shared>>
          tpu.enqueue_indirect_dma source(%dma_start3A_184 : memref<128x128xf32, #tpu.memory_space<vmem>>) target(%dma_start3A_190 : memref<10240x128xf32, #tpu.memory_space<vmem_shared>>) offsets(%dma_start3A_187 : memref<128xi32, #tpu.memory_space<vmem>>) semaphore(%run_scoped3A_180 : memref<!tpu.dma_semaphore, #tpu.memory_space<semaphore_mem>>) {add = true}
          %dma_wait3A_191 = arith.constant 0 : i32
          %dma_wait3A_192 = arith.constant 0 : i32
          %dma_wait3A_193 = tpu.memref_slice %arg12[%run_scoped3A_150, %dma_wait3A_191, %dma_wait3A_192] : memref<2x128x128xf32, #tpu.memory_space<vmem>> -> memref<1x128x128xf32, #tpu.memory_space<vmem>>
          %dma_wait3A_194 = tpu.memref_squeeze %dma_wait3A_193 : memref<1x128x128xf32, #tpu.memory_space<vmem>> -> memref<128x128xf32, #tpu.memory_space<vmem>>
          %dma_wait3A_195 = arith.constant 0 : i32
          %dma_wait3A_196 = tpu.memref_slice %arg11[%add3A_139, %dma_wait3A_195] : memref<24x128xi32, #tpu.memory_space<vmem>> -> memref<1x128xi32, #tpu.memory_space<vmem>>
          %dma_wait3A_197 = tpu.memref_squeeze %dma_wait3A_196 : memref<1x128xi32, #tpu.memory_space<vmem>> -> memref<128xi32, #tpu.memory_space<vmem>>
          %dma_wait3A_198 = arith.constant 0 : i32
          %dma_wait3A_199 = arith.constant 0 : i32
          %dma_wait3A_200 = tpu.memref_slice %arg14[%dma_wait3A_198, %dma_wait3A_199] : memref<10240x128xf32, #tpu.memory_space<vmem_shared>> -> memref<10240x128xf32, #tpu.memory_space<vmem_shared>>
          tpu.wait_indirect_dma semaphore(%run_scoped3A_180 : memref<!tpu.dma_semaphore, #tpu.memory_space<semaphore_mem>>) src(%dma_wait3A_194 : memref<128x128xf32, #tpu.memory_space<vmem>>) dst(%dma_wait3A_200 : memref<10240x128xf32, #tpu.memory_space<vmem_shared>>)
          tpu.yield
        }) : () -> ()
        %add3A_151 = arith.constant 2 : i32
        %add3A_152 = arith.addi %add3A_139, %add3A_151 : i32
        %lt3A = arith.constant 24 : i32
        %lt3A_153 = arith.cmpi slt, %add3A_152, %lt3A : i32
        %convert_element_type3A_154 = arith.extui %lt3A_153 : i1 to i32
        %cond3A_155 = arith.constant 0 : i32
        %cond3A_156 = arith.cmpi ne, %convert_element_type3A_154, %cond3A_155 : i32
        scf.if %cond3A_156 {
          %add3A_180 = arith.constant 2 : i32
          %add3A_181 = arith.addi %add3A_139, %add3A_180 : i32
          %dma_start3A_182 = arith.constant 0 : i32
          %dma_start3A_183 = arith.constant 0 : i32
          %dma_start3A_184 = arith.constant 0 : i32
          %dma_start3A_185 = tpu.memref_slice %arg12[%dma_start3A_182, %dma_start3A_183, %dma_start3A_184] : memref<2x128x128xf32, #tpu.memory_space<vmem>> -> memref<1x128x128xf32, #tpu.memory_space<vmem>>
          %dma_start3A_186 = tpu.memref_squeeze %dma_start3A_185 : memref<1x128x128xf32, #tpu.memory_space<vmem>> -> memref<128x128xf32, #tpu.memory_space<vmem>>
          %dma_start3A_187 = arith.constant 0 : i32
          %dma_start3A_188 = tpu.memref_slice %arg10[%add3A_181, %dma_start3A_187] : memref<24x128xi32, #tpu.memory_space<vmem>> -> memref<1x128xi32, #tpu.memory_space<vmem>>
          %dma_start3A_189 = tpu.memref_squeeze %dma_start3A_188 : memref<1x128xi32, #tpu.memory_space<vmem>> -> memref<128xi32, #tpu.memory_space<vmem>>
          %dma_start3A_190 = arith.constant 0 : i32
          %dma_start3A_191 = arith.constant 0 : i32
          %dma_start3A_192 = tpu.memref_slice %arg4[%dma_start3A_190, %dma_start3A_191] : memref<10240x128xf32, #tpu.memory_space<hbm>> -> memref<10240x128xf32, #tpu.memory_space<hbm>>
          tpu.enqueue_indirect_dma source(%dma_start3A_192 : memref<10240x128xf32, #tpu.memory_space<hbm>>) target(%dma_start3A_186 : memref<128x128xf32, #tpu.memory_space<vmem>>) offsets(%dma_start3A_189 : memref<128xi32, #tpu.memory_space<vmem>>) semaphore(%arg17 : memref<!tpu.dma_semaphore, #tpu.memory_space<semaphore_mem>>)
        } else {
        }
        %mul3A_157 = arith.constant 2 : i32
        %mul3A_158 = arith.muli %scan3A_135, %mul3A_157 : i32
        %add3A_159 = arith.constant 1 : i32
        %add3A_160 = arith.addi %mul3A_158, %add3A_159 : i32
        %dma_wait3A_161 = arith.constant 1 : i32
        %dma_wait3A_162 = arith.constant 0 : i32
        %dma_wait3A_163 = arith.constant 0 : i32
        %dma_wait3A_164 = tpu.memref_slice %arg12[%dma_wait3A_161, %dma_wait3A_162, %dma_wait3A_163] : memref<2x128x128xf32, #tpu.memory_space<vmem>> -> memref<1x128x128xf32, #tpu.memory_space<vmem>>
        %dma_wait3A_165 = tpu.memref_squeeze %dma_wait3A_164 : memref<1x128x128xf32, #tpu.memory_space<vmem>> -> memref<128x128xf32, #tpu.memory_space<vmem>>
        %dma_wait3A_166 = arith.constant 0 : i32
        %dma_wait3A_167 = tpu.memref_slice %arg10[%add3A_160, %dma_wait3A_166] : memref<24x128xi32, #tpu.memory_space<vmem>> -> memref<1x128xi32, #tpu.memory_space<vmem>>
        %dma_wait3A_168 = tpu.memref_squeeze %dma_wait3A_167 : memref<1x128xi32, #tpu.memory_space<vmem>> -> memref<128xi32, #tpu.memory_space<vmem>>
        %dma_wait3A_169 = arith.constant 0 : i32
        %dma_wait3A_170 = arith.constant 0 : i32
        %dma_wait3A_171 = tpu.memref_slice %arg4[%dma_wait3A_169, %dma_wait3A_170] : memref<10240x128xf32, #tpu.memory_space<hbm>> -> memref<10240x128xf32, #tpu.memory_space<hbm>>
        tpu.wait_indirect_dma semaphore(%arg18 : memref<!tpu.dma_semaphore, #tpu.memory_space<semaphore_mem>>) src(%dma_wait3A_171 : memref<10240x128xf32, #tpu.memory_space<hbm>>) dst(%dma_wait3A_165 : memref<128x128xf32, #tpu.memory_space<vmem>>)
        %run_scoped3A_172 = arith.constant 1 : i32
        "tpu.region"() ({
          %run_scoped3A_180 = tpu.sem_alloc : memref<!tpu.dma_semaphore, #tpu.memory_space<semaphore_mem>>
          %dma_start3A_181 = arith.constant 0 : i32
          %dma_start3A_182 = arith.constant 0 : i32
          %dma_start3A_183 = tpu.memref_slice %arg12[%run_scoped3A_172, %dma_start3A_181, %dma_start3A_182] : memref<2x128x128xf32, #tpu.memory_space<vmem>> -> memref<1x128x128xf32, #tpu.memory_space<vmem>>
          %dma_start3A_184 = tpu.memref_squeeze %dma_start3A_183 : memref<1x128x128xf32, #tpu.memory_space<vmem>> -> memref<128x128xf32, #tpu.memory_space<vmem>>
          %dma_start3A_185 = arith.constant 0 : i32
          %dma_start3A_186 = tpu.memref_slice %arg11[%add3A_160, %dma_start3A_185] : memref<24x128xi32, #tpu.memory_space<vmem>> -> memref<1x128xi32, #tpu.memory_space<vmem>>
          %dma_start3A_187 = tpu.memref_squeeze %dma_start3A_186 : memref<1x128xi32, #tpu.memory_space<vmem>> -> memref<128xi32, #tpu.memory_space<vmem>>
          %dma_start3A_188 = arith.constant 0 : i32
          %dma_start3A_189 = arith.constant 0 : i32
          %dma_start3A_190 = tpu.memref_slice %arg14[%dma_start3A_188, %dma_start3A_189] : memref<10240x128xf32, #tpu.memory_space<vmem_shared>> -> memref<10240x128xf32, #tpu.memory_space<vmem_shared>>
          tpu.enqueue_indirect_dma source(%dma_start3A_184 : memref<128x128xf32, #tpu.memory_space<vmem>>) target(%dma_start3A_190 : memref<10240x128xf32, #tpu.memory_space<vmem_shared>>) offsets(%dma_start3A_187 : memref<128xi32, #tpu.memory_space<vmem>>) semaphore(%run_scoped3A_180 : memref<!tpu.dma_semaphore, #tpu.memory_space<semaphore_mem>>) {add = true}
          %dma_wait3A_191 = arith.constant 0 : i32
          %dma_wait3A_192 = arith.constant 0 : i32
          %dma_wait3A_193 = tpu.memref_slice %arg12[%run_scoped3A_172, %dma_wait3A_191, %dma_wait3A_192] : memref<2x128x128xf32, #tpu.memory_space<vmem>> -> memref<1x128x128xf32, #tpu.memory_space<vmem>>
          %dma_wait3A_194 = tpu.memref_squeeze %dma_wait3A_193 : memref<1x128x128xf32, #tpu.memory_space<vmem>> -> memref<128x128xf32, #tpu.memory_space<vmem>>
          %dma_wait3A_195 = arith.constant 0 : i32
          %dma_wait3A_196 = tpu.memref_slice %arg11[%add3A_160, %dma_wait3A_195] : memref<24x128xi32, #tpu.memory_space<vmem>> -> memref<1x128xi32, #tpu.memory_space<vmem>>
          %dma_wait3A_197 = tpu.memref_squeeze %dma_wait3A_196 : memref<1x128xi32, #tpu.memory_space<vmem>> -> memref<128xi32, #tpu.memory_space<vmem>>
          %dma_wait3A_198 = arith.constant 0 : i32
          %dma_wait3A_199 = arith.constant 0 : i32
          %dma_wait3A_200 = tpu.memref_slice %arg14[%dma_wait3A_198, %dma_wait3A_199] : memref<10240x128xf32, #tpu.memory_space<vmem_shared>> -> memref<10240x128xf32, #tpu.memory_space<vmem_shared>>
          tpu.wait_indirect_dma semaphore(%run_scoped3A_180 : memref<!tpu.dma_semaphore, #tpu.memory_space<semaphore_mem>>) src(%dma_wait3A_194 : memref<128x128xf32, #tpu.memory_space<vmem>>) dst(%dma_wait3A_200 : memref<10240x128xf32, #tpu.memory_space<vmem_shared>>)
          tpu.yield
        }) : () -> ()
        %add3A_173 = arith.constant 2 : i32
        %add3A_174 = arith.addi %add3A_160, %add3A_173 : i32
        %lt3A_175 = arith.constant 24 : i32
        %lt3A_176 = arith.cmpi slt, %add3A_174, %lt3A_175 : i32
        %convert_element_type3A_177 = arith.extui %lt3A_176 : i1 to i32
        %cond3A_178 = arith.constant 0 : i32
        %cond3A_179 = arith.cmpi ne, %convert_element_type3A_177, %cond3A_178 : i32
        scf.if %cond3A_179 {
          %add3A_180 = arith.constant 2 : i32
          %add3A_181 = arith.addi %add3A_160, %add3A_180 : i32
          %dma_start3A_182 = arith.constant 1 : i32
          %dma_start3A_183 = arith.constant 0 : i32
          %dma_start3A_184 = arith.constant 0 : i32
          %dma_start3A_185 = tpu.memref_slice %arg12[%dma_start3A_182, %dma_start3A_183, %dma_start3A_184] : memref<2x128x128xf32, #tpu.memory_space<vmem>> -> memref<1x128x128xf32, #tpu.memory_space<vmem>>
          %dma_start3A_186 = tpu.memref_squeeze %dma_start3A_185 : memref<1x128x128xf32, #tpu.memory_space<vmem>> -> memref<128x128xf32, #tpu.memory_space<vmem>>
          %dma_start3A_187 = arith.constant 0 : i32
          %dma_start3A_188 = tpu.memref_slice %arg10[%add3A_181, %dma_start3A_187] : memref<24x128xi32, #tpu.memory_space<vmem>> -> memref<1x128xi32, #tpu.memory_space<vmem>>
          %dma_start3A_189 = tpu.memref_squeeze %dma_start3A_188 : memref<1x128xi32, #tpu.memory_space<vmem>> -> memref<128xi32, #tpu.memory_space<vmem>>
          %dma_start3A_190 = arith.constant 0 : i32
          %dma_start3A_191 = arith.constant 0 : i32
          %dma_start3A_192 = tpu.memref_slice %arg4[%dma_start3A_190, %dma_start3A_191] : memref<10240x128xf32, #tpu.memory_space<hbm>> -> memref<10240x128xf32, #tpu.memory_space<hbm>>
          tpu.enqueue_indirect_dma source(%dma_start3A_192 : memref<10240x128xf32, #tpu.memory_space<hbm>>) target(%dma_start3A_186 : memref<128x128xf32, #tpu.memory_space<vmem>>) offsets(%dma_start3A_189 : memref<128xi32, #tpu.memory_space<vmem>>) semaphore(%arg18 : memref<!tpu.dma_semaphore, #tpu.memory_space<semaphore_mem>>)
        } else {
        }
      }
      %scan3A_116 = arith.constant 12 : i32
      "tpu.trace_stop"() : () -> ()
      "tpu.trace_start"() <{level = 10 : i32, message = "c_part"}> : () -> ()
      %scan3A_117 = arith.constant 0 : i32
      %scan3A_118 = arith.constant 0 : i32
      %scan3A_119 = arith.constant 24 : i32
      %scan3A_120 = arith.addi %scan3A_118, %scan3A_119 : i32
      %scan3A_121 = arith.constant 1 : i32
      scf.for %scan3A_135 = %scan3A_118 to %scan3A_120 step %scan3A_121  : i32 {
        %dma_wait3A = arith.constant 0 : i32
        %dma_wait3A_136 = tpu.memref_slice %arg13[%scan3A_135, %dma_wait3A] : memref<24x128xf32, #tpu.memory_space<vmem>> -> memref<1x128xf32, #tpu.memory_space<vmem>>
        %dma_wait3A_137 = tpu.memref_squeeze %dma_wait3A_136 : memref<1x128xf32, #tpu.memory_space<vmem>> -> memref<128xf32, #tpu.memory_space<vmem>>
        %dma_wait3A_138 = arith.constant 0 : i32
        %dma_wait3A_139 = tpu.memref_slice %arg11[%scan3A_135, %dma_wait3A_138] : memref<24x128xi32, #tpu.memory_space<vmem>> -> memref<1x128xi32, #tpu.memory_space<vmem>>
        %dma_wait3A_140 = tpu.memref_squeeze %dma_wait3A_139 : memref<1x128xi32, #tpu.memory_space<vmem>> -> memref<128xi32, #tpu.memory_space<vmem>>
        %dma_wait3A_141 = arith.constant 0 : i32
        %dma_wait3A_142 = tpu.memref_slice %arg16[%dma_wait3A_141] : memref<10240xf32, #tpu.memory_space<vmem_shared>> -> memref<10240xf32, #tpu.memory_space<vmem_shared>>
        tpu.wait_indirect_dma semaphore(%arg19 : memref<!tpu.dma_semaphore, #tpu.memory_space<semaphore_mem>>) src(%dma_wait3A_142 : memref<10240xf32, #tpu.memory_space<vmem_shared>>) dst(%dma_wait3A_137 : memref<128xf32, #tpu.memory_space<vmem>>)
      }
      %scan3A_122 = arith.constant 24 : i32
      %scan3A_123 = arith.constant 0 : i32
      %scan3A_124 = arith.constant 0 : i32
      %scan3A_125 = arith.constant 24 : i32
      %scan3A_126 = arith.addi %scan3A_124, %scan3A_125 : i32
      %scan3A_127 = arith.constant 1 : i32
      scf.for %scan3A_135 = %scan3A_124 to %scan3A_126 step %scan3A_127  : i32 {
        %dma_start3A_136 = arith.constant 0 : i32
        %dma_start3A_137 = tpu.memref_slice %arg13[%scan3A_135, %dma_start3A_136] : memref<24x128xf32, #tpu.memory_space<vmem>> -> memref<1x128xf32, #tpu.memory_space<vmem>>
        %dma_start3A_138 = tpu.memref_squeeze %dma_start3A_137 : memref<1x128xf32, #tpu.memory_space<vmem>> -> memref<128xf32, #tpu.memory_space<vmem>>
        %dma_start3A_139 = arith.constant 0 : i32
        %dma_start3A_140 = tpu.memref_slice %arg10[%scan3A_135, %dma_start3A_139] : memref<24x128xi32, #tpu.memory_space<vmem>> -> memref<1x128xi32, #tpu.memory_space<vmem>>
        %dma_start3A_141 = tpu.memref_squeeze %dma_start3A_140 : memref<1x128xi32, #tpu.memory_space<vmem>> -> memref<128xi32, #tpu.memory_space<vmem>>
        %dma_start3A_142 = arith.constant 0 : i32
        %dma_start3A_143 = tpu.memref_slice %arg15[%dma_start3A_142] : memref<10240xf32, #tpu.memory_space<vmem_shared>> -> memref<10240xf32, #tpu.memory_space<vmem_shared>>
        tpu.enqueue_indirect_dma source(%dma_start3A_138 : memref<128xf32, #tpu.memory_space<vmem>>) target(%dma_start3A_143 : memref<10240xf32, #tpu.memory_space<vmem_shared>>) offsets(%dma_start3A_141 : memref<128xi32, #tpu.memory_space<vmem>>) semaphore(%arg20 : memref<!tpu.dma_semaphore, #tpu.memory_space<semaphore_mem>>) {add = true}
      }
      %scan3A_128 = arith.constant 24 : i32
      %scan3A_129 = arith.constant 0 : i32
      %scan3A_130 = arith.constant 0 : i32
      %scan3A_131 = arith.constant 24 : i32
      %scan3A_132 = arith.addi %scan3A_130, %scan3A_131 : i32
      %scan3A_133 = arith.constant 1 : i32
      scf.for %scan3A_135 = %scan3A_130 to %scan3A_132 step %scan3A_133  : i32 {
        %dma_wait3A = arith.constant 0 : i32
        %dma_wait3A_136 = tpu.memref_slice %arg13[%scan3A_135, %dma_wait3A] : memref<24x128xf32, #tpu.memory_space<vmem>> -> memref<1x128xf32, #tpu.memory_space<vmem>>
        %dma_wait3A_137 = tpu.memref_squeeze %dma_wait3A_136 : memref<1x128xf32, #tpu.memory_space<vmem>> -> memref<128xf32, #tpu.memory_space<vmem>>
        %dma_wait3A_138 = arith.constant 0 : i32
        %dma_wait3A_139 = tpu.memref_slice %arg10[%scan3A_135, %dma_wait3A_138] : memref<24x128xi32, #tpu.memory_space<vmem>> -> memref<1x128xi32, #tpu.memory_space<vmem>>
        %dma_wait3A_140 = tpu.memref_squeeze %dma_wait3A_139 : memref<1x128xi32, #tpu.memory_space<vmem>> -> memref<128xi32, #tpu.memory_space<vmem>>
        %dma_wait3A_141 = arith.constant 0 : i32
        %dma_wait3A_142 = tpu.memref_slice %arg15[%dma_wait3A_141] : memref<10240xf32, #tpu.memory_space<vmem_shared>> -> memref<10240xf32, #tpu.memory_space<vmem_shared>>
        tpu.wait_indirect_dma semaphore(%arg20 : memref<!tpu.dma_semaphore, #tpu.memory_space<semaphore_mem>>) src(%dma_wait3A_137 : memref<128xf32, #tpu.memory_space<vmem>>) dst(%dma_wait3A_142 : memref<10240xf32, #tpu.memory_space<vmem_shared>>)
      }
      %scan3A_134 = arith.constant 24 : i32
      "tpu.trace_stop"() : () -> ()
    } else {
    }
    %barrier3A_69 = arith.constant 0 : index
    tpu.barrier barrier_id(%barrier3A_69)
    "tpu.trace_start"() <{level = 10 : i32, message = "agg_writeback"}> : () -> ()
    %mul3A_70 = arith.constant 640 : i32
    %mul3A_71 = arith.muli %arg1, %mul3A_70 : i32
    %mul3A_72 = arith.constant 640 : i32
    %mul3A_73 = arith.muli %arg1, %mul3A_72 : i32
    "tpu.region"() ({
      %run_scoped3A_78 = tpu.sem_alloc : memref<!tpu.dma_semaphore, #tpu.memory_space<semaphore_mem>>
      %dma_start3A = arith.constant 0 : i32
      %dma_start3A_79 = tpu.memref_slice %arg8[%arg0, %mul3A_73, %dma_start3A] : memref<2x10240x128xf32, #tpu.memory_space<hbm>> -> memref<1x640x128xf32, #tpu.memory_space<hbm>>
      %dma_start3A_80 = tpu.memref_squeeze %dma_start3A_79 : memref<1x640x128xf32, #tpu.memory_space<hbm>> -> memref<640x128xf32, #tpu.memory_space<hbm>>
      %dma_start3A_81 = arith.constant 0 : i32
      %dma_start3A_82 = tpu.memref_slice %arg14[%mul3A_71, %dma_start3A_81] : memref<10240x128xf32, #tpu.memory_space<vmem_shared>> -> memref<640x128xf32, #tpu.memory_space<vmem_shared>>
      tpu.enqueue_dma source(%dma_start3A_82 : memref<640x128xf32, #tpu.memory_space<vmem_shared>>) target(%dma_start3A_80 : memref<640x128xf32, #tpu.memory_space<hbm>>) target_semaphore(%run_scoped3A_78 : memref<!tpu.dma_semaphore, #tpu.memory_space<semaphore_mem>>)
      %dma_wait3A = arith.constant 0 : i32
      %dma_wait3A_83 = tpu.memref_slice %arg8[%arg0, %mul3A_73, %dma_wait3A] : memref<2x10240x128xf32, #tpu.memory_space<hbm>> -> memref<1x640x128xf32, #tpu.memory_space<hbm>>
      %dma_wait3A_84 = tpu.memref_squeeze %dma_wait3A_83 : memref<1x640x128xf32, #tpu.memory_space<hbm>> -> memref<640x128xf32, #tpu.memory_space<hbm>>
      %dma_wait3A_85 = arith.constant 0 : i32
      %dma_wait3A_86 = tpu.memref_slice %arg14[%mul3A_71, %dma_wait3A_85] : memref<10240x128xf32, #tpu.memory_space<vmem_shared>> -> memref<640x128xf32, #tpu.memory_space<vmem_shared>>
      tpu.wait_dma2 semaphore(%run_scoped3A_78 : memref<!tpu.dma_semaphore, #tpu.memory_space<semaphore_mem>>) src(%dma_wait3A_86 : memref<640x128xf32, #tpu.memory_space<vmem_shared>>) dst(%dma_wait3A_84 : memref<640x128xf32, #tpu.memory_space<hbm>>)
      tpu.yield
    }) : () -> ()
    "tpu.trace_stop"() : () -> ()
    %mul3A_74 = arith.constant 640 : i32
    %mul3A_75 = arith.muli %arg1, %mul3A_74 : i32
    %mul3A_76 = arith.constant 640 : i32
    %mul3A_77 = arith.muli %arg1, %mul3A_76 : i32
    "tpu.region"() ({
      %run_scoped3A_78 = tpu.sem_alloc : memref<!tpu.dma_semaphore, #tpu.memory_space<semaphore_mem>>
      %dma_start3A = tpu.memref_slice %arg9[%arg0, %mul3A_77] : memref<2x10240xf32, #tpu.memory_space<hbm>> -> memref<1x640xf32, #tpu.memory_space<hbm>>
      %dma_start3A_79 = tpu.memref_squeeze %dma_start3A : memref<1x640xf32, #tpu.memory_space<hbm>> -> memref<640xf32, #tpu.memory_space<hbm>>
      %dma_start3A_80 = tpu.memref_slice %arg15[%mul3A_75] : memref<10240xf32, #tpu.memory_space<vmem_shared>> -> memref<640xf32, #tpu.memory_space<vmem_shared>>
      tpu.enqueue_dma source(%dma_start3A_80 : memref<640xf32, #tpu.memory_space<vmem_shared>>) target(%dma_start3A_79 : memref<640xf32, #tpu.memory_space<hbm>>) target_semaphore(%run_scoped3A_78 : memref<!tpu.dma_semaphore, #tpu.memory_space<semaphore_mem>>)
      %dma_wait3A = tpu.memref_slice %arg9[%arg0, %mul3A_77] : memref<2x10240xf32, #tpu.memory_space<hbm>> -> memref<1x640xf32, #tpu.memory_space<hbm>>
      %dma_wait3A_81 = tpu.memref_squeeze %dma_wait3A : memref<1x640xf32, #tpu.memory_space<hbm>> -> memref<640xf32, #tpu.memory_space<hbm>>
      %dma_wait3A_82 = tpu.memref_slice %arg15[%mul3A_75] : memref<10240xf32, #tpu.memory_space<vmem_shared>> -> memref<640xf32, #tpu.memory_space<vmem_shared>>
      tpu.wait_dma2 semaphore(%run_scoped3A_78 : memref<!tpu.dma_semaphore, #tpu.memory_space<semaphore_mem>>) src(%dma_wait3A_82 : memref<640xf32, #tpu.memory_space<vmem_shared>>) dst(%dma_wait3A_81 : memref<640xf32, #tpu.memory_space<hbm>>)
      tpu.yield
    }) : () -> ()
    return
  }
}

#map = affine_map<(d0, d1) -> (0, 0)>
#map1 = affine_map<(d0, d1) -> (0)>
module attributes {stable_mosaic.version = 14 : i64} {
  func.func @hist(%arg0: i32, %arg1: i32, %arg2: memref<2560x128xi32, #tpu.memory_space<hbm>>, %arg3: memref<2560x128xi32, #tpu.memory_space<hbm>>, %arg4: memref<128xf32, #tpu.memory_space<hbm>>, %arg5: memref<640xf32, #tpu.memory_space<hbm>>, %arg6: memref<2x10240xf32, #tpu.memory_space<hbm>>, %arg7: memref<2x10240xf32, #tpu.memory_space<hbm>>, %arg8: memref<80x128xi32, #tpu.memory_space<vmem>>, %arg9: memref<80x128xi32, #tpu.memory_space<vmem>>, %arg10: memref<128xf32, #tpu.memory_space<vmem>>, %arg11: memref<10240xf32, #tpu.memory_space<vmem_shared>>, %arg12: memref<10240xf32, #tpu.memory_space<vmem_shared>>) attributes {dimension_semantics = [#tpu.dimension_semantics<core_parallel>, #tpu.dimension_semantics<subcore_parallel>], iteration_bounds = array<i64: 2, 16>, scalar_prefetch = 0 : i64, scratch_operands = 5 : i64, tpu.core_type = #tpu.core_type<sc_vector_subcore>, window_params = [{transform_indices = #map}, {transform_indices = #map}, {transform_indices = #map1}, {transform_indices = #map1}, {transform_indices = #map}, {transform_indices = #map}]} {
    %mul3A = arith.constant 2 : i32
    %mul3A_0 = arith.muli %arg1, %mul3A : i32
    %add3A = arith.addi %mul3A_0, %arg0 : i32
    %mul3A_1 = arith.constant 640 : i32
    %mul3A_2 = arith.muli %arg1, %mul3A_1 : i32
    "tpu.region"() ({
      %run_scoped3A = tpu.sem_alloc : memref<!tpu.dma_semaphore, #tpu.memory_space<semaphore_mem>>
      %dma_start3A = tpu.memref_slice %arg11[%mul3A_2] : memref<10240xf32, #tpu.memory_space<vmem_shared>> -> memref<640xf32, #tpu.memory_space<vmem_shared>>
      tpu.enqueue_dma source(%arg5 : memref<640xf32, #tpu.memory_space<hbm>>) target(%dma_start3A : memref<640xf32, #tpu.memory_space<vmem_shared>>) target_semaphore(%run_scoped3A : memref<!tpu.dma_semaphore, #tpu.memory_space<semaphore_mem>>)
      %dma_wait3A = tpu.memref_slice %arg11[%mul3A_2] : memref<10240xf32, #tpu.memory_space<vmem_shared>> -> memref<640xf32, #tpu.memory_space<vmem_shared>>
      tpu.wait_dma2 semaphore(%run_scoped3A : memref<!tpu.dma_semaphore, #tpu.memory_space<semaphore_mem>>) src(%arg5 : memref<640xf32, #tpu.memory_space<hbm>>) dst(%dma_wait3A : memref<640xf32, #tpu.memory_space<vmem_shared>>)
      tpu.yield
    }) : () -> ()
    %mul3A_3 = arith.constant 640 : i32
    %mul3A_4 = arith.muli %arg1, %mul3A_3 : i32
    "tpu.region"() ({
      %run_scoped3A = tpu.sem_alloc : memref<!tpu.dma_semaphore, #tpu.memory_space<semaphore_mem>>
      %dma_start3A = tpu.memref_slice %arg12[%mul3A_4] : memref<10240xf32, #tpu.memory_space<vmem_shared>> -> memref<640xf32, #tpu.memory_space<vmem_shared>>
      tpu.enqueue_dma source(%arg5 : memref<640xf32, #tpu.memory_space<hbm>>) target(%dma_start3A : memref<640xf32, #tpu.memory_space<vmem_shared>>) target_semaphore(%run_scoped3A : memref<!tpu.dma_semaphore, #tpu.memory_space<semaphore_mem>>)
      %dma_wait3A = tpu.memref_slice %arg12[%mul3A_4] : memref<10240xf32, #tpu.memory_space<vmem_shared>> -> memref<640xf32, #tpu.memory_space<vmem_shared>>
      tpu.wait_dma2 semaphore(%run_scoped3A : memref<!tpu.dma_semaphore, #tpu.memory_space<semaphore_mem>>) src(%arg5 : memref<640xf32, #tpu.memory_space<hbm>>) dst(%dma_wait3A : memref<640xf32, #tpu.memory_space<vmem_shared>>)
      tpu.yield
    }) : () -> ()
    "tpu.region"() ({
      %run_scoped3A = tpu.sem_alloc : memref<!tpu.dma_semaphore, #tpu.memory_space<semaphore_mem>>
      tpu.enqueue_dma source(%arg4 : memref<128xf32, #tpu.memory_space<hbm>>) target(%arg10 : memref<128xf32, #tpu.memory_space<vmem>>) target_semaphore(%run_scoped3A : memref<!tpu.dma_semaphore, #tpu.memory_space<semaphore_mem>>)
      tpu.wait_dma2 semaphore(%run_scoped3A : memref<!tpu.dma_semaphore, #tpu.memory_space<semaphore_mem>>) src(%arg4 : memref<128xf32, #tpu.memory_space<hbm>>) dst(%arg10 : memref<128xf32, #tpu.memory_space<vmem>>)
      tpu.yield
    }) : () -> ()
    %mul3A_5 = arith.constant 80 : i32
    %mul3A_6 = arith.muli %add3A, %mul3A_5 : i32
    "tpu.region"() ({
      %run_scoped3A = tpu.sem_alloc : memref<!tpu.dma_semaphore, #tpu.memory_space<semaphore_mem>>
      %dma_start3A = arith.constant 0 : i32
      %dma_start3A_23 = tpu.memref_slice %arg2[%mul3A_6, %dma_start3A] : memref<2560x128xi32, #tpu.memory_space<hbm>> -> memref<80x128xi32, #tpu.memory_space<hbm>>
      %dma_start3A_24 = arith.constant 0 : i32
      %dma_start3A_25 = tpu.memref_slice %arg2[%mul3A_6, %dma_start3A_24] : memref<2560x128xi32, #tpu.memory_space<hbm>> -> memref<80x128xi32, #tpu.memory_space<hbm>>
      tpu.enqueue_dma source(%dma_start3A_25 : memref<80x128xi32, #tpu.memory_space<hbm>>) target(%arg8 : memref<80x128xi32, #tpu.memory_space<vmem>>) target_semaphore(%run_scoped3A : memref<!tpu.dma_semaphore, #tpu.memory_space<semaphore_mem>>)
      %dma_wait3A = arith.constant 0 : i32
      %dma_wait3A_26 = tpu.memref_slice %arg2[%mul3A_6, %dma_wait3A] : memref<2560x128xi32, #tpu.memory_space<hbm>> -> memref<80x128xi32, #tpu.memory_space<hbm>>
      %dma_wait3A_27 = arith.constant 0 : i32
      %dma_wait3A_28 = tpu.memref_slice %arg2[%mul3A_6, %dma_wait3A_27] : memref<2560x128xi32, #tpu.memory_space<hbm>> -> memref<80x128xi32, #tpu.memory_space<hbm>>
      tpu.wait_dma2 semaphore(%run_scoped3A : memref<!tpu.dma_semaphore, #tpu.memory_space<semaphore_mem>>) src(%dma_wait3A_28 : memref<80x128xi32, #tpu.memory_space<hbm>>) dst(%arg8 : memref<80x128xi32, #tpu.memory_space<vmem>>)
      tpu.yield
    }) : () -> ()
    %mul3A_7 = arith.constant 80 : i32
    %mul3A_8 = arith.muli %add3A, %mul3A_7 : i32
    "tpu.region"() ({
      %run_scoped3A = tpu.sem_alloc : memref<!tpu.dma_semaphore, #tpu.memory_space<semaphore_mem>>
      %dma_start3A = arith.constant 0 : i32
      %dma_start3A_23 = tpu.memref_slice %arg3[%mul3A_8, %dma_start3A] : memref<2560x128xi32, #tpu.memory_space<hbm>> -> memref<80x128xi32, #tpu.memory_space<hbm>>
      %dma_start3A_24 = arith.constant 0 : i32
      %dma_start3A_25 = tpu.memref_slice %arg3[%mul3A_8, %dma_start3A_24] : memref<2560x128xi32, #tpu.memory_space<hbm>> -> memref<80x128xi32, #tpu.memory_space<hbm>>
      tpu.enqueue_dma source(%dma_start3A_25 : memref<80x128xi32, #tpu.memory_space<hbm>>) target(%arg9 : memref<80x128xi32, #tpu.memory_space<vmem>>) target_semaphore(%run_scoped3A : memref<!tpu.dma_semaphore, #tpu.memory_space<semaphore_mem>>)
      %dma_wait3A = arith.constant 0 : i32
      %dma_wait3A_26 = tpu.memref_slice %arg3[%mul3A_8, %dma_wait3A] : memref<2560x128xi32, #tpu.memory_space<hbm>> -> memref<80x128xi32, #tpu.memory_space<hbm>>
      %dma_wait3A_27 = arith.constant 0 : i32
      %dma_wait3A_28 = tpu.memref_slice %arg3[%mul3A_8, %dma_wait3A_27] : memref<2560x128xi32, #tpu.memory_space<hbm>> -> memref<80x128xi32, #tpu.memory_space<hbm>>
      tpu.wait_dma2 semaphore(%run_scoped3A : memref<!tpu.dma_semaphore, #tpu.memory_space<semaphore_mem>>) src(%dma_wait3A_28 : memref<80x128xi32, #tpu.memory_space<hbm>>) dst(%arg9 : memref<80x128xi32, #tpu.memory_space<vmem>>)
      tpu.yield
    }) : () -> ()
    %barrier3A = arith.constant 0 : index
    tpu.barrier barrier_id(%barrier3A)
    %scan3A = arith.constant 0 : i32
    %scan3A_9 = arith.constant 0 : i32
    %scan3A_10 = arith.constant 80 : i32
    %scan3A_11 = arith.addi %scan3A_9, %scan3A_10 : i32
    %scan3A_12 = arith.constant 1 : i32
    scf.for %scan3A_23 = %scan3A_9 to %scan3A_11 step %scan3A_12  : i32 {
      "tpu.region"() ({
        %run_scoped3A = tpu.sem_alloc : memref<!tpu.dma_semaphore, #tpu.memory_space<semaphore_mem>>
        %dma_start3A = arith.constant 0 : i32
        %dma_start3A_24 = tpu.memref_slice %arg8[%scan3A_23, %dma_start3A] : memref<80x128xi32, #tpu.memory_space<vmem>> -> memref<1x128xi32, #tpu.memory_space<vmem>>
        %dma_start3A_25 = tpu.memref_squeeze %dma_start3A_24 : memref<1x128xi32, #tpu.memory_space<vmem>> -> memref<128xi32, #tpu.memory_space<vmem>>
        %dma_start3A_26 = arith.constant 0 : i32
        %dma_start3A_27 = tpu.memref_slice %arg11[%dma_start3A_26] : memref<10240xf32, #tpu.memory_space<vmem_shared>> -> memref<10240xf32, #tpu.memory_space<vmem_shared>>
        tpu.enqueue_indirect_dma source(%arg10 : memref<128xf32, #tpu.memory_space<vmem>>) target(%dma_start3A_27 : memref<10240xf32, #tpu.memory_space<vmem_shared>>) offsets(%dma_start3A_25 : memref<128xi32, #tpu.memory_space<vmem>>) semaphore(%run_scoped3A : memref<!tpu.dma_semaphore, #tpu.memory_space<semaphore_mem>>) {add = true}
        %dma_wait3A = arith.constant 0 : i32
        %dma_wait3A_28 = tpu.memref_slice %arg8[%scan3A_23, %dma_wait3A] : memref<80x128xi32, #tpu.memory_space<vmem>> -> memref<1x128xi32, #tpu.memory_space<vmem>>
        %dma_wait3A_29 = tpu.memref_squeeze %dma_wait3A_28 : memref<1x128xi32, #tpu.memory_space<vmem>> -> memref<128xi32, #tpu.memory_space<vmem>>
        %dma_wait3A_30 = arith.constant 0 : i32
        %dma_wait3A_31 = tpu.memref_slice %arg11[%dma_wait3A_30] : memref<10240xf32, #tpu.memory_space<vmem_shared>> -> memref<10240xf32, #tpu.memory_space<vmem_shared>>
        tpu.wait_indirect_dma semaphore(%run_scoped3A : memref<!tpu.dma_semaphore, #tpu.memory_space<semaphore_mem>>) src(%arg10 : memref<128xf32, #tpu.memory_space<vmem>>) dst(%dma_wait3A_31 : memref<10240xf32, #tpu.memory_space<vmem_shared>>)
        tpu.yield
      }) : () -> ()
      "tpu.region"() ({
        %run_scoped3A = tpu.sem_alloc : memref<!tpu.dma_semaphore, #tpu.memory_space<semaphore_mem>>
        %dma_start3A = arith.constant 0 : i32
        %dma_start3A_24 = tpu.memref_slice %arg9[%scan3A_23, %dma_start3A] : memref<80x128xi32, #tpu.memory_space<vmem>> -> memref<1x128xi32, #tpu.memory_space<vmem>>
        %dma_start3A_25 = tpu.memref_squeeze %dma_start3A_24 : memref<1x128xi32, #tpu.memory_space<vmem>> -> memref<128xi32, #tpu.memory_space<vmem>>
        %dma_start3A_26 = arith.constant 0 : i32
        %dma_start3A_27 = tpu.memref_slice %arg12[%dma_start3A_26] : memref<10240xf32, #tpu.memory_space<vmem_shared>> -> memref<10240xf32, #tpu.memory_space<vmem_shared>>
        tpu.enqueue_indirect_dma source(%arg10 : memref<128xf32, #tpu.memory_space<vmem>>) target(%dma_start3A_27 : memref<10240xf32, #tpu.memory_space<vmem_shared>>) offsets(%dma_start3A_25 : memref<128xi32, #tpu.memory_space<vmem>>) semaphore(%run_scoped3A : memref<!tpu.dma_semaphore, #tpu.memory_space<semaphore_mem>>) {add = true}
        %dma_wait3A = arith.constant 0 : i32
        %dma_wait3A_28 = tpu.memref_slice %arg9[%scan3A_23, %dma_wait3A] : memref<80x128xi32, #tpu.memory_space<vmem>> -> memref<1x128xi32, #tpu.memory_space<vmem>>
        %dma_wait3A_29 = tpu.memref_squeeze %dma_wait3A_28 : memref<1x128xi32, #tpu.memory_space<vmem>> -> memref<128xi32, #tpu.memory_space<vmem>>
        %dma_wait3A_30 = arith.constant 0 : i32
        %dma_wait3A_31 = tpu.memref_slice %arg12[%dma_wait3A_30] : memref<10240xf32, #tpu.memory_space<vmem_shared>> -> memref<10240xf32, #tpu.memory_space<vmem_shared>>
        tpu.wait_indirect_dma semaphore(%run_scoped3A : memref<!tpu.dma_semaphore, #tpu.memory_space<semaphore_mem>>) src(%arg10 : memref<128xf32, #tpu.memory_space<vmem>>) dst(%dma_wait3A_31 : memref<10240xf32, #tpu.memory_space<vmem_shared>>)
        tpu.yield
      }) : () -> ()
    }
    %scan3A_13 = arith.constant 80 : i32
    %barrier3A_14 = arith.constant 0 : index
    tpu.barrier barrier_id(%barrier3A_14)
    %mul3A_15 = arith.constant 640 : i32
    %mul3A_16 = arith.muli %arg1, %mul3A_15 : i32
    %mul3A_17 = arith.constant 640 : i32
    %mul3A_18 = arith.muli %arg1, %mul3A_17 : i32
    "tpu.region"() ({
      %run_scoped3A = tpu.sem_alloc : memref<!tpu.dma_semaphore, #tpu.memory_space<semaphore_mem>>
      %dma_start3A = tpu.memref_slice %arg6[%arg0, %mul3A_18] : memref<2x10240xf32, #tpu.memory_space<hbm>> -> memref<1x640xf32, #tpu.memory_space<hbm>>
      %dma_start3A_23 = tpu.memref_squeeze %dma_start3A : memref<1x640xf32, #tpu.memory_space<hbm>> -> memref<640xf32, #tpu.memory_space<hbm>>
      %dma_start3A_24 = tpu.memref_slice %arg11[%mul3A_16] : memref<10240xf32, #tpu.memory_space<vmem_shared>> -> memref<640xf32, #tpu.memory_space<vmem_shared>>
      tpu.enqueue_dma source(%dma_start3A_24 : memref<640xf32, #tpu.memory_space<vmem_shared>>) target(%dma_start3A_23 : memref<640xf32, #tpu.memory_space<hbm>>) target_semaphore(%run_scoped3A : memref<!tpu.dma_semaphore, #tpu.memory_space<semaphore_mem>>)
      %dma_wait3A = tpu.memref_slice %arg6[%arg0, %mul3A_18] : memref<2x10240xf32, #tpu.memory_space<hbm>> -> memref<1x640xf32, #tpu.memory_space<hbm>>
      %dma_wait3A_25 = tpu.memref_squeeze %dma_wait3A : memref<1x640xf32, #tpu.memory_space<hbm>> -> memref<640xf32, #tpu.memory_space<hbm>>
      %dma_wait3A_26 = tpu.memref_slice %arg11[%mul3A_16] : memref<10240xf32, #tpu.memory_space<vmem_shared>> -> memref<640xf32, #tpu.memory_space<vmem_shared>>
      tpu.wait_dma2 semaphore(%run_scoped3A : memref<!tpu.dma_semaphore, #tpu.memory_space<semaphore_mem>>) src(%dma_wait3A_26 : memref<640xf32, #tpu.memory_space<vmem_shared>>) dst(%dma_wait3A_25 : memref<640xf32, #tpu.memory_space<hbm>>)
      tpu.yield
    }) : () -> ()
    %mul3A_19 = arith.constant 640 : i32
    %mul3A_20 = arith.muli %arg1, %mul3A_19 : i32
    %mul3A_21 = arith.constant 640 : i32
    %mul3A_22 = arith.muli %arg1, %mul3A_21 : i32
    "tpu.region"() ({
      %run_scoped3A = tpu.sem_alloc : memref<!tpu.dma_semaphore, #tpu.memory_space<semaphore_mem>>
      %dma_start3A = tpu.memref_slice %arg7[%arg0, %mul3A_22] : memref<2x10240xf32, #tpu.memory_space<hbm>> -> memref<1x640xf32, #tpu.memory_space<hbm>>
      %dma_start3A_23 = tpu.memref_squeeze %dma_start3A : memref<1x640xf32, #tpu.memory_space<hbm>> -> memref<640xf32, #tpu.memory_space<hbm>>
      %dma_start3A_24 = tpu.memref_slice %arg12[%mul3A_20] : memref<10240xf32, #tpu.memory_space<vmem_shared>> -> memref<640xf32, #tpu.memory_space<vmem_shared>>
      tpu.enqueue_dma source(%dma_start3A_24 : memref<640xf32, #tpu.memory_space<vmem_shared>>) target(%dma_start3A_23 : memref<640xf32, #tpu.memory_space<hbm>>) target_semaphore(%run_scoped3A : memref<!tpu.dma_semaphore, #tpu.memory_space<semaphore_mem>>)
      %dma_wait3A = tpu.memref_slice %arg7[%arg0, %mul3A_22] : memref<2x10240xf32, #tpu.memory_space<hbm>> -> memref<1x640xf32, #tpu.memory_space<hbm>>
      %dma_wait3A_25 = tpu.memref_squeeze %dma_wait3A : memref<1x640xf32, #tpu.memory_space<hbm>> -> memref<640xf32, #tpu.memory_space<hbm>>
      %dma_wait3A_26 = tpu.memref_slice %arg12[%mul3A_20] : memref<10240xf32, #tpu.memory_space<vmem_shared>> -> memref<640xf32, #tpu.memory_space<vmem_shared>>
      tpu.wait_dma2 semaphore(%run_scoped3A : memref<!tpu.dma_semaphore, #tpu.memory_space<semaphore_mem>>) src(%dma_wait3A_26 : memref<640xf32, #tpu.memory_space<vmem_shared>>) dst(%dma_wait3A_25 : memref<640xf32, #tpu.memory_space<hbm>>)
      tpu.yield
    }) : () -> ()
    return
  }
}

module attributes {stable_mosaic.version = 14 : i64} {
  func.func @body(%arg0: i32, %arg1: memref<2x1024xf32, #tpu.memory_space<vmem>>, %arg2: memref<2x1024xf32, #tpu.memory_space<vmem>>, %arg3: memref<1024x128xf32, #tpu.memory_space<vmem>>, %arg4: memref<128x128xf32, #tpu.memory_space<vmem>>, %arg5: memref<1024x128xf32, #tpu.memory_space<vmem>>, %arg6: memref<1024x128xf32, #tpu.memory_space<vmem>>, %arg7: memref<1x1024xf32, #tpu.memory_space<vmem>>, %arg8: memref<1x1024xf32, #tpu.memory_space<vmem>>) attributes {dimension_semantics = [#tpu.dimension_semantics<arbitrary>], iteration_bounds = array<i64: 10>, scalar_prefetch = 0 : i64, scratch_operands = 0 : i64, tpu.core_type = #tpu.core_type<tc>, window_params = [{transform_indices = @transform_0, window_bounds = array<i64: 2, 1024>}, {transform_indices = @transform_1, window_bounds = array<i64: 2, 1024>}, {transform_indices = @transform_2, window_bounds = array<i64: 1024, 128>}, {pipeline_mode = #tpu.pipeline_mode<synchronous>, transform_indices = @transform_3, window_bounds = array<i64: 128, 128>}, {transform_indices = @transform_4, window_bounds = array<i64: 1024, 128>}, {transform_indices = @transform_5, window_bounds = array<i64: 1024, 128>}, {transform_indices = @transform_6, window_bounds = array<i64: 1, 1024>}, {transform_indices = @transform_7, window_bounds = array<i64: 1, 1024>}]} {
    %get3A = arith.constant 0 : index
    %get3A_0 = arith.constant 0 : index
    %get3A_1 = vector.load %arg1[%get3A, %get3A_0] : memref<2x1024xf32, #tpu.memory_space<vmem>>, vector<1x1024xf32>
    %get3A_2 = vector.shape_cast %get3A_1 : vector<1x1024xf32> to vector<1024xf32>
    %get3A_3 = arith.constant 1 : index
    %get3A_4 = arith.constant 0 : index
    %get3A_5 = vector.load %arg1[%get3A_3, %get3A_4] : memref<2x1024xf32, #tpu.memory_space<vmem>>, vector<1x1024xf32>
    %get3A_6 = vector.shape_cast %get3A_5 : vector<1x1024xf32> to vector<1024xf32>
    %add3A = arith.addf %get3A_2, %get3A_6 : vector<1024xf32>
    %get3A_7 = arith.constant 0 : index
    %get3A_8 = arith.constant 0 : index
    %get3A_9 = vector.load %arg2[%get3A_7, %get3A_8] : memref<2x1024xf32, #tpu.memory_space<vmem>>, vector<1x1024xf32>
    %get3A_10 = vector.shape_cast %get3A_9 : vector<1x1024xf32> to vector<1024xf32>
    %get3A_11 = arith.constant 1 : index
    %get3A_12 = arith.constant 0 : index
    %get3A_13 = vector.load %arg2[%get3A_11, %get3A_12] : memref<2x1024xf32, #tpu.memory_space<vmem>>, vector<1x1024xf32>
    %get3A_14 = vector.shape_cast %get3A_13 : vector<1x1024xf32> to vector<1024xf32>
    %add3A_15 = arith.addf %get3A_10, %get3A_14 : vector<1024xf32>
    %gt3A = arith.constant 0.000000e+00 : f32
    %gt3A_16 = vector.broadcast %gt3A : f32 to vector<1024xf32>
    %gt3A_17 = arith.cmpf ogt, %add3A, %gt3A_16 : vector<1024xf32>
    %max3A = arith.constant 9.99999996E-13 : f32
    %max3A_18 = vector.broadcast %max3A : f32 to vector<1024xf32>
    %max3A_19 = arith.maximumf %add3A, %max3A_18 : vector<1024xf32>
    %rsqrt3A = math.rsqrt %max3A_19 : vector<1024xf32>
    %jit3A = arith.constant 0.000000e+00 : f32
    %broadcast_in_dim3A = vector.broadcast %jit3A : f32 to vector<1024xf32>
    %select_n3A = arith.select %gt3A_17, %rsqrt3A, %broadcast_in_dim3A : vector<1024xi1>, vector<1024xf32>
    %gt3A_20 = arith.constant 0.000000e+00 : f32
    %gt3A_21 = vector.broadcast %gt3A_20 : f32 to vector<1024xf32>
    %gt3A_22 = arith.cmpf ogt, %add3A_15, %gt3A_21 : vector<1024xf32>
    %max3A_23 = arith.constant 9.99999996E-13 : f32
    %max3A_24 = vector.broadcast %max3A_23 : f32 to vector<1024xf32>
    %max3A_25 = arith.maximumf %add3A_15, %max3A_24 : vector<1024xf32>
    %rsqrt3A_26 = math.rsqrt %max3A_25 : vector<1024xf32>
    %jit3A_27 = arith.constant 0.000000e+00 : f32
    %broadcast_in_dim3A_28 = vector.broadcast %jit3A_27 : f32 to vector<1024xf32>
    %select_n3A_29 = arith.select %gt3A_22, %rsqrt3A_26, %broadcast_in_dim3A_28 : vector<1024xi1>, vector<1024xf32>
    %swap3A = arith.constant 0 : index
    %swap3A_30 = arith.constant 0 : index
    %swap3A_31 = vector.load %arg7[%swap3A, %swap3A_30] : memref<1x1024xf32, #tpu.memory_space<vmem>>, vector<1x1024xf32>
    %swap3A_32 = vector.shape_cast %swap3A_31 : vector<1x1024xf32> to vector<1024xf32>
    %swap3A_33 = vector.shape_cast %select_n3A : vector<1024xf32> to vector<1x1024xf32>
    tpu.vector_store %arg7[%swap3A, %swap3A_30], %swap3A_33 {strides = array<i32>} : memref<1x1024xf32, #tpu.memory_space<vmem>>, vector<1x1024xf32>,
    %swap3A_34 = arith.constant 0 : index
    %swap3A_35 = arith.constant 0 : index
    %swap3A_36 = vector.load %arg8[%swap3A_34, %swap3A_35] : memref<1x1024xf32, #tpu.memory_space<vmem>>, vector<1x1024xf32>
    %swap3A_37 = vector.shape_cast %swap3A_36 : vector<1x1024xf32> to vector<1024xf32>
    %swap3A_38 = vector.shape_cast %select_n3A_29 : vector<1024xf32> to vector<1x1024xf32>
    tpu.vector_store %arg8[%swap3A_34, %swap3A_35], %swap3A_38 {strides = array<i32>} : memref<1x1024xf32, #tpu.memory_space<vmem>>, vector<1x1024xf32>,
    %get3A_39 = arith.constant 0 : index
    %get3A_40 = arith.constant 0 : index
    %get3A_41 = vector.load %arg3[%get3A_39, %get3A_40] : memref<1024x128xf32, #tpu.memory_space<vmem>>, vector<1024x128xf32>
    %get3A_42 = arith.constant 0 : index
    %get3A_43 = arith.constant 0 : index
    %get3A_44 = vector.load %arg4[%get3A_42, %get3A_43] : memref<128x128xf32, #tpu.memory_space<vmem>>, vector<128x128xf32>
    %dot_general3A = arith.constant dense<0.000000e+00> : vector<1024x128xf32>
    %dot_general3A_45 = tpu.matmul %get3A_41, %get3A_44, %dot_general3A {dimension_numbers = #tpu.dot_dimension_numbers<[1], [0], [0], [1], [0, 0, 1, 1], [], []>, transpose_lhs_hint = false} : vector<1024x128xf32>, vector<128x128xf32>, vector<1024x128xf32> -> vector<1024x128xf32>
    %broadcast_in_dim3A_46 = vector.shape_cast %select_n3A : vector<1024xf32> to vector<1024x1xf32>
    %mul3A = vector.broadcast %broadcast_in_dim3A_46 : vector<1024x1xf32> to vector<1024x128xf32>
    %mul3A_47 = arith.mulf %dot_general3A_45, %mul3A : vector<1024x128xf32>
    %swap3A_48 = arith.constant 0 : index
    %swap3A_49 = arith.constant 0 : index
    %swap3A_50 = vector.load %arg5[%swap3A_48, %swap3A_49] : memref<1024x128xf32, #tpu.memory_space<vmem>>, vector<1024x128xf32>
    tpu.vector_store %arg5[%swap3A_48, %swap3A_49], %mul3A_47 {strides = array<i32>} : memref<1024x128xf32, #tpu.memory_space<vmem>>, vector<1024x128xf32>,
    %swap3A_51 = arith.constant 0 : index
    %swap3A_52 = arith.constant 0 : index
    %swap3A_53 = vector.load %arg6[%swap3A_51, %swap3A_52] : memref<1024x128xf32, #tpu.memory_space<vmem>>, vector<1024x128xf32>
    tpu.vector_store %arg6[%swap3A_51, %swap3A_52], %mul3A_47 {strides = array<i32>} : memref<1024x128xf32, #tpu.memory_space<vmem>>, vector<1024x128xf32>,
    return
  }
  func.func @transform_0(%arg0: i32) -> (i32, i32) {
    %c0_i32 = arith.constant 0 : i32
    %c0_i32_0 = arith.constant 0 : i32
    return %c0_i32, %arg0 : i32, i32
  }
  func.func @transform_1(%arg0: i32) -> (i32, i32) {
    %c0_i32 = arith.constant 0 : i32
    %c0_i32_0 = arith.constant 0 : i32
    return %c0_i32, %arg0 : i32, i32
  }
  func.func @transform_2(%arg0: i32) -> (i32, i32) {
    %c0_i32 = arith.constant 0 : i32
    %c0_i32_0 = arith.constant 0 : i32
    return %arg0, %c0_i32 : i32, i32
  }
  func.func @transform_3(%arg0: i32) -> (i32, i32) {
    %c0_i32 = arith.constant 0 : i32
    %c0_i32_0 = arith.constant 0 : i32
    %c0_i32_1 = arith.constant 0 : i32
    return %c0_i32, %c0_i32_0 : i32, i32
  }
  func.func @transform_4(%arg0: i32) -> (i32, i32) {
    %c0_i32 = arith.constant 0 : i32
    %c0_i32_0 = arith.constant 0 : i32
    return %arg0, %c0_i32 : i32, i32
  }
  func.func @transform_5(%arg0: i32) -> (i32, i32) {
    %c0_i32 = arith.constant 0 : i32
    %c0_i32_0 = arith.constant 0 : i32
    return %arg0, %c0_i32 : i32, i32
  }
  func.func @transform_6(%arg0: i32) -> (i32, i32) {
    %c0_i32 = arith.constant 0 : i32
    %c0_i32_0 = arith.constant 0 : i32
    return %c0_i32, %arg0 : i32, i32
  }
  func.func @transform_7(%arg0: i32) -> (i32, i32) {
    %c0_i32 = arith.constant 0 : i32
    %c0_i32_0 = arith.constant 0 : i32
    return %c0_i32, %arg0 : i32, i32
  }
}

module attributes {stable_mosaic.version = 14 : i64} {
  func.func @body(%arg0: i32, %arg1: memref<2x1024x128xf32, #tpu.memory_space<vmem>>, %arg2: memref<2x1024xf32, #tpu.memory_space<vmem>>, %arg3: memref<1x1024xf32, #tpu.memory_space<vmem>>, %arg4: memref<1x1024xf32, #tpu.memory_space<vmem>>, %arg5: memref<1x128xf32, #tpu.memory_space<vmem>>, %arg6: memref<128x40xf32, #tpu.memory_space<vmem>>, %arg7: memref<1x40xf32, #tpu.memory_space<vmem>>, %arg8: memref<1x40xf32, #tpu.memory_space<vmem>>, %arg9: memref<1x128xf32, #tpu.memory_space<vmem>>) attributes {dimension_semantics = [#tpu.dimension_semantics<arbitrary>], iteration_bounds = array<i64: 10>, scalar_prefetch = 0 : i64, scratch_operands = 1 : i64, tpu.core_type = #tpu.core_type<tc>, window_params = [{transform_indices = @transform_0, window_bounds = array<i64: 2, 1024, 128>}, {transform_indices = @transform_1, window_bounds = array<i64: 2, 1024>}, {transform_indices = @transform_2, window_bounds = array<i64: 1, 1024>}, {transform_indices = @transform_3, window_bounds = array<i64: 1, 1024>}, {pipeline_mode = #tpu.pipeline_mode<synchronous>, transform_indices = @transform_4, window_bounds = array<i64: 1, 128>}, {pipeline_mode = #tpu.pipeline_mode<synchronous>, transform_indices = @transform_5, window_bounds = array<i64: 128, 40>}, {pipeline_mode = #tpu.pipeline_mode<synchronous>, transform_indices = @transform_6, window_bounds = array<i64: 1, 40>}, {pipeline_mode = #tpu.pipeline_mode<synchronous>, transform_indices = @transform_7, window_bounds = array<i64: 1, 40>}]} {
    %get3A = arith.constant 0 : index
    %get3A_0 = arith.constant 0 : index
    %get3A_1 = arith.constant 0 : index
    %get3A_2 = vector.load %arg1[%get3A, %get3A_0, %get3A_1] : memref<2x1024x128xf32, #tpu.memory_space<vmem>>, vector<1x1024x128xf32>
    %get3A_3 = vector.shape_cast %get3A_2 : vector<1x1024x128xf32> to vector<1024x128xf32>
    %get3A_4 = arith.constant 1 : index
    %get3A_5 = arith.constant 0 : index
    %get3A_6 = arith.constant 0 : index
    %get3A_7 = vector.load %arg1[%get3A_4, %get3A_5, %get3A_6] : memref<2x1024x128xf32, #tpu.memory_space<vmem>>, vector<1x1024x128xf32>
    %get3A_8 = vector.shape_cast %get3A_7 : vector<1x1024x128xf32> to vector<1024x128xf32>
    %add3A = arith.addf %get3A_3, %get3A_8 : vector<1024x128xf32>
    %get3A_9 = arith.constant 0 : index
    %get3A_10 = arith.constant 0 : index
    %get3A_11 = vector.load %arg4[%get3A_9, %get3A_10] : memref<1x1024xf32, #tpu.memory_space<vmem>>, vector<1x1024xf32>
    %get3A_12 = vector.shape_cast %get3A_11 : vector<1x1024xf32> to vector<1024xf32>
    %broadcast_in_dim3A = vector.shape_cast %get3A_12 : vector<1024xf32> to vector<1024x1xf32>
    %mul3A = vector.broadcast %broadcast_in_dim3A : vector<1024x1xf32> to vector<1024x128xf32>
    %mul3A_13 = arith.mulf %mul3A, %add3A : vector<1024x128xf32>
    %get3A_14 = arith.constant 0 : index
    %get3A_15 = arith.constant 0 : index
    %get3A_16 = vector.load %arg5[%get3A_14, %get3A_15] : memref<1x128xf32, #tpu.memory_space<vmem>>, vector<1x128xf32>
    %get3A_17 = vector.shape_cast %get3A_16 : vector<1x128xf32> to vector<128xf32>
    %broadcast_in_dim3A_18 = vector.shape_cast %get3A_17 : vector<128xf32> to vector<1x128xf32>
    %add3A_19 = vector.broadcast %broadcast_in_dim3A_18 : vector<1x128xf32> to vector<1024x128xf32>
    %add3A_20 = arith.addf %mul3A_13, %add3A_19 : vector<1024x128xf32>
    %max3A = arith.constant 0.000000e+00 : f32
    %max3A_21 = vector.broadcast %max3A : f32 to vector<1024x128xf32>
    %max3A_22 = arith.maximumf %add3A_20, %max3A_21 : vector<1024x128xf32>
    %get3A_23 = arith.constant 0 : index
    %get3A_24 = arith.constant 0 : index
    %get3A_25 = vector.load %arg3[%get3A_23, %get3A_24] : memref<1x1024xf32, #tpu.memory_space<vmem>>, vector<1x1024xf32>
    %get3A_26 = vector.shape_cast %get3A_25 : vector<1x1024xf32> to vector<1024xf32>
    %get3A_27 = arith.constant 0 : index
    %get3A_28 = arith.constant 0 : index
    %get3A_29 = vector.load %arg2[%get3A_27, %get3A_28] : memref<2x1024xf32, #tpu.memory_space<vmem>>, vector<1x1024xf32>
    %get3A_30 = vector.shape_cast %get3A_29 : vector<1x1024xf32> to vector<1024xf32>
    %get3A_31 = arith.constant 1 : index
    %get3A_32 = arith.constant 0 : index
    %get3A_33 = vector.load %arg2[%get3A_31, %get3A_32] : memref<2x1024xf32, #tpu.memory_space<vmem>>, vector<1x1024xf32>
    %get3A_34 = vector.shape_cast %get3A_33 : vector<1x1024xf32> to vector<1024xf32>
    %add3A_35 = arith.addf %get3A_30, %get3A_34 : vector<1024xf32>
    %mul3A_36 = arith.mulf %get3A_26, %add3A_35 : vector<1024xf32>
    %mul3A_37 = arith.constant 1024 : i32
    %mul3A_38 = arith.muli %arg0, %mul3A_37 : i32
    %iota3A = tpu.iota {dimensions = array<i32: 1>} : vector<1x1024xi32>
    %squeeze3A = vector.shape_cast %iota3A : vector<1x1024xi32> to vector<1024xi32>
    %add3A_39 = vector.broadcast %mul3A_38 : i32 to vector<1024xi32>
    %add3A_40 = arith.addi %add3A_39, %squeeze3A : vector<1024xi32>
    %lt3A = arith.constant 10000 : i32
    %lt3A_41 = vector.broadcast %lt3A : i32 to vector<1024xi32>
    %lt3A_42 = arith.cmpi slt, %add3A_40, %lt3A_41 : vector<1024xi32>
    %jit3A = arith.constant 0.000000e+00 : f32
    %broadcast_in_dim3A_43 = vector.broadcast %jit3A : f32 to vector<1024xf32>
    %select_n3A = arith.select %lt3A_42, %mul3A_36, %broadcast_in_dim3A_43 : vector<1024xi1>, vector<1024xf32>
    %broadcast_in_dim3A_44 = vector.shape_cast %select_n3A : vector<1024xf32> to vector<1x1024xf32>
    %dot_general3A = arith.constant dense<0.000000e+00> : vector<1x128xf32>
    %dot_general3A_45 = tpu.matmul %broadcast_in_dim3A_44, %max3A_22, %dot_general3A {dimension_numbers = #tpu.dot_dimension_numbers<[1], [0], [0], [1], [0, 0, 1, 1], [], []>, transpose_lhs_hint = false} : vector<1x1024xf32>, vector<1024x128xf32>, vector<1x128xf32> -> vector<1x128xf32>
    %eq3A = arith.constant 0 : i32
    %eq3A_46 = arith.cmpi eq, %arg0, %eq3A : i32
    %convert_element_type3A = arith.extui %eq3A_46 : i1 to i32
    %cond3A = arith.constant 0 : i32
    %cond3A_47 = arith.cmpi ne, %convert_element_type3A, %cond3A : i32
    scf.if %cond3A_47 {
      %swap3A = arith.constant 0 : index
      %swap3A_57 = arith.constant 0 : index
      %swap3A_58 = vector.load %arg9[%swap3A, %swap3A_57] : memref<1x128xf32, #tpu.memory_space<vmem>>, vector<1x128xf32>
      tpu.vector_store %arg9[%swap3A, %swap3A_57], %dot_general3A_45 {strides = array<i32>} : memref<1x128xf32, #tpu.memory_space<vmem>>, vector<1x128xf32>,
    } else {
    }
    %gt3A = arith.constant 0 : i32
    %gt3A_48 = arith.cmpi sgt, %arg0, %gt3A : i32
    %convert_element_type3A_49 = arith.extui %gt3A_48 : i1 to i32
    %cond3A_50 = arith.constant 0 : i32
    %cond3A_51 = arith.cmpi ne, %convert_element_type3A_49, %cond3A_50 : i32
    scf.if %cond3A_51 {
      %get3A_57 = arith.constant 0 : index
      %get3A_58 = arith.constant 0 : index
      %get3A_59 = vector.load %arg9[%get3A_57, %get3A_58] : memref<1x128xf32, #tpu.memory_space<vmem>>, vector<1x128xf32>
      %add3A_60 = arith.addf %get3A_59, %dot_general3A_45 : vector<1x128xf32>
      %swap3A = arith.constant 0 : index
      %swap3A_61 = arith.constant 0 : index
      %swap3A_62 = vector.load %arg9[%swap3A, %swap3A_61] : memref<1x128xf32, #tpu.memory_space<vmem>>, vector<1x128xf32>
      tpu.vector_store %arg9[%swap3A, %swap3A_61], %add3A_60 {strides = array<i32>} : memref<1x128xf32, #tpu.memory_space<vmem>>, vector<1x128xf32>,
    } else {
    }
    %eq3A_52 = arith.constant 9 : i32
    %eq3A_53 = arith.cmpi eq, %arg0, %eq3A_52 : i32
    %convert_element_type3A_54 = arith.extui %eq3A_53 : i1 to i32
    %cond3A_55 = arith.constant 0 : i32
    %cond3A_56 = arith.cmpi ne, %convert_element_type3A_54, %cond3A_55 : i32
    scf.if %cond3A_56 {
      %get3A_57 = arith.constant 0 : index
      %get3A_58 = arith.constant 0 : index
      %get3A_59 = vector.load %arg9[%get3A_57, %get3A_58] : memref<1x128xf32, #tpu.memory_space<vmem>>, vector<1x128xf32>
      %mul3A_60 = arith.constant 9.99999974E-5 : f32
      %mul3A_61 = vector.broadcast %mul3A_60 : f32 to vector<1x128xf32>
      %mul3A_62 = arith.mulf %get3A_59, %mul3A_61 : vector<1x128xf32>
      %get3A_63 = arith.constant 0 : index
      %get3A_64 = arith.constant 0 : index
      %get3A_65 = vector.load %arg6[%get3A_63, %get3A_64] : memref<128x40xf32, #tpu.memory_space<vmem>>, vector<128x40xf32>
      %dot_general3A_66 = arith.constant dense<0.000000e+00> : vector<1x40xf32>
      %dot_general3A_67 = tpu.matmul %mul3A_62, %get3A_65, %dot_general3A_66 {dimension_numbers = #tpu.dot_dimension_numbers<[1], [0], [0], [1], [0, 0, 1, 1], [], []>, transpose_lhs_hint = false} : vector<1x128xf32>, vector<128x40xf32>, vector<1x40xf32> -> vector<1x40xf32>
      %get3A_68 = arith.constant 0 : index
      %get3A_69 = arith.constant 0 : index
      %get3A_70 = vector.load %arg7[%get3A_68, %get3A_69] : memref<1x40xf32, #tpu.memory_space<vmem>>, vector<1x40xf32>
      %add3A_71 = arith.addf %dot_general3A_67, %get3A_70 : vector<1x40xf32>
      %swap3A = arith.constant 0 : index
      %swap3A_72 = arith.constant 0 : index
      %swap3A_73 = vector.load %arg8[%swap3A, %swap3A_72] : memref<1x40xf32, #tpu.memory_space<vmem>>, vector<1x40xf32>
      tpu.vector_store %arg8[%swap3A, %swap3A_72], %add3A_71 {strides = array<i32>} : memref<1x40xf32, #tpu.memory_space<vmem>>, vector<1x40xf32>,
    } else {
    }
    return
  }
  func.func @transform_0(%arg0: i32) -> (i32, i32, i32) {
    %c0_i32 = arith.constant 0 : i32
    %c0_i32_0 = arith.constant 0 : i32
    %c0_i32_1 = arith.constant 0 : i32
    return %c0_i32, %arg0, %c0_i32_0 : i32, i32, i32
  }
  func.func @transform_1(%arg0: i32) -> (i32, i32) {
    %c0_i32 = arith.constant 0 : i32
    %c0_i32_0 = arith.constant 0 : i32
    return %c0_i32, %arg0 : i32, i32
  }
  func.func @transform_2(%arg0: i32) -> (i32, i32) {
    %c0_i32 = arith.constant 0 : i32
    %c0_i32_0 = arith.constant 0 : i32
    return %c0_i32, %arg0 : i32, i32
  }
  func.func @transform_3(%arg0: i32) -> (i32, i32) {
    %c0_i32 = arith.constant 0 : i32
    %c0_i32_0 = arith.constant 0 : i32
    return %c0_i32, %arg0 : i32, i32
  }
  func.func @transform_4(%arg0: i32) -> (i32, i32) {
    %c0_i32 = arith.constant 0 : i32
    %c0_i32_0 = arith.constant 0 : i32
    %c0_i32_1 = arith.constant 0 : i32
    return %c0_i32, %c0_i32_0 : i32, i32
  }
  func.func @transform_5(%arg0: i32) -> (i32, i32) {
    %c0_i32 = arith.constant 0 : i32
    %c0_i32_0 = arith.constant 0 : i32
    %c0_i32_1 = arith.constant 0 : i32
    return %c0_i32, %c0_i32_0 : i32, i32
  }
  func.func @transform_6(%arg0: i32) -> (i32, i32) {
    %c0_i32 = arith.constant 0 : i32
    %c0_i32_0 = arith.constant 0 : i32
    %c0_i32_1 = arith.constant 0 : i32
    return %c0_i32, %c0_i32_0 : i32, i32
  }
  func.func @transform_7(%arg0: i32) -> (i32, i32) {
    %c0_i32 = arith.constant 0 : i32
    %c0_i32_0 = arith.constant 0 : i32
    %c0_i32_1 = arith.constant 0 : i32
    return %c0_i32, %c0_i32_0 : i32, i32
  }
}

</mosaic_0001>

<sc_bundles>
// kernel: kernel.6.cloned.1.call-start
scs
__scs_entry_jumppad:
0x0: {  	(pc) =	sbr.rel $0x88, $3  }
0x1: {  	(tag) =	ssettag $0x0;
	lr =	simm.s32 $0x1  }
0x2: {  	[smem:$0x3F9B] =	sst lr;
	_ =	strace $0xD0000000  }
0x3: {  	_ = 	snop  }
0x4: {  	_ = 	snop  }
0x5: {  	_ = 	snop  }
0x6: {  	_ = 	snop  }
0x7: {  	_ = 	snop  }
__scs_overlays_trampoline_lowered:
0x8: {  	[smem:$0x3FAA] =	sst s0  }
0x9: {  	[smem:$0x3FAB] =	sst s1  }
0xa: {  	[smem:$0x3FAC] =	sst s2  }
0xb: {  	[smem:$0x3FAD] =	sst s3  }
0xc: {  	[smem:$0x3FAE] =	sst s4  }
0xd: {  	[smem:$0x3FAF] =	sst s5  }
0xe: {  	[smem:$0x3FB0] =	sst s6  }
0xf: {  	[smem:$0x3FB1] =	sst s7  }
0x10: {  	[smem:$0x3FB2] =	sst s8  }
0x11: {  	[smem:$0x3FB3] =	sst s9;
	s0 =	simm.s32 @!p0 $0x0  }
0x12: {  	s1 =	sld [smem:$0x3F99];
	s0 =	simm.s32 @p0 $0x1  }
0x13: {  	[smem:$0x3FB4] =	sst s0;
	s0 =	simm.s32 @!p1 $0x0  }
0x14: {  	s2 =	sld [smem:$0x3F98];
	s0 =	simm.s32 @p1 $0x1  }
0x15: {  	[smem:$0x3FB5] =	sst s0;
	s0 =	simm.s32 @!p2 $0x0  }
0x16: {  	s3 =	sld [smem:$0x3FDB];
	s0 =	simm.s32 @p2 $0x1  }
0x17: {  	s4 =	simm.s32 $0x1BF5;
	[smem:$0x3FB7] =	sst s0  }
0x18: {  	s0 =	sld [smem:$0x3F9A];
	_ =	swait.ge [sflag:s4], $0x0  }
0x19: {  	s7 =	sld [smem:$0x3F9B]  }
0x1a: {  	s8 =	sadd.s32 $0xFFFFE003, lr  }
0x1b: {  	s9 =	sadd.s32 $0xFFFFFEF7, lr;
	s5 =	simm.s32 $0xFFFFFFFF;
	p2 =	slt.u32 s8, $0xFFFFF086  }
0x1c: {  	p1 =	slt.u32 s9, $0xF7A;
	s5 =	simm.s32 @!p2 $0x0  }
0x1d: {  	s5 =	simm.s32 @p1 $0x1;
	p0 =	seq.s32 s7, s2  }
0x1e: {  	s7 =	smul.u32 @!p0 $0xF7A, s2;
	p2 =	seq.s32 @!p0 s5, $0x0  }
0x1f: {  	s9 =	smul.u32 $0xF7A, s1;
	s8 =	simm.s32 @!p0 $0x1BF5;
	p2 =	por !p2, p0  }
0x20: {  	[sflag:s8] =	ssyncset.s32 @!p0 $0xFFFFF086;
	s6 =	sadd.s32 @!p0 s3, s7;
	s7 =	simm.s32 @!p0 $0x108  }
0x21: {  	s3 =	sadd.s32 s3, s9;
	s6 =	sadd.s32 @!p0 $0x88, s6;
	s7 =	simm.s32 @p2 $0x1082  }
0x22: {  	[simem:s7], [sflag:s8] =	dma.local @!p0 [hbm:s6], $0xF7A  }
0x23: {  	s9 =	sor.u32 $0xD0000000, s2;
	s6 =	simm.s32 $0x108;
	_ =	swait.ge @!p0 [sflag:s8], $0x0  }
0x24: {  	s3 =	sadd.s32 $0x88, s3;
	s6 =	simm.s32 @!p1 $0x1082;
	[sflag:s4] =	ssyncset.s32 $0xFFFFF086  }
0x25: {  	[simem:s6], [sflag:s4] =	dma.local [hbm:s3], $0xF7A  }
0x26: {  	[smem:$0x3F9B] =	sst s1;
	(tag) =	ssettag s2;
	_ =	strace s9  }
0x27: {  	s1 =	sld [smem:$0x3FAB]  }
0x28: {  	s2 =	sld [smem:$0x3FAC]  }
0x29: {  	s4 =	sld [smem:$0x3FAE]  }
0x2a: {  	p0 =	seq.s32 s5, $0x0;
	s5 =	sld [smem:$0x3FAF]  }
0x2b: {  	s6 =	sld [smem:$0x3FB0]  }
0x2c: {  	s7 =	sld [smem:$0x3FB1]  }
0x2d: {  	s3 =	simm.s32 $0x108;
	s8 =	sld [smem:$0x3FB2]  }
0x2e: {  	s3 =	simm.s32 @!p0 $0x1082;
	s9 =	sld [smem:$0x3FB3]  }
0x2f: {  	lr =	sadd.s32 s0, s3;
	s0 =	sld [smem:$0x3FAA]  }
0x30: {  	s3 =	sld [smem:$0x3FAD]  }
0x31: {  	[smem:$0x3FB6] =	sst s10  }
0x32: {  	s10 =	sld [smem:$0x3FB4];
	_ =	sdelay $0x3  }
0x33: {  	p0 =	seq.s32 s10, $0x1;
	s10 =	sld [smem:$0x3FB6];
	_ =	sdelay $0x3  }
0x34: {  	[smem:$0x3FB6] =	sst s10  }
0x35: {  	s10 =	sld [smem:$0x3FB5];
	_ =	sdelay $0x3  }
0x36: {  	p1 =	seq.s32 s10, $0x1;
	s10 =	sld [smem:$0x3FB6];
	_ =	sdelay $0x3  }
0x37: {  	[smem:$0x3FB6] =	sst s10  }
0x38: {  	s10 =	sld [smem:$0x3FB7]  }
0x39: {  	_ = 	snop;
	(pc) =	sbr.ind lr, $3  }
0x3a: {  	_ = 	snop  }
0x3b: {  	_ = 	snop  }
0x3c: {  	p2 =	seq.s32 s10, $0x1;
	s10 =	sld [smem:$0x3FB6]  }
0x3d: {  	_ =	shalt  }
0x3e: {  	_ =	shalt  }
0x3f: {  	_ =	shalt  }
0x40: {  	_ =	shalt  }
0x41: {  	_ =	shalt  }
0x42: {  	_ =	shalt  }
0x43: {  	_ =	shalt  }
0x44: {  	_ =	shalt  }
0x45: {  	_ =	shalt  }
0x46: {  	_ =	shalt  }
0x47: {  	_ =	shalt  }
0x48: {  	_ =	shalt  }
0x49: {  	_ =	shalt  }
0x4a: {  	_ =	shalt  }
0x4b: {  	_ =	shalt  }
0x4c: {  	_ =	shalt  }
0x4d: {  	_ =	shalt  }
0x4e: {  	_ =	shalt  }
0x4f: {  	_ =	shalt  }
0x50: {  	_ =	shalt  }
0x51: {  	_ =	shalt  }
0x52: {  	_ =	shalt  }
0x53: {  	_ =	shalt  }
0x54: {  	_ =	shalt  }
0x55: {  	_ =	shalt  }
0x56: {  	_ =	shalt  }
0x57: {  	_ =	shalt  }
0x58: {  	_ =	shalt  }
0x59: {  	_ =	shalt  }
0x5a: {  	_ =	shalt  }
0x5b: {  	_ =	shalt  }
0x5c: {  	_ =	shalt  }
0x5d: {  	_ =	shalt  }
0x5e: {  	_ =	shalt  }
0x5f: {  	_ =	shalt  }
0x60: {  	_ =	shalt  }
0x61: {  	_ =	shalt  }
0x62: {  	_ =	shalt  }
0x63: {  	_ =	shalt  }
0x64: {  	_ =	shalt  }
0x65: {  	_ =	shalt  }
0x66: {  	_ =	shalt  }
0x67: {  	_ =	shalt  }
0x68: {  	_ =	shalt  }
0x69: {  	_ =	shalt  }
0x6a: {  	_ =	shalt  }
0x6b: {  	_ =	shalt  }
0x6c: {  	_ =	shalt  }
0x6d: {  	_ =	shalt  }
0x6e: {  	_ =	shalt  }
0x6f: {  	_ =	shalt  }
0x70: {  	_ =	shalt  }
0x71: {  	_ =	shalt  }
0x72: {  	_ =	shalt  }
0x73: {  	_ =	shalt  }
0x74: {  	_ =	shalt  }
0x75: {  	_ =	shalt  }
0x76: {  	_ =	shalt  }
0x77: {  	_ =	shalt  }
0x78: {  	_ =	shalt  }
0x79: {  	_ =	shalt  }
0x7a: {  	_ =	shalt  }
0x7b: {  	_ =	shalt  }
0x7c: {  	_ =	shalt  }
0x7d: {  	_ =	shalt  }
0x7e: {  	_ =	shalt  }
0x7f: {  	_ =	shalt  }
0x80: {  	_ =	shalt  }
0x81: {  	_ =	shalt  }
0x82: {  	_ =	shalt  }
0x83: {  	_ =	shalt  }
0x84: {  	_ =	shalt  }
0x85: {  	_ =	shalt  }
0x86: {  	_ =	shalt  }
0x87: {  	_ =	shalt  }
.Lfunc_end0:
.L_simem_size_0:
called_computation_lowered:
.L_overlay_start_0:
0x88: {  	s2 =	sld [smem:$0x3FD9]  }
0x89: {  	s3 =	sld [smem:$0x3FFE];
	_ =	sdelay $0x1  }
0x8a: {  	s1 =	srdreg.scid  }
0x8b: {  	s0 =	sand.u32 $0x1, s1  }
0x8c: {  	s17 =	sshll.u32 s0, $0xA;
	s2 =	sadd.s32 s3, s2  }
0x8d: {  	s2 =	sadd.s32 s2, s17  }
0x8e: {  	[smem:$0x3FC2] =	sst s2  }
0x8f: {  	_ = 	snop  }
0x90: {  	s2 =	sld [smem:$0x3FD0];
	(tm) =	ssettm $0x1  }
0x91: {  	s18 =	sld [smem:$0x3FFB];
	_ =	sdelay $0x3  }
0x92: {  	_ =	strace s18  }
0x93: {  	s3 =	sld [smem:$0x3FFC];
	_ =	sdelay $0x3  }
0x94: {  	_ =	strace s3  }
0x95: {  	s3 =	sld [smem:$0x3FFD];
	_ =	sdelay $0x3  }
0x96: {  	_ =	strace s3  }
0x97: {  	_ =	strace $0x8FFFFFFF  }
0x98: {  	s19 =	sld [smem:$0x3FDB];
	_ =	sdelay $0x1  }
0x99: {  	s4 =	simm.s32 $_scs_section_size  }
0x9a: {  	s5 =	simm.s32 $_size__tile_overlayer_lowered;
	s6 =	simm.s32 $_tile_overlayer_lowered  }
0x9b: {  	s22 =	simm.s32 $0x1BFF;
	s21 =	sshll.u32 s6, $0x1;
	s3 =	sadd.s32 s4, s19  }
0x9c: {  	s7 =	simm.s32 $0x0;
	s20 =	sshll.u32 s5, $0x1;
	s5 =	sadd.s32 s21, s3  }
0x9d: {  	[timem:s7], [sflag:s22] =	dma.local [hbm:s5], s20  }
0x9e: {  	_ =	swait.ge [sflag:s22], s20  }
0x9f: {  	s4 =	ssub.s32 $0x0, s20;
	[sflag:s22] =	ssyncset.done $0x0  }
0xa0: {  	[sflag:s22] =	ssyncadd.s32 s4;
	_ =	sdelay $0x1  }
0xa1: {  	s23 =	simm.s32 $0x1B8B  }
0xa2: {  	_ =	swait.ge [sflag:s23], $0x1  }
0xa3: {  	[sflag:s23] =	ssyncset.done $0x0  }
0xa4: {  	s25 =	simm.s32 $0x1B8E;
	s24 =	sld [smem:$0x3FFE];
	[sflag:s23] =	ssyncadd.s32 $0xFFFFFFFF  }
0xa5: {  	s26 =	simm.s32 $execute0_lowered;
	[smem:$0x3FD2] =	sst s25  }
0xa6: {  	s5 =	sshll.u32 s26, $0x1;
	_ =	strace $0x80000046;
	[dreg:$0x1] =	wrdreg $0xFFFFFFFF  }
0xa7: {  	s28 =	simm.s32 $_size_execute0_lowered;
	s3 =	sadd.s32 s3, s5;
	[dreg:$0x0] =	wrdreg $0x0  }
0xa8: {  	s5 =	sshll.u32 s28, $0x1;
	[dreg:$0x2] =	wrdreg s3  }
0xa9: {  	[dreg:$0x3] =	wrdreg s5  }
0xaa: {  	[dreg:$0x4] =	wrdreg $0xC0  }
0xab: {  	_ =	task [dreg:s7], $0x5FFFF  }
0xac: {  	[dreg:$0x1] =	wrdreg $0xFFFFFFFF  }
0xad: {  	[dreg:$0x0] =	wrdreg $0x60  }
0xae: {  	[dreg:$0x2] =	wrdreg s24  }
0xaf: {  	[dreg:$0x3] =	wrdreg s2  }
0xb0: {  	[dreg:$0x4] =	wrdreg $0x50800  }
0xb1: {  	[dreg:$0x5] =	wrdreg $0x53000  }
0xb2: {  	[dreg:$0x6] =	wrdreg $0x9  }
0xb3: {  	_ =	task.clear_ibuf [dreg:s7], $0x7FFFF;
	_ =	strace $0x90000046  }
0xb4: {  	s29 =	simm.s32 $0x9;
	_ =	strace $0x80000048  }
0xb5: {  	_ =	swait.ge [sflag:s29], $0x1  }
0xb6: {  	[sflag:s29] =	ssyncadd.s32 $0xFFFFFFFF  }
0xb7: {  	_ =	strace $0x90000048  }
0xb8: {  	_ =	sfence  }
0xb9: {  	s30 =	sld [smem:$0x0];
	_ =	sdelay $0x2  }
0xba: {  	s31 =	sshll.u32 s1, $0xD;
	s1 =	sshrl.u32 s1, $0x2  }
0xbb: {  	s3 =	sand.u32 $0x4000, s31;
	s1 =	sadd.s32 s1, s30  }
0xbc: {  	s0 =	sor.u32 s3, s0;
	s1 =	sshll.u32 s1, $0x11  }
0xbd: {  	s0 =	sor.u32 s1, s0  }
0xbe: {  	s0 =	sadd.s32 $0x8F2B, s0  }
0xbf: {  	[sflag:s0] =	ssyncadd.remote.s32 $0x1  }
0xc0: {  	_ =	sfence.sel $0xFFFF  }
0xc1: {  	[dreg:$0x0] =	wrdreg $0xFFFFFFFF;
	(pc) =	sbr.abs _section_cstart, $3  }
0xc2: {  	[dreg:$0x1] =	wrdreg $0xFFFFFFFF  }
0xc3: {  	_ =	task.clear_ibuf [dreg:s7], $0x2FFFF;
	_ =	strace $0x9FFFFFFF  }
0xc4: {  	(tm) =	ssettm $0x7FFFFFFF  }
0xc5: {  	_ =	shalt  }
tec
execute0_lowered:
.L_overlay_start_1:
0x0: {  	(tag) =	ssettag $0x1  }
0x1: {  	s7 =	rddreg [dreg:$0x0]  }
0x2: {  	s1 =	rddreg [dreg:$0x1]  }
0x3: {  	s2 =	srdreg.scid;
	s3 =	rddreg [dreg:$0x2]  }
0x4: {  	s0 =	stileid.u32;
	s4 =	rddreg [dreg:$0x3];
	s5 =	simm.s32 $0x0  }
0x5: {  	s16 =	simm.s32 $0x5000;
	s17 =	simm.s32 $0x2800;
	s18 =	simm.s32 $0x80  }
0x6: {  	s19 =	simm.s32 $0x20;
	s20 =	simm.s32 $0x10;
	s21 =	simm.s32 $0x0  }
0x7: {  	s8 =	sand.u32 $0x1, s2;
	s2 =	rddreg [dreg:$0x4];
	s9 =	smul.u32 $0x500, s0  }
0x8: {  	s28 =	sshll.u32 s0, $0x1;
	[smem:$0x7FF] =	sst s5;
	s29 =	smul.u32 $0x280, s0  }
0x9: {  	s31 =	sshll.u32 s0, $0x6;
	s6 =	sor.u32 s8, s28;
	_ =	strace $0x80000047  }
0xa: {  	s10 =	sshll.u32 s8, $0x7;
	s8 =	ssub.s32 $0x2, s8;
	s6 =	smul.u32 $0x500, s6  }
0xb: {  	s9 =	sor.u32 s10, s9;
	s30 =	sshrl.u32 s8, $0x1;
	s14 =	sadd.s32 s29, s3  }
0xc: {  	s15 =	sadd.s32 s29, s4;
	s9 =	sshrl.u32 s9, $0x3;
	s13 =	ssub.s32 s8, s30  }
0xd: {  	s15 =	sshrl.u32 s15, $0x3;
	s11 =	sadd.s32 s6, s7;
	s6 =	sadd.s32 $0x16C00, s7  }
0xe: {  	s12 =	sadd.s32 s9, s7;
	s7 =	sor.u32 $0x1C01, s31;
	s8 =	sadd.s32 $0xCC00, s11  }
0xf: {  	s9 =	sadd.s32 $0x2C00, s11;
	s10 =	sadd.s32 $0x16E00, s12;
	s11 =	sadd.s32 $0x17800, s12  }
0x10: {  	s12 =	smax.u32 s13, $0x1;
	s13 =	sshrl.u32 s14, $0x3;
	s14 =	simm.s32 $0x1  }
.LBB2_1:
0x11: {  	[spmem:s13], [sflag:s7] =	dma.local [hbm:s6], $0x50  }
0x12: {  	_ =	swait.ge [sflag:s14], $0x50  }
0x13: {  	[sflag:s14] =	ssyncset.done $0x0  }
0x14: {  	[sflag:s14] =	ssyncadd.s32 $0xFFFFFFB0  }
0x15: {  	[spmem:s15], [sflag:s7] =	dma.local [hbm:s6], $0x50  }
0x16: {  	_ =	swait.ge [sflag:s14], $0x50  }
0x17: {  	[sflag:s14] =	ssyncset.done $0x0  }
0x18: {  	[sflag:s14] =	ssyncadd.s32 $0xFFFFFFB0  }
0x19: {  	[tilespmem:s16], [sflag:$0x1] =	stream.linear.gather [hbm4b:s1+s5], $0x80, $0x38;
	[tilespmem:$0x5580] =	vst v63  }
0x1a: {  	_ =	swait.ge [sflag:s14], $0x80  }
0x1b: {  	[sflag:s14] =	ssyncset.done $0x0  }
0x1c: {  	[sflag:s14] =	ssyncadd.s32 $0xFFFFFF80  }
0x1d: {  	[tilespmem:s5], [sflag:$0x1] =	stream.linear.gather [hbm4b:s8+s5], $0x2800, $0x38;
	[tilespmem:$0x5580] =	vst v63  }
0x1e: {  	_ =	swait.ge [sflag:s14], $0x2800  }
0x1f: {  	[sflag:s14] =	ssyncset.done $0x0  }
0x20: {  	[sflag:s14] =	ssyncadd.s32 $0xFFFFD800  }
0x21: {  	[tilespmem:s17], [sflag:$0x1] =	stream.linear.gather [hbm4b:s9+s5], $0x2800, $0x38;
	[tilespmem:$0x5580] =	vst v63  }
0x22: {  	_ =	swait.ge [sflag:s14], $0x2800  }
0x23: {  	[sflag:s14] =	ssyncset.done $0x0  }
0x24: {  	[sflag:s14] =	ssyncadd.s32 $0xFFFFD800  }
0x25: {  	s22 =	simm.s32 $0x0;
	[bflag:$0x0] =	sbarrier.arrive $0xFFFF  }
0x26: {  	[spmem:s3] =	stream.indirect.scatter.add.f32 [tilespmem:s16], [sflag:$0x1], $0x1, s22, s18, $0xb8;
	[tilespmem:$0x5580] =	vst v63  }
0x27: {  	_ =	swait.ge [sflag:s14], $0x80  }
0x28: {  	[sflag:s14] =	ssyncset.done $0x0  }
0x29: {  	s31 =	simm.s32 $0x2800;
	[sflag:s14] =	ssyncadd.s32 $0xFFFFFF80  }
0x2a: {  	[spmem:s4] =	stream.indirect.scatter.add.f32 [tilespmem:s16], [sflag:$0x1], $0x1, s31, s18, $0xb8;
	[tilespmem:$0x5580] =	vst v63  }
0x2b: {  	_ =	swait.ge [sflag:s14], $0x80  }
0x2c: {  	s23 =	simm.s32 $0x400;
	s22 =	simm.s32 $0x200;
	[sflag:s14] =	ssyncset.done $0x0  }
.LBB2_2:
0x2d: {  	s24 =	sshra.s32 s22, $0x2  }
0x2e: {  	[sflag:s14] =	ssyncadd.s32 $0xFFFFFF80;
	s22 =	smov.u32 s23;
	s25 =	sadd.s32 $0x200, s23  }
0x2f: {  	[spmem:s3] =	stream.indirect.scatter.add.f32 [tilespmem:s16], [sflag:$0x1], $0x1, s24, s18, $0xb8;
	[tilespmem:$0x5580] =	vst v63  }
0x30: {  	p0 =	sne.s32 s23, $0x9E00;
	_ =	swait.ge [sflag:s14], $0x80  }
.Ltmp0:
0x31: {  	[sflag:s14] =	ssyncset.done $0x0;
	(pc) =	sbr.rel @p0 .LBB2_2-.Ltmp0, $4  }
0x32: {  	s23 =	sadd.s32 $0x2800, s24;
	[sflag:s14] =	ssyncadd.s32 $0xFFFFFF80  }
0x33: {  	[spmem:s4] =	stream.indirect.scatter.add.f32 [tilespmem:s16], [sflag:$0x1], $0x1, s23, s18, $0xb8;
	[tilespmem:$0x5580] =	vst v63  }
0x34: {  	_ =	swait.ge [sflag:s14], $0x80  }
0x35: {  	s23 =	smov.u32 s25;
	[sflag:s14] =	ssyncset.done $0x0  }
0x36: {  	s22 =	sshra.s32 s22, $0x2;
	[sflag:s14] =	ssyncadd.s32 $0xFFFFFF80  }
0x37: {  	[spmem:s3] =	stream.indirect.scatter.add.f32 [tilespmem:s16], [sflag:$0x1], $0x1, s22, s18, $0xb8;
	[tilespmem:$0x5580] =	vst v63  }
0x38: {  	_ =	swait.ge [sflag:s14], $0x80  }
0x39: {  	[sflag:s14] =	ssyncset.done $0x0  }
0x3a: {  	s22 =	sadd.s32 $0x2800, s22;
	[sflag:s14] =	ssyncadd.s32 $0xFFFFFF80  }
0x3b: {  	[spmem:s4] =	stream.indirect.scatter.add.f32 [tilespmem:s16], [sflag:$0x1], $0x1, s22, s18, $0xb8;
	[tilespmem:$0x5580] =	vst v63  }
0x3c: {  	_ =	swait.ge [sflag:s14], $0x80  }
0x3d: {  	[sflag:s14] =	ssyncset.done $0x0  }
0x3e: {  	[sflag:s14] =	ssyncadd.s32 $0xFFFFFF80  }
0x3f: {  	[bflag:$0x0] =	sbarrier.arrive $0xFFFF  }
0x40: {  	[hbm:s10@s19], [sflag:s7] =	dma.strided [spmem:s13@s20], $0x50, s14, $0x10   }
0x41: {  	s21 =	sadd.s32 $0x1, s21;
	_ =	swait.ge [sflag:s14], $0x50  }
0x42: {  	p0 =	sne.s32 s21, s12;
	[sflag:s14] =	ssyncset.done $0x0  }
.Ltmp1:
0x43: {  	[sflag:s14] =	ssyncadd.s32 $0xFFFFFFB0;
	(pc) =	sbr.rel @p0 .LBB2_1-.Ltmp1, $4  }
0x44: {  	[hbm:s11@s19], [sflag:s7] =	dma.strided [spmem:s15@s20], $0x50, s14, $0x10   }
0x45: {  	_ =	swait.ge [sflag:s14], $0x50  }
0x46: {  	[sflag:s14] =	ssyncset.done $0x0  }
0x47: {  	[sflag:s14] =	ssyncadd.s32 $0xFFFFFFB0  }
0x48: {  	_ =	sfence.sel $0x180000  }
0x49: {  	[bflag:$0x0] =	sbarrier.arrive $0xFFFF  }
0x4a: {  	p0 =	sne.s32 s0, $0x0;
	_ =	strace $0x90000047  }
0x4b: {  	s0 =	sadd.s32 @!p0 $0x100000, s2;
	[bflag:$0x2] =	sbarrier.arrive $0xFFFF  }
0x4c: {  	[sflag:s0] =	ssyncadd.tile.s32 @!p0 $0x1;
	_ =	shalt  }
.Lfunc_end2:
_tile_overlayer_lowered:
.L_overlay_start_2:
0x4d: {  	(tag) =	ssettag $0x2  }
0x4e: {  	s0 =	rddreg [dreg:$0x0];
	s2 =	stileid.u32  }
0x4f: {  	s1 =	rddreg [dreg:$0x1];
	p0 =	sne.s32 s2, $0x0  }
0x50: {  	s3 =	rddreg [dreg:$0x2];
	[bflag:$0x3] =	sbarrier.arrive $0xFFFF;
	s2 =	simm.s32 @!p0 $0x1C01  }
0x51: {  	[timem:s3], [sflag:s2] =	dma.local @!p0 [hbm:s0], s1  }
0x52: {  	s0 =	simm.s32 @!p0 $0x1  }
0x53: {  	_ =	swait.ge @!p0 [sflag:s0], s1  }
0x54: {  	s1 =	ssub.s32 @!p0 $0x0, s1;
	[sflag:s0] =	ssyncset.done @!p0 $0x0  }
0x55: {  	[sflag:s0] =	ssyncadd.s32 @!p0 s1  }
0x56: {  	[bflag:$0x3] =	sbarrier.arrive $0xFFFF  }
0x57: {  	_ =	shalt  }

// kernel: kernel.9.cloned.1.call-start
scs
__scs_entry_jumppad:
0x0: {  	(pc) =	sbr.rel $0x88, $3  }
0x1: {  	(tag) =	ssettag $0x0;
	lr =	simm.s32 $0x1  }
0x2: {  	[smem:$0x3F9B] =	sst lr;
	_ =	strace $0xD0000000  }
0x3: {  	_ = 	snop  }
0x4: {  	_ = 	snop  }
0x5: {  	_ = 	snop  }
0x6: {  	_ = 	snop  }
0x7: {  	_ = 	snop  }
__scs_overlays_trampoline_lowered:
0x8: {  	[smem:$0x3FAA] =	sst s0  }
0x9: {  	[smem:$0x3FAB] =	sst s1  }
0xa: {  	[smem:$0x3FAC] =	sst s2  }
0xb: {  	[smem:$0x3FAD] =	sst s3  }
0xc: {  	[smem:$0x3FAE] =	sst s4  }
0xd: {  	[smem:$0x3FAF] =	sst s5  }
0xe: {  	[smem:$0x3FB0] =	sst s6  }
0xf: {  	[smem:$0x3FB1] =	sst s7  }
0x10: {  	[smem:$0x3FB2] =	sst s8  }
0x11: {  	[smem:$0x3FB3] =	sst s9;
	s0 =	simm.s32 @!p0 $0x0  }
0x12: {  	s1 =	sld [smem:$0x3F99];
	s0 =	simm.s32 @p0 $0x1  }
0x13: {  	[smem:$0x3FB4] =	sst s0;
	s0 =	simm.s32 @!p1 $0x0  }
0x14: {  	s2 =	sld [smem:$0x3F98];
	s0 =	simm.s32 @p1 $0x1  }
0x15: {  	[smem:$0x3FB5] =	sst s0;
	s0 =	simm.s32 @!p2 $0x0  }
0x16: {  	s3 =	sld [smem:$0x3FDB];
	s0 =	simm.s32 @p2 $0x1  }
0x17: {  	s4 =	simm.s32 $0x1BF5;
	[smem:$0x3FB7] =	sst s0  }
0x18: {  	s0 =	sld [smem:$0x3F9A];
	_ =	swait.ge [sflag:s4], $0x0  }
0x19: {  	s7 =	sld [smem:$0x3F9B]  }
0x1a: {  	s8 =	sadd.s32 $0xFFFFE003, lr  }
0x1b: {  	s9 =	sadd.s32 $0xFFFFFEF7, lr;
	s5 =	simm.s32 $0xFFFFFFFF;
	p2 =	slt.u32 s8, $0xFFFFF086  }
0x1c: {  	p1 =	slt.u32 s9, $0xF7A;
	s5 =	simm.s32 @!p2 $0x0  }
0x1d: {  	s5 =	simm.s32 @p1 $0x1;
	p0 =	seq.s32 s7, s2  }
0x1e: {  	s7 =	smul.u32 @!p0 $0xF7A, s2;
	p2 =	seq.s32 @!p0 s5, $0x0  }
0x1f: {  	s9 =	smul.u32 $0xF7A, s1;
	s8 =	simm.s32 @!p0 $0x1BF5;
	p2 =	por !p2, p0  }
0x20: {  	[sflag:s8] =	ssyncset.s32 @!p0 $0xFFFFF086;
	s6 =	sadd.s32 @!p0 s3, s7;
	s7 =	simm.s32 @!p0 $0x108  }
0x21: {  	s3 =	sadd.s32 s3, s9;
	s6 =	sadd.s32 @!p0 $0x88, s6;
	s7 =	simm.s32 @p2 $0x1082  }
0x22: {  	[simem:s7], [sflag:s8] =	dma.local @!p0 [hbm:s6], $0xF7A  }
0x23: {  	s9 =	sor.u32 $0xD0000000, s2;
	s6 =	simm.s32 $0x108;
	_ =	swait.ge @!p0 [sflag:s8], $0x0  }
0x24: {  	s3 =	sadd.s32 $0x88, s3;
	s6 =	simm.s32 @!p1 $0x1082;
	[sflag:s4] =	ssyncset.s32 $0xFFFFF086  }
0x25: {  	[simem:s6], [sflag:s4] =	dma.local [hbm:s3], $0xF7A  }
0x26: {  	[smem:$0x3F9B] =	sst s1;
	(tag) =	ssettag s2;
	_ =	strace s9  }
0x27: {  	s1 =	sld [smem:$0x3FAB]  }
0x28: {  	s2 =	sld [smem:$0x3FAC]  }
0x29: {  	s4 =	sld [smem:$0x3FAE]  }
0x2a: {  	p0 =	seq.s32 s5, $0x0;
	s5 =	sld [smem:$0x3FAF]  }
0x2b: {  	s6 =	sld [smem:$0x3FB0]  }
0x2c: {  	s7 =	sld [smem:$0x3FB1]  }
0x2d: {  	s3 =	simm.s32 $0x108;
	s8 =	sld [smem:$0x3FB2]  }
0x2e: {  	s3 =	simm.s32 @!p0 $0x1082;
	s9 =	sld [smem:$0x3FB3]  }
0x2f: {  	lr =	sadd.s32 s0, s3;
	s0 =	sld [smem:$0x3FAA]  }
0x30: {  	s3 =	sld [smem:$0x3FAD]  }
0x31: {  	[smem:$0x3FB6] =	sst s10  }
0x32: {  	s10 =	sld [smem:$0x3FB4];
	_ =	sdelay $0x3  }
0x33: {  	p0 =	seq.s32 s10, $0x1;
	s10 =	sld [smem:$0x3FB6];
	_ =	sdelay $0x3  }
0x34: {  	[smem:$0x3FB6] =	sst s10  }
0x35: {  	s10 =	sld [smem:$0x3FB5];
	_ =	sdelay $0x3  }
0x36: {  	p1 =	seq.s32 s10, $0x1;
	s10 =	sld [smem:$0x3FB6];
	_ =	sdelay $0x3  }
0x37: {  	[smem:$0x3FB6] =	sst s10  }
0x38: {  	s10 =	sld [smem:$0x3FB7]  }
0x39: {  	_ = 	snop;
	(pc) =	sbr.ind lr, $3  }
0x3a: {  	_ = 	snop  }
0x3b: {  	_ = 	snop  }
0x3c: {  	p2 =	seq.s32 s10, $0x1;
	s10 =	sld [smem:$0x3FB6]  }
0x3d: {  	_ =	shalt  }
0x3e: {  	_ =	shalt  }
0x3f: {  	_ =	shalt  }
0x40: {  	_ =	shalt  }
0x41: {  	_ =	shalt  }
0x42: {  	_ =	shalt  }
0x43: {  	_ =	shalt  }
0x44: {  	_ =	shalt  }
0x45: {  	_ =	shalt  }
0x46: {  	_ =	shalt  }
0x47: {  	_ =	shalt  }
0x48: {  	_ =	shalt  }
0x49: {  	_ =	shalt  }
0x4a: {  	_ =	shalt  }
0x4b: {  	_ =	shalt  }
0x4c: {  	_ =	shalt  }
0x4d: {  	_ =	shalt  }
0x4e: {  	_ =	shalt  }
0x4f: {  	_ =	shalt  }
0x50: {  	_ =	shalt  }
0x51: {  	_ =	shalt  }
0x52: {  	_ =	shalt  }
0x53: {  	_ =	shalt  }
0x54: {  	_ =	shalt  }
0x55: {  	_ =	shalt  }
0x56: {  	_ =	shalt  }
0x57: {  	_ =	shalt  }
0x58: {  	_ =	shalt  }
0x59: {  	_ =	shalt  }
0x5a: {  	_ =	shalt  }
0x5b: {  	_ =	shalt  }
0x5c: {  	_ =	shalt  }
0x5d: {  	_ =	shalt  }
0x5e: {  	_ =	shalt  }
0x5f: {  	_ =	shalt  }
0x60: {  	_ =	shalt  }
0x61: {  	_ =	shalt  }
0x62: {  	_ =	shalt  }
0x63: {  	_ =	shalt  }
0x64: {  	_ =	shalt  }
0x65: {  	_ =	shalt  }
0x66: {  	_ =	shalt  }
0x67: {  	_ =	shalt  }
0x68: {  	_ =	shalt  }
0x69: {  	_ =	shalt  }
0x6a: {  	_ =	shalt  }
0x6b: {  	_ =	shalt  }
0x6c: {  	_ =	shalt  }
0x6d: {  	_ =	shalt  }
0x6e: {  	_ =	shalt  }
0x6f: {  	_ =	shalt  }
0x70: {  	_ =	shalt  }
0x71: {  	_ =	shalt  }
0x72: {  	_ =	shalt  }
0x73: {  	_ =	shalt  }
0x74: {  	_ =	shalt  }
0x75: {  	_ =	shalt  }
0x76: {  	_ =	shalt  }
0x77: {  	_ =	shalt  }
0x78: {  	_ =	shalt  }
0x79: {  	_ =	shalt  }
0x7a: {  	_ =	shalt  }
0x7b: {  	_ =	shalt  }
0x7c: {  	_ =	shalt  }
0x7d: {  	_ =	shalt  }
0x7e: {  	_ =	shalt  }
0x7f: {  	_ =	shalt  }
0x80: {  	_ =	shalt  }
0x81: {  	_ =	shalt  }
0x82: {  	_ =	shalt  }
0x83: {  	_ =	shalt  }
0x84: {  	_ =	shalt  }
0x85: {  	_ =	shalt  }
0x86: {  	_ =	shalt  }
0x87: {  	_ =	shalt  }
.Lfunc_end0:
.L_simem_size_0:
called_computation.1_lowered:
.L_overlay_start_0:
0x88: {  	s2 =	sld [smem:$0x3FD9]  }
0x89: {  	s3 =	sld [smem:$0x3FFE];
	_ =	sdelay $0x1  }
0x8a: {  	s1 =	srdreg.scid  }
0x8b: {  	s0 =	sand.u32 $0x1, s1  }
0x8c: {  	s16 =	sshll.u32 s0, $0xA;
	s2 =	sadd.s32 s3, s2  }
0x8d: {  	s2 =	sadd.s32 s2, s16  }
0x8e: {  	[smem:$0x3FC2] =	sst s2  }
0x8f: {  	_ = 	snop  }
0x90: {  	(tm) =	ssettm $0x1  }
0x91: {  	s17 =	sld [smem:$0x3FFB];
	_ =	sdelay $0x3  }
0x92: {  	_ =	strace s17  }
0x93: {  	s2 =	sld [smem:$0x3FFC];
	_ =	sdelay $0x3  }
0x94: {  	_ =	strace s2  }
0x95: {  	s2 =	sld [smem:$0x3FFD];
	_ =	sdelay $0x3  }
0x96: {  	_ =	strace s2  }
0x97: {  	_ =	strace $0x8FFFFFFF  }
0x98: {  	s18 =	sld [smem:$0x3FDB];
	_ =	sdelay $0x1  }
0x99: {  	s19 =	simm.s32 $_scs_section_size  }
0x9a: {  	s4 =	simm.s32 $_size__tile_overlayer_lowered;
	s5 =	simm.s32 $_tile_overlayer_lowered  }
0x9b: {  	s22 =	simm.s32 $0x1BFF;
	s21 =	sshll.u32 s5, $0x1;
	s2 =	sadd.s32 s19, s18  }
0x9c: {  	s6 =	simm.s32 $0x0;
	s20 =	sshll.u32 s4, $0x1;
	s4 =	sadd.s32 s21, s2  }
0x9d: {  	[timem:s6], [sflag:s22] =	dma.local [hbm:s4], s20  }
0x9e: {  	_ =	swait.ge [sflag:s22], s20  }
0x9f: {  	s3 =	ssub.s32 $0x0, s20;
	[sflag:s22] =	ssyncset.done $0x0  }
0xa0: {  	[sflag:s22] =	ssyncadd.s32 s3;
	_ =	sdelay $0x1  }
0xa1: {  	s23 =	simm.s32 $0x1B8B  }
0xa2: {  	_ =	swait.ge [sflag:s23], $0x1  }
0xa3: {  	[sflag:s23] =	ssyncset.done $0x0  }
0xa4: {  	s25 =	simm.s32 $0x1B8E;
	s24 =	sld [smem:$0x3FFE];
	[sflag:s23] =	ssyncadd.s32 $0xFFFFFFFF  }
0xa5: {  	s26 =	simm.s32 $execute0_lowered;
	[smem:$0x3FD2] =	sst s25  }
0xa6: {  	s4 =	sshll.u32 s26, $0x1;
	_ =	strace $0x80000049;
	[dreg:$0x1] =	wrdreg $0xFFFFFFFF  }
0xa7: {  	s28 =	simm.s32 $_size_execute0_lowered;
	s2 =	sadd.s32 s2, s4;
	[dreg:$0x0] =	wrdreg $0x0  }
0xa8: {  	s4 =	sshll.u32 s28, $0x1;
	[dreg:$0x2] =	wrdreg s2  }
0xa9: {  	[dreg:$0x3] =	wrdreg s4  }
0xaa: {  	[dreg:$0x4] =	wrdreg $0xC0  }
0xab: {  	_ =	task [dreg:s6], $0x5FFFF  }
0xac: {  	[dreg:$0x1] =	wrdreg $0xFFFFFFFF  }
0xad: {  	[dreg:$0x0] =	wrdreg $0x60  }
0xae: {  	[dreg:$0x2] =	wrdreg s24  }
0xaf: {  	[dreg:$0x3] =	wrdreg $0xA4000  }
0xb0: {  	[dreg:$0x4] =	wrdreg $0x1E4000  }
0xb1: {  	[dreg:$0x5] =	wrdreg $0x1E6800  }
0xb2: {  	[dreg:$0x6] =	wrdreg $0x9  }
0xb3: {  	_ =	task.clear_ibuf [dreg:s6], $0x7FFFF;
	_ =	strace $0x90000049  }
0xb4: {  	s29 =	simm.s32 $0x9;
	_ =	strace $0x8000005B  }
0xb5: {  	_ =	swait.ge [sflag:s29], $0x1  }
0xb6: {  	[sflag:s29] =	ssyncadd.s32 $0xFFFFFFFF  }
0xb7: {  	_ =	strace $0x9000005B  }
0xb8: {  	_ =	sfence  }
0xb9: {  	s30 =	sld [smem:$0x0];
	_ =	sdelay $0x2  }
0xba: {  	s31 =	sshll.u32 s1, $0xD;
	s1 =	sshrl.u32 s1, $0x2  }
0xbb: {  	s3 =	sand.u32 $0x4000, s31;
	s1 =	sadd.s32 s1, s30  }
0xbc: {  	s0 =	sor.u32 s3, s0;
	s1 =	sshll.u32 s1, $0x11  }
0xbd: {  	s0 =	sor.u32 s1, s0  }
0xbe: {  	s0 =	sadd.s32 $0x8F2B, s0  }
0xbf: {  	[sflag:s0] =	ssyncadd.remote.s32 $0x1  }
0xc0: {  	_ =	sfence.sel $0xFFFF  }
0xc1: {  	[dreg:$0x0] =	wrdreg $0xFFFFFFFF;
	(pc) =	sbr.abs _section_cstart, $3  }
0xc2: {  	[dreg:$0x1] =	wrdreg $0xFFFFFFFF  }
0xc3: {  	_ =	task.clear_ibuf [dreg:s6], $0x2FFFF;
	_ =	strace $0x9FFFFFFF  }
0xc4: {  	(tm) =	ssettm $0x7FFFFFFF  }
0xc5: {  	_ =	shalt  }
tec
execute0_lowered:
.L_overlay_start_1:
0x0: {  	(tag) =	ssettag $0x1  }
0x1: {  	s0 =	rddreg [dreg:$0x0]  }
0x2: {  	s1 =	rddreg [dreg:$0x1];
	s2 =	srdreg.scid  }
0x3: {  	s3 =	rddreg [dreg:$0x2];
	s15 =	stileid.u32  }
0x4: {  	s4 =	rddreg [dreg:$0x3];
	s6 =	smul.u32 $0x14000, s15  }
0x5: {  	s28 =	simm.s32 $0x9D00;
	s29 =	simm.s32 $0x9F00;
	s7 =	smul.u32 $0x500, s15  }
0x6: {  	s31 =	simm.s32 $0x9F80;
	s30 =	simm.s32 $0x4;
	s11 =	smul.u32 $0x280, s15  }
0x7: {  	s2 =	sand.u32 $0x1, s2;
	s8 =	sadd.s32 $0xCC00, s0;
	s12 =	smul.u32 $0x4800, s15  }
0x8: {  	s9 =	sadd.s32 $0x2C00, s0;
	s25 =	sshll.u32 s15, $0x8;
	s14 =	smul.u32 $0x900, s15  }
0x9: {  	s5 =	smul.u32 $0x140000, s2;
	s10 =	sshll.u32 s2, $0x7;
	s24 =	ssub.s32 $0x2, s2  }
0xa: {  	p0 =	sne.s32 s2, $0x0;
	s13 =	sshrl.u32 s24, $0x1;
	s12 =	sshrl.u32 s12, $0x3  }
0xb: {  	s17 =	sadd.s32 s9, s14;
	s5 =	sadd.s32 s6, s5;
	s6 =	sor.u32 s10, s7  }
0xc: {  	s7 =	ssub.s32 s24, s13;
	s13 =	sadd.s32 s8, s14;
	[dreg:$0x8] =	wrdreg s17  }
0xd: {  	s10 =	sor.u32 $0x9000, s25;
	s17 =	simm.s32 $0x0;
	[dreg:$0x7] =	wrdreg s13  }
0xe: {  	s16 =	sadd.s32 $0x180, s12;
	s26 =	sadd.s32 s8, s10;
	[smem:$0x7FF] =	sst s17  }
0xf: {  	s19 =	sadd.s32 $0x300, s12;
	s10 =	sadd.s32 s9, s10;
	[dreg:$0x5] =	wrdreg s26  }
0x10: {  	s21 =	sadd.s32 $0x480, s12;
	s18 =	sadd.s32 s8, s16;
	[dreg:$0x6] =	wrdreg s10  }
0x11: {  	s23 =	sadd.s32 $0x600, s12;
	s20 =	sadd.s32 s8, s19;
	[dreg:$0x9] =	wrdreg s18  }
0x12: {  	s25 =	sadd.s32 $0x780, s12;
	s13 =	sadd.s32 s9, s19;
	[dreg:$0xb] =	wrdreg s20  }
0x13: {  	s14 =	sadd.s32 $0x3EE00, s0;
	s22 =	sadd.s32 s8, s21;
	[dreg:$0xc] =	wrdreg s13  }
0x14: {  	s24 =	sadd.s32 s8, s23;
	s8 =	sadd.s32 s8, s25;
	[dreg:$0xd] =	wrdreg s22  }
0x15: {  	s5 =	sshrl.u32 s5, $0x3;
	s6 =	sshrl.u32 s6, $0x3;
	[dreg:$0xf] =	wrdreg s24  }
0x16: {  	s10 =	sadd.s32 s9, s16;
	s26 =	sadd.s32 s9, s23;
	[dreg:$0x11] =	wrdreg s8  }
0x17: {  	s13 =	smul.u32 $0x50000, s15;
	s5 =	sadd.s32 s5, s0;
	[dreg:$0xa] =	wrdreg s10  }
0x18: {  	s6 =	sadd.s32 s6, s0;
	s10 =	sadd.s32 s9, s21;
	[dreg:$0x10] =	wrdreg s26  }
0x19: {  	s20 =	sadd.s32 $0x16E00, s0;
	s9 =	sadd.s32 s9, s25;
	[dreg:$0xe] =	wrdreg s10  }
0x1a: {  	s16 =	sadd.s32 s11, s3;
	s18 =	sadd.s32 s11, s4;
	[dreg:$0x12] =	wrdreg s9  }
0x1b: {  	s22 =	smax.u32 s7, $0x1;
	_ =	strace $0x8000004A;
	[dreg:$0x1f] =	wrdreg s14  }
0x1c: {  	s7 =	simm.s32 $0x1800;
	s19 =	sadd.s32 $0x67400, s5;
	[dreg:$0x15] =	wrdreg s16  }
0x1d: {  	s21 =	sadd.s32 $0xB7400, s6;
	s10 =	sshrl.u32 s11, $0x3;
	[dreg:$0x17] =	wrdreg s19  }
0x1e: {  	s15 =	sshrl.u32 s13, $0x2;
	s9 =	simm.s32 $0x9E80;
	[dreg:$0x18] =	wrdreg s21  }
0x1f: {  	s12 =	sadd.s32 s10, s0;
	s0 =	sadd.s32 $0x16C00, s0;
	[dreg:$0x19] =	wrdreg s22  }
0x20: {  	s8 =	sadd.s32 s15, s1;
	s10 =	simm.s32 $0x80;
	[dreg:$0x13] =	wrdreg s0  }
0x21: {  	s21 =	simm.s32 $0x9C00;
	s2 =	sadd.s32 $0x66E00, s12;
	[dreg:$0x14] =	wrdreg s8  }
0x22: {  	s22 =	simm.s32 $0x9C80;
	s0 =	sshrl.u32 s18, $0x3;
	[dreg:$0x16] =	wrdreg s2  }
0x23: {  	s16 =	simm.s32 $0x9D80;
	s23 =	sadd.s32 $0x4000, s8;
	[dreg:$0x1a] =	wrdreg s0  }
.Ltmp0:
0x24: {  	s24 =	sadd.s32 $0x8000, s8;
	[dreg:$0x1b] =	wrdreg s23;
	(pc) =	sbr.rel .LBB2_1-.Ltmp0, $4  }
0x25: {  	s14 =	simm.s32 $0x9E00;
	s25 =	sadd.s32 $0xC000, s8;
	[dreg:$0x1c] =	wrdreg s24  }
0x26: {  	s19 =	simm.s32 $0x2;
	s26 =	sadd.s32 $0x10000, s8;
	[dreg:$0x1d] =	wrdreg s25  }
0x27: {  	s8 =	simm.s32 $0x5;
	s18 =	simm.s32 $0x1;
	[dreg:$0x1e] =	wrdreg s26  }
0x28: {  	v0 =	vimm.f32 $0.0e+00;
	s23 =	simm.s32 $0x5800;
	s25 =	simm.s32 $0x3;
	s0 =	simm.s32 $0x0  }
.LBB2_19:
0x29: {  	s13 =	rddreg [dreg:$0x5];
	s17 =	simm.s32 $0x0  }
0x2a: {  	[tilespmem:s17], [sflag:$0x5] =	stream.linear.gather [hbm4b:s13+s17], $0x800, $0x38;
	[tilespmem:$0x1E900] =	vst v63  }
0x2b: {  	_ =	swait.ge [sflag:s8], $0x800  }
0x2c: {  	[sflag:s8] =	ssyncset.done $0x0  }
0x2d: {  	s0 =	simm.s32 $0xC00;
	s24 =	rddreg [dreg:$0x6];
	[sflag:s8] =	ssyncadd.s32 $0xFFFFF800  }
0x2e: {  	[tilespmem:s0], [sflag:$0x5] =	stream.linear.gather [hbm4b:s24+s17], $0x800, $0x38;
	[tilespmem:$0x1E900] =	vst v63  }
0x2f: {  	_ =	swait.ge [sflag:s8], $0x800  }
0x30: {  	[sflag:s8] =	ssyncset.done $0x0  }
0x31: {  	[sflag:s8] =	ssyncadd.s32 $0xFFFFF800  }
0x32: {  	s2 =	simm.s32 $0x9800;
	[bflag:$0x0] =	sbarrier.arrive $0xFFFF  }
0x33: {  	[tilespmem:s2], [sflag:$0x3] =	stream.indirect.gather [spmem:s4], $0x1, s0, s10, $0xb8;
	[tilespmem:$0x1E900] =	vst v63  }
0x34: {  	s26 =	simm.s32 $0x9880;
	s0 =	simm.s32 $0xC80  }
0x35: {  	[tilespmem:s26], [sflag:$0x3] =	stream.indirect.gather [spmem:s4], $0x1, s0, s10, $0xb8;
	[tilespmem:$0x1E900] =	vst v63  }
0x36: {  	s5 =	simm.s32 $0x9900;
	s22 =	simm.s32 $0xD00  }
0x37: {  	[tilespmem:s5], [sflag:$0x3] =	stream.indirect.gather [spmem:s4], $0x1, s22, s10, $0xb8;
	[tilespmem:$0x1E900] =	vst v63  }
0x38: {  	s6 =	simm.s32 $0x9980;
	s26 =	simm.s32 $0xD80  }
0x39: {  	[tilespmem:s6], [sflag:$0x3] =	stream.indirect.gather [spmem:s4], $0x1, s26, s10, $0xb8;
	[tilespmem:$0x1E900] =	vst v63  }
0x3a: {  	s12 =	simm.s32 $0xE00;
	s9 =	simm.s32 $0x9A00  }
0x3b: {  	[tilespmem:s9], [sflag:$0x3] =	stream.indirect.gather [spmem:s4], $0x1, s12, s10, $0xb8;
	[tilespmem:$0x1E900] =	vst v63  }
0x3c: {  	s31 =	simm.s32 $0xE80;
	s11 =	simm.s32 $0x9A80  }
0x3d: {  	[tilespmem:s11], [sflag:$0x3] =	stream.indirect.gather [spmem:s4], $0x1, s31, s10, $0xb8;
	[tilespmem:$0x1E900] =	vst v63  }
0x3e: {  	s14 =	simm.s32 $0xF00;
	s13 =	simm.s32 $0x9B00  }
0x3f: {  	[tilespmem:s13], [sflag:$0x3] =	stream.indirect.gather [spmem:s4], $0x1, s14, s10, $0xb8;
	[tilespmem:$0x1E900] =	vst v63  }
0x40: {  	s24 =	simm.s32 $0x9B80;
	s2 =	simm.s32 $0xF80  }
0x41: {  	[tilespmem:s24], [sflag:$0x3] =	stream.indirect.gather [spmem:s4], $0x1, s2, s10, $0xb8;
	[tilespmem:$0x1E900] =	vst v63  }
0x42: {  	s9 =	simm.s32 $0x9C00;
	s24 =	simm.s32 $0x1000  }
0x43: {  	[tilespmem:s9], [sflag:$0x3] =	stream.indirect.gather [spmem:s4], $0x1, s24, s10, $0xb8;
	[tilespmem:$0x1E900] =	vst v63  }
0x44: {  	s29 =	simm.s32 $0x1080;
	s11 =	simm.s32 $0x9C80  }
0x45: {  	[tilespmem:s11], [sflag:$0x3] =	stream.indirect.gather [spmem:s4], $0x1, s29, s10, $0xb8;
	[tilespmem:$0x1E900] =	vst v63  }
0x46: {  	s5 =	simm.s32 $0x9D00;
	s11 =	simm.s32 $0x1100  }
0x47: {  	[tilespmem:s5], [sflag:$0x3] =	stream.indirect.gather [spmem:s4], $0x1, s11, s10, $0xb8;
	[tilespmem:$0x1E900] =	vst v63  }
0x48: {  	s6 =	simm.s32 $0x9D80;
	s5 =	simm.s32 $0x1180  }
0x49: {  	[tilespmem:s6], [sflag:$0x3] =	stream.indirect.gather [spmem:s4], $0x1, s5, s10, $0xb8;
	[tilespmem:$0x1E900] =	vst v63  }
0x4a: {  	s15 =	simm.s32 $0x9E00;
	s6 =	simm.s32 $0x1200  }
0x4b: {  	[tilespmem:s15], [sflag:$0x3] =	stream.indirect.gather [spmem:s4], $0x1, s6, s10, $0xb8;
	[tilespmem:$0x1E900] =	vst v63  }
0x4c: {  	s16 =	simm.s32 $0x9E80;
	s15 =	simm.s32 $0x1280  }
0x4d: {  	[tilespmem:s16], [sflag:$0x3] =	stream.indirect.gather [spmem:s4], $0x1, s15, s10, $0xb8;
	[tilespmem:$0x1E900] =	vst v63  }
0x4e: {  	s21 =	simm.s32 $0x9F00;
	s16 =	simm.s32 $0x1300  }
0x4f: {  	[tilespmem:s21], [sflag:$0x3] =	stream.indirect.gather [spmem:s4], $0x1, s16, s10, $0xb8;
	[tilespmem:$0x1E900] =	vst v63  }
0x50: {  	s13 =	simm.s32 $0x9F80;
	s21 =	simm.s32 $0x1380  }
0x51: {  	[tilespmem:s13], [sflag:$0x3] =	stream.indirect.gather [spmem:s4], $0x1, s21, s10, $0xb8;
	[tilespmem:$0x1E900] =	vst v63  }
0x52: {  	_ =	strace $0x8000004E  }
0x53: {  	s13 =	rddreg [dreg:$0x1f]  }
0x54: {  	[tilespmem:s7], [sflag:$0x1] =	stream.indirect.gather [hbm4b:s13+s10], $0x80, s17, s10, $0x2000b8;
	[tilespmem:$0x1E900] =	vst v63  }
0x55: {  	_ = 	snop  }
0x56: {  	[tilespmem:s23], [sflag:$0x2] =	stream.indirect.gather [hbm4b:s13+s10], $0x80, s10, s10, $0x2000b8;
	[tilespmem:$0x1E900] =	vst v63  }
0x57: {  	_ =	swait.ge [sflag:s18], $0x4000  }
0x58: {  	[sflag:s18] =	ssyncset.done $0x0  }
0x59: {  	s9 =	simm.s32 $0xC00;
	[sflag:s18] =	ssyncadd.s32 $0xFFFFC000  }
0x5a: {  	[spmem:s1] =	stream.indirect.scatter.add.f32 [tilespmem:s7], [sflag:$0x5], $0x80, s9, s10, $0x2000b8;
	[tilespmem:$0x1E900] =	vst v63  }
0x5b: {  	_ =	swait.ge [sflag:s8], $0x4000  }
0x5c: {  	[sflag:s8] =	ssyncset.done $0x0  }
0x5d: {  	s9 =	simm.s32 $0x100;
	[sflag:s8] =	ssyncadd.s32 $0xFFFFC000  }
0x5e: {  	[tilespmem:s7], [sflag:$0x1] =	stream.indirect.gather [hbm4b:s13+s10], $0x80, s9, s10, $0x2000b8;
	[tilespmem:$0x1E900] =	vst v63  }
0x5f: {  	_ =	swait.ge [sflag:s19], $0x4000  }
0x60: {  	[sflag:s19] =	ssyncset.done $0x0  }
0x61: {  	[sflag:s19] =	ssyncadd.s32 $0xFFFFC000  }
0x62: {  	[spmem:s1] =	stream.indirect.scatter.add.f32 [tilespmem:s23], [sflag:$0x5], $0x80, s0, s10, $0x2000b8;
	[tilespmem:$0x1E900] =	vst v63  }
0x63: {  	_ =	swait.ge [sflag:s8], $0x4000  }
0x64: {  	[sflag:s8] =	ssyncset.done $0x0  }
0x65: {  	s9 =	simm.s32 $0x180;
	[sflag:s8] =	ssyncadd.s32 $0xFFFFC000  }
0x66: {  	[tilespmem:s23], [sflag:$0x2] =	stream.indirect.gather [hbm4b:s13+s10], $0x80, s9, s10, $0x2000b8;
	[tilespmem:$0x1E900] =	vst v63  }
0x67: {  	_ =	swait.ge [sflag:s18], $0x4000  }
0x68: {  	[sflag:s18] =	ssyncset.done $0x0  }
0x69: {  	[sflag:s18] =	ssyncadd.s32 $0xFFFFC000  }
0x6a: {  	[spmem:s1] =	stream.indirect.scatter.add.f32 [tilespmem:s7], [sflag:$0x5], $0x80, s22, s10, $0x2000b8;
	[tilespmem:$0x1E900] =	vst v63  }
0x6b: {  	_ =	swait.ge [sflag:s8], $0x4000  }
0x6c: {  	[sflag:s8] =	ssyncset.done $0x0  }
0x6d: {  	s28 =	simm.s32 $0x200;
	[sflag:s8] =	ssyncadd.s32 $0xFFFFC000  }
0x6e: {  	[tilespmem:s7], [sflag:$0x1] =	stream.indirect.gather [hbm4b:s13+s10], $0x80, s28, s10, $0x2000b8;
	[tilespmem:$0x1E900] =	vst v63  }
0x6f: {  	_ =	swait.ge [sflag:s19], $0x4000  }
0x70: {  	[sflag:s19] =	ssyncset.done $0x0  }
0x71: {  	[sflag:s19] =	ssyncadd.s32 $0xFFFFC000  }
0x72: {  	[spmem:s1] =	stream.indirect.scatter.add.f32 [tilespmem:s23], [sflag:$0x5], $0x80, s26, s10, $0x2000b8;
	[tilespmem:$0x1E900] =	vst v63  }
0x73: {  	_ =	swait.ge [sflag:s8], $0x4000  }
0x74: {  	[sflag:s8] =	ssyncset.done $0x0  }
0x75: {  	s26 =	simm.s32 $0x280;
	[sflag:s8] =	ssyncadd.s32 $0xFFFFC000  }
0x76: {  	[tilespmem:s23], [sflag:$0x2] =	stream.indirect.gather [hbm4b:s13+s10], $0x80, s26, s10, $0x2000b8;
	[tilespmem:$0x1E900] =	vst v63  }
0x77: {  	_ =	swait.ge [sflag:s18], $0x4000  }
0x78: {  	[sflag:s18] =	ssyncset.done $0x0  }
0x79: {  	[sflag:s18] =	ssyncadd.s32 $0xFFFFC000  }
0x7a: {  	[spmem:s1] =	stream.indirect.scatter.add.f32 [tilespmem:s7], [sflag:$0x5], $0x80, s12, s10, $0x2000b8;
	[tilespmem:$0x1E900] =	vst v63  }
0x7b: {  	_ =	swait.ge [sflag:s8], $0x4000  }
0x7c: {  	[sflag:s8] =	ssyncset.done $0x0  }
0x7d: {  	s22 =	simm.s32 $0x300;
	[sflag:s8] =	ssyncadd.s32 $0xFFFFC000  }
0x7e: {  	[tilespmem:s7], [sflag:$0x1] =	stream.indirect.gather [hbm4b:s13+s10], $0x80, s22, s10, $0x2000b8;
	[tilespmem:$0x1E900] =	vst v63  }
0x7f: {  	_ =	swait.ge [sflag:s19], $0x4000  }
0x80: {  	[sflag:s19] =	ssyncset.done $0x0  }
0x81: {  	[sflag:s19] =	ssyncadd.s32 $0xFFFFC000  }
0x82: {  	[spmem:s1] =	stream.indirect.scatter.add.f32 [tilespmem:s23], [sflag:$0x5], $0x80, s31, s10, $0x2000b8;
	[tilespmem:$0x1E900] =	vst v63  }
0x83: {  	_ =	swait.ge [sflag:s8], $0x4000  }
0x84: {  	[sflag:s8] =	ssyncset.done $0x0  }
0x85: {  	s12 =	simm.s32 $0x380;
	[sflag:s8] =	ssyncadd.s32 $0xFFFFC000  }
0x86: {  	[tilespmem:s23], [sflag:$0x2] =	stream.indirect.gather [hbm4b:s13+s10], $0x80, s12, s10, $0x2000b8;
	[tilespmem:$0x1E900] =	vst v63  }
0x87: {  	_ =	swait.ge [sflag:s18], $0x4000  }
0x88: {  	[sflag:s18] =	ssyncset.done $0x0  }
0x89: {  	[sflag:s18] =	ssyncadd.s32 $0xFFFFC000  }
0x8a: {  	[spmem:s1] =	stream.indirect.scatter.add.f32 [tilespmem:s7], [sflag:$0x5], $0x80, s14, s10, $0x2000b8;
	[tilespmem:$0x1E900] =	vst v63  }
0x8b: {  	_ =	swait.ge [sflag:s8], $0x4000  }
0x8c: {  	[sflag:s8] =	ssyncset.done $0x0  }
0x8d: {  	s9 =	simm.s32 $0x400;
	[sflag:s8] =	ssyncadd.s32 $0xFFFFC000  }
0x8e: {  	[tilespmem:s7], [sflag:$0x1] =	stream.indirect.gather [hbm4b:s13+s10], $0x80, s9, s10, $0x2000b8;
	[tilespmem:$0x1E900] =	vst v63  }
0x8f: {  	_ =	swait.ge [sflag:s19], $0x4000  }
0x90: {  	[sflag:s19] =	ssyncset.done $0x0  }
0x91: {  	[sflag:s19] =	ssyncadd.s32 $0xFFFFC000  }
0x92: {  	[spmem:s1] =	stream.indirect.scatter.add.f32 [tilespmem:s23], [sflag:$0x5], $0x80, s2, s10, $0x2000b8;
	[tilespmem:$0x1E900] =	vst v63  }
0x93: {  	_ =	swait.ge [sflag:s8], $0x4000  }
0x94: {  	[sflag:s8] =	ssyncset.done $0x0  }
0x95: {  	s2 =	simm.s32 $0x480;
	[sflag:s8] =	ssyncadd.s32 $0xFFFFC000  }
0x96: {  	[tilespmem:s23], [sflag:$0x2] =	stream.indirect.gather [hbm4b:s13+s10], $0x80, s2, s10, $0x2000b8;
	[tilespmem:$0x1E900] =	vst v63  }
0x97: {  	_ =	swait.ge [sflag:s18], $0x4000  }
0x98: {  	[sflag:s18] =	ssyncset.done $0x0  }
0x99: {  	[sflag:s18] =	ssyncadd.s32 $0xFFFFC000  }
0x9a: {  	[spmem:s1] =	stream.indirect.scatter.add.f32 [tilespmem:s7], [sflag:$0x5], $0x80, s24, s10, $0x2000b8;
	[tilespmem:$0x1E900] =	vst v63  }
0x9b: {  	_ =	swait.ge [sflag:s8], $0x4000  }
0x9c: {  	[sflag:s8] =	ssyncset.done $0x0  }
0x9d: {  	s0 =	simm.s32 $0x500;
	[sflag:s8] =	ssyncadd.s32 $0xFFFFC000  }
0x9e: {  	[tilespmem:s7], [sflag:$0x1] =	stream.indirect.gather [hbm4b:s13+s10], $0x80, s0, s10, $0x2000b8;
	[tilespmem:$0x1E900] =	vst v63  }
0x9f: {  	_ =	swait.ge [sflag:s19], $0x4000  }
0xa0: {  	[sflag:s19] =	ssyncset.done $0x0  }
0xa1: {  	[sflag:s19] =	ssyncadd.s32 $0xFFFFC000  }
0xa2: {  	[spmem:s1] =	stream.indirect.scatter.add.f32 [tilespmem:s23], [sflag:$0x5], $0x80, s29, s10, $0x2000b8;
	[tilespmem:$0x1E900] =	vst v63  }
0xa3: {  	_ =	swait.ge [sflag:s8], $0x4000  }
0xa4: {  	[sflag:s8] =	ssyncset.done $0x0  }
0xa5: {  	s29 =	simm.s32 $0x580;
	[sflag:s8] =	ssyncadd.s32 $0xFFFFC000  }
0xa6: {  	[tilespmem:s23], [sflag:$0x2] =	stream.indirect.gather [hbm4b:s13+s10], $0x80, s29, s10, $0x2000b8;
	[tilespmem:$0x1E900] =	vst v63  }
0xa7: {  	_ =	swait.ge [sflag:s18], $0x4000  }
0xa8: {  	[sflag:s18] =	ssyncset.done $0x0  }
0xa9: {  	[sflag:s18] =	ssyncadd.s32 $0xFFFFC000  }
0xaa: {  	[spmem:s1] =	stream.indirect.scatter.add.f32 [tilespmem:s7], [sflag:$0x5], $0x80, s11, s10, $0x2000b8;
	[tilespmem:$0x1E900] =	vst v63  }
0xab: {  	_ =	swait.ge [sflag:s8], $0x4000  }
0xac: {  	[sflag:s8] =	ssyncset.done $0x0  }
0xad: {  	s11 =	simm.s32 $0x600;
	[sflag:s8] =	ssyncadd.s32 $0xFFFFC000  }
0xae: {  	[tilespmem:s7], [sflag:$0x1] =	stream.indirect.gather [hbm4b:s13+s10], $0x80, s11, s10, $0x2000b8;
	[tilespmem:$0x1E900] =	vst v63  }
0xaf: {  	_ =	swait.ge [sflag:s19], $0x4000  }
0xb0: {  	[sflag:s19] =	ssyncset.done $0x0  }
0xb1: {  	[sflag:s19] =	ssyncadd.s32 $0xFFFFC000  }
0xb2: {  	[spmem:s1] =	stream.indirect.scatter.add.f32 [tilespmem:s23], [sflag:$0x5], $0x80, s5, s10, $0x2000b8;
	[tilespmem:$0x1E900] =	vst v63  }
0xb3: {  	_ =	swait.ge [sflag:s8], $0x4000  }
0xb4: {  	[sflag:s8] =	ssyncset.done $0x0  }
0xb5: {  	s5 =	simm.s32 $0x680;
	[sflag:s8] =	ssyncadd.s32 $0xFFFFC000  }
0xb6: {  	[tilespmem:s23], [sflag:$0x2] =	stream.indirect.gather [hbm4b:s13+s10], $0x80, s5, s10, $0x2000b8;
	[tilespmem:$0x1E900] =	vst v63  }
0xb7: {  	_ =	swait.ge [sflag:s18], $0x4000  }
0xb8: {  	[sflag:s18] =	ssyncset.done $0x0  }
0xb9: {  	[sflag:s18] =	ssyncadd.s32 $0xFFFFC000  }
0xba: {  	[spmem:s1] =	stream.indirect.scatter.add.f32 [tilespmem:s7], [sflag:$0x5], $0x80, s6, s10, $0x2000b8;
	[tilespmem:$0x1E900] =	vst v63  }
0xbb: {  	_ =	swait.ge [sflag:s8], $0x4000  }
0xbc: {  	[sflag:s8] =	ssyncset.done $0x0  }
0xbd: {  	s6 =	simm.s32 $0x700;
	[sflag:s8] =	ssyncadd.s32 $0xFFFFC000  }
0xbe: {  	[tilespmem:s7], [sflag:$0x1] =	stream.indirect.gather [hbm4b:s13+s10], $0x80, s6, s10, $0x2000b8;
	[tilespmem:$0x1E900] =	vst v63  }
0xbf: {  	_ =	swait.ge [sflag:s19], $0x4000  }
0xc0: {  	[sflag:s19] =	ssyncset.done $0x0  }
0xc1: {  	[sflag:s19] =	ssyncadd.s32 $0xFFFFC000  }
0xc2: {  	[spmem:s1] =	stream.indirect.scatter.add.f32 [tilespmem:s23], [sflag:$0x5], $0x80, s15, s10, $0x2000b8;
	[tilespmem:$0x1E900] =	vst v63  }
0xc3: {  	_ =	swait.ge [sflag:s8], $0x4000  }
0xc4: {  	[sflag:s8] =	ssyncset.done $0x0  }
0xc5: {  	s15 =	simm.s32 $0x780;
	[sflag:s8] =	ssyncadd.s32 $0xFFFFC000  }
0xc6: {  	[tilespmem:s23], [sflag:$0x2] =	stream.indirect.gather [hbm4b:s13+s10], $0x80, s15, s10, $0x2000b8;
	[tilespmem:$0x1E900] =	vst v63  }
0xc7: {  	_ =	swait.ge [sflag:s18], $0x4000  }
0xc8: {  	[sflag:s18] =	ssyncset.done $0x0  }
0xc9: {  	[sflag:s18] =	ssyncadd.s32 $0xFFFFC000  }
0xca: {  	[spmem:s1] =	stream.indirect.scatter.add.f32 [tilespmem:s7], [sflag:$0x5], $0x80, s16, s10, $0x2000b8;
	[tilespmem:$0x1E900] =	vst v63  }
0xcb: {  	_ =	swait.ge [sflag:s8], $0x4000  }
0xcc: {  	[sflag:s8] =	ssyncset.done $0x0  }
0xcd: {  	[sflag:s8] =	ssyncadd.s32 $0xFFFFC000  }
0xce: {  	_ =	swait.ge [sflag:s19], $0x4000  }
0xcf: {  	[sflag:s19] =	ssyncset.done $0x0  }
0xd0: {  	[sflag:s19] =	ssyncadd.s32 $0xFFFFC000  }
0xd1: {  	[spmem:s1] =	stream.indirect.scatter.add.f32 [tilespmem:s23], [sflag:$0x5], $0x80, s21, s10, $0x2000b8;
	[tilespmem:$0x1E900] =	vst v63  }
0xd2: {  	_ =	swait.ge [sflag:s8], $0x4000  }
0xd3: {  	[sflag:s8] =	ssyncset.done $0x0  }
0xd4: {  	[sflag:s8] =	ssyncadd.s32 $0xFFFFC000  }
0xd5: {  	_ =	strace $0x9000004E  }
0xd6: {  	_ =	strace $0x8000004F  }
0xd7: {  	_ =	swait.ge [sflag:s25], $0x80  }
0xd8: {  	[sflag:s25] =	ssyncset.done $0x0  }
0xd9: {  	[sflag:s25] =	ssyncadd.s32 $0xFFFFFF80  }
0xda: {  	_ =	swait.ge [sflag:s25], $0x80  }
0xdb: {  	[sflag:s25] =	ssyncset.done $0x0  }
0xdc: {  	[sflag:s25] =	ssyncadd.s32 $0xFFFFFF80  }
0xdd: {  	_ =	swait.ge [sflag:s25], $0x80  }
0xde: {  	[sflag:s25] =	ssyncset.done $0x0  }
0xdf: {  	[sflag:s25] =	ssyncadd.s32 $0xFFFFFF80  }
0xe0: {  	_ =	swait.ge [sflag:s25], $0x80  }
0xe1: {  	[sflag:s25] =	ssyncset.done $0x0  }
0xe2: {  	[sflag:s25] =	ssyncadd.s32 $0xFFFFFF80  }
0xe3: {  	_ =	swait.ge [sflag:s25], $0x80  }
0xe4: {  	[sflag:s25] =	ssyncset.done $0x0  }
0xe5: {  	[sflag:s25] =	ssyncadd.s32 $0xFFFFFF80  }
0xe6: {  	_ =	swait.ge [sflag:s25], $0x80  }
0xe7: {  	[sflag:s25] =	ssyncset.done $0x0  }
0xe8: {  	[sflag:s25] =	ssyncadd.s32 $0xFFFFFF80  }
0xe9: {  	_ =	swait.ge [sflag:s25], $0x80  }
0xea: {  	[sflag:s25] =	ssyncset.done $0x0  }
0xeb: {  	[sflag:s25] =	ssyncadd.s32 $0xFFFFFF80  }
0xec: {  	_ =	swait.ge [sflag:s25], $0x80  }
0xed: {  	[sflag:s25] =	ssyncset.done $0x0  }
0xee: {  	[sflag:s25] =	ssyncadd.s32 $0xFFFFFF80  }
0xef: {  	_ =	swait.ge [sflag:s25], $0x80  }
0xf0: {  	[sflag:s25] =	ssyncset.done $0x0  }
0xf1: {  	[sflag:s25] =	ssyncadd.s32 $0xFFFFFF80  }
0xf2: {  	_ =	swait.ge [sflag:s25], $0x80  }
0xf3: {  	[sflag:s25] =	ssyncset.done $0x0  }
0xf4: {  	[sflag:s25] =	ssyncadd.s32 $0xFFFFFF80  }
0xf5: {  	_ =	swait.ge [sflag:s25], $0x80  }
0xf6: {  	[sflag:s25] =	ssyncset.done $0x0  }
0xf7: {  	[sflag:s25] =	ssyncadd.s32 $0xFFFFFF80  }
0xf8: {  	_ =	swait.ge [sflag:s25], $0x80  }
0xf9: {  	[sflag:s25] =	ssyncset.done $0x0  }
0xfa: {  	[sflag:s25] =	ssyncadd.s32 $0xFFFFFF80  }
0xfb: {  	_ =	swait.ge [sflag:s25], $0x80  }
0xfc: {  	[sflag:s25] =	ssyncset.done $0x0  }
0xfd: {  	[sflag:s25] =	ssyncadd.s32 $0xFFFFFF80  }
0xfe: {  	_ =	swait.ge [sflag:s25], $0x80  }
0xff: {  	[sflag:s25] =	ssyncset.done $0x0  }
0x100: {  	[sflag:s25] =	ssyncadd.s32 $0xFFFFFF80  }
0x101: {  	_ =	swait.ge [sflag:s25], $0x80  }
0x102: {  	[sflag:s25] =	ssyncset.done $0x0  }
0x103: {  	[sflag:s25] =	ssyncadd.s32 $0xFFFFFF80  }
0x104: {  	_ =	swait.ge [sflag:s25], $0x80  }
0x105: {  	[sflag:s25] =	ssyncset.done $0x0  }
0x106: {  	s16 =	simm.s32 $0x9800;
	[sflag:s25] =	ssyncadd.s32 $0xFFFFFF80  }
0x107: {  	[spmem:s3] =	stream.indirect.scatter.add.f32 [tilespmem:s16], [sflag:$0x4], $0x1, s17, s10, $0x2000b8;
	[tilespmem:$0x1E900] =	vst v63  }
0x108: {  	s21 =	simm.s32 $0x9880  }
0x109: {  	[spmem:s3] =	stream.indirect.scatter.add.f32 [tilespmem:s21], [sflag:$0x4], $0x1, s10, s10, $0x2000b8;
	[tilespmem:$0x1E900] =	vst v63  }
0x10a: {  	s16 =	simm.s32 $0x9900;
	s21 =	simm.s32 $0x100  }
0x10b: {  	[spmem:s3] =	stream.indirect.scatter.add.f32 [tilespmem:s16], [sflag:$0x4], $0x1, s21, s10, $0x2000b8;
	[tilespmem:$0x1E900] =	vst v63  }
0x10c: {  	s16 =	simm.s32 $0x9980;
	s21 =	simm.s32 $0x180  }
0x10d: {  	[spmem:s3] =	stream.indirect.scatter.add.f32 [tilespmem:s16], [sflag:$0x4], $0x1, s21, s10, $0x2000b8;
	[tilespmem:$0x1E900] =	vst v63  }
0x10e: {  	s21 =	simm.s32 $0x9A00  }
0x10f: {  	[spmem:s3] =	stream.indirect.scatter.add.f32 [tilespmem:s21], [sflag:$0x4], $0x1, s28, s10, $0x2000b8;
	[tilespmem:$0x1E900] =	vst v63  }
0x110: {  	s16 =	simm.s32 $0x9A80  }
0x111: {  	[spmem:s3] =	stream.indirect.scatter.add.f32 [tilespmem:s16], [sflag:$0x4], $0x1, s26, s10, $0x2000b8;
	[tilespmem:$0x1E900] =	vst v63  }
0x112: {  	s21 =	simm.s32 $0x9B00  }
0x113: {  	[spmem:s3] =	stream.indirect.scatter.add.f32 [tilespmem:s21], [sflag:$0x4], $0x1, s22, s10, $0x2000b8;
	[tilespmem:$0x1E900] =	vst v63  }
0x114: {  	s31 =	simm.s32 $0x9B80  }
0x115: {  	[spmem:s3] =	stream.indirect.scatter.add.f32 [tilespmem:s31], [sflag:$0x4], $0x1, s12, s10, $0x2000b8;
	[tilespmem:$0x1E900] =	vst v63  }
0x116: {  	s24 =	simm.s32 $0x9C00  }
0x117: {  	[spmem:s3] =	stream.indirect.scatter.add.f32 [tilespmem:s24], [sflag:$0x4], $0x1, s9, s10, $0x2000b8;
	[tilespmem:$0x1E900] =	vst v63  }
0x118: {  	s14 =	simm.s32 $0x9C80  }
0x119: {  	[spmem:s3] =	stream.indirect.scatter.add.f32 [tilespmem:s14], [sflag:$0x4], $0x1, s2, s10, $0x2000b8;
	[tilespmem:$0x1E900] =	vst v63  }
0x11a: {  	s26 =	simm.s32 $0x9D00  }
0x11b: {  	[spmem:s3] =	stream.indirect.scatter.add.f32 [tilespmem:s26], [sflag:$0x4], $0x1, s0, s10, $0x2000b8;
	[tilespmem:$0x1E900] =	vst v63  }
0x11c: {  	s9 =	simm.s32 $0x9D80  }
0x11d: {  	[spmem:s3] =	stream.indirect.scatter.add.f32 [tilespmem:s9], [sflag:$0x4], $0x1, s29, s10, $0x2000b8;
	[tilespmem:$0x1E900] =	vst v63  }
0x11e: {  	s12 =	simm.s32 $0x9E00  }
0x11f: {  	[spmem:s3] =	stream.indirect.scatter.add.f32 [tilespmem:s12], [sflag:$0x4], $0x1, s11, s10, $0x2000b8;
	[tilespmem:$0x1E900] =	vst v63  }
0x120: {  	s13 =	simm.s32 $0x9E80  }
0x121: {  	[spmem:s3] =	stream.indirect.scatter.add.f32 [tilespmem:s13], [sflag:$0x4], $0x1, s5, s10, $0x2000b8;
	[tilespmem:$0x1E900] =	vst v63  }
0x122: {  	s24 =	simm.s32 $0x9F00  }
0x123: {  	[spmem:s3] =	stream.indirect.scatter.add.f32 [tilespmem:s24], [sflag:$0x4], $0x1, s6, s10, $0x2000b8;
	[tilespmem:$0x1E900] =	vst v63  }
0x124: {  	s26 =	simm.s32 $0x9F80  }
0x125: {  	[spmem:s3] =	stream.indirect.scatter.add.f32 [tilespmem:s26], [sflag:$0x4], $0x1, s15, s10, $0x2000b8;
	[tilespmem:$0x1E900] =	vst v63  }
0x126: {  	_ =	swait.ge [sflag:s30], $0x80  }
0x127: {  	[sflag:s30] =	ssyncset.done $0x0  }
0x128: {  	[sflag:s30] =	ssyncadd.s32 $0xFFFFFF80  }
0x129: {  	_ =	swait.ge [sflag:s30], $0x80  }
0x12a: {  	[sflag:s30] =	ssyncset.done $0x0  }
0x12b: {  	[sflag:s30] =	ssyncadd.s32 $0xFFFFFF80  }
0x12c: {  	_ =	swait.ge [sflag:s30], $0x80  }
0x12d: {  	[sflag:s30] =	ssyncset.done $0x0  }
0x12e: {  	[sflag:s30] =	ssyncadd.s32 $0xFFFFFF80  }
0x12f: {  	_ =	swait.ge [sflag:s30], $0x80  }
0x130: {  	[sflag:s30] =	ssyncset.done $0x0  }
0x131: {  	[sflag:s30] =	ssyncadd.s32 $0xFFFFFF80  }
0x132: {  	_ =	swait.ge [sflag:s30], $0x80  }
0x133: {  	[sflag:s30] =	ssyncset.done $0x0  }
0x134: {  	[sflag:s30] =	ssyncadd.s32 $0xFFFFFF80  }
0x135: {  	_ =	swait.ge [sflag:s30], $0x80  }
0x136: {  	[sflag:s30] =	ssyncset.done $0x0  }
0x137: {  	[sflag:s30] =	ssyncadd.s32 $0xFFFFFF80  }
0x138: {  	_ =	swait.ge [sflag:s30], $0x80  }
0x139: {  	[sflag:s30] =	ssyncset.done $0x0  }
0x13a: {  	[sflag:s30] =	ssyncadd.s32 $0xFFFFFF80  }
0x13b: {  	_ =	swait.ge [sflag:s30], $0x80  }
0x13c: {  	[sflag:s30] =	ssyncset.done $0x0  }
0x13d: {  	[sflag:s30] =	ssyncadd.s32 $0xFFFFFF80  }
0x13e: {  	_ =	swait.ge [sflag:s30], $0x80  }
0x13f: {  	[sflag:s30] =	ssyncset.done $0x0  }
0x140: {  	[sflag:s30] =	ssyncadd.s32 $0xFFFFFF80  }
0x141: {  	_ =	swait.ge [sflag:s30], $0x80  }
0x142: {  	[sflag:s30] =	ssyncset.done $0x0  }
0x143: {  	[sflag:s30] =	ssyncadd.s32 $0xFFFFFF80  }
0x144: {  	_ =	swait.ge [sflag:s30], $0x80  }
0x145: {  	[sflag:s30] =	ssyncset.done $0x0  }
0x146: {  	[sflag:s30] =	ssyncadd.s32 $0xFFFFFF80  }
0x147: {  	_ =	swait.ge [sflag:s30], $0x80  }
0x148: {  	[sflag:s30] =	ssyncset.done $0x0  }
0x149: {  	[sflag:s30] =	ssyncadd.s32 $0xFFFFFF80  }
0x14a: {  	_ =	swait.ge [sflag:s30], $0x80  }
0x14b: {  	[sflag:s30] =	ssyncset.done $0x0  }
0x14c: {  	[sflag:s30] =	ssyncadd.s32 $0xFFFFFF80  }
0x14d: {  	_ =	swait.ge [sflag:s30], $0x80  }
0x14e: {  	[sflag:s30] =	ssyncset.done $0x0  }
0x14f: {  	[sflag:s30] =	ssyncadd.s32 $0xFFFFFF80  }
0x150: {  	_ =	swait.ge [sflag:s30], $0x80  }
0x151: {  	[sflag:s30] =	ssyncset.done $0x0  }
0x152: {  	[sflag:s30] =	ssyncadd.s32 $0xFFFFFF80  }
0x153: {  	_ =	swait.ge [sflag:s30], $0x80  }
0x154: {  	s28 =	simm.s32 $0x9D00;
	s16 =	simm.s32 $0x9D80;
	[sflag:s30] =	ssyncset.done $0x0  }
0x155: {  	s21 =	simm.s32 $0x9C00;
	s22 =	simm.s32 $0x9C80;
	[sflag:s30] =	ssyncadd.s32 $0xFFFFFF80  }
0x156: {  	s31 =	simm.s32 $0x9F80;
	s14 =	simm.s32 $0x9E00;
	_ =	strace $0x9000004F  }
0x157: {  	s9 =	simm.s32 $0x9E80;
	s29 =	simm.s32 $0x9F00;
	s5 =	sld [smem:$0x7FB]  }
.LBB2_17:
0x158: {  	[bflag:$0x0] =	sbarrier.arrive $0xFFFF  }
0x159: {  	_ =	strace $0x8000005A  }
0x15a: {  	s6 =	sld [smem:$0x7FD]  }
0x15b: {  	s13 =	rddreg [dreg:$0x14]  }
0x15c: {  	s15 =	rddreg [dreg:$0x17];
	s13 =	sshrl.u32 s13, $0x3  }
0x15d: {  	[hbm:s15], [sflag:s6] =	dma.local [spmem:s13], $0x2800  }
0x15e: {  	_ =	swait.ge [sflag:s8], $0x2800  }
0x15f: {  	[sflag:s8] =	ssyncset.done $0x0  }
0x160: {  	[sflag:s8] =	ssyncadd.s32 $0xFFFFD800  }
0x161: {  	_ =	strace $0x9000005A  }
0x162: {  	s11 =	sld [smem:$0x7FC];
	_ =	sdelay $0x1  }
0x163: {  	s0 =	simm.s32 $0x20;
	s2 =	simm.s32 $0x10;
	s24 =	rddreg [dreg:$0x18]  }
0x164: {  	[hbm:s24@s0], [sflag:s6] =	dma.strided [spmem:s11@s2], $0x50, s18, $0x10   }
0x165: {  	_ =	swait.ge [sflag:s8], $0x50  }
0x166: {  	s0 =	sadd.s32 $0x1, s5;
	s26 =	rddreg [dreg:$0x19]  }
0x167: {  	p1 =	sne.s32 s0, s26  }
.Ltmp1:
0x168: {  	_ = 	snop;
	(pc) =	sbr.rel @!p1 .LBB2_18-.Ltmp1, $3  }
0x169: {  	_ =	sdelay $0x1  }
0x16a: {  	[sflag:s8] =	ssyncset.done $0x0  }
0x16b: {  	[sflag:s8] =	ssyncadd.s32 $0xFFFFFFB0  }
.LBB2_1:
0x16c: {  	s11 =	sand.u32 $0xFE00, s17  }
0x16d: {  	_ =	strace $0x8000004B;
	s13 =	sand.u32 $0x70, s17;
	s15 =	sshrl.u32 s11, $0x2  }
0x16e: {  	s11 =	simm.s32 $0x40;
	s15 =	sor.u32 s13, s15;
	s13 =	simm.s32 $0x0  }
.LBB2_2:
0x16f: {  	p1 =	sne.s32 s11, $0xFFC0  }
0x170: {  	[tilespmem:s15+$0x1800] =	vst v0;
	s13 =	sadd.s32 $0x10, s13;
	s15 =	smov.u32 s11;
	s11 =	sadd.s32 $0x40, s11  }
.Ltmp2:
0x171: {  	(pc) =	sbr.rel @p1 .LBB2_2-.Ltmp2, $4  }
0x172: {  	_ = 	snop  }
0x173: {  	s15 =	sand.u32 $0xFE00, s15  }
0x174: {  	s17 =	sand.u32 $0x70, s13;
	s15 =	sshrl.u32 s15, $0x2  }
0x175: {  	s15 =	sor.u32 s17, s15  }
0x176: {  	[smem:$0x7FB] =	sst s0  }
0x177: {  	[tilespmem:s15+$0x1800] =	vst v0;
	s11 =	rddreg [dreg:$0x14]  }
0x178: {  	[spmem:s11] =	stream.linear.scatter [tilespmem:s7], [sflag:$0x5], $0x4000, $0x200038;
	[tilespmem:$0x1E900] =	vst v63  }
0x179: {  	_ =	swait.ge [sflag:s8], $0x4000  }
0x17a: {  	[sflag:s8] =	ssyncset.done $0x0  }
0x17b: {  	s2 =	rddreg [dreg:$0x1b];
	[sflag:s8] =	ssyncadd.s32 $0xFFFFC000  }
0x17c: {  	[spmem:s2] =	stream.linear.scatter [tilespmem:s7], [sflag:$0x5], $0x4000, $0x200038;
	[tilespmem:$0x1E900] =	vst v63  }
0x17d: {  	_ =	swait.ge [sflag:s8], $0x4000  }
0x17e: {  	[sflag:s8] =	ssyncset.done $0x0  }
0x17f: {  	s5 =	rddreg [dreg:$0x1c];
	[sflag:s8] =	ssyncadd.s32 $0xFFFFC000  }
0x180: {  	[spmem:s5] =	stream.linear.scatter [tilespmem:s7], [sflag:$0x5], $0x4000, $0x200038;
	[tilespmem:$0x1E900] =	vst v63  }
0x181: {  	_ =	swait.ge [sflag:s8], $0x4000  }
0x182: {  	[sflag:s8] =	ssyncset.done $0x0  }
0x183: {  	s6 =	rddreg [dreg:$0x1d];
	[sflag:s8] =	ssyncadd.s32 $0xFFFFC000  }
0x184: {  	[spmem:s6] =	stream.linear.scatter [tilespmem:s7], [sflag:$0x5], $0x4000, $0x200038;
	[tilespmem:$0x1E900] =	vst v63  }
0x185: {  	_ =	swait.ge [sflag:s8], $0x4000  }
0x186: {  	[sflag:s8] =	ssyncset.done $0x0  }
0x187: {  	s12 =	rddreg [dreg:$0x1e];
	[sflag:s8] =	ssyncadd.s32 $0xFFFFC000  }
0x188: {  	[spmem:s12] =	stream.linear.scatter [tilespmem:s7], [sflag:$0x5], $0x4000, $0x200038;
	[tilespmem:$0x1E900] =	vst v63  }
0x189: {  	_ =	swait.ge [sflag:s8], $0x4000  }
0x18a: {  	[sflag:s8] =	ssyncset.done $0x0  }
0x18b: {  	[sflag:s8] =	ssyncadd.s32 $0xFFFFC000  }
0x18c: {  	s13 =	stileid.u32;
	_ =	strace $0x9000004B  }
0x18d: {  	s11 =	sshll.u32 s13, $0x6;
	s13 =	rddreg [dreg:$0x15]  }
0x18e: {  	s17 =	rddreg [dreg:$0x13];
	s2 =	sshrl.u32 s13, $0x3  }
0x18f: {  	s15 =	sor.u32 $0x1C05, s11;
	[smem:$0x7FC] =	sst s2  }
0x190: {  	[spmem:s2], [sflag:s15] =	dma.local [hbm:s17], $0x50  }
0x191: {  	_ =	swait.ge [sflag:s8], $0x50  }
0x192: {  	s24 =	rddreg [dreg:$0x16]  }
0x193: {  	[sflag:s8] =	ssyncset.done $0x0;
	s26 =	rddreg [dreg:$0x1a]  }
.Ltmp3:
0x194: {  	[smem:$0x7FD] =	sst s15;
	[sflag:s8] =	ssyncadd.s32 $0xFFFFFFB0;
	(pc) =	sbr.rel @p0 .LBB2_19-.Ltmp3, $4  }
0x195: {  	[spmem:s26], [sflag:s15] =	dma.local [hbm:s24], $0x50  }
0x196: {  	_ =	swait.ge [sflag:s8], $0x50  }
0x197: {  	[sflag:s8] =	ssyncset.done $0x0  }
0x198: {  	[sflag:s8] =	ssyncadd.s32 $0xFFFFFFB0  }
0x199: {  	[bflag:$0x0] =	sbarrier.arrive $0xFFFF  }
0x19a: {  	s13 =	simm.s32 $0x0;
	s15 =	rddreg [dreg:$0x7]  }
0x19b: {  	[tilespmem:s13], [sflag:$0x5] =	stream.linear.gather [hbm4b:s15+s13], $0xC00, $0x38;
	[tilespmem:$0x1E900] =	vst v63  }
0x19c: {  	_ =	swait.ge [sflag:s8], $0xC00  }
0x19d: {  	[sflag:s8] =	ssyncset.done $0x0  }
0x19e: {  	s6 =	simm.s32 $0xC00;
	s0 =	rddreg [dreg:$0x8];
	[sflag:s8] =	ssyncadd.s32 $0xFFFFF400  }
0x19f: {  	[tilespmem:s6], [sflag:$0x5] =	stream.linear.gather [hbm4b:s0+s13], $0xC00, $0x38;
	[tilespmem:$0x1E900] =	vst v63  }
0x1a0: {  	_ =	swait.ge [sflag:s8], $0xC00  }
0x1a1: {  	[sflag:s8] =	ssyncset.done $0x0  }
0x1a2: {  	s0 =	simm.s32 $0x9800;
	[sflag:s8] =	ssyncadd.s32 $0xFFFFF400  }
0x1a3: {  	[tilespmem:s0], [sflag:$0x3] =	stream.indirect.gather [spmem:s4], $0x1, s6, s10, $0xb8;
	[tilespmem:$0x1E900] =	vst v63  }
0x1a4: {  	s2 =	simm.s32 $0xC80;
	s5 =	simm.s32 $0x9880  }
0x1a5: {  	[tilespmem:s5], [sflag:$0x3] =	stream.indirect.gather [spmem:s4], $0x1, s2, s10, $0xb8;
	[tilespmem:$0x1E900] =	vst v63  }
0x1a6: {  	s6 =	simm.s32 $0x9900;
	s2 =	simm.s32 $0xD00  }
0x1a7: {  	[tilespmem:s6], [sflag:$0x3] =	stream.indirect.gather [spmem:s4], $0x1, s2, s10, $0xb8;
	[tilespmem:$0x1E900] =	vst v63  }
0x1a8: {  	s11 =	simm.s32 $0xD80;
	s12 =	simm.s32 $0x9980  }
0x1a9: {  	[tilespmem:s12], [sflag:$0x3] =	stream.indirect.gather [spmem:s4], $0x1, s11, s10, $0xb8;
	[tilespmem:$0x1E900] =	vst v63  }
0x1aa: {  	s17 =	simm.s32 $0xE00;
	s15 =	simm.s32 $0x9A00  }
0x1ab: {  	[tilespmem:s15], [sflag:$0x3] =	stream.indirect.gather [spmem:s4], $0x1, s17, s10, $0xb8;
	[tilespmem:$0x1E900] =	vst v63  }
0x1ac: {  	s24 =	simm.s32 $0xE80;
	s26 =	simm.s32 $0x9A80  }
0x1ad: {  	[tilespmem:s26], [sflag:$0x3] =	stream.indirect.gather [spmem:s4], $0x1, s24, s10, $0xb8;
	[tilespmem:$0x1E900] =	vst v63  }
0x1ae: {  	s5 =	simm.s32 $0x9B00;
	s2 =	simm.s32 $0xF00  }
0x1af: {  	[tilespmem:s5], [sflag:$0x3] =	stream.indirect.gather [spmem:s4], $0x1, s2, s10, $0xb8;
	[tilespmem:$0x1E900] =	vst v63  }
0x1b0: {  	s6 =	simm.s32 $0xF80;
	s11 =	simm.s32 $0x9B80  }
0x1b1: {  	[tilespmem:s11], [sflag:$0x3] =	stream.indirect.gather [spmem:s4], $0x1, s6, s10, $0xb8;
	[tilespmem:$0x1E900] =	vst v63  }
0x1b2: {  	s12 =	simm.s32 $0x1000  }
0x1b3: {  	[tilespmem:s21], [sflag:$0x3] =	stream.indirect.gather [spmem:s4], $0x1, s12, s10, $0xb8;
	[tilespmem:$0x1E900] =	vst v63  }
0x1b4: {  	s15 =	simm.s32 $0x1080  }
0x1b5: {  	[tilespmem:s22], [sflag:$0x3] =	stream.indirect.gather [spmem:s4], $0x1, s15, s10, $0xb8;
	[tilespmem:$0x1E900] =	vst v63  }
0x1b6: {  	s17 =	simm.s32 $0x1100  }
0x1b7: {  	[tilespmem:s28], [sflag:$0x3] =	stream.indirect.gather [spmem:s4], $0x1, s17, s10, $0xb8;
	[tilespmem:$0x1E900] =	vst v63  }
0x1b8: {  	s21 =	simm.s32 $0x1180  }
0x1b9: {  	[tilespmem:s16], [sflag:$0x3] =	stream.indirect.gather [spmem:s4], $0x1, s21, s10, $0xb8;
	[tilespmem:$0x1E900] =	vst v63  }
0x1ba: {  	s22 =	simm.s32 $0x1200  }
0x1bb: {  	[tilespmem:s14], [sflag:$0x3] =	stream.indirect.gather [spmem:s4], $0x1, s22, s10, $0xb8;
	[tilespmem:$0x1E900] =	vst v63  }
0x1bc: {  	s24 =	simm.s32 $0x1280  }
0x1bd: {  	[tilespmem:s9], [sflag:$0x3] =	stream.indirect.gather [spmem:s4], $0x1, s24, s10, $0xb8;
	[tilespmem:$0x1E900] =	vst v63  }
0x1be: {  	s26 =	simm.s32 $0x1300  }
0x1bf: {  	[tilespmem:s29], [sflag:$0x3] =	stream.indirect.gather [spmem:s4], $0x1, s26, s10, $0xb8;
	[tilespmem:$0x1E900] =	vst v63  }
0x1c0: {  	s28 =	simm.s32 $0x1380  }
0x1c1: {  	[tilespmem:s31], [sflag:$0x3] =	stream.indirect.gather [spmem:s4], $0x1, s28, s10, $0xb8;
	[tilespmem:$0x1E900] =	vst v63  }
0x1c2: {  	s29 =	simm.s32 $0x1400;
	s31 =	simm.s32 $0xA000  }
0x1c3: {  	[tilespmem:s31], [sflag:$0x3] =	stream.indirect.gather [spmem:s4], $0x1, s29, s10, $0xb8;
	[tilespmem:$0x1E900] =	vst v63  }
0x1c4: {  	s2 =	simm.s32 $0x1480;
	s5 =	simm.s32 $0xA080  }
0x1c5: {  	[tilespmem:s5], [sflag:$0x3] =	stream.indirect.gather [spmem:s4], $0x1, s2, s10, $0xb8;
	[tilespmem:$0x1E900] =	vst v63  }
0x1c6: {  	s6 =	simm.s32 $0x1500;
	s9 =	simm.s32 $0xA100  }
0x1c7: {  	[tilespmem:s9], [sflag:$0x3] =	stream.indirect.gather [spmem:s4], $0x1, s6, s10, $0xb8;
	[tilespmem:$0x1E900] =	vst v63  }
0x1c8: {  	s11 =	simm.s32 $0x1580;
	s12 =	simm.s32 $0xA180  }
0x1c9: {  	[tilespmem:s12], [sflag:$0x3] =	stream.indirect.gather [spmem:s4], $0x1, s11, s10, $0xb8;
	[tilespmem:$0x1E900] =	vst v63  }
0x1ca: {  	s15 =	simm.s32 $0xA200;
	s14 =	simm.s32 $0x1600  }
0x1cb: {  	[tilespmem:s15], [sflag:$0x3] =	stream.indirect.gather [spmem:s4], $0x1, s14, s10, $0xb8;
	[tilespmem:$0x1E900] =	vst v63  }
0x1cc: {  	s17 =	simm.s32 $0xA280;
	s16 =	simm.s32 $0x1680  }
0x1cd: {  	[tilespmem:s17], [sflag:$0x3] =	stream.indirect.gather [spmem:s4], $0x1, s16, s10, $0xb8;
	[tilespmem:$0x1E900] =	vst v63  }
0x1ce: {  	s21 =	simm.s32 $0x1700;
	s22 =	simm.s32 $0xA300  }
0x1cf: {  	[tilespmem:s22], [sflag:$0x3] =	stream.indirect.gather [spmem:s4], $0x1, s21, s10, $0xb8;
	[tilespmem:$0x1E900] =	vst v63  }
0x1d0: {  	s24 =	simm.s32 $0x1780;
	s26 =	simm.s32 $0xA380  }
0x1d1: {  	[tilespmem:s26], [sflag:$0x3] =	stream.indirect.gather [spmem:s4], $0x1, s24, s10, $0xb8;
	[tilespmem:$0x1E900] =	vst v63  }
0x1d2: {  	_ =	strace $0x8000004C  }
0x1d3: {  	[tilespmem:s7], [sflag:$0x1] =	stream.indirect.gather [hbm4b:s20+s10], $0x80, s13, s10, $0x2000b8;
	[tilespmem:$0x1E900] =	vst v63  }
0x1d4: {  	_ = 	snop  }
0x1d5: {  	[tilespmem:s23], [sflag:$0x2] =	stream.indirect.gather [hbm4b:s20+s10], $0x80, s10, s10, $0x2000b8;
	[tilespmem:$0x1E900] =	vst v63  }
0x1d6: {  	_ =	swait.ge [sflag:s18], $0x4000  }
0x1d7: {  	[sflag:s18] =	ssyncset.done $0x0  }
0x1d8: {  	s28 =	simm.s32 $0xC00;
	[sflag:s18] =	ssyncadd.s32 $0xFFFFC000  }
0x1d9: {  	[spmem:s1] =	stream.indirect.scatter.add.f32 [tilespmem:s7], [sflag:$0x5], $0x80, s28, s10, $0x2000b8;
	[tilespmem:$0x1E900] =	vst v63  }
0x1da: {  	_ =	swait.ge [sflag:s8], $0x4000  }
0x1db: {  	[sflag:s8] =	ssyncset.done $0x0  }
0x1dc: {  	s29 =	simm.s32 $0x100;
	[sflag:s8] =	ssyncadd.s32 $0xFFFFC000  }
0x1dd: {  	[tilespmem:s7], [sflag:$0x1] =	stream.indirect.gather [hbm4b:s20+s10], $0x80, s29, s10, $0x2000b8;
	[tilespmem:$0x1E900] =	vst v63  }
0x1de: {  	_ =	swait.ge [sflag:s19], $0x4000  }
0x1df: {  	[sflag:s19] =	ssyncset.done $0x0  }
0x1e0: {  	s31 =	simm.s32 $0xC80;
	[sflag:s19] =	ssyncadd.s32 $0xFFFFC000  }
0x1e1: {  	[spmem:s1] =	stream.indirect.scatter.add.f32 [tilespmem:s23], [sflag:$0x5], $0x80, s31, s10, $0x2000b8;
	[tilespmem:$0x1E900] =	vst v63  }
0x1e2: {  	_ =	swait.ge [sflag:s8], $0x4000  }
0x1e3: {  	[sflag:s8] =	ssyncset.done $0x0  }
0x1e4: {  	s15 =	simm.s32 $0x180;
	s13 =	simm.s32 $0x400;
	[sflag:s8] =	ssyncadd.s32 $0xFFFFC000  }
.LBB2_5:
0x1e5: {  	[tilespmem:s23], [sflag:$0x2] =	stream.indirect.gather [hbm4b:s20+s10], $0x80, s15, s10, $0x2000b8;
	[tilespmem:$0x1E900] =	vst v63  }
0x1e6: {  	s15 =	smov.u32 s13  }
0x1e7: {  	p1 =	seq.s32 s13, $0x2800;
	s13 =	sadd.s32 $0x400, s13;
	_ =	swait.ge [sflag:s18], $0x4000  }
0x1e8: {  	s15 =	sshra.s32 s15, $0x2;
	[sflag:s18] =	ssyncset.done $0x0  }
0x1e9: {  	s17 =	sadd.s32 $0xC00, s15;
	[sflag:s18] =	ssyncadd.s32 $0xFFFFC000  }
0x1ea: {  	[spmem:s1] =	stream.indirect.scatter.add.f32 [tilespmem:s7], [sflag:$0x5], $0x80, s17, s10, $0x2000b8;
	[tilespmem:$0x1E900] =	vst v63  }
0x1eb: {  	_ =	swait.ge [sflag:s8], $0x4000  }
0x1ec: {  	[sflag:s8] =	ssyncset.done $0x0  }
0x1ed: {  	s17 =	sadd.s32 $0x100, s15;
	[sflag:s8] =	ssyncadd.s32 $0xFFFFC000  }
0x1ee: {  	[tilespmem:s7], [sflag:$0x1] =	stream.indirect.gather [hbm4b:s20+s10], $0x80, s17, s10, $0x2000b8;
	[tilespmem:$0x1E900] =	vst v63  }
0x1ef: {  	_ =	swait.ge [sflag:s19], $0x4000  }
0x1f0: {  	[sflag:s19] =	ssyncset.done $0x0  }
.Ltmp4:
0x1f1: {  	s17 =	sadd.s32 $0xC80, s15;
	[sflag:s19] =	ssyncadd.s32 $0xFFFFC000;
	(pc) =	sbr.rel @!p1 .LBB2_5-.Ltmp4, $4  }
0x1f2: {  	[spmem:s1] =	stream.indirect.scatter.add.f32 [tilespmem:s23], [sflag:$0x5], $0x80, s17, s10, $0x2000b8;
	[tilespmem:$0x1E900] =	vst v63  }
0x1f3: {  	_ =	swait.ge [sflag:s8], $0x4000  }
0x1f4: {  	[sflag:s8] =	ssyncset.done $0x0  }
0x1f5: {  	s15 =	sadd.s32 $0x180, s15;
	[sflag:s8] =	ssyncadd.s32 $0xFFFFC000  }
0x1f6: {  	[tilespmem:s23], [sflag:$0x2] =	stream.indirect.gather [hbm4b:s20+s10], $0x80, s15, s10, $0x2000b8;
	[tilespmem:$0x1E900] =	vst v63  }
0x1f7: {  	_ =	swait.ge [sflag:s18], $0x4000  }
0x1f8: {  	[sflag:s18] =	ssyncset.done $0x0  }
0x1f9: {  	s0 =	simm.s32 $0x1700;
	[sflag:s18] =	ssyncadd.s32 $0xFFFFC000  }
0x1fa: {  	[spmem:s1] =	stream.indirect.scatter.add.f32 [tilespmem:s7], [sflag:$0x5], $0x80, s0, s10, $0x2000b8;
	[tilespmem:$0x1E900] =	vst v63  }
0x1fb: {  	_ =	swait.ge [sflag:s8], $0x4000  }
0x1fc: {  	[sflag:s8] =	ssyncset.done $0x0  }
0x1fd: {  	[sflag:s8] =	ssyncadd.s32 $0xFFFFC000  }
0x1fe: {  	_ =	swait.ge [sflag:s19], $0x4000  }
0x1ff: {  	[sflag:s19] =	ssyncset.done $0x0  }
0x200: {  	s26 =	simm.s32 $0x1780;
	[sflag:s19] =	ssyncadd.s32 $0xFFFFC000  }
0x201: {  	[spmem:s1] =	stream.indirect.scatter.add.f32 [tilespmem:s23], [sflag:$0x5], $0x80, s26, s10, $0x2000b8;
	[tilespmem:$0x1E900] =	vst v63  }
0x202: {  	_ =	swait.ge [sflag:s8], $0x4000  }
0x203: {  	[sflag:s8] =	ssyncset.done $0x0  }
0x204: {  	[sflag:s8] =	ssyncadd.s32 $0xFFFFC000  }
0x205: {  	_ =	strace $0x9000004C  }
0x206: {  	_ =	strace $0x8000004D  }
0x207: {  	_ =	swait.ge [sflag:s25], $0x80  }
0x208: {  	[sflag:s25] =	ssyncset.done $0x0  }
0x209: {  	[sflag:s25] =	ssyncadd.s32 $0xFFFFFF80  }
0x20a: {  	_ =	swait.ge [sflag:s25], $0x80  }
0x20b: {  	[sflag:s25] =	ssyncset.done $0x0  }
0x20c: {  	[sflag:s25] =	ssyncadd.s32 $0xFFFFFF80  }
0x20d: {  	_ =	swait.ge [sflag:s25], $0x80  }
0x20e: {  	[sflag:s25] =	ssyncset.done $0x0  }
0x20f: {  	[sflag:s25] =	ssyncadd.s32 $0xFFFFFF80  }
0x210: {  	_ =	swait.ge [sflag:s25], $0x80  }
0x211: {  	[sflag:s25] =	ssyncset.done $0x0  }
0x212: {  	[sflag:s25] =	ssyncadd.s32 $0xFFFFFF80  }
0x213: {  	_ =	swait.ge [sflag:s25], $0x80  }
0x214: {  	[sflag:s25] =	ssyncset.done $0x0  }
0x215: {  	[sflag:s25] =	ssyncadd.s32 $0xFFFFFF80  }
0x216: {  	_ =	swait.ge [sflag:s25], $0x80  }
0x217: {  	[sflag:s25] =	ssyncset.done $0x0  }
0x218: {  	[sflag:s25] =	ssyncadd.s32 $0xFFFFFF80  }
0x219: {  	_ =	swait.ge [sflag:s25], $0x80  }
0x21a: {  	[sflag:s25] =	ssyncset.done $0x0  }
0x21b: {  	[sflag:s25] =	ssyncadd.s32 $0xFFFFFF80  }
0x21c: {  	_ =	swait.ge [sflag:s25], $0x80  }
0x21d: {  	[sflag:s25] =	ssyncset.done $0x0  }
0x21e: {  	[sflag:s25] =	ssyncadd.s32 $0xFFFFFF80  }
0x21f: {  	_ =	swait.ge [sflag:s25], $0x80  }
0x220: {  	[sflag:s25] =	ssyncset.done $0x0  }
0x221: {  	[sflag:s25] =	ssyncadd.s32 $0xFFFFFF80  }
0x222: {  	_ =	swait.ge [sflag:s25], $0x80  }
0x223: {  	[sflag:s25] =	ssyncset.done $0x0  }
0x224: {  	[sflag:s25] =	ssyncadd.s32 $0xFFFFFF80  }
0x225: {  	_ =	swait.ge [sflag:s25], $0x80  }
0x226: {  	[sflag:s25] =	ssyncset.done $0x0  }
0x227: {  	[sflag:s25] =	ssyncadd.s32 $0xFFFFFF80  }
0x228: {  	_ =	swait.ge [sflag:s25], $0x80  }
0x229: {  	[sflag:s25] =	ssyncset.done $0x0  }
0x22a: {  	[sflag:s25] =	ssyncadd.s32 $0xFFFFFF80  }
0x22b: {  	_ =	swait.ge [sflag:s25], $0x80  }
0x22c: {  	[sflag:s25] =	ssyncset.done $0x0  }
0x22d: {  	[sflag:s25] =	ssyncadd.s32 $0xFFFFFF80  }
0x22e: {  	_ =	swait.ge [sflag:s25], $0x80  }
0x22f: {  	[sflag:s25] =	ssyncset.done $0x0  }
0x230: {  	[sflag:s25] =	ssyncadd.s32 $0xFFFFFF80  }
0x231: {  	_ =	swait.ge [sflag:s25], $0x80  }
0x232: {  	[sflag:s25] =	ssyncset.done $0x0  }
0x233: {  	[sflag:s25] =	ssyncadd.s32 $0xFFFFFF80  }
0x234: {  	_ =	swait.ge [sflag:s25], $0x80  }
0x235: {  	[sflag:s25] =	ssyncset.done $0x0  }
0x236: {  	[sflag:s25] =	ssyncadd.s32 $0xFFFFFF80  }
0x237: {  	_ =	swait.ge [sflag:s25], $0x80  }
0x238: {  	[sflag:s25] =	ssyncset.done $0x0  }
0x239: {  	[sflag:s25] =	ssyncadd.s32 $0xFFFFFF80  }
0x23a: {  	_ =	swait.ge [sflag:s25], $0x80  }
0x23b: {  	[sflag:s25] =	ssyncset.done $0x0  }
0x23c: {  	[sflag:s25] =	ssyncadd.s32 $0xFFFFFF80  }
0x23d: {  	_ =	swait.ge [sflag:s25], $0x80  }
0x23e: {  	[sflag:s25] =	ssyncset.done $0x0  }
0x23f: {  	[sflag:s25] =	ssyncadd.s32 $0xFFFFFF80  }
0x240: {  	_ =	swait.ge [sflag:s25], $0x80  }
0x241: {  	[sflag:s25] =	ssyncset.done $0x0  }
0x242: {  	[sflag:s25] =	ssyncadd.s32 $0xFFFFFF80  }
0x243: {  	_ =	swait.ge [sflag:s25], $0x80  }
0x244: {  	[sflag:s25] =	ssyncset.done $0x0  }
0x245: {  	[sflag:s25] =	ssyncadd.s32 $0xFFFFFF80  }
0x246: {  	_ =	swait.ge [sflag:s25], $0x80  }
0x247: {  	[sflag:s25] =	ssyncset.done $0x0  }
0x248: {  	[sflag:s25] =	ssyncadd.s32 $0xFFFFFF80  }
0x249: {  	_ =	swait.ge [sflag:s25], $0x80  }
0x24a: {  	[sflag:s25] =	ssyncset.done $0x0  }
0x24b: {  	[sflag:s25] =	ssyncadd.s32 $0xFFFFFF80  }
0x24c: {  	_ =	swait.ge [sflag:s25], $0x80  }
0x24d: {  	[sflag:s25] =	ssyncset.done $0x0  }
0x24e: {  	s13 =	simm.s32 $0x0;
	s0 =	simm.s32 $0x9800;
	[sflag:s25] =	ssyncadd.s32 $0xFFFFFF80  }
0x24f: {  	[spmem:s3] =	stream.indirect.scatter.add.f32 [tilespmem:s0], [sflag:$0x4], $0x1, s13, s10, $0x2000b8;
	[tilespmem:$0x1E900] =	vst v63  }
0x250: {  	s17 =	simm.s32 $0x9880  }
0x251: {  	[spmem:s3] =	stream.indirect.scatter.add.f32 [tilespmem:s17], [sflag:$0x4], $0x1, s10, s10, $0x2000b8;
	[tilespmem:$0x1E900] =	vst v63  }
0x252: {  	s5 =	simm.s32 $0x9900;
	s2 =	simm.s32 $0x100  }
0x253: {  	[spmem:s3] =	stream.indirect.scatter.add.f32 [tilespmem:s5], [sflag:$0x4], $0x1, s2, s10, $0x2000b8;
	[tilespmem:$0x1E900] =	vst v63  }
0x254: {  	s12 =	simm.s32 $0x9980;
	s28 =	simm.s32 $0x180  }
0x255: {  	[spmem:s3] =	stream.indirect.scatter.add.f32 [tilespmem:s12], [sflag:$0x4], $0x1, s28, s10, $0x2000b8;
	[tilespmem:$0x1E900] =	vst v63  }
0x256: {  	s22 =	simm.s32 $0x9A00;
	s29 =	simm.s32 $0x200  }
0x257: {  	[spmem:s3] =	stream.indirect.scatter.add.f32 [tilespmem:s22], [sflag:$0x4], $0x1, s29, s10, $0x2000b8;
	[tilespmem:$0x1E900] =	vst v63  }
0x258: {  	s31 =	simm.s32 $0x280;
	s28 =	simm.s32 $0x9A80  }
0x259: {  	[spmem:s3] =	stream.indirect.scatter.add.f32 [tilespmem:s28], [sflag:$0x4], $0x1, s31, s10, $0x2000b8;
	[tilespmem:$0x1E900] =	vst v63  }
0x25a: {  	s14 =	simm.s32 $0x9B00;
	s5 =	simm.s32 $0x300  }
0x25b: {  	[spmem:s3] =	stream.indirect.scatter.add.f32 [tilespmem:s14], [sflag:$0x4], $0x1, s5, s10, $0x2000b8;
	[tilespmem:$0x1E900] =	vst v63  }
0x25c: {  	s6 =	simm.s32 $0x380;
	s29 =	simm.s32 $0x9B80  }
0x25d: {  	[spmem:s3] =	stream.indirect.scatter.add.f32 [tilespmem:s29], [sflag:$0x4], $0x1, s6, s10, $0x2000b8;
	[tilespmem:$0x1E900] =	vst v63  }
0x25e: {  	s21 =	simm.s32 $0x9C00;
	s9 =	simm.s32 $0x400  }
0x25f: {  	[spmem:s3] =	stream.indirect.scatter.add.f32 [tilespmem:s21], [sflag:$0x4], $0x1, s9, s10, $0x2000b8;
	[tilespmem:$0x1E900] =	vst v63  }
0x260: {  	s11 =	simm.s32 $0x480;
	s5 =	simm.s32 $0x9C80  }
0x261: {  	[spmem:s3] =	stream.indirect.scatter.add.f32 [tilespmem:s5], [sflag:$0x4], $0x1, s11, s10, $0x2000b8;
	[tilespmem:$0x1E900] =	vst v63  }
0x262: {  	s15 =	simm.s32 $0x500;
	s6 =	simm.s32 $0x9D00  }
0x263: {  	[spmem:s3] =	stream.indirect.scatter.add.f32 [tilespmem:s6], [sflag:$0x4], $0x1, s15, s10, $0x2000b8;
	[tilespmem:$0x1E900] =	vst v63  }
0x264: {  	s16 =	simm.s32 $0x580;
	s11 =	simm.s32 $0x9D80  }
0x265: {  	[spmem:s3] =	stream.indirect.scatter.add.f32 [tilespmem:s11], [sflag:$0x4], $0x1, s16, s10, $0x2000b8;
	[tilespmem:$0x1E900] =	vst v63  }
0x266: {  	s24 =	simm.s32 $0x600;
	s9 =	simm.s32 $0x9E00  }
0x267: {  	[spmem:s3] =	stream.indirect.scatter.add.f32 [tilespmem:s9], [sflag:$0x4], $0x1, s24, s10, $0x2000b8;
	[tilespmem:$0x1E900] =	vst v63  }
0x268: {  	s26 =	simm.s32 $0x680;
	s16 =	simm.s32 $0x9E80  }
0x269: {  	[spmem:s3] =	stream.indirect.scatter.add.f32 [tilespmem:s16], [sflag:$0x4], $0x1, s26, s10, $0x2000b8;
	[tilespmem:$0x1E900] =	vst v63  }
0x26a: {  	s31 =	simm.s32 $0x700;
	s26 =	simm.s32 $0x9F00  }
0x26b: {  	[spmem:s3] =	stream.indirect.scatter.add.f32 [tilespmem:s26], [sflag:$0x4], $0x1, s31, s10, $0x2000b8;
	[tilespmem:$0x1E900] =	vst v63  }
0x26c: {  	s15 =	simm.s32 $0x780;
	s31 =	simm.s32 $0x9F80  }
0x26d: {  	[spmem:s3] =	stream.indirect.scatter.add.f32 [tilespmem:s31], [sflag:$0x4], $0x1, s15, s10, $0x2000b8;
	[tilespmem:$0x1E900] =	vst v63  }
0x26e: {  	s2 =	simm.s32 $0xA000;
	s24 =	simm.s32 $0x800  }
0x26f: {  	[spmem:s3] =	stream.indirect.scatter.add.f32 [tilespmem:s2], [sflag:$0x4], $0x1, s24, s10, $0x2000b8;
	[tilespmem:$0x1E900] =	vst v63  }
0x270: {  	s15 =	simm.s32 $0x880;
	s24 =	simm.s32 $0xA080  }
0x271: {  	[spmem:s3] =	stream.indirect.scatter.add.f32 [tilespmem:s24], [sflag:$0x4], $0x1, s15, s10, $0x2000b8;
	[tilespmem:$0x1E900] =	vst v63  }
0x272: {  	s24 =	simm.s32 $0xA100;
	s15 =	simm.s32 $0x900  }
0x273: {  	[spmem:s3] =	stream.indirect.scatter.add.f32 [tilespmem:s24], [sflag:$0x4], $0x1, s15, s10, $0x2000b8;
	[tilespmem:$0x1E900] =	vst v63  }
0x274: {  	s24 =	simm.s32 $0xA180;
	s15 =	simm.s32 $0x980  }
0x275: {  	[spmem:s3] =	stream.indirect.scatter.add.f32 [tilespmem:s24], [sflag:$0x4], $0x1, s15, s10, $0x2000b8;
	[tilespmem:$0x1E900] =	vst v63  }
0x276: {  	s24 =	simm.s32 $0xA200;
	s15 =	simm.s32 $0xA00  }
0x277: {  	[spmem:s3] =	stream.indirect.scatter.add.f32 [tilespmem:s24], [sflag:$0x4], $0x1, s15, s10, $0x2000b8;
	[tilespmem:$0x1E900] =	vst v63  }
0x278: {  	s24 =	simm.s32 $0xA280;
	s15 =	simm.s32 $0xA80  }
0x279: {  	[spmem:s3] =	stream.indirect.scatter.add.f32 [tilespmem:s24], [sflag:$0x4], $0x1, s15, s10, $0x2000b8;
	[tilespmem:$0x1E900] =	vst v63  }
0x27a: {  	s24 =	simm.s32 $0xA300;
	s15 =	simm.s32 $0xB00  }
0x27b: {  	[spmem:s3] =	stream.indirect.scatter.add.f32 [tilespmem:s24], [sflag:$0x4], $0x1, s15, s10, $0x2000b8;
	[tilespmem:$0x1E900] =	vst v63  }
0x27c: {  	s24 =	simm.s32 $0xA380;
	s15 =	simm.s32 $0xB80  }
0x27d: {  	[spmem:s3] =	stream.indirect.scatter.add.f32 [tilespmem:s24], [sflag:$0x4], $0x1, s15, s10, $0x2000b8;
	[tilespmem:$0x1E900] =	vst v63  }
0x27e: {  	_ =	swait.ge [sflag:s30], $0x80  }
0x27f: {  	[sflag:s30] =	ssyncset.done $0x0  }
0x280: {  	[sflag:s30] =	ssyncadd.s32 $0xFFFFFF80  }
0x281: {  	_ =	swait.ge [sflag:s30], $0x80  }
0x282: {  	[sflag:s30] =	ssyncset.done $0x0  }
0x283: {  	[sflag:s30] =	ssyncadd.s32 $0xFFFFFF80  }
0x284: {  	_ =	swait.ge [sflag:s30], $0x80  }
0x285: {  	[sflag:s30] =	ssyncset.done $0x0  }
0x286: {  	[sflag:s30] =	ssyncadd.s32 $0xFFFFFF80  }
0x287: {  	_ =	swait.ge [sflag:s30], $0x80  }
0x288: {  	[sflag:s30] =	ssyncset.done $0x0  }
0x289: {  	[sflag:s30] =	ssyncadd.s32 $0xFFFFFF80  }
0x28a: {  	_ =	swait.ge [sflag:s30], $0x80  }
0x28b: {  	[sflag:s30] =	ssyncset.done $0x0  }
0x28c: {  	[sflag:s30] =	ssyncadd.s32 $0xFFFFFF80  }
0x28d: {  	_ =	swait.ge [sflag:s30], $0x80  }
0x28e: {  	[sflag:s30] =	ssyncset.done $0x0  }
0x28f: {  	[sflag:s30] =	ssyncadd.s32 $0xFFFFFF80  }
0x290: {  	_ =	swait.ge [sflag:s30], $0x80  }
0x291: {  	[sflag:s30] =	ssyncset.done $0x0  }
0x292: {  	[sflag:s30] =	ssyncadd.s32 $0xFFFFFF80  }
0x293: {  	_ =	swait.ge [sflag:s30], $0x80  }
0x294: {  	[sflag:s30] =	ssyncset.done $0x0  }
0x295: {  	[sflag:s30] =	ssyncadd.s32 $0xFFFFFF80  }
0x296: {  	_ =	swait.ge [sflag:s30], $0x80  }
0x297: {  	[sflag:s30] =	ssyncset.done $0x0  }
0x298: {  	[sflag:s30] =	ssyncadd.s32 $0xFFFFFF80  }
0x299: {  	_ =	swait.ge [sflag:s30], $0x80  }
0x29a: {  	[sflag:s30] =	ssyncset.done $0x0  }
0x29b: {  	[sflag:s30] =	ssyncadd.s32 $0xFFFFFF80  }
0x29c: {  	_ =	swait.ge [sflag:s30], $0x80  }
0x29d: {  	[sflag:s30] =	ssyncset.done $0x0  }
0x29e: {  	[sflag:s30] =	ssyncadd.s32 $0xFFFFFF80  }
0x29f: {  	_ =	swait.ge [sflag:s30], $0x80  }
0x2a0: {  	[sflag:s30] =	ssyncset.done $0x0  }
0x2a1: {  	[sflag:s30] =	ssyncadd.s32 $0xFFFFFF80  }
0x2a2: {  	_ =	swait.ge [sflag:s30], $0x80  }
0x2a3: {  	[sflag:s30] =	ssyncset.done $0x0  }
0x2a4: {  	[sflag:s30] =	ssyncadd.s32 $0xFFFFFF80  }
0x2a5: {  	_ =	swait.ge [sflag:s30], $0x80  }
0x2a6: {  	[sflag:s30] =	ssyncset.done $0x0  }
0x2a7: {  	[sflag:s30] =	ssyncadd.s32 $0xFFFFFF80  }
0x2a8: {  	_ =	swait.ge [sflag:s30], $0x80  }
0x2a9: {  	[sflag:s30] =	ssyncset.done $0x0  }
0x2aa: {  	[sflag:s30] =	ssyncadd.s32 $0xFFFFFF80  }
0x2ab: {  	_ =	swait.ge [sflag:s30], $0x80  }
0x2ac: {  	[sflag:s30] =	ssyncset.done $0x0  }
0x2ad: {  	[sflag:s30] =	ssyncadd.s32 $0xFFFFFF80  }
0x2ae: {  	_ =	swait.ge [sflag:s30], $0x80  }
0x2af: {  	[sflag:s30] =	ssyncset.done $0x0  }
0x2b0: {  	[sflag:s30] =	ssyncadd.s32 $0xFFFFFF80  }
0x2b1: {  	_ =	swait.ge [sflag:s30], $0x80  }
0x2b2: {  	[sflag:s30] =	ssyncset.done $0x0  }
0x2b3: {  	[sflag:s30] =	ssyncadd.s32 $0xFFFFFF80  }
0x2b4: {  	_ =	swait.ge [sflag:s30], $0x80  }
0x2b5: {  	[sflag:s30] =	ssyncset.done $0x0  }
0x2b6: {  	[sflag:s30] =	ssyncadd.s32 $0xFFFFFF80  }
0x2b7: {  	_ =	swait.ge [sflag:s30], $0x80  }
0x2b8: {  	[sflag:s30] =	ssyncset.done $0x0  }
0x2b9: {  	[sflag:s30] =	ssyncadd.s32 $0xFFFFFF80  }
0x2ba: {  	_ =	swait.ge [sflag:s30], $0x80  }
0x2bb: {  	[sflag:s30] =	ssyncset.done $0x0  }
0x2bc: {  	[sflag:s30] =	ssyncadd.s32 $0xFFFFFF80  }
0x2bd: {  	_ =	swait.ge [sflag:s30], $0x80  }
0x2be: {  	[sflag:s30] =	ssyncset.done $0x0  }
0x2bf: {  	[sflag:s30] =	ssyncadd.s32 $0xFFFFFF80  }
0x2c0: {  	_ =	swait.ge [sflag:s30], $0x80  }
0x2c1: {  	[sflag:s30] =	ssyncset.done $0x0  }
0x2c2: {  	[sflag:s30] =	ssyncadd.s32 $0xFFFFFF80  }
0x2c3: {  	_ =	swait.ge [sflag:s30], $0x80  }
0x2c4: {  	[sflag:s30] =	ssyncset.done $0x0  }
0x2c5: {  	[sflag:s30] =	ssyncadd.s32 $0xFFFFFF80  }
0x2c6: {  	_ =	strace $0x9000004D  }
0x2c7: {  	s24 =	rddreg [dreg:$0x9]  }
0x2c8: {  	[tilespmem:s13], [sflag:$0x5] =	stream.linear.gather [hbm4b:s24+s13], $0xC00, $0x38;
	[tilespmem:$0x1E900] =	vst v63  }
0x2c9: {  	_ =	swait.ge [sflag:s8], $0xC00  }
0x2ca: {  	[sflag:s8] =	ssyncset.done $0x0  }
0x2cb: {  	s24 =	simm.s32 $0xC00;
	s15 =	rddreg [dreg:$0xa];
	[sflag:s8] =	ssyncadd.s32 $0xFFFFF400  }
0x2cc: {  	[tilespmem:s24], [sflag:$0x5] =	stream.linear.gather [hbm4b:s15+s13], $0xC00, $0x38;
	[tilespmem:$0x1E900] =	vst v63  }
0x2cd: {  	_ =	swait.ge [sflag:s8], $0xC00  }
0x2ce: {  	[sflag:s8] =	ssyncset.done $0x0  }
0x2cf: {  	[sflag:s8] =	ssyncadd.s32 $0xFFFFF400  }
0x2d0: {  	[tilespmem:s0], [sflag:$0x3] =	stream.indirect.gather [spmem:s4], $0x1, s24, s10, $0xb8;
	[tilespmem:$0x1E900] =	vst v63  }
0x2d1: {  	s15 =	simm.s32 $0xC80  }
0x2d2: {  	[tilespmem:s17], [sflag:$0x3] =	stream.indirect.gather [spmem:s4], $0x1, s15, s10, $0xb8;
	[tilespmem:$0x1E900] =	vst v63  }
0x2d3: {  	s24 =	simm.s32 $0x9900;
	s17 =	simm.s32 $0xD00  }
0x2d4: {  	[tilespmem:s24], [sflag:$0x3] =	stream.indirect.gather [spmem:s4], $0x1, s17, s10, $0xb8;
	[tilespmem:$0x1E900] =	vst v63  }
0x2d5: {  	s15 =	simm.s32 $0xD80  }
0x2d6: {  	[tilespmem:s12], [sflag:$0x3] =	stream.indirect.gather [spmem:s4], $0x1, s15, s10, $0xb8;
	[tilespmem:$0x1E900] =	vst v63  }
0x2d7: {  	s17 =	simm.s32 $0xE00  }
0x2d8: {  	[tilespmem:s22], [sflag:$0x3] =	stream.indirect.gather [spmem:s4], $0x1, s17, s10, $0xb8;
	[tilespmem:$0x1E900] =	vst v63  }
0x2d9: {  	s24 =	simm.s32 $0xE80  }
0x2da: {  	[tilespmem:s28], [sflag:$0x3] =	stream.indirect.gather [spmem:s4], $0x1, s24, s10, $0xb8;
	[tilespmem:$0x1E900] =	vst v63  }
0x2db: {  	s28 =	simm.s32 $0xF00  }
0x2dc: {  	[tilespmem:s14], [sflag:$0x3] =	stream.indirect.gather [spmem:s4], $0x1, s28, s10, $0xb8;
	[tilespmem:$0x1E900] =	vst v63  }
0x2dd: {  	s12 =	simm.s32 $0xF80  }
0x2de: {  	[tilespmem:s29], [sflag:$0x3] =	stream.indirect.gather [spmem:s4], $0x1, s12, s10, $0xb8;
	[tilespmem:$0x1E900] =	vst v63  }
0x2df: {  	s14 =	simm.s32 $0x1000  }
0x2e0: {  	[tilespmem:s21], [sflag:$0x3] =	stream.indirect.gather [spmem:s4], $0x1, s14, s10, $0xb8;
	[tilespmem:$0x1E900] =	vst v63  }
0x2e1: {  	s15 =	simm.s32 $0x1080  }
0x2e2: {  	[tilespmem:s5], [sflag:$0x3] =	stream.indirect.gather [spmem:s4], $0x1, s15, s10, $0xb8;
	[tilespmem:$0x1E900] =	vst v63  }
0x2e3: {  	s17 =	simm.s32 $0x1100  }
0x2e4: {  	[tilespmem:s6], [sflag:$0x3] =	stream.indirect.gather [spmem:s4], $0x1, s17, s10, $0xb8;
	[tilespmem:$0x1E900] =	vst v63  }
0x2e5: {  	s21 =	simm.s32 $0x1180  }
0x2e6: {  	[tilespmem:s11], [sflag:$0x3] =	stream.indirect.gather [spmem:s4], $0x1, s21, s10, $0xb8;
	[tilespmem:$0x1E900] =	vst v63  }
0x2e7: {  	s22 =	simm.s32 $0x1200  }
0x2e8: {  	[tilespmem:s9], [sflag:$0x3] =	stream.indirect.gather [spmem:s4], $0x1, s22, s10, $0xb8;
	[tilespmem:$0x1E900] =	vst v63  }
0x2e9: {  	s24 =	simm.s32 $0x1280  }
0x2ea: {  	[tilespmem:s16], [sflag:$0x3] =	stream.indirect.gather [spmem:s4], $0x1, s24, s10, $0xb8;
	[tilespmem:$0x1E900] =	vst v63  }
0x2eb: {  	s28 =	simm.s32 $0x1300  }
0x2ec: {  	[tilespmem:s26], [sflag:$0x3] =	stream.indirect.gather [spmem:s4], $0x1, s28, s10, $0xb8;
	[tilespmem:$0x1E900] =	vst v63  }
0x2ed: {  	s29 =	simm.s32 $0x1380  }
0x2ee: {  	[tilespmem:s31], [sflag:$0x3] =	stream.indirect.gather [spmem:s4], $0x1, s29, s10, $0xb8;
	[tilespmem:$0x1E900] =	vst v63  }
0x2ef: {  	s31 =	simm.s32 $0x1400  }
0x2f0: {  	[tilespmem:s2], [sflag:$0x3] =	stream.indirect.gather [spmem:s4], $0x1, s31, s10, $0xb8;
	[tilespmem:$0x1E900] =	vst v63  }
0x2f1: {  	s5 =	simm.s32 $0xA080;
	s2 =	simm.s32 $0x1480  }
0x2f2: {  	[tilespmem:s5], [sflag:$0x3] =	stream.indirect.gather [spmem:s4], $0x1, s2, s10, $0xb8;
	[tilespmem:$0x1E900] =	vst v63  }
0x2f3: {  	s6 =	simm.s32 $0x1500;
	s9 =	simm.s32 $0xA100  }
0x2f4: {  	[tilespmem:s9], [sflag:$0x3] =	stream.indirect.gather [spmem:s4], $0x1, s6, s10, $0xb8;
	[tilespmem:$0x1E900] =	vst v63  }
0x2f5: {  	s12 =	simm.s32 $0xA180;
	s11 =	simm.s32 $0x1580  }
0x2f6: {  	[tilespmem:s12], [sflag:$0x3] =	stream.indirect.gather [spmem:s4], $0x1, s11, s10, $0xb8;
	[tilespmem:$0x1E900] =	vst v63  }
0x2f7: {  	s14 =	simm.s32 $0x1600;
	s15 =	simm.s32 $0xA200  }
0x2f8: {  	[tilespmem:s15], [sflag:$0x3] =	stream.indirect.gather [spmem:s4], $0x1, s14, s10, $0xb8;
	[tilespmem:$0x1E900] =	vst v63  }
0x2f9: {  	s17 =	simm.s32 $0xA280;
	s16 =	simm.s32 $0x1680  }
0x2fa: {  	[tilespmem:s17], [sflag:$0x3] =	stream.indirect.gather [spmem:s4], $0x1, s16, s10, $0xb8;
	[tilespmem:$0x1E900] =	vst v63  }
0x2fb: {  	s21 =	simm.s32 $0x1700;
	s22 =	simm.s32 $0xA300  }
0x2fc: {  	[tilespmem:s22], [sflag:$0x3] =	stream.indirect.gather [spmem:s4], $0x1, s21, s10, $0xb8;
	[tilespmem:$0x1E900] =	vst v63  }
0x2fd: {  	s24 =	simm.s32 $0x1780;
	s26 =	simm.s32 $0xA380  }
0x2fe: {  	[tilespmem:s26], [sflag:$0x3] =	stream.indirect.gather [spmem:s4], $0x1, s24, s10, $0xb8;
	[tilespmem:$0x1E900] =	vst v63  }
0x2ff: {  	_ =	strace $0x80000050  }
0x300: {  	[tilespmem:s7], [sflag:$0x1] =	stream.indirect.gather [hbm4b:s20+s10], $0x80, s13, s10, $0x2000b8;
	[tilespmem:$0x1E900] =	vst v63  }
0x301: {  	_ = 	snop  }
0x302: {  	[tilespmem:s23], [sflag:$0x2] =	stream.indirect.gather [hbm4b:s20+s10], $0x80, s10, s10, $0x2000b8;
	[tilespmem:$0x1E900] =	vst v63  }
0x303: {  	_ =	swait.ge [sflag:s18], $0x4000  }
0x304: {  	[sflag:s18] =	ssyncset.done $0x0  }
0x305: {  	s28 =	simm.s32 $0xC00;
	[sflag:s18] =	ssyncadd.s32 $0xFFFFC000  }
0x306: {  	[spmem:s1] =	stream.indirect.scatter.add.f32 [tilespmem:s7], [sflag:$0x5], $0x80, s28, s10, $0x2000b8;
	[tilespmem:$0x1E900] =	vst v63  }
0x307: {  	_ =	swait.ge [sflag:s8], $0x4000  }
0x308: {  	[sflag:s8] =	ssyncset.done $0x0  }
0x309: {  	s29 =	simm.s32 $0x100;
	[sflag:s8] =	ssyncadd.s32 $0xFFFFC000  }
0x30a: {  	[tilespmem:s7], [sflag:$0x1] =	stream.indirect.gather [hbm4b:s20+s10], $0x80, s29, s10, $0x2000b8;
	[tilespmem:$0x1E900] =	vst v63  }
0x30b: {  	_ =	swait.ge [sflag:s19], $0x4000  }
0x30c: {  	[sflag:s19] =	ssyncset.done $0x0  }
0x30d: {  	s31 =	simm.s32 $0xC80;
	[sflag:s19] =	ssyncadd.s32 $0xFFFFC000  }
0x30e: {  	[spmem:s1] =	stream.indirect.scatter.add.f32 [tilespmem:s23], [sflag:$0x5], $0x80, s31, s10, $0x2000b8;
	[tilespmem:$0x1E900] =	vst v63  }
0x30f: {  	_ =	swait.ge [sflag:s8], $0x4000  }
0x310: {  	[sflag:s8] =	ssyncset.done $0x0  }
0x311: {  	s15 =	simm.s32 $0x180;
	s13 =	simm.s32 $0x400;
	[sflag:s8] =	ssyncadd.s32 $0xFFFFC000  }
.LBB2_7:
0x312: {  	[tilespmem:s23], [sflag:$0x2] =	stream.indirect.gather [hbm4b:s20+s10], $0x80, s15, s10, $0x2000b8;
	[tilespmem:$0x1E900] =	vst v63  }
0x313: {  	s15 =	smov.u32 s13  }
0x314: {  	p1 =	sne.s32 s13, $0x2800;
	s13 =	sadd.s32 $0x400, s13;
	_ =	swait.ge [sflag:s18], $0x4000  }
0x315: {  	s15 =	sshra.s32 s15, $0x2;
	[sflag:s18] =	ssyncset.done $0x0  }
0x316: {  	s17 =	sadd.s32 $0xC00, s15;
	[sflag:s18] =	ssyncadd.s32 $0xFFFFC000  }
0x317: {  	[spmem:s1] =	stream.indirect.scatter.add.f32 [tilespmem:s7], [sflag:$0x5], $0x80, s17, s10, $0x2000b8;
	[tilespmem:$0x1E900] =	vst v63  }
0x318: {  	_ =	swait.ge [sflag:s8], $0x4000  }
0x319: {  	[sflag:s8] =	ssyncset.done $0x0  }
0x31a: {  	s17 =	sadd.s32 $0x100, s15;
	[sflag:s8] =	ssyncadd.s32 $0xFFFFC000  }
0x31b: {  	[tilespmem:s7], [sflag:$0x1] =	stream.indirect.gather [hbm4b:s20+s10], $0x80, s17, s10, $0x2000b8;
	[tilespmem:$0x1E900] =	vst v63  }
0x31c: {  	_ =	swait.ge [sflag:s19], $0x4000  }
0x31d: {  	[sflag:s19] =	ssyncset.done $0x0  }
.Ltmp5:
0x31e: {  	s17 =	sadd.s32 $0xC80, s15;
	[sflag:s19] =	ssyncadd.s32 $0xFFFFC000;
	(pc) =	sbr.rel @p1 .LBB2_7-.Ltmp5, $4  }
0x31f: {  	[spmem:s1] =	stream.indirect.scatter.add.f32 [tilespmem:s23], [sflag:$0x5], $0x80, s17, s10, $0x2000b8;
	[tilespmem:$0x1E900] =	vst v63  }
0x320: {  	_ =	swait.ge [sflag:s8], $0x4000  }
0x321: {  	[sflag:s8] =	ssyncset.done $0x0  }
0x322: {  	s15 =	sadd.s32 $0x180, s15;
	[sflag:s8] =	ssyncadd.s32 $0xFFFFC000  }
0x323: {  	[tilespmem:s23], [sflag:$0x2] =	stream.indirect.gather [hbm4b:s20+s10], $0x80, s15, s10, $0x2000b8;
	[tilespmem:$0x1E900] =	vst v63  }
0x324: {  	_ =	swait.ge [sflag:s18], $0x4000  }
0x325: {  	[sflag:s18] =	ssyncset.done $0x0  }
0x326: {  	s0 =	simm.s32 $0x1700;
	[sflag:s18] =	ssyncadd.s32 $0xFFFFC000  }
0x327: {  	[spmem:s1] =	stream.indirect.scatter.add.f32 [tilespmem:s7], [sflag:$0x5], $0x80, s0, s10, $0x2000b8;
	[tilespmem:$0x1E900] =	vst v63  }
0x328: {  	_ =	swait.ge [sflag:s8], $0x4000  }
0x329: {  	[sflag:s8] =	ssyncset.done $0x0  }
0x32a: {  	[sflag:s8] =	ssyncadd.s32 $0xFFFFC000  }
0x32b: {  	_ =	swait.ge [sflag:s19], $0x4000  }
0x32c: {  	[sflag:s19] =	ssyncset.done $0x0  }
0x32d: {  	s26 =	simm.s32 $0x1780;
	[sflag:s19] =	ssyncadd.s32 $0xFFFFC000  }
0x32e: {  	[spmem:s1] =	stream.indirect.scatter.add.f32 [tilespmem:s23], [sflag:$0x5], $0x80, s26, s10, $0x2000b8;
	[tilespmem:$0x1E900] =	vst v63  }
0x32f: {  	_ =	swait.ge [sflag:s8], $0x4000  }
0x330: {  	[sflag:s8] =	ssyncset.done $0x0  }
0x331: {  	[sflag:s8] =	ssyncadd.s32 $0xFFFFC000  }
0x332: {  	_ =	strace $0x90000050  }
0x333: {  	_ =	strace $0x80000051  }
0x334: {  	_ =	swait.ge [sflag:s25], $0x80  }
0x335: {  	[sflag:s25] =	ssyncset.done $0x0  }
0x336: {  	[sflag:s25] =	ssyncadd.s32 $0xFFFFFF80  }
0x337: {  	_ =	swait.ge [sflag:s25], $0x80  }
0x338: {  	[sflag:s25] =	ssyncset.done $0x0  }
0x339: {  	[sflag:s25] =	ssyncadd.s32 $0xFFFFFF80  }
0x33a: {  	_ =	swait.ge [sflag:s25], $0x80  }
0x33b: {  	[sflag:s25] =	ssyncset.done $0x0  }
0x33c: {  	[sflag:s25] =	ssyncadd.s32 $0xFFFFFF80  }
0x33d: {  	_ =	swait.ge [sflag:s25], $0x80  }
0x33e: {  	[sflag:s25] =	ssyncset.done $0x0  }
0x33f: {  	[sflag:s25] =	ssyncadd.s32 $0xFFFFFF80  }
0x340: {  	_ =	swait.ge [sflag:s25], $0x80  }
0x341: {  	[sflag:s25] =	ssyncset.done $0x0  }
0x342: {  	[sflag:s25] =	ssyncadd.s32 $0xFFFFFF80  }
0x343: {  	_ =	swait.ge [sflag:s25], $0x80  }
0x344: {  	[sflag:s25] =	ssyncset.done $0x0  }
0x345: {  	[sflag:s25] =	ssyncadd.s32 $0xFFFFFF80  }
0x346: {  	_ =	swait.ge [sflag:s25], $0x80  }
0x347: {  	[sflag:s25] =	ssyncset.done $0x0  }
0x348: {  	[sflag:s25] =	ssyncadd.s32 $0xFFFFFF80  }
0x349: {  	_ =	swait.ge [sflag:s25], $0x80  }
0x34a: {  	[sflag:s25] =	ssyncset.done $0x0  }
0x34b: {  	[sflag:s25] =	ssyncadd.s32 $0xFFFFFF80  }
0x34c: {  	_ =	swait.ge [sflag:s25], $0x80  }
0x34d: {  	[sflag:s25] =	ssyncset.done $0x0  }
0x34e: {  	[sflag:s25] =	ssyncadd.s32 $0xFFFFFF80  }
0x34f: {  	_ =	swait.ge [sflag:s25], $0x80  }
0x350: {  	[sflag:s25] =	ssyncset.done $0x0  }
0x351: {  	[sflag:s25] =	ssyncadd.s32 $0xFFFFFF80  }
0x352: {  	_ =	swait.ge [sflag:s25], $0x80  }
0x353: {  	[sflag:s25] =	ssyncset.done $0x0  }
0x354: {  	[sflag:s25] =	ssyncadd.s32 $0xFFFFFF80  }
0x355: {  	_ =	swait.ge [sflag:s25], $0x80  }
0x356: {  	[sflag:s25] =	ssyncset.done $0x0  }
0x357: {  	[sflag:s25] =	ssyncadd.s32 $0xFFFFFF80  }
0x358: {  	_ =	swait.ge [sflag:s25], $0x80  }
0x359: {  	[sflag:s25] =	ssyncset.done $0x0  }
0x35a: {  	[sflag:s25] =	ssyncadd.s32 $0xFFFFFF80  }
0x35b: {  	_ =	swait.ge [sflag:s25], $0x80  }
0x35c: {  	[sflag:s25] =	ssyncset.done $0x0  }
0x35d: {  	[sflag:s25] =	ssyncadd.s32 $0xFFFFFF80  }
0x35e: {  	_ =	swait.ge [sflag:s25], $0x80  }
0x35f: {  	[sflag:s25] =	ssyncset.done $0x0  }
0x360: {  	[sflag:s25] =	ssyncadd.s32 $0xFFFFFF80  }
0x361: {  	_ =	swait.ge [sflag:s25], $0x80  }
0x362: {  	[sflag:s25] =	ssyncset.done $0x0  }
0x363: {  	[sflag:s25] =	ssyncadd.s32 $0xFFFFFF80  }
0x364: {  	_ =	swait.ge [sflag:s25], $0x80  }
0x365: {  	[sflag:s25] =	ssyncset.done $0x0  }
0x366: {  	[sflag:s25] =	ssyncadd.s32 $0xFFFFFF80  }
0x367: {  	_ =	swait.ge [sflag:s25], $0x80  }
0x368: {  	[sflag:s25] =	ssyncset.done $0x0  }
0x369: {  	[sflag:s25] =	ssyncadd.s32 $0xFFFFFF80  }
0x36a: {  	_ =	swait.ge [sflag:s25], $0x80  }
0x36b: {  	[sflag:s25] =	ssyncset.done $0x0  }
0x36c: {  	[sflag:s25] =	ssyncadd.s32 $0xFFFFFF80  }
0x36d: {  	_ =	swait.ge [sflag:s25], $0x80  }
0x36e: {  	[sflag:s25] =	ssyncset.done $0x0  }
0x36f: {  	[sflag:s25] =	ssyncadd.s32 $0xFFFFFF80  }
0x370: {  	_ =	swait.ge [sflag:s25], $0x80  }
0x371: {  	[sflag:s25] =	ssyncset.done $0x0  }
0x372: {  	[sflag:s25] =	ssyncadd.s32 $0xFFFFFF80  }
0x373: {  	_ =	swait.ge [sflag:s25], $0x80  }
0x374: {  	[sflag:s25] =	ssyncset.done $0x0  }
0x375: {  	[sflag:s25] =	ssyncadd.s32 $0xFFFFFF80  }
0x376: {  	_ =	swait.ge [sflag:s25], $0x80  }
0x377: {  	[sflag:s25] =	ssyncset.done $0x0  }
0x378: {  	[sflag:s25] =	ssyncadd.s32 $0xFFFFFF80  }
0x379: {  	_ =	swait.ge [sflag:s25], $0x80  }
0x37a: {  	[sflag:s25] =	ssyncset.done $0x0  }
0x37b: {  	s13 =	simm.s32 $0x0;
	s0 =	simm.s32 $0x9800;
	[sflag:s25] =	ssyncadd.s32 $0xFFFFFF80  }
0x37c: {  	[spmem:s3] =	stream.indirect.scatter.add.f32 [tilespmem:s0], [sflag:$0x4], $0x1, s13, s10, $0x2000b8;
	[tilespmem:$0x1E900] =	vst v63  }
0x37d: {  	s17 =	simm.s32 $0x9880  }
0x37e: {  	[spmem:s3] =	stream.indirect.scatter.add.f32 [tilespmem:s17], [sflag:$0x4], $0x1, s10, s10, $0x2000b8;
	[tilespmem:$0x1E900] =	vst v63  }
0x37f: {  	s5 =	simm.s32 $0x9900;
	s2 =	simm.s32 $0x100  }
0x380: {  	[spmem:s3] =	stream.indirect.scatter.add.f32 [tilespmem:s5], [sflag:$0x4], $0x1, s2, s10, $0x2000b8;
	[tilespmem:$0x1E900] =	vst v63  }
0x381: {  	s12 =	simm.s32 $0x9980;
	s28 =	simm.s32 $0x180  }
0x382: {  	[spmem:s3] =	stream.indirect.scatter.add.f32 [tilespmem:s12], [sflag:$0x4], $0x1, s28, s10, $0x2000b8;
	[tilespmem:$0x1E900] =	vst v63  }
0x383: {  	s22 =	simm.s32 $0x9A00;
	s29 =	simm.s32 $0x200  }
0x384: {  	[spmem:s3] =	stream.indirect.scatter.add.f32 [tilespmem:s22], [sflag:$0x4], $0x1, s29, s10, $0x2000b8;
	[tilespmem:$0x1E900] =	vst v63  }
0x385: {  	s31 =	simm.s32 $0x280;
	s28 =	simm.s32 $0x9A80  }
0x386: {  	[spmem:s3] =	stream.indirect.scatter.add.f32 [tilespmem:s28], [sflag:$0x4], $0x1, s31, s10, $0x2000b8;
	[tilespmem:$0x1E900] =	vst v63  }
0x387: {  	s14 =	simm.s32 $0x9B00;
	s5 =	simm.s32 $0x300  }
0x388: {  	[spmem:s3] =	stream.indirect.scatter.add.f32 [tilespmem:s14], [sflag:$0x4], $0x1, s5, s10, $0x2000b8;
	[tilespmem:$0x1E900] =	vst v63  }
0x389: {  	s6 =	simm.s32 $0x380;
	s29 =	simm.s32 $0x9B80  }
0x38a: {  	[spmem:s3] =	stream.indirect.scatter.add.f32 [tilespmem:s29], [sflag:$0x4], $0x1, s6, s10, $0x2000b8;
	[tilespmem:$0x1E900] =	vst v63  }
0x38b: {  	s21 =	simm.s32 $0x9C00;
	s9 =	simm.s32 $0x400  }
0x38c: {  	[spmem:s3] =	stream.indirect.scatter.add.f32 [tilespmem:s21], [sflag:$0x4], $0x1, s9, s10, $0x2000b8;
	[tilespmem:$0x1E900] =	vst v63  }
0x38d: {  	s11 =	simm.s32 $0x480;
	s5 =	simm.s32 $0x9C80  }
0x38e: {  	[spmem:s3] =	stream.indirect.scatter.add.f32 [tilespmem:s5], [sflag:$0x4], $0x1, s11, s10, $0x2000b8;
	[tilespmem:$0x1E900] =	vst v63  }
0x38f: {  	s15 =	simm.s32 $0x500;
	s6 =	simm.s32 $0x9D00  }
0x390: {  	[spmem:s3] =	stream.indirect.scatter.add.f32 [tilespmem:s6], [sflag:$0x4], $0x1, s15, s10, $0x2000b8;
	[tilespmem:$0x1E900] =	vst v63  }
0x391: {  	s16 =	simm.s32 $0x580;
	s11 =	simm.s32 $0x9D80  }
0x392: {  	[spmem:s3] =	stream.indirect.scatter.add.f32 [tilespmem:s11], [sflag:$0x4], $0x1, s16, s10, $0x2000b8;
	[tilespmem:$0x1E900] =	vst v63  }
0x393: {  	s24 =	simm.s32 $0x600;
	s9 =	simm.s32 $0x9E00  }
0x394: {  	[spmem:s3] =	stream.indirect.scatter.add.f32 [tilespmem:s9], [sflag:$0x4], $0x1, s24, s10, $0x2000b8;
	[tilespmem:$0x1E900] =	vst v63  }
0x395: {  	s26 =	simm.s32 $0x680;
	s16 =	simm.s32 $0x9E80  }
0x396: {  	[spmem:s3] =	stream.indirect.scatter.add.f32 [tilespmem:s16], [sflag:$0x4], $0x1, s26, s10, $0x2000b8;
	[tilespmem:$0x1E900] =	vst v63  }
0x397: {  	s31 =	simm.s32 $0x700;
	s26 =	simm.s32 $0x9F00  }
0x398: {  	[spmem:s3] =	stream.indirect.scatter.add.f32 [tilespmem:s26], [sflag:$0x4], $0x1, s31, s10, $0x2000b8;
	[tilespmem:$0x1E900] =	vst v63  }
0x399: {  	s15 =	simm.s32 $0x780;
	s31 =	simm.s32 $0x9F80  }
0x39a: {  	[spmem:s3] =	stream.indirect.scatter.add.f32 [tilespmem:s31], [sflag:$0x4], $0x1, s15, s10, $0x2000b8;
	[tilespmem:$0x1E900] =	vst v63  }
0x39b: {  	s2 =	simm.s32 $0xA000;
	s24 =	simm.s32 $0x800  }
0x39c: {  	[spmem:s3] =	stream.indirect.scatter.add.f32 [tilespmem:s2], [sflag:$0x4], $0x1, s24, s10, $0x2000b8;
	[tilespmem:$0x1E900] =	vst v63  }
0x39d: {  	s15 =	simm.s32 $0x880;
	s24 =	simm.s32 $0xA080  }
0x39e: {  	[spmem:s3] =	stream.indirect.scatter.add.f32 [tilespmem:s24], [sflag:$0x4], $0x1, s15, s10, $0x2000b8;
	[tilespmem:$0x1E900] =	vst v63  }
0x39f: {  	s24 =	simm.s32 $0xA100;
	s15 =	simm.s32 $0x900  }
0x3a0: {  	[spmem:s3] =	stream.indirect.scatter.add.f32 [tilespmem:s24], [sflag:$0x4], $0x1, s15, s10, $0x2000b8;
	[tilespmem:$0x1E900] =	vst v63  }
0x3a1: {  	s24 =	simm.s32 $0xA180;
	s15 =	simm.s32 $0x980  }
0x3a2: {  	[spmem:s3] =	stream.indirect.scatter.add.f32 [tilespmem:s24], [sflag:$0x4], $0x1, s15, s10, $0x2000b8;
	[tilespmem:$0x1E900] =	vst v63  }
0x3a3: {  	s24 =	simm.s32 $0xA200;
	s15 =	simm.s32 $0xA00  }
0x3a4: {  	[spmem:s3] =	stream.indirect.scatter.add.f32 [tilespmem:s24], [sflag:$0x4], $0x1, s15, s10, $0x2000b8;
	[tilespmem:$0x1E900] =	vst v63  }
0x3a5: {  	s24 =	simm.s32 $0xA280;
	s15 =	simm.s32 $0xA80  }
0x3a6: {  	[spmem:s3] =	stream.indirect.scatter.add.f32 [tilespmem:s24], [sflag:$0x4], $0x1, s15, s10, $0x2000b8;
	[tilespmem:$0x1E900] =	vst v63  }
0x3a7: {  	s24 =	simm.s32 $0xA300;
	s15 =	simm.s32 $0xB00  }
0x3a8: {  	[spmem:s3] =	stream.indirect.scatter.add.f32 [tilespmem:s24], [sflag:$0x4], $0x1, s15, s10, $0x2000b8;
	[tilespmem:$0x1E900] =	vst v63  }
0x3a9: {  	s24 =	simm.s32 $0xA380;
	s15 =	simm.s32 $0xB80  }
0x3aa: {  	[spmem:s3] =	stream.indirect.scatter.add.f32 [tilespmem:s24], [sflag:$0x4], $0x1, s15, s10, $0x2000b8;
	[tilespmem:$0x1E900] =	vst v63  }
0x3ab: {  	_ =	swait.ge [sflag:s30], $0x80  }
0x3ac: {  	[sflag:s30] =	ssyncset.done $0x0  }
0x3ad: {  	[sflag:s30] =	ssyncadd.s32 $0xFFFFFF80  }
0x3ae: {  	_ =	swait.ge [sflag:s30], $0x80  }
0x3af: {  	[sflag:s30] =	ssyncset.done $0x0  }
0x3b0: {  	[sflag:s30] =	ssyncadd.s32 $0xFFFFFF80  }
0x3b1: {  	_ =	swait.ge [sflag:s30], $0x80  }
0x3b2: {  	[sflag:s30] =	ssyncset.done $0x0  }
0x3b3: {  	[sflag:s30] =	ssyncadd.s32 $0xFFFFFF80  }
0x3b4: {  	_ =	swait.ge [sflag:s30], $0x80  }
0x3b5: {  	[sflag:s30] =	ssyncset.done $0x0  }
0x3b6: {  	[sflag:s30] =	ssyncadd.s32 $0xFFFFFF80  }
0x3b7: {  	_ =	swait.ge [sflag:s30], $0x80  }
0x3b8: {  	[sflag:s30] =	ssyncset.done $0x0  }
0x3b9: {  	[sflag:s30] =	ssyncadd.s32 $0xFFFFFF80  }
0x3ba: {  	_ =	swait.ge [sflag:s30], $0x80  }
0x3bb: {  	[sflag:s30] =	ssyncset.done $0x0  }
0x3bc: {  	[sflag:s30] =	ssyncadd.s32 $0xFFFFFF80  }
0x3bd: {  	_ =	swait.ge [sflag:s30], $0x80  }
0x3be: {  	[sflag:s30] =	ssyncset.done $0x0  }
0x3bf: {  	[sflag:s30] =	ssyncadd.s32 $0xFFFFFF80  }
0x3c0: {  	_ =	swait.ge [sflag:s30], $0x80  }
0x3c1: {  	[sflag:s30] =	ssyncset.done $0x0  }
0x3c2: {  	[sflag:s30] =	ssyncadd.s32 $0xFFFFFF80  }
0x3c3: {  	_ =	swait.ge [sflag:s30], $0x80  }
0x3c4: {  	[sflag:s30] =	ssyncset.done $0x0  }
0x3c5: {  	[sflag:s30] =	ssyncadd.s32 $0xFFFFFF80  }
0x3c6: {  	_ =	swait.ge [sflag:s30], $0x80  }
0x3c7: {  	[sflag:s30] =	ssyncset.done $0x0  }
0x3c8: {  	[sflag:s30] =	ssyncadd.s32 $0xFFFFFF80  }
0x3c9: {  	_ =	swait.ge [sflag:s30], $0x80  }
0x3ca: {  	[sflag:s30] =	ssyncset.done $0x0  }
0x3cb: {  	[sflag:s30] =	ssyncadd.s32 $0xFFFFFF80  }
0x3cc: {  	_ =	swait.ge [sflag:s30], $0x80  }
0x3cd: {  	[sflag:s30] =	ssyncset.done $0x0  }
0x3ce: {  	[sflag:s30] =	ssyncadd.s32 $0xFFFFFF80  }
0x3cf: {  	_ =	swait.ge [sflag:s30], $0x80  }
0x3d0: {  	[sflag:s30] =	ssyncset.done $0x0  }
0x3d1: {  	[sflag:s30] =	ssyncadd.s32 $0xFFFFFF80  }
0x3d2: {  	_ =	swait.ge [sflag:s30], $0x80  }
0x3d3: {  	[sflag:s30] =	ssyncset.done $0x0  }
0x3d4: {  	[sflag:s30] =	ssyncadd.s32 $0xFFFFFF80  }
0x3d5: {  	_ =	swait.ge [sflag:s30], $0x80  }
0x3d6: {  	[sflag:s30] =	ssyncset.done $0x0  }
0x3d7: {  	[sflag:s30] =	ssyncadd.s32 $0xFFFFFF80  }
0x3d8: {  	_ =	swait.ge [sflag:s30], $0x80  }
0x3d9: {  	[sflag:s30] =	ssyncset.done $0x0  }
0x3da: {  	[sflag:s30] =	ssyncadd.s32 $0xFFFFFF80  }
0x3db: {  	_ =	swait.ge [sflag:s30], $0x80  }
0x3dc: {  	[sflag:s30] =	ssyncset.done $0x0  }
0x3dd: {  	[sflag:s30] =	ssyncadd.s32 $0xFFFFFF80  }
0x3de: {  	_ =	swait.ge [sflag:s30], $0x80  }
0x3df: {  	[sflag:s30] =	ssyncset.done $0x0  }
0x3e0: {  	[sflag:s30] =	ssyncadd.s32 $0xFFFFFF80  }
0x3e1: {  	_ =	swait.ge [sflag:s30], $0x80  }
0x3e2: {  	[sflag:s30] =	ssyncset.done $0x0  }
0x3e3: {  	[sflag:s30] =	ssyncadd.s32 $0xFFFFFF80  }
0x3e4: {  	_ =	swait.ge [sflag:s30], $0x80  }
0x3e5: {  	[sflag:s30] =	ssyncset.done $0x0  }
0x3e6: {  	[sflag:s30] =	ssyncadd.s32 $0xFFFFFF80  }
0x3e7: {  	_ =	swait.ge [sflag:s30], $0x80  }
0x3e8: {  	[sflag:s30] =	ssyncset.done $0x0  }
0x3e9: {  	[sflag:s30] =	ssyncadd.s32 $0xFFFFFF80  }
0x3ea: {  	_ =	swait.ge [sflag:s30], $0x80  }
0x3eb: {  	[sflag:s30] =	ssyncset.done $0x0  }
0x3ec: {  	[sflag:s30] =	ssyncadd.s32 $0xFFFFFF80  }
0x3ed: {  	_ =	swait.ge [sflag:s30], $0x80  }
0x3ee: {  	[sflag:s30] =	ssyncset.done $0x0  }
0x3ef: {  	[sflag:s30] =	ssyncadd.s32 $0xFFFFFF80  }
0x3f0: {  	_ =	swait.ge [sflag:s30], $0x80  }
0x3f1: {  	[sflag:s30] =	ssyncset.done $0x0  }
0x3f2: {  	[sflag:s30] =	ssyncadd.s32 $0xFFFFFF80  }
0x3f3: {  	_ =	strace $0x90000051  }
0x3f4: {  	s24 =	rddreg [dreg:$0xb]  }
0x3f5: {  	[tilespmem:s13], [sflag:$0x5] =	stream.linear.gather [hbm4b:s24+s13], $0xC00, $0x38;
	[tilespmem:$0x1E900] =	vst v63  }
0x3f6: {  	_ =	swait.ge [sflag:s8], $0xC00  }
0x3f7: {  	[sflag:s8] =	ssyncset.done $0x0  }
0x3f8: {  	s24 =	simm.s32 $0xC00;
	s15 =	rddreg [dreg:$0xc];
	[sflag:s8] =	ssyncadd.s32 $0xFFFFF400  }
0x3f9: {  	[tilespmem:s24], [sflag:$0x5] =	stream.linear.gather [hbm4b:s15+s13], $0xC00, $0x38;
	[tilespmem:$0x1E900] =	vst v63  }
0x3fa: {  	_ =	swait.ge [sflag:s8], $0xC00  }
0x3fb: {  	[sflag:s8] =	ssyncset.done $0x0  }
0x3fc: {  	[sflag:s8] =	ssyncadd.s32 $0xFFFFF400  }
0x3fd: {  	[tilespmem:s0], [sflag:$0x3] =	stream.indirect.gather [spmem:s4], $0x1, s24, s10, $0xb8;
	[tilespmem:$0x1E900] =	vst v63  }
0x3fe: {  	s15 =	simm.s32 $0xC80  }
0x3ff: {  	[tilespmem:s17], [sflag:$0x3] =	stream.indirect.gather [spmem:s4], $0x1, s15, s10, $0xb8;
	[tilespmem:$0x1E900] =	vst v63  }
0x400: {  	s24 =	simm.s32 $0x9900;
	s17 =	simm.s32 $0xD00  }
0x401: {  	[tilespmem:s24], [sflag:$0x3] =	stream.indirect.gather [spmem:s4], $0x1, s17, s10, $0xb8;
	[tilespmem:$0x1E900] =	vst v63  }
0x402: {  	s15 =	simm.s32 $0xD80  }
0x403: {  	[tilespmem:s12], [sflag:$0x3] =	stream.indirect.gather [spmem:s4], $0x1, s15, s10, $0xb8;
	[tilespmem:$0x1E900] =	vst v63  }
0x404: {  	s17 =	simm.s32 $0xE00  }
0x405: {  	[tilespmem:s22], [sflag:$0x3] =	stream.indirect.gather [spmem:s4], $0x1, s17, s10, $0xb8;
	[tilespmem:$0x1E900] =	vst v63  }
0x406: {  	s24 =	simm.s32 $0xE80  }
0x407: {  	[tilespmem:s28], [sflag:$0x3] =	stream.indirect.gather [spmem:s4], $0x1, s24, s10, $0xb8;
	[tilespmem:$0x1E900] =	vst v63  }
0x408: {  	s28 =	simm.s32 $0xF00  }
0x409: {  	[tilespmem:s14], [sflag:$0x3] =	stream.indirect.gather [spmem:s4], $0x1, s28, s10, $0xb8;
	[tilespmem:$0x1E900] =	vst v63  }
0x40a: {  	s12 =	simm.s32 $0xF80  }
0x40b: {  	[tilespmem:s29], [sflag:$0x3] =	stream.indirect.gather [spmem:s4], $0x1, s12, s10, $0xb8;
	[tilespmem:$0x1E900] =	vst v63  }
0x40c: {  	s14 =	simm.s32 $0x1000  }
0x40d: {  	[tilespmem:s21], [sflag:$0x3] =	stream.indirect.gather [spmem:s4], $0x1, s14, s10, $0xb8;
	[tilespmem:$0x1E900] =	vst v63  }
0x40e: {  	s15 =	simm.s32 $0x1080  }
0x40f: {  	[tilespmem:s5], [sflag:$0x3] =	stream.indirect.gather [spmem:s4], $0x1, s15, s10, $0xb8;
	[tilespmem:$0x1E900] =	vst v63  }
0x410: {  	s17 =	simm.s32 $0x1100  }
0x411: {  	[tilespmem:s6], [sflag:$0x3] =	stream.indirect.gather [spmem:s4], $0x1, s17, s10, $0xb8;
	[tilespmem:$0x1E900] =	vst v63  }
0x412: {  	s21 =	simm.s32 $0x1180  }
0x413: {  	[tilespmem:s11], [sflag:$0x3] =	stream.indirect.gather [spmem:s4], $0x1, s21, s10, $0xb8;
	[tilespmem:$0x1E900] =	vst v63  }
0x414: {  	s22 =	simm.s32 $0x1200  }
0x415: {  	[tilespmem:s9], [sflag:$0x3] =	stream.indirect.gather [spmem:s4], $0x1, s22, s10, $0xb8;
	[tilespmem:$0x1E900] =	vst v63  }
0x416: {  	s24 =	simm.s32 $0x1280  }
0x417: {  	[tilespmem:s16], [sflag:$0x3] =	stream.indirect.gather [spmem:s4], $0x1, s24, s10, $0xb8;
	[tilespmem:$0x1E900] =	vst v63  }
0x418: {  	s28 =	simm.s32 $0x1300  }
0x419: {  	[tilespmem:s26], [sflag:$0x3] =	stream.indirect.gather [spmem:s4], $0x1, s28, s10, $0xb8;
	[tilespmem:$0x1E900] =	vst v63  }
0x41a: {  	s29 =	simm.s32 $0x1380  }
0x41b: {  	[tilespmem:s31], [sflag:$0x3] =	stream.indirect.gather [spmem:s4], $0x1, s29, s10, $0xb8;
	[tilespmem:$0x1E900] =	vst v63  }
0x41c: {  	s31 =	simm.s32 $0x1400  }
0x41d: {  	[tilespmem:s2], [sflag:$0x3] =	stream.indirect.gather [spmem:s4], $0x1, s31, s10, $0xb8;
	[tilespmem:$0x1E900] =	vst v63  }
0x41e: {  	s5 =	simm.s32 $0xA080;
	s2 =	simm.s32 $0x1480  }
0x41f: {  	[tilespmem:s5], [sflag:$0x3] =	stream.indirect.gather [spmem:s4], $0x1, s2, s10, $0xb8;
	[tilespmem:$0x1E900] =	vst v63  }
0x420: {  	s6 =	simm.s32 $0x1500;
	s9 =	simm.s32 $0xA100  }
0x421: {  	[tilespmem:s9], [sflag:$0x3] =	stream.indirect.gather [spmem:s4], $0x1, s6, s10, $0xb8;
	[tilespmem:$0x1E900] =	vst v63  }
0x422: {  	s12 =	simm.s32 $0xA180;
	s11 =	simm.s32 $0x1580  }
0x423: {  	[tilespmem:s12], [sflag:$0x3] =	stream.indirect.gather [spmem:s4], $0x1, s11, s10, $0xb8;
	[tilespmem:$0x1E900] =	vst v63  }
0x424: {  	s14 =	simm.s32 $0x1600;
	s15 =	simm.s32 $0xA200  }
0x425: {  	[tilespmem:s15], [sflag:$0x3] =	stream.indirect.gather [spmem:s4], $0x1, s14, s10, $0xb8;
	[tilespmem:$0x1E900] =	vst v63  }
0x426: {  	s17 =	simm.s32 $0xA280;
	s16 =	simm.s32 $0x1680  }
0x427: {  	[tilespmem:s17], [sflag:$0x3] =	stream.indirect.gather [spmem:s4], $0x1, s16, s10, $0xb8;
	[tilespmem:$0x1E900] =	vst v63  }
0x428: {  	s21 =	simm.s32 $0x1700;
	s22 =	simm.s32 $0xA300  }
0x429: {  	[tilespmem:s22], [sflag:$0x3] =	stream.indirect.gather [spmem:s4], $0x1, s21, s10, $0xb8;
	[tilespmem:$0x1E900] =	vst v63  }
0x42a: {  	s24 =	simm.s32 $0x1780;
	s26 =	simm.s32 $0xA380  }
0x42b: {  	[tilespmem:s26], [sflag:$0x3] =	stream.indirect.gather [spmem:s4], $0x1, s24, s10, $0xb8;
	[tilespmem:$0x1E900] =	vst v63  }
0x42c: {  	_ =	strace $0x80000052  }
0x42d: {  	[tilespmem:s7], [sflag:$0x1] =	stream.indirect.gather [hbm4b:s20+s10], $0x80, s13, s10, $0x2000b8;
	[tilespmem:$0x1E900] =	vst v63  }
0x42e: {  	_ = 	snop  }
0x42f: {  	[tilespmem:s23], [sflag:$0x2] =	stream.indirect.gather [hbm4b:s20+s10], $0x80, s10, s10, $0x2000b8;
	[tilespmem:$0x1E900] =	vst v63  }
0x430: {  	_ =	swait.ge [sflag:s18], $0x4000  }
0x431: {  	[sflag:s18] =	ssyncset.done $0x0  }
0x432: {  	s28 =	simm.s32 $0xC00;
	[sflag:s18] =	ssyncadd.s32 $0xFFFFC000  }
0x433: {  	[spmem:s1] =	stream.indirect.scatter.add.f32 [tilespmem:s7], [sflag:$0x5], $0x80, s28, s10, $0x2000b8;
	[tilespmem:$0x1E900] =	vst v63  }
0x434: {  	_ =	swait.ge [sflag:s8], $0x4000  }
0x435: {  	[sflag:s8] =	ssyncset.done $0x0  }
0x436: {  	s29 =	simm.s32 $0x100;
	[sflag:s8] =	ssyncadd.s32 $0xFFFFC000  }
0x437: {  	[tilespmem:s7], [sflag:$0x1] =	stream.indirect.gather [hbm4b:s20+s10], $0x80, s29, s10, $0x2000b8;
	[tilespmem:$0x1E900] =	vst v63  }
0x438: {  	_ =	swait.ge [sflag:s19], $0x4000  }
0x439: {  	[sflag:s19] =	ssyncset.done $0x0  }
0x43a: {  	s31 =	simm.s32 $0xC80;
	[sflag:s19] =	ssyncadd.s32 $0xFFFFC000  }
0x43b: {  	[spmem:s1] =	stream.indirect.scatter.add.f32 [tilespmem:s23], [sflag:$0x5], $0x80, s31, s10, $0x2000b8;
	[tilespmem:$0x1E900] =	vst v63  }
0x43c: {  	_ =	swait.ge [sflag:s8], $0x4000  }
0x43d: {  	[sflag:s8] =	ssyncset.done $0x0  }
0x43e: {  	s15 =	simm.s32 $0x180;
	s13 =	simm.s32 $0x400;
	[sflag:s8] =	ssyncadd.s32 $0xFFFFC000  }
.LBB2_9:
0x43f: {  	[tilespmem:s23], [sflag:$0x2] =	stream.indirect.gather [hbm4b:s20+s10], $0x80, s15, s10, $0x2000b8;
	[tilespmem:$0x1E900] =	vst v63  }
0x440: {  	s15 =	smov.u32 s13  }
0x441: {  	p1 =	sne.s32 s13, $0x2800;
	s13 =	sadd.s32 $0x400, s13;
	_ =	swait.ge [sflag:s18], $0x4000  }
0x442: {  	s15 =	sshra.s32 s15, $0x2;
	[sflag:s18] =	ssyncset.done $0x0  }
0x443: {  	s17 =	sadd.s32 $0xC00, s15;
	[sflag:s18] =	ssyncadd.s32 $0xFFFFC000  }
0x444: {  	[spmem:s1] =	stream.indirect.scatter.add.f32 [tilespmem:s7], [sflag:$0x5], $0x80, s17, s10, $0x2000b8;
	[tilespmem:$0x1E900] =	vst v63  }
0x445: {  	_ =	swait.ge [sflag:s8], $0x4000  }
0x446: {  	[sflag:s8] =	ssyncset.done $0x0  }
0x447: {  	s17 =	sadd.s32 $0x100, s15;
	[sflag:s8] =	ssyncadd.s32 $0xFFFFC000  }
0x448: {  	[tilespmem:s7], [sflag:$0x1] =	stream.indirect.gather [hbm4b:s20+s10], $0x80, s17, s10, $0x2000b8;
	[tilespmem:$0x1E900] =	vst v63  }
0x449: {  	_ =	swait.ge [sflag:s19], $0x4000  }
0x44a: {  	[sflag:s19] =	ssyncset.done $0x0  }
.Ltmp6:
0x44b: {  	s17 =	sadd.s32 $0xC80, s15;
	[sflag:s19] =	ssyncadd.s32 $0xFFFFC000;
	(pc) =	sbr.rel @p1 .LBB2_9-.Ltmp6, $4  }
0x44c: {  	[spmem:s1] =	stream.indirect.scatter.add.f32 [tilespmem:s23], [sflag:$0x5], $0x80, s17, s10, $0x2000b8;
	[tilespmem:$0x1E900] =	vst v63  }
0x44d: {  	_ =	swait.ge [sflag:s8], $0x4000  }
0x44e: {  	[sflag:s8] =	ssyncset.done $0x0  }
0x44f: {  	s15 =	sadd.s32 $0x180, s15;
	[sflag:s8] =	ssyncadd.s32 $0xFFFFC000  }
0x450: {  	[tilespmem:s23], [sflag:$0x2] =	stream.indirect.gather [hbm4b:s20+s10], $0x80, s15, s10, $0x2000b8;
	[tilespmem:$0x1E900] =	vst v63  }
0x451: {  	_ =	swait.ge [sflag:s18], $0x4000  }
0x452: {  	[sflag:s18] =	ssyncset.done $0x0  }
0x453: {  	s0 =	simm.s32 $0x1700;
	[sflag:s18] =	ssyncadd.s32 $0xFFFFC000  }
0x454: {  	[spmem:s1] =	stream.indirect.scatter.add.f32 [tilespmem:s7], [sflag:$0x5], $0x80, s0, s10, $0x2000b8;
	[tilespmem:$0x1E900] =	vst v63  }
0x455: {  	_ =	swait.ge [sflag:s8], $0x4000  }
0x456: {  	[sflag:s8] =	ssyncset.done $0x0  }
0x457: {  	[sflag:s8] =	ssyncadd.s32 $0xFFFFC000  }
0x458: {  	_ =	swait.ge [sflag:s19], $0x4000  }
0x459: {  	[sflag:s19] =	ssyncset.done $0x0  }
0x45a: {  	s26 =	simm.s32 $0x1780;
	[sflag:s19] =	ssyncadd.s32 $0xFFFFC000  }
0x45b: {  	[spmem:s1] =	stream.indirect.scatter.add.f32 [tilespmem:s23], [sflag:$0x5], $0x80, s26, s10, $0x2000b8;
	[tilespmem:$0x1E900] =	vst v63  }
0x45c: {  	_ =	swait.ge [sflag:s8], $0x4000  }
0x45d: {  	[sflag:s8] =	ssyncset.done $0x0  }
0x45e: {  	[sflag:s8] =	ssyncadd.s32 $0xFFFFC000  }
0x45f: {  	_ =	strace $0x90000052  }
0x460: {  	_ =	strace $0x80000053  }
0x461: {  	_ =	swait.ge [sflag:s25], $0x80  }
0x462: {  	[sflag:s25] =	ssyncset.done $0x0  }
0x463: {  	[sflag:s25] =	ssyncadd.s32 $0xFFFFFF80  }
0x464: {  	_ =	swait.ge [sflag:s25], $0x80  }
0x465: {  	[sflag:s25] =	ssyncset.done $0x0  }
0x466: {  	[sflag:s25] =	ssyncadd.s32 $0xFFFFFF80  }
0x467: {  	_ =	swait.ge [sflag:s25], $0x80  }
0x468: {  	[sflag:s25] =	ssyncset.done $0x0  }
0x469: {  	[sflag:s25] =	ssyncadd.s32 $0xFFFFFF80  }
0x46a: {  	_ =	swait.ge [sflag:s25], $0x80  }
0x46b: {  	[sflag:s25] =	ssyncset.done $0x0  }
0x46c: {  	[sflag:s25] =	ssyncadd.s32 $0xFFFFFF80  }
0x46d: {  	_ =	swait.ge [sflag:s25], $0x80  }
0x46e: {  	[sflag:s25] =	ssyncset.done $0x0  }
0x46f: {  	[sflag:s25] =	ssyncadd.s32 $0xFFFFFF80  }
0x470: {  	_ =	swait.ge [sflag:s25], $0x80  }
0x471: {  	[sflag:s25] =	ssyncset.done $0x0  }
0x472: {  	[sflag:s25] =	ssyncadd.s32 $0xFFFFFF80  }
0x473: {  	_ =	swait.ge [sflag:s25], $0x80  }
0x474: {  	[sflag:s25] =	ssyncset.done $0x0  }
0x475: {  	[sflag:s25] =	ssyncadd.s32 $0xFFFFFF80  }
0x476: {  	_ =	swait.ge [sflag:s25], $0x80  }
0x477: {  	[sflag:s25] =	ssyncset.done $0x0  }
0x478: {  	[sflag:s25] =	ssyncadd.s32 $0xFFFFFF80  }
0x479: {  	_ =	swait.ge [sflag:s25], $0x80  }
0x47a: {  	[sflag:s25] =	ssyncset.done $0x0  }
0x47b: {  	[sflag:s25] =	ssyncadd.s32 $0xFFFFFF80  }
0x47c: {  	_ =	swait.ge [sflag:s25], $0x80  }
0x47d: {  	[sflag:s25] =	ssyncset.done $0x0  }
0x47e: {  	[sflag:s25] =	ssyncadd.s32 $0xFFFFFF80  }
0x47f: {  	_ =	swait.ge [sflag:s25], $0x80  }
0x480: {  	[sflag:s25] =	ssyncset.done $0x0  }
0x481: {  	[sflag:s25] =	ssyncadd.s32 $0xFFFFFF80  }
0x482: {  	_ =	swait.ge [sflag:s25], $0x80  }
0x483: {  	[sflag:s25] =	ssyncset.done $0x0  }
0x484: {  	[sflag:s25] =	ssyncadd.s32 $0xFFFFFF80  }
0x485: {  	_ =	swait.ge [sflag:s25], $0x80  }
0x486: {  	[sflag:s25] =	ssyncset.done $0x0  }
0x487: {  	[sflag:s25] =	ssyncadd.s32 $0xFFFFFF80  }
0x488: {  	_ =	swait.ge [sflag:s25], $0x80  }
0x489: {  	[sflag:s25] =	ssyncset.done $0x0  }
0x48a: {  	[sflag:s25] =	ssyncadd.s32 $0xFFFFFF80  }
0x48b: {  	_ =	swait.ge [sflag:s25], $0x80  }
0x48c: {  	[sflag:s25] =	ssyncset.done $0x0  }
0x48d: {  	[sflag:s25] =	ssyncadd.s32 $0xFFFFFF80  }
0x48e: {  	_ =	swait.ge [sflag:s25], $0x80  }
0x48f: {  	[sflag:s25] =	ssyncset.done $0x0  }
0x490: {  	[sflag:s25] =	ssyncadd.s32 $0xFFFFFF80  }
0x491: {  	_ =	swait.ge [sflag:s25], $0x80  }
0x492: {  	[sflag:s25] =	ssyncset.done $0x0  }
0x493: {  	[sflag:s25] =	ssyncadd.s32 $0xFFFFFF80  }
0x494: {  	_ =	swait.ge [sflag:s25], $0x80  }
0x495: {  	[sflag:s25] =	ssyncset.done $0x0  }
0x496: {  	[sflag:s25] =	ssyncadd.s32 $0xFFFFFF80  }
0x497: {  	_ =	swait.ge [sflag:s25], $0x80  }
0x498: {  	[sflag:s25] =	ssyncset.done $0x0  }
0x499: {  	[sflag:s25] =	ssyncadd.s32 $0xFFFFFF80  }
0x49a: {  	_ =	swait.ge [sflag:s25], $0x80  }
0x49b: {  	[sflag:s25] =	ssyncset.done $0x0  }
0x49c: {  	[sflag:s25] =	ssyncadd.s32 $0xFFFFFF80  }
0x49d: {  	_ =	swait.ge [sflag:s25], $0x80  }
0x49e: {  	[sflag:s25] =	ssyncset.done $0x0  }
0x49f: {  	[sflag:s25] =	ssyncadd.s32 $0xFFFFFF80  }
0x4a0: {  	_ =	swait.ge [sflag:s25], $0x80  }
0x4a1: {  	[sflag:s25] =	ssyncset.done $0x0  }
0x4a2: {  	[sflag:s25] =	ssyncadd.s32 $0xFFFFFF80  }
0x4a3: {  	_ =	swait.ge [sflag:s25], $0x80  }
0x4a4: {  	[sflag:s25] =	ssyncset.done $0x0  }
0x4a5: {  	[sflag:s25] =	ssyncadd.s32 $0xFFFFFF80  }
0x4a6: {  	_ =	swait.ge [sflag:s25], $0x80  }
0x4a7: {  	[sflag:s25] =	ssyncset.done $0x0  }
0x4a8: {  	s13 =	simm.s32 $0x0;
	s0 =	simm.s32 $0x9800;
	[sflag:s25] =	ssyncadd.s32 $0xFFFFFF80  }
0x4a9: {  	[spmem:s3] =	stream.indirect.scatter.add.f32 [tilespmem:s0], [sflag:$0x4], $0x1, s13, s10, $0x2000b8;
	[tilespmem:$0x1E900] =	vst v63  }
0x4aa: {  	s17 =	simm.s32 $0x9880  }
0x4ab: {  	[spmem:s3] =	stream.indirect.scatter.add.f32 [tilespmem:s17], [sflag:$0x4], $0x1, s10, s10, $0x2000b8;
	[tilespmem:$0x1E900] =	vst v63  }
0x4ac: {  	s5 =	simm.s32 $0x9900;
	s2 =	simm.s32 $0x100  }
0x4ad: {  	[spmem:s3] =	stream.indirect.scatter.add.f32 [tilespmem:s5], [sflag:$0x4], $0x1, s2, s10, $0x2000b8;
	[tilespmem:$0x1E900] =	vst v63  }
0x4ae: {  	s12 =	simm.s32 $0x9980;
	s28 =	simm.s32 $0x180  }
0x4af: {  	[spmem:s3] =	stream.indirect.scatter.add.f32 [tilespmem:s12], [sflag:$0x4], $0x1, s28, s10, $0x2000b8;
	[tilespmem:$0x1E900] =	vst v63  }
0x4b0: {  	s22 =	simm.s32 $0x9A00;
	s29 =	simm.s32 $0x200  }
0x4b1: {  	[spmem:s3] =	stream.indirect.scatter.add.f32 [tilespmem:s22], [sflag:$0x4], $0x1, s29, s10, $0x2000b8;
	[tilespmem:$0x1E900] =	vst v63  }
0x4b2: {  	s31 =	simm.s32 $0x280;
	s28 =	simm.s32 $0x9A80  }
0x4b3: {  	[spmem:s3] =	stream.indirect.scatter.add.f32 [tilespmem:s28], [sflag:$0x4], $0x1, s31, s10, $0x2000b8;
	[tilespmem:$0x1E900] =	vst v63  }
0x4b4: {  	s14 =	simm.s32 $0x9B00;
	s5 =	simm.s32 $0x300  }
0x4b5: {  	[spmem:s3] =	stream.indirect.scatter.add.f32 [tilespmem:s14], [sflag:$0x4], $0x1, s5, s10, $0x2000b8;
	[tilespmem:$0x1E900] =	vst v63  }
0x4b6: {  	s6 =	simm.s32 $0x380;
	s29 =	simm.s32 $0x9B80  }
0x4b7: {  	[spmem:s3] =	stream.indirect.scatter.add.f32 [tilespmem:s29], [sflag:$0x4], $0x1, s6, s10, $0x2000b8;
	[tilespmem:$0x1E900] =	vst v63  }
0x4b8: {  	s21 =	simm.s32 $0x9C00;
	s9 =	simm.s32 $0x400  }
0x4b9: {  	[spmem:s3] =	stream.indirect.scatter.add.f32 [tilespmem:s21], [sflag:$0x4], $0x1, s9, s10, $0x2000b8;
	[tilespmem:$0x1E900] =	vst v63  }
0x4ba: {  	s11 =	simm.s32 $0x480;
	s5 =	simm.s32 $0x9C80  }
0x4bb: {  	[spmem:s3] =	stream.indirect.scatter.add.f32 [tilespmem:s5], [sflag:$0x4], $0x1, s11, s10, $0x2000b8;
	[tilespmem:$0x1E900] =	vst v63  }
0x4bc: {  	s15 =	simm.s32 $0x500;
	s6 =	simm.s32 $0x9D00  }
0x4bd: {  	[spmem:s3] =	stream.indirect.scatter.add.f32 [tilespmem:s6], [sflag:$0x4], $0x1, s15, s10, $0x2000b8;
	[tilespmem:$0x1E900] =	vst v63  }
0x4be: {  	s16 =	simm.s32 $0x580;
	s11 =	simm.s32 $0x9D80  }
0x4bf: {  	[spmem:s3] =	stream.indirect.scatter.add.f32 [tilespmem:s11], [sflag:$0x4], $0x1, s16, s10, $0x2000b8;
	[tilespmem:$0x1E900] =	vst v63  }
0x4c0: {  	s24 =	simm.s32 $0x600;
	s9 =	simm.s32 $0x9E00  }
0x4c1: {  	[spmem:s3] =	stream.indirect.scatter.add.f32 [tilespmem:s9], [sflag:$0x4], $0x1, s24, s10, $0x2000b8;
	[tilespmem:$0x1E900] =	vst v63  }
0x4c2: {  	s26 =	simm.s32 $0x680;
	s16 =	simm.s32 $0x9E80  }
0x4c3: {  	[spmem:s3] =	stream.indirect.scatter.add.f32 [tilespmem:s16], [sflag:$0x4], $0x1, s26, s10, $0x2000b8;
	[tilespmem:$0x1E900] =	vst v63  }
0x4c4: {  	s31 =	simm.s32 $0x700;
	s26 =	simm.s32 $0x9F00  }
0x4c5: {  	[spmem:s3] =	stream.indirect.scatter.add.f32 [tilespmem:s26], [sflag:$0x4], $0x1, s31, s10, $0x2000b8;
	[tilespmem:$0x1E900] =	vst v63  }
0x4c6: {  	s15 =	simm.s32 $0x780;
	s31 =	simm.s32 $0x9F80  }
0x4c7: {  	[spmem:s3] =	stream.indirect.scatter.add.f32 [tilespmem:s31], [sflag:$0x4], $0x1, s15, s10, $0x2000b8;
	[tilespmem:$0x1E900] =	vst v63  }
0x4c8: {  	s2 =	simm.s32 $0xA000;
	s24 =	simm.s32 $0x800  }
0x4c9: {  	[spmem:s3] =	stream.indirect.scatter.add.f32 [tilespmem:s2], [sflag:$0x4], $0x1, s24, s10, $0x2000b8;
	[tilespmem:$0x1E900] =	vst v63  }
0x4ca: {  	s15 =	simm.s32 $0x880;
	s24 =	simm.s32 $0xA080  }
0x4cb: {  	[spmem:s3] =	stream.indirect.scatter.add.f32 [tilespmem:s24], [sflag:$0x4], $0x1, s15, s10, $0x2000b8;
	[tilespmem:$0x1E900] =	vst v63  }
0x4cc: {  	s24 =	simm.s32 $0xA100;
	s15 =	simm.s32 $0x900  }
0x4cd: {  	[spmem:s3] =	stream.indirect.scatter.add.f32 [tilespmem:s24], [sflag:$0x4], $0x1, s15, s10, $0x2000b8;
	[tilespmem:$0x1E900] =	vst v63  }
0x4ce: {  	s24 =	simm.s32 $0xA180;
	s15 =	simm.s32 $0x980  }
0x4cf: {  	[spmem:s3] =	stream.indirect.scatter.add.f32 [tilespmem:s24], [sflag:$0x4], $0x1, s15, s10, $0x2000b8;
	[tilespmem:$0x1E900] =	vst v63  }
0x4d0: {  	s24 =	simm.s32 $0xA200;
	s15 =	simm.s32 $0xA00  }
0x4d1: {  	[spmem:s3] =	stream.indirect.scatter.add.f32 [tilespmem:s24], [sflag:$0x4], $0x1, s15, s10, $0x2000b8;
	[tilespmem:$0x1E900] =	vst v63  }
0x4d2: {  	s24 =	simm.s32 $0xA280;
	s15 =	simm.s32 $0xA80  }
0x4d3: {  	[spmem:s3] =	stream.indirect.scatter.add.f32 [tilespmem:s24], [sflag:$0x4], $0x1, s15, s10, $0x2000b8;
	[tilespmem:$0x1E900] =	vst v63  }
0x4d4: {  	s24 =	simm.s32 $0xA300;
	s15 =	simm.s32 $0xB00  }
0x4d5: {  	[spmem:s3] =	stream.indirect.scatter.add.f32 [tilespmem:s24], [sflag:$0x4], $0x1, s15, s10, $0x2000b8;
	[tilespmem:$0x1E900] =	vst v63  }
0x4d6: {  	s24 =	simm.s32 $0xA380;
	s15 =	simm.s32 $0xB80  }
0x4d7: {  	[spmem:s3] =	stream.indirect.scatter.add.f32 [tilespmem:s24], [sflag:$0x4], $0x1, s15, s10, $0x2000b8;
	[tilespmem:$0x1E900] =	vst v63  }
0x4d8: {  	_ =	swait.ge [sflag:s30], $0x80  }
0x4d9: {  	[sflag:s30] =	ssyncset.done $0x0  }
0x4da: {  	[sflag:s30] =	ssyncadd.s32 $0xFFFFFF80  }
0x4db: {  	_ =	swait.ge [sflag:s30], $0x80  }
0x4dc: {  	[sflag:s30] =	ssyncset.done $0x0  }
0x4dd: {  	[sflag:s30] =	ssyncadd.s32 $0xFFFFFF80  }
0x4de: {  	_ =	swait.ge [sflag:s30], $0x80  }
0x4df: {  	[sflag:s30] =	ssyncset.done $0x0  }
0x4e0: {  	[sflag:s30] =	ssyncadd.s32 $0xFFFFFF80  }
0x4e1: {  	_ =	swait.ge [sflag:s30], $0x80  }
0x4e2: {  	[sflag:s30] =	ssyncset.done $0x0  }
0x4e3: {  	[sflag:s30] =	ssyncadd.s32 $0xFFFFFF80  }
0x4e4: {  	_ =	swait.ge [sflag:s30], $0x80  }
0x4e5: {  	[sflag:s30] =	ssyncset.done $0x0  }
0x4e6: {  	[sflag:s30] =	ssyncadd.s32 $0xFFFFFF80  }
0x4e7: {  	_ =	swait.ge [sflag:s30], $0x80  }
0x4e8: {  	[sflag:s30] =	ssyncset.done $0x0  }
0x4e9: {  	[sflag:s30] =	ssyncadd.s32 $0xFFFFFF80  }
0x4ea: {  	_ =	swait.ge [sflag:s30], $0x80  }
0x4eb: {  	[sflag:s30] =	ssyncset.done $0x0  }
0x4ec: {  	[sflag:s30] =	ssyncadd.s32 $0xFFFFFF80  }
0x4ed: {  	_ =	swait.ge [sflag:s30], $0x80  }
0x4ee: {  	[sflag:s30] =	ssyncset.done $0x0  }
0x4ef: {  	[sflag:s30] =	ssyncadd.s32 $0xFFFFFF80  }
0x4f0: {  	_ =	swait.ge [sflag:s30], $0x80  }
0x4f1: {  	[sflag:s30] =	ssyncset.done $0x0  }
0x4f2: {  	[sflag:s30] =	ssyncadd.s32 $0xFFFFFF80  }
0x4f3: {  	_ =	swait.ge [sflag:s30], $0x80  }
0x4f4: {  	[sflag:s30] =	ssyncset.done $0x0  }
0x4f5: {  	[sflag:s30] =	ssyncadd.s32 $0xFFFFFF80  }
0x4f6: {  	_ =	swait.ge [sflag:s30], $0x80  }
0x4f7: {  	[sflag:s30] =	ssyncset.done $0x0  }
0x4f8: {  	[sflag:s30] =	ssyncadd.s32 $0xFFFFFF80  }
0x4f9: {  	_ =	swait.ge [sflag:s30], $0x80  }
0x4fa: {  	[sflag:s30] =	ssyncset.done $0x0  }
0x4fb: {  	[sflag:s30] =	ssyncadd.s32 $0xFFFFFF80  }
0x4fc: {  	_ =	swait.ge [sflag:s30], $0x80  }
0x4fd: {  	[sflag:s30] =	ssyncset.done $0x0  }
0x4fe: {  	[sflag:s30] =	ssyncadd.s32 $0xFFFFFF80  }
0x4ff: {  	_ =	swait.ge [sflag:s30], $0x80  }
0x500: {  	[sflag:s30] =	ssyncset.done $0x0  }
0x501: {  	[sflag:s30] =	ssyncadd.s32 $0xFFFFFF80  }
0x502: {  	_ =	swait.ge [sflag:s30], $0x80  }
0x503: {  	[sflag:s30] =	ssyncset.done $0x0  }
0x504: {  	[sflag:s30] =	ssyncadd.s32 $0xFFFFFF80  }
0x505: {  	_ =	swait.ge [sflag:s30], $0x80  }
0x506: {  	[sflag:s30] =	ssyncset.done $0x0  }
0x507: {  	[sflag:s30] =	ssyncadd.s32 $0xFFFFFF80  }
0x508: {  	_ =	swait.ge [sflag:s30], $0x80  }
0x509: {  	[sflag:s30] =	ssyncset.done $0x0  }
0x50a: {  	[sflag:s30] =	ssyncadd.s32 $0xFFFFFF80  }
0x50b: {  	_ =	swait.ge [sflag:s30], $0x80  }
0x50c: {  	[sflag:s30] =	ssyncset.done $0x0  }
0x50d: {  	[sflag:s30] =	ssyncadd.s32 $0xFFFFFF80  }
0x50e: {  	_ =	swait.ge [sflag:s30], $0x80  }
0x50f: {  	[sflag:s30] =	ssyncset.done $0x0  }
0x510: {  	[sflag:s30] =	ssyncadd.s32 $0xFFFFFF80  }
0x511: {  	_ =	swait.ge [sflag:s30], $0x80  }
0x512: {  	[sflag:s30] =	ssyncset.done $0x0  }
0x513: {  	[sflag:s30] =	ssyncadd.s32 $0xFFFFFF80  }
0x514: {  	_ =	swait.ge [sflag:s30], $0x80  }
0x515: {  	[sflag:s30] =	ssyncset.done $0x0  }
0x516: {  	[sflag:s30] =	ssyncadd.s32 $0xFFFFFF80  }
0x517: {  	_ =	swait.ge [sflag:s30], $0x80  }
0x518: {  	[sflag:s30] =	ssyncset.done $0x0  }
0x519: {  	[sflag:s30] =	ssyncadd.s32 $0xFFFFFF80  }
0x51a: {  	_ =	swait.ge [sflag:s30], $0x80  }
0x51b: {  	[sflag:s30] =	ssyncset.done $0x0  }
0x51c: {  	[sflag:s30] =	ssyncadd.s32 $0xFFFFFF80  }
0x51d: {  	_ =	swait.ge [sflag:s30], $0x80  }
0x51e: {  	[sflag:s30] =	ssyncset.done $0x0  }
0x51f: {  	[sflag:s30] =	ssyncadd.s32 $0xFFFFFF80  }
0x520: {  	_ =	strace $0x90000053  }
0x521: {  	s24 =	rddreg [dreg:$0xd]  }
0x522: {  	[tilespmem:s13], [sflag:$0x5] =	stream.linear.gather [hbm4b:s24+s13], $0xC00, $0x38;
	[tilespmem:$0x1E900] =	vst v63  }
0x523: {  	_ =	swait.ge [sflag:s8], $0xC00  }
0x524: {  	[sflag:s8] =	ssyncset.done $0x0  }
0x525: {  	s24 =	simm.s32 $0xC00;
	s15 =	rddreg [dreg:$0xe];
	[sflag:s8] =	ssyncadd.s32 $0xFFFFF400  }
0x526: {  	[tilespmem:s24], [sflag:$0x5] =	stream.linear.gather [hbm4b:s15+s13], $0xC00, $0x38;
	[tilespmem:$0x1E900] =	vst v63  }
0x527: {  	_ =	swait.ge [sflag:s8], $0xC00  }
0x528: {  	[sflag:s8] =	ssyncset.done $0x0  }
0x529: {  	[sflag:s8] =	ssyncadd.s32 $0xFFFFF400  }
0x52a: {  	[tilespmem:s0], [sflag:$0x3] =	stream.indirect.gather [spmem:s4], $0x1, s24, s10, $0xb8;
	[tilespmem:$0x1E900] =	vst v63  }
0x52b: {  	s15 =	simm.s32 $0xC80  }
0x52c: {  	[tilespmem:s17], [sflag:$0x3] =	stream.indirect.gather [spmem:s4], $0x1, s15, s10, $0xb8;
	[tilespmem:$0x1E900] =	vst v63  }
0x52d: {  	s24 =	simm.s32 $0x9900;
	s17 =	simm.s32 $0xD00  }
0x52e: {  	[tilespmem:s24], [sflag:$0x3] =	stream.indirect.gather [spmem:s4], $0x1, s17, s10, $0xb8;
	[tilespmem:$0x1E900] =	vst v63  }
0x52f: {  	s15 =	simm.s32 $0xD80  }
0x530: {  	[tilespmem:s12], [sflag:$0x3] =	stream.indirect.gather [spmem:s4], $0x1, s15, s10, $0xb8;
	[tilespmem:$0x1E900] =	vst v63  }
0x531: {  	s17 =	simm.s32 $0xE00  }
0x532: {  	[tilespmem:s22], [sflag:$0x3] =	stream.indirect.gather [spmem:s4], $0x1, s17, s10, $0xb8;
	[tilespmem:$0x1E900] =	vst v63  }
0x533: {  	s24 =	simm.s32 $0xE80  }
0x534: {  	[tilespmem:s28], [sflag:$0x3] =	stream.indirect.gather [spmem:s4], $0x1, s24, s10, $0xb8;
	[tilespmem:$0x1E900] =	vst v63  }
0x535: {  	s28 =	simm.s32 $0xF00  }
0x536: {  	[tilespmem:s14], [sflag:$0x3] =	stream.indirect.gather [spmem:s4], $0x1, s28, s10, $0xb8;
	[tilespmem:$0x1E900] =	vst v63  }
0x537: {  	s12 =	simm.s32 $0xF80  }
0x538: {  	[tilespmem:s29], [sflag:$0x3] =	stream.indirect.gather [spmem:s4], $0x1, s12, s10, $0xb8;
	[tilespmem:$0x1E900] =	vst v63  }
0x539: {  	s14 =	simm.s32 $0x1000  }
0x53a: {  	[tilespmem:s21], [sflag:$0x3] =	stream.indirect.gather [spmem:s4], $0x1, s14, s10, $0xb8;
	[tilespmem:$0x1E900] =	vst v63  }
0x53b: {  	s15 =	simm.s32 $0x1080  }
0x53c: {  	[tilespmem:s5], [sflag:$0x3] =	stream.indirect.gather [spmem:s4], $0x1, s15, s10, $0xb8;
	[tilespmem:$0x1E900] =	vst v63  }
0x53d: {  	s17 =	simm.s32 $0x1100  }
0x53e: {  	[tilespmem:s6], [sflag:$0x3] =	stream.indirect.gather [spmem:s4], $0x1, s17, s10, $0xb8;
	[tilespmem:$0x1E900] =	vst v63  }
0x53f: {  	s21 =	simm.s32 $0x1180  }
0x540: {  	[tilespmem:s11], [sflag:$0x3] =	stream.indirect.gather [spmem:s4], $0x1, s21, s10, $0xb8;
	[tilespmem:$0x1E900] =	vst v63  }
0x541: {  	s22 =	simm.s32 $0x1200  }
0x542: {  	[tilespmem:s9], [sflag:$0x3] =	stream.indirect.gather [spmem:s4], $0x1, s22, s10, $0xb8;
	[tilespmem:$0x1E900] =	vst v63  }
0x543: {  	s24 =	simm.s32 $0x1280  }
0x544: {  	[tilespmem:s16], [sflag:$0x3] =	stream.indirect.gather [spmem:s4], $0x1, s24, s10, $0xb8;
	[tilespmem:$0x1E900] =	vst v63  }
0x545: {  	s28 =	simm.s32 $0x1300  }
0x546: {  	[tilespmem:s26], [sflag:$0x3] =	stream.indirect.gather [spmem:s4], $0x1, s28, s10, $0xb8;
	[tilespmem:$0x1E900] =	vst v63  }
0x547: {  	s29 =	simm.s32 $0x1380  }
0x548: {  	[tilespmem:s31], [sflag:$0x3] =	stream.indirect.gather [spmem:s4], $0x1, s29, s10, $0xb8;
	[tilespmem:$0x1E900] =	vst v63  }
0x549: {  	s31 =	simm.s32 $0x1400  }
0x54a: {  	[tilespmem:s2], [sflag:$0x3] =	stream.indirect.gather [spmem:s4], $0x1, s31, s10, $0xb8;
	[tilespmem:$0x1E900] =	vst v63  }
0x54b: {  	s5 =	simm.s32 $0xA080;
	s2 =	simm.s32 $0x1480  }
0x54c: {  	[tilespmem:s5], [sflag:$0x3] =	stream.indirect.gather [spmem:s4], $0x1, s2, s10, $0xb8;
	[tilespmem:$0x1E900] =	vst v63  }
0x54d: {  	s6 =	simm.s32 $0x1500;
	s9 =	simm.s32 $0xA100  }
0x54e: {  	[tilespmem:s9], [sflag:$0x3] =	stream.indirect.gather [spmem:s4], $0x1, s6, s10, $0xb8;
	[tilespmem:$0x1E900] =	vst v63  }
0x54f: {  	s12 =	simm.s32 $0xA180;
	s11 =	simm.s32 $0x1580  }
0x550: {  	[tilespmem:s12], [sflag:$0x3] =	stream.indirect.gather [spmem:s4], $0x1, s11, s10, $0xb8;
	[tilespmem:$0x1E900] =	vst v63  }
0x551: {  	s14 =	simm.s32 $0x1600;
	s15 =	simm.s32 $0xA200  }
0x552: {  	[tilespmem:s15], [sflag:$0x3] =	stream.indirect.gather [spmem:s4], $0x1, s14, s10, $0xb8;
	[tilespmem:$0x1E900] =	vst v63  }
0x553: {  	s17 =	simm.s32 $0xA280;
	s16 =	simm.s32 $0x1680  }
0x554: {  	[tilespmem:s17], [sflag:$0x3] =	stream.indirect.gather [spmem:s4], $0x1, s16, s10, $0xb8;
	[tilespmem:$0x1E900] =	vst v63  }
0x555: {  	s21 =	simm.s32 $0x1700;
	s22 =	simm.s32 $0xA300  }
0x556: {  	[tilespmem:s22], [sflag:$0x3] =	stream.indirect.gather [spmem:s4], $0x1, s21, s10, $0xb8;
	[tilespmem:$0x1E900] =	vst v63  }
0x557: {  	s24 =	simm.s32 $0x1780;
	s26 =	simm.s32 $0xA380  }
0x558: {  	[tilespmem:s26], [sflag:$0x3] =	stream.indirect.gather [spmem:s4], $0x1, s24, s10, $0xb8;
	[tilespmem:$0x1E900] =	vst v63  }
0x559: {  	_ =	strace $0x80000054  }
0x55a: {  	[tilespmem:s7], [sflag:$0x1] =	stream.indirect.gather [hbm4b:s20+s10], $0x80, s13, s10, $0x2000b8;
	[tilespmem:$0x1E900] =	vst v63  }
0x55b: {  	_ = 	snop  }
0x55c: {  	[tilespmem:s23], [sflag:$0x2] =	stream.indirect.gather [hbm4b:s20+s10], $0x80, s10, s10, $0x2000b8;
	[tilespmem:$0x1E900] =	vst v63  }
0x55d: {  	_ =	swait.ge [sflag:s18], $0x4000  }
0x55e: {  	[sflag:s18] =	ssyncset.done $0x0  }
0x55f: {  	s28 =	simm.s32 $0xC00;
	[sflag:s18] =	ssyncadd.s32 $0xFFFFC000  }
0x560: {  	[spmem:s1] =	stream.indirect.scatter.add.f32 [tilespmem:s7], [sflag:$0x5], $0x80, s28, s10, $0x2000b8;
	[tilespmem:$0x1E900] =	vst v63  }
0x561: {  	_ =	swait.ge [sflag:s8], $0x4000  }
0x562: {  	[sflag:s8] =	ssyncset.done $0x0  }
0x563: {  	s29 =	simm.s32 $0x100;
	[sflag:s8] =	ssyncadd.s32 $0xFFFFC000  }
0x564: {  	[tilespmem:s7], [sflag:$0x1] =	stream.indirect.gather [hbm4b:s20+s10], $0x80, s29, s10, $0x2000b8;
	[tilespmem:$0x1E900] =	vst v63  }
0x565: {  	_ =	swait.ge [sflag:s19], $0x4000  }
0x566: {  	[sflag:s19] =	ssyncset.done $0x0  }
0x567: {  	s31 =	simm.s32 $0xC80;
	[sflag:s19] =	ssyncadd.s32 $0xFFFFC000  }
0x568: {  	[spmem:s1] =	stream.indirect.scatter.add.f32 [tilespmem:s23], [sflag:$0x5], $0x80, s31, s10, $0x2000b8;
	[tilespmem:$0x1E900] =	vst v63  }
0x569: {  	_ =	swait.ge [sflag:s8], $0x4000  }
0x56a: {  	[sflag:s8] =	ssyncset.done $0x0  }
0x56b: {  	s15 =	simm.s32 $0x180;
	s13 =	simm.s32 $0x400;
	[sflag:s8] =	ssyncadd.s32 $0xFFFFC000  }
.LBB2_11:
0x56c: {  	[tilespmem:s23], [sflag:$0x2] =	stream.indirect.gather [hbm4b:s20+s10], $0x80, s15, s10, $0x2000b8;
	[tilespmem:$0x1E900] =	vst v63  }
0x56d: {  	s15 =	smov.u32 s13  }
0x56e: {  	p1 =	sne.s32 s13, $0x2800;
	s13 =	sadd.s32 $0x400, s13;
	_ =	swait.ge [sflag:s18], $0x4000  }
0x56f: {  	s15 =	sshra.s32 s15, $0x2;
	[sflag:s18] =	ssyncset.done $0x0  }
0x570: {  	s17 =	sadd.s32 $0xC00, s15;
	[sflag:s18] =	ssyncadd.s32 $0xFFFFC000  }
0x571: {  	[spmem:s1] =	stream.indirect.scatter.add.f32 [tilespmem:s7], [sflag:$0x5], $0x80, s17, s10, $0x2000b8;
	[tilespmem:$0x1E900] =	vst v63  }
0x572: {  	_ =	swait.ge [sflag:s8], $0x4000  }
0x573: {  	[sflag:s8] =	ssyncset.done $0x0  }
0x574: {  	s17 =	sadd.s32 $0x100, s15;
	[sflag:s8] =	ssyncadd.s32 $0xFFFFC000  }
0x575: {  	[tilespmem:s7], [sflag:$0x1] =	stream.indirect.gather [hbm4b:s20+s10], $0x80, s17, s10, $0x2000b8;
	[tilespmem:$0x1E900] =	vst v63  }
0x576: {  	_ =	swait.ge [sflag:s19], $0x4000  }
0x577: {  	[sflag:s19] =	ssyncset.done $0x0  }
.Ltmp7:
0x578: {  	s17 =	sadd.s32 $0xC80, s15;
	[sflag:s19] =	ssyncadd.s32 $0xFFFFC000;
	(pc) =	sbr.rel @p1 .LBB2_11-.Ltmp7, $4  }
0x579: {  	[spmem:s1] =	stream.indirect.scatter.add.f32 [tilespmem:s23], [sflag:$0x5], $0x80, s17, s10, $0x2000b8;
	[tilespmem:$0x1E900] =	vst v63  }
0x57a: {  	_ =	swait.ge [sflag:s8], $0x4000  }
0x57b: {  	[sflag:s8] =	ssyncset.done $0x0  }
0x57c: {  	s15 =	sadd.s32 $0x180, s15;
	[sflag:s8] =	ssyncadd.s32 $0xFFFFC000  }
0x57d: {  	[tilespmem:s23], [sflag:$0x2] =	stream.indirect.gather [hbm4b:s20+s10], $0x80, s15, s10, $0x2000b8;
	[tilespmem:$0x1E900] =	vst v63  }
0x57e: {  	_ =	swait.ge [sflag:s18], $0x4000  }
0x57f: {  	[sflag:s18] =	ssyncset.done $0x0  }
0x580: {  	s0 =	simm.s32 $0x1700;
	[sflag:s18] =	ssyncadd.s32 $0xFFFFC000  }
0x581: {  	[spmem:s1] =	stream.indirect.scatter.add.f32 [tilespmem:s7], [sflag:$0x5], $0x80, s0, s10, $0x2000b8;
	[tilespmem:$0x1E900] =	vst v63  }
0x582: {  	_ =	swait.ge [sflag:s8], $0x4000  }
0x583: {  	[sflag:s8] =	ssyncset.done $0x0  }
0x584: {  	[sflag:s8] =	ssyncadd.s32 $0xFFFFC000  }
0x585: {  	_ =	swait.ge [sflag:s19], $0x4000  }
0x586: {  	[sflag:s19] =	ssyncset.done $0x0  }
0x587: {  	s24 =	simm.s32 $0x1780;
	[sflag:s19] =	ssyncadd.s32 $0xFFFFC000  }
0x588: {  	[spmem:s1] =	stream.indirect.scatter.add.f32 [tilespmem:s23], [sflag:$0x5], $0x80, s24, s10, $0x2000b8;
	[tilespmem:$0x1E900] =	vst v63  }
0x589: {  	_ =	swait.ge [sflag:s8], $0x4000  }
0x58a: {  	[sflag:s8] =	ssyncset.done $0x0  }
0x58b: {  	[sflag:s8] =	ssyncadd.s32 $0xFFFFC000  }
0x58c: {  	_ =	strace $0x90000054  }
0x58d: {  	_ =	strace $0x80000055  }
0x58e: {  	_ =	swait.ge [sflag:s25], $0x80  }
0x58f: {  	[sflag:s25] =	ssyncset.done $0x0  }
0x590: {  	[sflag:s25] =	ssyncadd.s32 $0xFFFFFF80  }
0x591: {  	_ =	swait.ge [sflag:s25], $0x80  }
0x592: {  	[sflag:s25] =	ssyncset.done $0x0  }
0x593: {  	[sflag:s25] =	ssyncadd.s32 $0xFFFFFF80  }
0x594: {  	_ =	swait.ge [sflag:s25], $0x80  }
0x595: {  	[sflag:s25] =	ssyncset.done $0x0  }
0x596: {  	[sflag:s25] =	ssyncadd.s32 $0xFFFFFF80  }
0x597: {  	_ =	swait.ge [sflag:s25], $0x80  }
0x598: {  	[sflag:s25] =	ssyncset.done $0x0  }
0x599: {  	[sflag:s25] =	ssyncadd.s32 $0xFFFFFF80  }
0x59a: {  	_ =	swait.ge [sflag:s25], $0x80  }
0x59b: {  	[sflag:s25] =	ssyncset.done $0x0  }
0x59c: {  	[sflag:s25] =	ssyncadd.s32 $0xFFFFFF80  }
0x59d: {  	_ =	swait.ge [sflag:s25], $0x80  }
0x59e: {  	[sflag:s25] =	ssyncset.done $0x0  }
0x59f: {  	[sflag:s25] =	ssyncadd.s32 $0xFFFFFF80  }
0x5a0: {  	_ =	swait.ge [sflag:s25], $0x80  }
0x5a1: {  	[sflag:s25] =	ssyncset.done $0x0  }
0x5a2: {  	[sflag:s25] =	ssyncadd.s32 $0xFFFFFF80  }
0x5a3: {  	_ =	swait.ge [sflag:s25], $0x80  }
0x5a4: {  	[sflag:s25] =	ssyncset.done $0x0  }
0x5a5: {  	[sflag:s25] =	ssyncadd.s32 $0xFFFFFF80  }
0x5a6: {  	_ =	swait.ge [sflag:s25], $0x80  }
0x5a7: {  	[sflag:s25] =	ssyncset.done $0x0  }
0x5a8: {  	[sflag:s25] =	ssyncadd.s32 $0xFFFFFF80  }
0x5a9: {  	_ =	swait.ge [sflag:s25], $0x80  }
0x5aa: {  	[sflag:s25] =	ssyncset.done $0x0  }
0x5ab: {  	[sflag:s25] =	ssyncadd.s32 $0xFFFFFF80  }
0x5ac: {  	_ =	swait.ge [sflag:s25], $0x80  }
0x5ad: {  	[sflag:s25] =	ssyncset.done $0x0  }
0x5ae: {  	[sflag:s25] =	ssyncadd.s32 $0xFFFFFF80  }
0x5af: {  	_ =	swait.ge [sflag:s25], $0x80  }
0x5b0: {  	[sflag:s25] =	ssyncset.done $0x0  }
0x5b1: {  	[sflag:s25] =	ssyncadd.s32 $0xFFFFFF80  }
0x5b2: {  	_ =	swait.ge [sflag:s25], $0x80  }
0x5b3: {  	[sflag:s25] =	ssyncset.done $0x0  }
0x5b4: {  	[sflag:s25] =	ssyncadd.s32 $0xFFFFFF80  }
0x5b5: {  	_ =	swait.ge [sflag:s25], $0x80  }
0x5b6: {  	[sflag:s25] =	ssyncset.done $0x0  }
0x5b7: {  	[sflag:s25] =	ssyncadd.s32 $0xFFFFFF80  }
0x5b8: {  	_ =	swait.ge [sflag:s25], $0x80  }
0x5b9: {  	[sflag:s25] =	ssyncset.done $0x0  }
0x5ba: {  	[sflag:s25] =	ssyncadd.s32 $0xFFFFFF80  }
0x5bb: {  	_ =	swait.ge [sflag:s25], $0x80  }
0x5bc: {  	[sflag:s25] =	ssyncset.done $0x0  }
0x5bd: {  	[sflag:s25] =	ssyncadd.s32 $0xFFFFFF80  }
0x5be: {  	_ =	swait.ge [sflag:s25], $0x80  }
0x5bf: {  	[sflag:s25] =	ssyncset.done $0x0  }
0x5c0: {  	[sflag:s25] =	ssyncadd.s32 $0xFFFFFF80  }
0x5c1: {  	_ =	swait.ge [sflag:s25], $0x80  }
0x5c2: {  	[sflag:s25] =	ssyncset.done $0x0  }
0x5c3: {  	[sflag:s25] =	ssyncadd.s32 $0xFFFFFF80  }
0x5c4: {  	_ =	swait.ge [sflag:s25], $0x80  }
0x5c5: {  	[sflag:s25] =	ssyncset.done $0x0  }
0x5c6: {  	[sflag:s25] =	ssyncadd.s32 $0xFFFFFF80  }
0x5c7: {  	_ =	swait.ge [sflag:s25], $0x80  }
0x5c8: {  	[sflag:s25] =	ssyncset.done $0x0  }
0x5c9: {  	[sflag:s25] =	ssyncadd.s32 $0xFFFFFF80  }
0x5ca: {  	_ =	swait.ge [sflag:s25], $0x80  }
0x5cb: {  	[sflag:s25] =	ssyncset.done $0x0  }
0x5cc: {  	[sflag:s25] =	ssyncadd.s32 $0xFFFFFF80  }
0x5cd: {  	_ =	swait.ge [sflag:s25], $0x80  }
0x5ce: {  	[sflag:s25] =	ssyncset.done $0x0  }
0x5cf: {  	[sflag:s25] =	ssyncadd.s32 $0xFFFFFF80  }
0x5d0: {  	_ =	swait.ge [sflag:s25], $0x80  }
0x5d1: {  	[sflag:s25] =	ssyncset.done $0x0  }
0x5d2: {  	[sflag:s25] =	ssyncadd.s32 $0xFFFFFF80  }
0x5d3: {  	_ =	swait.ge [sflag:s25], $0x80  }
0x5d4: {  	[sflag:s25] =	ssyncset.done $0x0  }
0x5d5: {  	s13 =	simm.s32 $0x0;
	s0 =	simm.s32 $0x9800;
	[sflag:s25] =	ssyncadd.s32 $0xFFFFFF80  }
0x5d6: {  	[spmem:s3] =	stream.indirect.scatter.add.f32 [tilespmem:s0], [sflag:$0x4], $0x1, s13, s10, $0x2000b8;
	[tilespmem:$0x1E900] =	vst v63  }
0x5d7: {  	s17 =	simm.s32 $0x9880  }
0x5d8: {  	[spmem:s3] =	stream.indirect.scatter.add.f32 [tilespmem:s17], [sflag:$0x4], $0x1, s10, s10, $0x2000b8;
	[tilespmem:$0x1E900] =	vst v63  }
0x5d9: {  	s5 =	simm.s32 $0x9900;
	s2 =	simm.s32 $0x100  }
0x5da: {  	[spmem:s3] =	stream.indirect.scatter.add.f32 [tilespmem:s5], [sflag:$0x4], $0x1, s2, s10, $0x2000b8;
	[tilespmem:$0x1E900] =	vst v63  }
0x5db: {  	s12 =	simm.s32 $0x9980;
	s26 =	simm.s32 $0x180  }
0x5dc: {  	[spmem:s3] =	stream.indirect.scatter.add.f32 [tilespmem:s12], [sflag:$0x4], $0x1, s26, s10, $0x2000b8;
	[tilespmem:$0x1E900] =	vst v63  }
0x5dd: {  	s22 =	simm.s32 $0x9A00;
	s28 =	simm.s32 $0x200  }
0x5de: {  	[spmem:s3] =	stream.indirect.scatter.add.f32 [tilespmem:s22], [sflag:$0x4], $0x1, s28, s10, $0x2000b8;
	[tilespmem:$0x1E900] =	vst v63  }
0x5df: {  	s29 =	simm.s32 $0x280;
	s28 =	simm.s32 $0x9A80  }
0x5e0: {  	[spmem:s3] =	stream.indirect.scatter.add.f32 [tilespmem:s28], [sflag:$0x4], $0x1, s29, s10, $0x2000b8;
	[tilespmem:$0x1E900] =	vst v63  }
0x5e1: {  	s14 =	simm.s32 $0x9B00;
	s31 =	simm.s32 $0x300  }
0x5e2: {  	[spmem:s3] =	stream.indirect.scatter.add.f32 [tilespmem:s14], [sflag:$0x4], $0x1, s31, s10, $0x2000b8;
	[tilespmem:$0x1E900] =	vst v63  }
0x5e3: {  	s6 =	simm.s32 $0x380;
	s29 =	simm.s32 $0x9B80  }
0x5e4: {  	[spmem:s3] =	stream.indirect.scatter.add.f32 [tilespmem:s29], [sflag:$0x4], $0x1, s6, s10, $0x2000b8;
	[tilespmem:$0x1E900] =	vst v63  }
0x5e5: {  	s21 =	simm.s32 $0x9C00;
	s9 =	simm.s32 $0x400  }
0x5e6: {  	[spmem:s3] =	stream.indirect.scatter.add.f32 [tilespmem:s21], [sflag:$0x4], $0x1, s9, s10, $0x2000b8;
	[tilespmem:$0x1E900] =	vst v63  }
0x5e7: {  	s11 =	simm.s32 $0x480;
	s6 =	simm.s32 $0x9C80  }
0x5e8: {  	[spmem:s3] =	stream.indirect.scatter.add.f32 [tilespmem:s6], [sflag:$0x4], $0x1, s11, s10, $0x2000b8;
	[tilespmem:$0x1E900] =	vst v63  }
0x5e9: {  	s15 =	simm.s32 $0x500;
	s6 =	simm.s32 $0x9D00  }
0x5ea: {  	[spmem:s3] =	stream.indirect.scatter.add.f32 [tilespmem:s6], [sflag:$0x4], $0x1, s15, s10, $0x2000b8;
	[tilespmem:$0x1E900] =	vst v63  }
0x5eb: {  	s16 =	simm.s32 $0x580;
	s11 =	simm.s32 $0x9D80  }
0x5ec: {  	[spmem:s3] =	stream.indirect.scatter.add.f32 [tilespmem:s11], [sflag:$0x4], $0x1, s16, s10, $0x2000b8;
	[tilespmem:$0x1E900] =	vst v63  }
0x5ed: {  	s24 =	simm.s32 $0x600;
	s9 =	simm.s32 $0x9E00  }
0x5ee: {  	[spmem:s3] =	stream.indirect.scatter.add.f32 [tilespmem:s9], [sflag:$0x4], $0x1, s24, s10, $0x2000b8;
	[tilespmem:$0x1E900] =	vst v63  }
0x5ef: {  	s26 =	simm.s32 $0x680;
	s16 =	simm.s32 $0x9E80  }
0x5f0: {  	[spmem:s3] =	stream.indirect.scatter.add.f32 [tilespmem:s16], [sflag:$0x4], $0x1, s26, s10, $0x2000b8;
	[tilespmem:$0x1E900] =	vst v63  }
0x5f1: {  	s31 =	simm.s32 $0x700;
	s26 =	simm.s32 $0x9F00  }
0x5f2: {  	[spmem:s3] =	stream.indirect.scatter.add.f32 [tilespmem:s26], [sflag:$0x4], $0x1, s31, s10, $0x2000b8;
	[tilespmem:$0x1E900] =	vst v63  }
0x5f3: {  	s15 =	simm.s32 $0x780;
	s31 =	simm.s32 $0x9F80  }
0x5f4: {  	[spmem:s3] =	stream.indirect.scatter.add.f32 [tilespmem:s31], [sflag:$0x4], $0x1, s15, s10, $0x2000b8;
	[tilespmem:$0x1E900] =	vst v63  }
0x5f5: {  	s2 =	simm.s32 $0xA000;
	s24 =	simm.s32 $0x800  }
0x5f6: {  	[spmem:s3] =	stream.indirect.scatter.add.f32 [tilespmem:s2], [sflag:$0x4], $0x1, s24, s10, $0x2000b8;
	[tilespmem:$0x1E900] =	vst v63  }
0x5f7: {  	s15 =	simm.s32 $0x880;
	s24 =	simm.s32 $0xA080  }
0x5f8: {  	[spmem:s3] =	stream.indirect.scatter.add.f32 [tilespmem:s24], [sflag:$0x4], $0x1, s15, s10, $0x2000b8;
	[tilespmem:$0x1E900] =	vst v63  }
0x5f9: {  	s24 =	simm.s32 $0xA100;
	s15 =	simm.s32 $0x900  }
0x5fa: {  	[spmem:s3] =	stream.indirect.scatter.add.f32 [tilespmem:s24], [sflag:$0x4], $0x1, s15, s10, $0x2000b8;
	[tilespmem:$0x1E900] =	vst v63  }
0x5fb: {  	s24 =	simm.s32 $0xA180;
	s15 =	simm.s32 $0x980  }
0x5fc: {  	[spmem:s3] =	stream.indirect.scatter.add.f32 [tilespmem:s24], [sflag:$0x4], $0x1, s15, s10, $0x2000b8;
	[tilespmem:$0x1E900] =	vst v63  }
0x5fd: {  	s24 =	simm.s32 $0xA200;
	s15 =	simm.s32 $0xA00  }
0x5fe: {  	[spmem:s3] =	stream.indirect.scatter.add.f32 [tilespmem:s24], [sflag:$0x4], $0x1, s15, s10, $0x2000b8;
	[tilespmem:$0x1E900] =	vst v63  }
0x5ff: {  	s24 =	simm.s32 $0xA280;
	s15 =	simm.s32 $0xA80  }
0x600: {  	[spmem:s3] =	stream.indirect.scatter.add.f32 [tilespmem:s24], [sflag:$0x4], $0x1, s15, s10, $0x2000b8;
	[tilespmem:$0x1E900] =	vst v63  }
0x601: {  	s24 =	simm.s32 $0xA300;
	s15 =	simm.s32 $0xB00  }
0x602: {  	[spmem:s3] =	stream.indirect.scatter.add.f32 [tilespmem:s24], [sflag:$0x4], $0x1, s15, s10, $0x2000b8;
	[tilespmem:$0x1E900] =	vst v63  }
0x603: {  	s24 =	simm.s32 $0xA380;
	s15 =	simm.s32 $0xB80  }
0x604: {  	[spmem:s3] =	stream.indirect.scatter.add.f32 [tilespmem:s24], [sflag:$0x4], $0x1, s15, s10, $0x2000b8;
	[tilespmem:$0x1E900] =	vst v63  }
0x605: {  	_ =	swait.ge [sflag:s30], $0x80  }
0x606: {  	[sflag:s30] =	ssyncset.done $0x0  }
0x607: {  	[sflag:s30] =	ssyncadd.s32 $0xFFFFFF80  }
0x608: {  	_ =	swait.ge [sflag:s30], $0x80  }
0x609: {  	[sflag:s30] =	ssyncset.done $0x0  }
0x60a: {  	[sflag:s30] =	ssyncadd.s32 $0xFFFFFF80  }
0x60b: {  	_ =	swait.ge [sflag:s30], $0x80  }
0x60c: {  	[sflag:s30] =	ssyncset.done $0x0  }
0x60d: {  	[sflag:s30] =	ssyncadd.s32 $0xFFFFFF80  }
0x60e: {  	_ =	swait.ge [sflag:s30], $0x80  }
0x60f: {  	[sflag:s30] =	ssyncset.done $0x0  }
0x610: {  	[sflag:s30] =	ssyncadd.s32 $0xFFFFFF80  }
0x611: {  	_ =	swait.ge [sflag:s30], $0x80  }
0x612: {  	[sflag:s30] =	ssyncset.done $0x0  }
0x613: {  	[sflag:s30] =	ssyncadd.s32 $0xFFFFFF80  }
0x614: {  	_ =	swait.ge [sflag:s30], $0x80  }
0x615: {  	[sflag:s30] =	ssyncset.done $0x0  }
0x616: {  	[sflag:s30] =	ssyncadd.s32 $0xFFFFFF80  }
0x617: {  	_ =	swait.ge [sflag:s30], $0x80  }
0x618: {  	[sflag:s30] =	ssyncset.done $0x0  }
0x619: {  	[sflag:s30] =	ssyncadd.s32 $0xFFFFFF80  }
0x61a: {  	_ =	swait.ge [sflag:s30], $0x80  }
0x61b: {  	[sflag:s30] =	ssyncset.done $0x0  }
0x61c: {  	[sflag:s30] =	ssyncadd.s32 $0xFFFFFF80  }
0x61d: {  	_ =	swait.ge [sflag:s30], $0x80  }
0x61e: {  	[sflag:s30] =	ssyncset.done $0x0  }
0x61f: {  	[sflag:s30] =	ssyncadd.s32 $0xFFFFFF80  }
0x620: {  	_ =	swait.ge [sflag:s30], $0x80  }
0x621: {  	[sflag:s30] =	ssyncset.done $0x0  }
0x622: {  	[sflag:s30] =	ssyncadd.s32 $0xFFFFFF80  }
0x623: {  	_ =	swait.ge [sflag:s30], $0x80  }
0x624: {  	[sflag:s30] =	ssyncset.done $0x0  }
0x625: {  	[sflag:s30] =	ssyncadd.s32 $0xFFFFFF80  }
0x626: {  	_ =	swait.ge [sflag:s30], $0x80  }
0x627: {  	[sflag:s30] =	ssyncset.done $0x0  }
0x628: {  	[sflag:s30] =	ssyncadd.s32 $0xFFFFFF80  }
0x629: {  	_ =	swait.ge [sflag:s30], $0x80  }
0x62a: {  	[sflag:s30] =	ssyncset.done $0x0  }
0x62b: {  	[sflag:s30] =	ssyncadd.s32 $0xFFFFFF80  }
0x62c: {  	_ =	swait.ge [sflag:s30], $0x80  }
0x62d: {  	[sflag:s30] =	ssyncset.done $0x0  }
0x62e: {  	[sflag:s30] =	ssyncadd.s32 $0xFFFFFF80  }
0x62f: {  	_ =	swait.ge [sflag:s30], $0x80  }
0x630: {  	[sflag:s30] =	ssyncset.done $0x0  }
0x631: {  	[sflag:s30] =	ssyncadd.s32 $0xFFFFFF80  }
0x632: {  	_ =	swait.ge [sflag:s30], $0x80  }
0x633: {  	[sflag:s30] =	ssyncset.done $0x0  }
0x634: {  	[sflag:s30] =	ssyncadd.s32 $0xFFFFFF80  }
0x635: {  	_ =	swait.ge [sflag:s30], $0x80  }
0x636: {  	[sflag:s30] =	ssyncset.done $0x0  }
0x637: {  	[sflag:s30] =	ssyncadd.s32 $0xFFFFFF80  }
0x638: {  	_ =	swait.ge [sflag:s30], $0x80  }
0x639: {  	[sflag:s30] =	ssyncset.done $0x0  }
0x63a: {  	[sflag:s30] =	ssyncadd.s32 $0xFFFFFF80  }
0x63b: {  	_ =	swait.ge [sflag:s30], $0x80  }
0x63c: {  	[sflag:s30] =	ssyncset.done $0x0  }
0x63d: {  	[sflag:s30] =	ssyncadd.s32 $0xFFFFFF80  }
0x63e: {  	_ =	swait.ge [sflag:s30], $0x80  }
0x63f: {  	[sflag:s30] =	ssyncset.done $0x0  }
0x640: {  	[sflag:s30] =	ssyncadd.s32 $0xFFFFFF80  }
0x641: {  	_ =	swait.ge [sflag:s30], $0x80  }
0x642: {  	[sflag:s30] =	ssyncset.done $0x0  }
0x643: {  	[sflag:s30] =	ssyncadd.s32 $0xFFFFFF80  }
0x644: {  	_ =	swait.ge [sflag:s30], $0x80  }
0x645: {  	[sflag:s30] =	ssyncset.done $0x0  }
0x646: {  	[sflag:s30] =	ssyncadd.s32 $0xFFFFFF80  }
0x647: {  	_ =	swait.ge [sflag:s30], $0x80  }
0x648: {  	[sflag:s30] =	ssyncset.done $0x0  }
0x649: {  	[sflag:s30] =	ssyncadd.s32 $0xFFFFFF80  }
0x64a: {  	_ =	swait.ge [sflag:s30], $0x80  }
0x64b: {  	[sflag:s30] =	ssyncset.done $0x0  }
0x64c: {  	[sflag:s30] =	ssyncadd.s32 $0xFFFFFF80  }
0x64d: {  	_ =	strace $0x90000055  }
0x64e: {  	s24 =	rddreg [dreg:$0xf]  }
0x64f: {  	[tilespmem:s13], [sflag:$0x5] =	stream.linear.gather [hbm4b:s24+s13], $0xC00, $0x38;
	[tilespmem:$0x1E900] =	vst v63  }
0x650: {  	_ =	swait.ge [sflag:s8], $0xC00  }
0x651: {  	[sflag:s8] =	ssyncset.done $0x0  }
0x652: {  	s24 =	simm.s32 $0xC00;
	s15 =	rddreg [dreg:$0x10];
	[sflag:s8] =	ssyncadd.s32 $0xFFFFF400  }
0x653: {  	[tilespmem:s24], [sflag:$0x5] =	stream.linear.gather [hbm4b:s15+s13], $0xC00, $0x38;
	[tilespmem:$0x1E900] =	vst v63  }
0x654: {  	_ =	swait.ge [sflag:s8], $0xC00  }
0x655: {  	[sflag:s8] =	ssyncset.done $0x0  }
0x656: {  	[sflag:s8] =	ssyncadd.s32 $0xFFFFF400  }
0x657: {  	[tilespmem:s0], [sflag:$0x3] =	stream.indirect.gather [spmem:s4], $0x1, s24, s10, $0xb8;
	[tilespmem:$0x1E900] =	vst v63  }
0x658: {  	s15 =	simm.s32 $0xC80  }
0x659: {  	[tilespmem:s17], [sflag:$0x3] =	stream.indirect.gather [spmem:s4], $0x1, s15, s10, $0xb8;
	[tilespmem:$0x1E900] =	vst v63  }
0x65a: {  	s24 =	simm.s32 $0xD00  }
0x65b: {  	[tilespmem:s5], [sflag:$0x3] =	stream.indirect.gather [spmem:s4], $0x1, s24, s10, $0xb8;
	[tilespmem:$0x1E900] =	vst v63  }
0x65c: {  	s15 =	simm.s32 $0xD80  }
0x65d: {  	[tilespmem:s12], [sflag:$0x3] =	stream.indirect.gather [spmem:s4], $0x1, s15, s10, $0xb8;
	[tilespmem:$0x1E900] =	vst v63  }
0x65e: {  	s17 =	simm.s32 $0xE00  }
0x65f: {  	[tilespmem:s22], [sflag:$0x3] =	stream.indirect.gather [spmem:s4], $0x1, s17, s10, $0xb8;
	[tilespmem:$0x1E900] =	vst v63  }
0x660: {  	s22 =	simm.s32 $0xE80  }
0x661: {  	[tilespmem:s28], [sflag:$0x3] =	stream.indirect.gather [spmem:s4], $0x1, s22, s10, $0xb8;
	[tilespmem:$0x1E900] =	vst v63  }
0x662: {  	s24 =	simm.s32 $0xF00  }
0x663: {  	[tilespmem:s14], [sflag:$0x3] =	stream.indirect.gather [spmem:s4], $0x1, s24, s10, $0xb8;
	[tilespmem:$0x1E900] =	vst v63  }
0x664: {  	s28 =	simm.s32 $0xF80  }
0x665: {  	[tilespmem:s29], [sflag:$0x3] =	stream.indirect.gather [spmem:s4], $0x1, s28, s10, $0xb8;
	[tilespmem:$0x1E900] =	vst v63  }
0x666: {  	s29 =	simm.s32 $0x1000  }
0x667: {  	[tilespmem:s21], [sflag:$0x3] =	stream.indirect.gather [spmem:s4], $0x1, s29, s10, $0xb8;
	[tilespmem:$0x1E900] =	vst v63  }
0x668: {  	s5 =	simm.s32 $0x1080;
	s14 =	simm.s32 $0x9C80  }
0x669: {  	[tilespmem:s14], [sflag:$0x3] =	stream.indirect.gather [spmem:s4], $0x1, s5, s10, $0xb8;
	[tilespmem:$0x1E900] =	vst v63  }
0x66a: {  	s15 =	simm.s32 $0x1100  }
0x66b: {  	[tilespmem:s6], [sflag:$0x3] =	stream.indirect.gather [spmem:s4], $0x1, s15, s10, $0xb8;
	[tilespmem:$0x1E900] =	vst v63  }
0x66c: {  	s17 =	simm.s32 $0x1180  }
0x66d: {  	[tilespmem:s11], [sflag:$0x3] =	stream.indirect.gather [spmem:s4], $0x1, s17, s10, $0xb8;
	[tilespmem:$0x1E900] =	vst v63  }
0x66e: {  	s21 =	simm.s32 $0x1200  }
0x66f: {  	[tilespmem:s9], [sflag:$0x3] =	stream.indirect.gather [spmem:s4], $0x1, s21, s10, $0xb8;
	[tilespmem:$0x1E900] =	vst v63  }
0x670: {  	s22 =	simm.s32 $0x1280  }
0x671: {  	[tilespmem:s16], [sflag:$0x3] =	stream.indirect.gather [spmem:s4], $0x1, s22, s10, $0xb8;
	[tilespmem:$0x1E900] =	vst v63  }
0x672: {  	s24 =	simm.s32 $0x1300  }
0x673: {  	[tilespmem:s26], [sflag:$0x3] =	stream.indirect.gather [spmem:s4], $0x1, s24, s10, $0xb8;
	[tilespmem:$0x1E900] =	vst v63  }
0x674: {  	s26 =	simm.s32 $0x1380  }
0x675: {  	[tilespmem:s31], [sflag:$0x3] =	stream.indirect.gather [spmem:s4], $0x1, s26, s10, $0xb8;
	[tilespmem:$0x1E900] =	vst v63  }
0x676: {  	s28 =	simm.s32 $0x1400  }
0x677: {  	[tilespmem:s2], [sflag:$0x3] =	stream.indirect.gather [spmem:s4], $0x1, s28, s10, $0xb8;
	[tilespmem:$0x1E900] =	vst v63  }
0x678: {  	s29 =	simm.s32 $0x1480;
	s31 =	simm.s32 $0xA080  }
0x679: {  	[tilespmem:s31], [sflag:$0x3] =	stream.indirect.gather [spmem:s4], $0x1, s29, s10, $0xb8;
	[tilespmem:$0x1E900] =	vst v63  }
0x67a: {  	s5 =	simm.s32 $0x1500;
	s6 =	simm.s32 $0xA100  }
0x67b: {  	[tilespmem:s6], [sflag:$0x3] =	stream.indirect.gather [spmem:s4], $0x1, s5, s10, $0xb8;
	[tilespmem:$0x1E900] =	vst v63  }
0x67c: {  	s11 =	simm.s32 $0xA180;
	s9 =	simm.s32 $0x1580  }
0x67d: {  	[tilespmem:s11], [sflag:$0x3] =	stream.indirect.gather [spmem:s4], $0x1, s9, s10, $0xb8;
	[tilespmem:$0x1E900] =	vst v63  }
0x67e: {  	s14 =	simm.s32 $0x1600;
	s15 =	simm.s32 $0xA200  }
0x67f: {  	[tilespmem:s15], [sflag:$0x3] =	stream.indirect.gather [spmem:s4], $0x1, s14, s10, $0xb8;
	[tilespmem:$0x1E900] =	vst v63  }
0x680: {  	s17 =	simm.s32 $0xA280;
	s16 =	simm.s32 $0x1680  }
0x681: {  	[tilespmem:s17], [sflag:$0x3] =	stream.indirect.gather [spmem:s4], $0x1, s16, s10, $0xb8;
	[tilespmem:$0x1E900] =	vst v63  }
0x682: {  	s21 =	simm.s32 $0x1700;
	s22 =	simm.s32 $0xA300  }
0x683: {  	[tilespmem:s22], [sflag:$0x3] =	stream.indirect.gather [spmem:s4], $0x1, s21, s10, $0xb8;
	[tilespmem:$0x1E900] =	vst v63  }
0x684: {  	s24 =	simm.s32 $0x1780;
	s26 =	simm.s32 $0xA380  }
0x685: {  	[tilespmem:s26], [sflag:$0x3] =	stream.indirect.gather [spmem:s4], $0x1, s24, s10, $0xb8;
	[tilespmem:$0x1E900] =	vst v63  }
0x686: {  	_ =	strace $0x80000056  }
0x687: {  	[tilespmem:s7], [sflag:$0x1] =	stream.indirect.gather [hbm4b:s20+s10], $0x80, s13, s10, $0x2000b8;
	[tilespmem:$0x1E900] =	vst v63  }
0x688: {  	_ = 	snop  }
0x689: {  	[tilespmem:s23], [sflag:$0x2] =	stream.indirect.gather [hbm4b:s20+s10], $0x80, s10, s10, $0x2000b8;
	[tilespmem:$0x1E900] =	vst v63  }
0x68a: {  	_ =	swait.ge [sflag:s18], $0x4000  }
0x68b: {  	[sflag:s18] =	ssyncset.done $0x0  }
0x68c: {  	s28 =	simm.s32 $0xC00;
	[sflag:s18] =	ssyncadd.s32 $0xFFFFC000  }
0x68d: {  	[spmem:s1] =	stream.indirect.scatter.add.f32 [tilespmem:s7], [sflag:$0x5], $0x80, s28, s10, $0x2000b8;
	[tilespmem:$0x1E900] =	vst v63  }
0x68e: {  	_ =	swait.ge [sflag:s8], $0x4000  }
0x68f: {  	[sflag:s8] =	ssyncset.done $0x0  }
0x690: {  	s29 =	simm.s32 $0x100;
	[sflag:s8] =	ssyncadd.s32 $0xFFFFC000  }
0x691: {  	[tilespmem:s7], [sflag:$0x1] =	stream.indirect.gather [hbm4b:s20+s10], $0x80, s29, s10, $0x2000b8;
	[tilespmem:$0x1E900] =	vst v63  }
0x692: {  	_ =	swait.ge [sflag:s19], $0x4000  }
0x693: {  	[sflag:s19] =	ssyncset.done $0x0  }
0x694: {  	s31 =	simm.s32 $0xC80;
	[sflag:s19] =	ssyncadd.s32 $0xFFFFC000  }
0x695: {  	[spmem:s1] =	stream.indirect.scatter.add.f32 [tilespmem:s23], [sflag:$0x5], $0x80, s31, s10, $0x2000b8;
	[tilespmem:$0x1E900] =	vst v63  }
0x696: {  	_ =	swait.ge [sflag:s8], $0x4000  }
0x697: {  	s12 =	simm.s32 $0x9B80;
	[sflag:s8] =	ssyncset.done $0x0  }
0x698: {  	s15 =	simm.s32 $0x180;
	s13 =	simm.s32 $0x400;
	[sflag:s8] =	ssyncadd.s32 $0xFFFFC000  }
.LBB2_13:
0x699: {  	[tilespmem:s23], [sflag:$0x2] =	stream.indirect.gather [hbm4b:s20+s10], $0x80, s15, s10, $0x2000b8;
	[tilespmem:$0x1E900] =	vst v63  }
0x69a: {  	s15 =	smov.u32 s13  }
0x69b: {  	p1 =	sne.s32 s13, $0x2800;
	s13 =	sadd.s32 $0x400, s13;
	_ =	swait.ge [sflag:s18], $0x4000  }
0x69c: {  	s15 =	sshra.s32 s15, $0x2;
	[sflag:s18] =	ssyncset.done $0x0  }
0x69d: {  	s17 =	sadd.s32 $0xC00, s15;
	[sflag:s18] =	ssyncadd.s32 $0xFFFFC000  }
0x69e: {  	[spmem:s1] =	stream.indirect.scatter.add.f32 [tilespmem:s7], [sflag:$0x5], $0x80, s17, s10, $0x2000b8;
	[tilespmem:$0x1E900] =	vst v63  }
0x69f: {  	_ =	swait.ge [sflag:s8], $0x4000  }
0x6a0: {  	[sflag:s8] =	ssyncset.done $0x0  }
0x6a1: {  	s17 =	sadd.s32 $0x100, s15;
	[sflag:s8] =	ssyncadd.s32 $0xFFFFC000  }
0x6a2: {  	[tilespmem:s7], [sflag:$0x1] =	stream.indirect.gather [hbm4b:s20+s10], $0x80, s17, s10, $0x2000b8;
	[tilespmem:$0x1E900] =	vst v63  }
0x6a3: {  	_ =	swait.ge [sflag:s19], $0x4000  }
0x6a4: {  	[sflag:s19] =	ssyncset.done $0x0  }
.Ltmp8:
0x6a5: {  	s17 =	sadd.s32 $0xC80, s15;
	[sflag:s19] =	ssyncadd.s32 $0xFFFFC000;
	(pc) =	sbr.rel @p1 .LBB2_13-.Ltmp8, $4  }
0x6a6: {  	[spmem:s1] =	stream.indirect.scatter.add.f32 [tilespmem:s23], [sflag:$0x5], $0x80, s17, s10, $0x2000b8;
	[tilespmem:$0x1E900] =	vst v63  }
0x6a7: {  	_ =	swait.ge [sflag:s8], $0x4000  }
0x6a8: {  	[sflag:s8] =	ssyncset.done $0x0  }
0x6a9: {  	s15 =	sadd.s32 $0x180, s15;
	[sflag:s8] =	ssyncadd.s32 $0xFFFFC000  }
0x6aa: {  	[tilespmem:s23], [sflag:$0x2] =	stream.indirect.gather [hbm4b:s20+s10], $0x80, s15, s10, $0x2000b8;
	[tilespmem:$0x1E900] =	vst v63  }
0x6ab: {  	_ =	swait.ge [sflag:s18], $0x4000  }
0x6ac: {  	[sflag:s18] =	ssyncset.done $0x0  }
0x6ad: {  	s0 =	simm.s32 $0x1700;
	[sflag:s18] =	ssyncadd.s32 $0xFFFFC000  }
0x6ae: {  	[spmem:s1] =	stream.indirect.scatter.add.f32 [tilespmem:s7], [sflag:$0x5], $0x80, s0, s10, $0x2000b8;
	[tilespmem:$0x1E900] =	vst v63  }
0x6af: {  	_ =	swait.ge [sflag:s8], $0x4000  }
0x6b0: {  	[sflag:s8] =	ssyncset.done $0x0  }
0x6b1: {  	[sflag:s8] =	ssyncadd.s32 $0xFFFFC000  }
0x6b2: {  	_ =	swait.ge [sflag:s19], $0x4000  }
0x6b3: {  	[sflag:s19] =	ssyncset.done $0x0  }
0x6b4: {  	s22 =	simm.s32 $0x1780;
	[sflag:s19] =	ssyncadd.s32 $0xFFFFC000  }
0x6b5: {  	[spmem:s1] =	stream.indirect.scatter.add.f32 [tilespmem:s23], [sflag:$0x5], $0x80, s22, s10, $0x2000b8;
	[tilespmem:$0x1E900] =	vst v63  }
0x6b6: {  	_ =	swait.ge [sflag:s8], $0x4000  }
0x6b7: {  	[sflag:s8] =	ssyncset.done $0x0  }
0x6b8: {  	[sflag:s8] =	ssyncadd.s32 $0xFFFFC000  }
0x6b9: {  	_ =	strace $0x90000056  }
0x6ba: {  	_ =	strace $0x80000057  }
0x6bb: {  	_ =	swait.ge [sflag:s25], $0x80  }
0x6bc: {  	[sflag:s25] =	ssyncset.done $0x0  }
0x6bd: {  	[sflag:s25] =	ssyncadd.s32 $0xFFFFFF80  }
0x6be: {  	_ =	swait.ge [sflag:s25], $0x80  }
0x6bf: {  	[sflag:s25] =	ssyncset.done $0x0  }
0x6c0: {  	[sflag:s25] =	ssyncadd.s32 $0xFFFFFF80  }
0x6c1: {  	_ =	swait.ge [sflag:s25], $0x80  }
0x6c2: {  	[sflag:s25] =	ssyncset.done $0x0  }
0x6c3: {  	[sflag:s25] =	ssyncadd.s32 $0xFFFFFF80  }
0x6c4: {  	_ =	swait.ge [sflag:s25], $0x80  }
0x6c5: {  	[sflag:s25] =	ssyncset.done $0x0  }
0x6c6: {  	[sflag:s25] =	ssyncadd.s32 $0xFFFFFF80  }
0x6c7: {  	_ =	swait.ge [sflag:s25], $0x80  }
0x6c8: {  	[sflag:s25] =	ssyncset.done $0x0  }
0x6c9: {  	[sflag:s25] =	ssyncadd.s32 $0xFFFFFF80  }
0x6ca: {  	_ =	swait.ge [sflag:s25], $0x80  }
0x6cb: {  	[sflag:s25] =	ssyncset.done $0x0  }
0x6cc: {  	[sflag:s25] =	ssyncadd.s32 $0xFFFFFF80  }
0x6cd: {  	_ =	swait.ge [sflag:s25], $0x80  }
0x6ce: {  	[sflag:s25] =	ssyncset.done $0x0  }
0x6cf: {  	[sflag:s25] =	ssyncadd.s32 $0xFFFFFF80  }
0x6d0: {  	_ =	swait.ge [sflag:s25], $0x80  }
0x6d1: {  	[sflag:s25] =	ssyncset.done $0x0  }
0x6d2: {  	[sflag:s25] =	ssyncadd.s32 $0xFFFFFF80  }
0x6d3: {  	_ =	swait.ge [sflag:s25], $0x80  }
0x6d4: {  	[sflag:s25] =	ssyncset.done $0x0  }
0x6d5: {  	[sflag:s25] =	ssyncadd.s32 $0xFFFFFF80  }
0x6d6: {  	_ =	swait.ge [sflag:s25], $0x80  }
0x6d7: {  	[sflag:s25] =	ssyncset.done $0x0  }
0x6d8: {  	[sflag:s25] =	ssyncadd.s32 $0xFFFFFF80  }
0x6d9: {  	_ =	swait.ge [sflag:s25], $0x80  }
0x6da: {  	[sflag:s25] =	ssyncset.done $0x0  }
0x6db: {  	[sflag:s25] =	ssyncadd.s32 $0xFFFFFF80  }
0x6dc: {  	_ =	swait.ge [sflag:s25], $0x80  }
0x6dd: {  	[sflag:s25] =	ssyncset.done $0x0  }
0x6de: {  	[sflag:s25] =	ssyncadd.s32 $0xFFFFFF80  }
0x6df: {  	_ =	swait.ge [sflag:s25], $0x80  }
0x6e0: {  	[sflag:s25] =	ssyncset.done $0x0  }
0x6e1: {  	[sflag:s25] =	ssyncadd.s32 $0xFFFFFF80  }
0x6e2: {  	_ =	swait.ge [sflag:s25], $0x80  }
0x6e3: {  	[sflag:s25] =	ssyncset.done $0x0  }
0x6e4: {  	[sflag:s25] =	ssyncadd.s32 $0xFFFFFF80  }
0x6e5: {  	_ =	swait.ge [sflag:s25], $0x80  }
0x6e6: {  	[sflag:s25] =	ssyncset.done $0x0  }
0x6e7: {  	[sflag:s25] =	ssyncadd.s32 $0xFFFFFF80  }
0x6e8: {  	_ =	swait.ge [sflag:s25], $0x80  }
0x6e9: {  	[sflag:s25] =	ssyncset.done $0x0  }
0x6ea: {  	[sflag:s25] =	ssyncadd.s32 $0xFFFFFF80  }
0x6eb: {  	_ =	swait.ge [sflag:s25], $0x80  }
0x6ec: {  	[sflag:s25] =	ssyncset.done $0x0  }
0x6ed: {  	[sflag:s25] =	ssyncadd.s32 $0xFFFFFF80  }
0x6ee: {  	_ =	swait.ge [sflag:s25], $0x80  }
0x6ef: {  	[sflag:s25] =	ssyncset.done $0x0  }
0x6f0: {  	[sflag:s25] =	ssyncadd.s32 $0xFFFFFF80  }
0x6f1: {  	_ =	swait.ge [sflag:s25], $0x80  }
0x6f2: {  	[sflag:s25] =	ssyncset.done $0x0  }
0x6f3: {  	[sflag:s25] =	ssyncadd.s32 $0xFFFFFF80  }
0x6f4: {  	_ =	swait.ge [sflag:s25], $0x80  }
0x6f5: {  	[sflag:s25] =	ssyncset.done $0x0  }
0x6f6: {  	[sflag:s25] =	ssyncadd.s32 $0xFFFFFF80  }
0x6f7: {  	_ =	swait.ge [sflag:s25], $0x80  }
0x6f8: {  	[sflag:s25] =	ssyncset.done $0x0  }
0x6f9: {  	[sflag:s25] =	ssyncadd.s32 $0xFFFFFF80  }
0x6fa: {  	_ =	swait.ge [sflag:s25], $0x80  }
0x6fb: {  	[sflag:s25] =	ssyncset.done $0x0  }
0x6fc: {  	[sflag:s25] =	ssyncadd.s32 $0xFFFFFF80  }
0x6fd: {  	_ =	swait.ge [sflag:s25], $0x80  }
0x6fe: {  	[sflag:s25] =	ssyncset.done $0x0  }
0x6ff: {  	[sflag:s25] =	ssyncadd.s32 $0xFFFFFF80  }
0x700: {  	_ =	swait.ge [sflag:s25], $0x80  }
0x701: {  	[sflag:s25] =	ssyncset.done $0x0  }
0x702: {  	s13 =	simm.s32 $0x0;
	s17 =	simm.s32 $0x9800;
	[sflag:s25] =	ssyncadd.s32 $0xFFFFFF80  }
0x703: {  	[spmem:s3] =	stream.indirect.scatter.add.f32 [tilespmem:s17], [sflag:$0x4], $0x1, s13, s10, $0x2000b8;
	[tilespmem:$0x1E900] =	vst v63  }
0x704: {  	s29 =	simm.s32 $0x9880  }
0x705: {  	[spmem:s3] =	stream.indirect.scatter.add.f32 [tilespmem:s29], [sflag:$0x4], $0x1, s10, s10, $0x2000b8;
	[tilespmem:$0x1E900] =	vst v63  }
0x706: {  	s5 =	simm.s32 $0x9900;
	s24 =	simm.s32 $0x100  }
0x707: {  	[spmem:s3] =	stream.indirect.scatter.add.f32 [tilespmem:s5], [sflag:$0x4], $0x1, s24, s10, $0x2000b8;
	[tilespmem:$0x1E900] =	vst v63  }
0x708: {  	s16 =	simm.s32 $0x9980;
	s26 =	simm.s32 $0x180  }
0x709: {  	[spmem:s3] =	stream.indirect.scatter.add.f32 [tilespmem:s16], [sflag:$0x4], $0x1, s26, s10, $0x2000b8;
	[tilespmem:$0x1E900] =	vst v63  }
0x70a: {  	s2 =	simm.s32 $0x200;
	s22 =	simm.s32 $0x9A00  }
0x70b: {  	[spmem:s3] =	stream.indirect.scatter.add.f32 [tilespmem:s22], [sflag:$0x4], $0x1, s2, s10, $0x2000b8;
	[tilespmem:$0x1E900] =	vst v63  }
0x70c: {  	s28 =	simm.s32 $0x9A80;
	s6 =	simm.s32 $0x280  }
0x70d: {  	[spmem:s3] =	stream.indirect.scatter.add.f32 [tilespmem:s28], [sflag:$0x4], $0x1, s6, s10, $0x2000b8;
	[tilespmem:$0x1E900] =	vst v63  }
0x70e: {  	s21 =	simm.s32 $0x9B00;
	s9 =	simm.s32 $0x300  }
0x70f: {  	[spmem:s3] =	stream.indirect.scatter.add.f32 [tilespmem:s21], [sflag:$0x4], $0x1, s9, s10, $0x2000b8;
	[tilespmem:$0x1E900] =	vst v63  }
0x710: {  	s11 =	simm.s32 $0x380  }
0x711: {  	[spmem:s3] =	stream.indirect.scatter.add.f32 [tilespmem:s12], [sflag:$0x4], $0x1, s11, s10, $0x2000b8;
	[tilespmem:$0x1E900] =	vst v63  }
0x712: {  	s14 =	simm.s32 $0x9C00;
	s12 =	simm.s32 $0x400  }
0x713: {  	[spmem:s3] =	stream.indirect.scatter.add.f32 [tilespmem:s14], [sflag:$0x4], $0x1, s12, s10, $0x2000b8;
	[tilespmem:$0x1E900] =	vst v63  }
0x714: {  	s15 =	simm.s32 $0x9C80;
	s2 =	simm.s32 $0x480  }
0x715: {  	[spmem:s3] =	stream.indirect.scatter.add.f32 [tilespmem:s15], [sflag:$0x4], $0x1, s2, s10, $0x2000b8;
	[tilespmem:$0x1E900] =	vst v63  }
0x716: {  	s24 =	simm.s32 $0x500;
	s6 =	simm.s32 $0x9D00  }
0x717: {  	[spmem:s3] =	stream.indirect.scatter.add.f32 [tilespmem:s6], [sflag:$0x4], $0x1, s24, s10, $0x2000b8;
	[tilespmem:$0x1E900] =	vst v63  }
0x718: {  	s26 =	simm.s32 $0x580;
	s11 =	simm.s32 $0x9D80  }
0x719: {  	[spmem:s3] =	stream.indirect.scatter.add.f32 [tilespmem:s11], [sflag:$0x4], $0x1, s26, s10, $0x2000b8;
	[tilespmem:$0x1E900] =	vst v63  }
0x71a: {  	s9 =	simm.s32 $0x9E00;
	s2 =	simm.s32 $0x600  }
0x71b: {  	[spmem:s3] =	stream.indirect.scatter.add.f32 [tilespmem:s9], [sflag:$0x4], $0x1, s2, s10, $0x2000b8;
	[tilespmem:$0x1E900] =	vst v63  }
0x71c: {  	s0 =	simm.s32 $0x9E80;
	s12 =	simm.s32 $0x680  }
0x71d: {  	[spmem:s3] =	stream.indirect.scatter.add.f32 [tilespmem:s0], [sflag:$0x4], $0x1, s12, s10, $0x2000b8;
	[tilespmem:$0x1E900] =	vst v63  }
0x71e: {  	s31 =	simm.s32 $0x9F00;
	s15 =	simm.s32 $0x700  }
0x71f: {  	[spmem:s3] =	stream.indirect.scatter.add.f32 [tilespmem:s31], [sflag:$0x4], $0x1, s15, s10, $0x2000b8;
	[tilespmem:$0x1E900] =	vst v63  }
0x720: {  	s24 =	simm.s32 $0x780;
	s12 =	simm.s32 $0x9F80  }
0x721: {  	[spmem:s3] =	stream.indirect.scatter.add.f32 [tilespmem:s12], [sflag:$0x4], $0x1, s24, s10, $0x2000b8;
	[tilespmem:$0x1E900] =	vst v63  }
0x722: {  	s26 =	simm.s32 $0x800;
	s24 =	simm.s32 $0xA000  }
0x723: {  	[spmem:s3] =	stream.indirect.scatter.add.f32 [tilespmem:s24], [sflag:$0x4], $0x1, s26, s10, $0x2000b8;
	[tilespmem:$0x1E900] =	vst v63  }
0x724: {  	s15 =	simm.s32 $0x880;
	s26 =	simm.s32 $0xA080  }
0x725: {  	[spmem:s3] =	stream.indirect.scatter.add.f32 [tilespmem:s26], [sflag:$0x4], $0x1, s15, s10, $0x2000b8;
	[tilespmem:$0x1E900] =	vst v63  }
0x726: {  	s2 =	simm.s32 $0x900;
	s15 =	simm.s32 $0xA100  }
0x727: {  	[spmem:s3] =	stream.indirect.scatter.add.f32 [tilespmem:s15], [sflag:$0x4], $0x1, s2, s10, $0x2000b8;
	[tilespmem:$0x1E900] =	vst v63  }
0x728: {  	s15 =	simm.s32 $0xA180;
	s2 =	simm.s32 $0x980  }
0x729: {  	[spmem:s3] =	stream.indirect.scatter.add.f32 [tilespmem:s15], [sflag:$0x4], $0x1, s2, s10, $0x2000b8;
	[tilespmem:$0x1E900] =	vst v63  }
0x72a: {  	s15 =	simm.s32 $0xA200;
	s2 =	simm.s32 $0xA00  }
0x72b: {  	[spmem:s3] =	stream.indirect.scatter.add.f32 [tilespmem:s15], [sflag:$0x4], $0x1, s2, s10, $0x2000b8;
	[tilespmem:$0x1E900] =	vst v63  }
0x72c: {  	s15 =	simm.s32 $0xA280;
	s2 =	simm.s32 $0xA80  }
0x72d: {  	[spmem:s3] =	stream.indirect.scatter.add.f32 [tilespmem:s15], [sflag:$0x4], $0x1, s2, s10, $0x2000b8;
	[tilespmem:$0x1E900] =	vst v63  }
0x72e: {  	s15 =	simm.s32 $0xA300;
	s2 =	simm.s32 $0xB00  }
0x72f: {  	[spmem:s3] =	stream.indirect.scatter.add.f32 [tilespmem:s15], [sflag:$0x4], $0x1, s2, s10, $0x2000b8;
	[tilespmem:$0x1E900] =	vst v63  }
0x730: {  	s15 =	simm.s32 $0xA380;
	s2 =	simm.s32 $0xB80  }
0x731: {  	[spmem:s3] =	stream.indirect.scatter.add.f32 [tilespmem:s15], [sflag:$0x4], $0x1, s2, s10, $0x2000b8;
	[tilespmem:$0x1E900] =	vst v63  }
0x732: {  	_ =	swait.ge [sflag:s30], $0x80  }
0x733: {  	[sflag:s30] =	ssyncset.done $0x0  }
0x734: {  	[sflag:s30] =	ssyncadd.s32 $0xFFFFFF80  }
0x735: {  	_ =	swait.ge [sflag:s30], $0x80  }
0x736: {  	[sflag:s30] =	ssyncset.done $0x0  }
0x737: {  	[sflag:s30] =	ssyncadd.s32 $0xFFFFFF80  }
0x738: {  	_ =	swait.ge [sflag:s30], $0x80  }
0x739: {  	[sflag:s30] =	ssyncset.done $0x0  }
0x73a: {  	[sflag:s30] =	ssyncadd.s32 $0xFFFFFF80  }
0x73b: {  	_ =	swait.ge [sflag:s30], $0x80  }
0x73c: {  	[sflag:s30] =	ssyncset.done $0x0  }
0x73d: {  	[sflag:s30] =	ssyncadd.s32 $0xFFFFFF80  }
0x73e: {  	_ =	swait.ge [sflag:s30], $0x80  }
0x73f: {  	[sflag:s30] =	ssyncset.done $0x0  }
0x740: {  	[sflag:s30] =	ssyncadd.s32 $0xFFFFFF80  }
0x741: {  	_ =	swait.ge [sflag:s30], $0x80  }
0x742: {  	[sflag:s30] =	ssyncset.done $0x0  }
0x743: {  	[sflag:s30] =	ssyncadd.s32 $0xFFFFFF80  }
0x744: {  	_ =	swait.ge [sflag:s30], $0x80  }
0x745: {  	[sflag:s30] =	ssyncset.done $0x0  }
0x746: {  	[sflag:s30] =	ssyncadd.s32 $0xFFFFFF80  }
0x747: {  	_ =	swait.ge [sflag:s30], $0x80  }
0x748: {  	[sflag:s30] =	ssyncset.done $0x0  }
0x749: {  	[sflag:s30] =	ssyncadd.s32 $0xFFFFFF80  }
0x74a: {  	_ =	swait.ge [sflag:s30], $0x80  }
0x74b: {  	[sflag:s30] =	ssyncset.done $0x0  }
0x74c: {  	[sflag:s30] =	ssyncadd.s32 $0xFFFFFF80  }
0x74d: {  	_ =	swait.ge [sflag:s30], $0x80  }
0x74e: {  	[sflag:s30] =	ssyncset.done $0x0  }
0x74f: {  	[sflag:s30] =	ssyncadd.s32 $0xFFFFFF80  }
0x750: {  	_ =	swait.ge [sflag:s30], $0x80  }
0x751: {  	[sflag:s30] =	ssyncset.done $0x0  }
0x752: {  	[sflag:s30] =	ssyncadd.s32 $0xFFFFFF80  }
0x753: {  	_ =	swait.ge [sflag:s30], $0x80  }
0x754: {  	[sflag:s30] =	ssyncset.done $0x0  }
0x755: {  	[sflag:s30] =	ssyncadd.s32 $0xFFFFFF80  }
0x756: {  	_ =	swait.ge [sflag:s30], $0x80  }
0x757: {  	[sflag:s30] =	ssyncset.done $0x0  }
0x758: {  	[sflag:s30] =	ssyncadd.s32 $0xFFFFFF80  }
0x759: {  	_ =	swait.ge [sflag:s30], $0x80  }
0x75a: {  	[sflag:s30] =	ssyncset.done $0x0  }
0x75b: {  	[sflag:s30] =	ssyncadd.s32 $0xFFFFFF80  }
0x75c: {  	_ =	swait.ge [sflag:s30], $0x80  }
0x75d: {  	[sflag:s30] =	ssyncset.done $0x0  }
0x75e: {  	[sflag:s30] =	ssyncadd.s32 $0xFFFFFF80  }
0x75f: {  	_ =	swait.ge [sflag:s30], $0x80  }
0x760: {  	[sflag:s30] =	ssyncset.done $0x0  }
0x761: {  	[sflag:s30] =	ssyncadd.s32 $0xFFFFFF80  }
0x762: {  	_ =	swait.ge [sflag:s30], $0x80  }
0x763: {  	[sflag:s30] =	ssyncset.done $0x0  }
0x764: {  	[sflag:s30] =	ssyncadd.s32 $0xFFFFFF80  }
0x765: {  	_ =	swait.ge [sflag:s30], $0x80  }
0x766: {  	[sflag:s30] =	ssyncset.done $0x0  }
0x767: {  	[sflag:s30] =	ssyncadd.s32 $0xFFFFFF80  }
0x768: {  	_ =	swait.ge [sflag:s30], $0x80  }
0x769: {  	[sflag:s30] =	ssyncset.done $0x0  }
0x76a: {  	[sflag:s30] =	ssyncadd.s32 $0xFFFFFF80  }
0x76b: {  	_ =	swait.ge [sflag:s30], $0x80  }
0x76c: {  	[sflag:s30] =	ssyncset.done $0x0  }
0x76d: {  	[sflag:s30] =	ssyncadd.s32 $0xFFFFFF80  }
0x76e: {  	_ =	swait.ge [sflag:s30], $0x80  }
0x76f: {  	[sflag:s30] =	ssyncset.done $0x0  }
0x770: {  	[sflag:s30] =	ssyncadd.s32 $0xFFFFFF80  }
0x771: {  	_ =	swait.ge [sflag:s30], $0x80  }
0x772: {  	[sflag:s30] =	ssyncset.done $0x0  }
0x773: {  	[sflag:s30] =	ssyncadd.s32 $0xFFFFFF80  }
0x774: {  	_ =	swait.ge [sflag:s30], $0x80  }
0x775: {  	[sflag:s30] =	ssyncset.done $0x0  }
0x776: {  	[sflag:s30] =	ssyncadd.s32 $0xFFFFFF80  }
0x777: {  	_ =	swait.ge [sflag:s30], $0x80  }
0x778: {  	[sflag:s30] =	ssyncset.done $0x0  }
0x779: {  	[sflag:s30] =	ssyncadd.s32 $0xFFFFFF80  }
0x77a: {  	_ =	strace $0x90000057  }
0x77b: {  	s2 =	rddreg [dreg:$0x11]  }
0x77c: {  	[tilespmem:s13], [sflag:$0x5] =	stream.linear.gather [hbm4b:s2+s13], $0xC00, $0x38;
	[tilespmem:$0x1E900] =	vst v63  }
0x77d: {  	_ =	swait.ge [sflag:s8], $0xC00  }
0x77e: {  	[sflag:s8] =	ssyncset.done $0x0  }
0x77f: {  	s2 =	simm.s32 $0xC00;
	s15 =	rddreg [dreg:$0x12];
	[sflag:s8] =	ssyncadd.s32 $0xFFFFF400  }
0x780: {  	[tilespmem:s2], [sflag:$0x5] =	stream.linear.gather [hbm4b:s15+s13], $0xC00, $0x38;
	[tilespmem:$0x1E900] =	vst v63  }
0x781: {  	_ =	swait.ge [sflag:s8], $0xC00  }
0x782: {  	[sflag:s8] =	ssyncset.done $0x0  }
0x783: {  	[sflag:s8] =	ssyncadd.s32 $0xFFFFF400  }
0x784: {  	[tilespmem:s17], [sflag:$0x3] =	stream.indirect.gather [spmem:s4], $0x1, s2, s10, $0xb8;
	[tilespmem:$0x1E900] =	vst v63  }
0x785: {  	s17 =	simm.s32 $0xC80  }
0x786: {  	[tilespmem:s29], [sflag:$0x3] =	stream.indirect.gather [spmem:s4], $0x1, s17, s10, $0xb8;
	[tilespmem:$0x1E900] =	vst v63  }
0x787: {  	s15 =	simm.s32 $0xD00  }
0x788: {  	[tilespmem:s5], [sflag:$0x3] =	stream.indirect.gather [spmem:s4], $0x1, s15, s10, $0xb8;
	[tilespmem:$0x1E900] =	vst v63  }
0x789: {  	s15 =	simm.s32 $0xD80  }
0x78a: {  	[tilespmem:s16], [sflag:$0x3] =	stream.indirect.gather [spmem:s4], $0x1, s15, s10, $0xb8;
	[tilespmem:$0x1E900] =	vst v63  }
0x78b: {  	s16 =	simm.s32 $0xE00  }
0x78c: {  	[tilespmem:s22], [sflag:$0x3] =	stream.indirect.gather [spmem:s4], $0x1, s16, s10, $0xb8;
	[tilespmem:$0x1E900] =	vst v63  }
0x78d: {  	s5 =	simm.s32 $0xE80  }
0x78e: {  	[tilespmem:s28], [sflag:$0x3] =	stream.indirect.gather [spmem:s4], $0x1, s5, s10, $0xb8;
	[tilespmem:$0x1E900] =	vst v63  }
0x78f: {  	s16 =	simm.s32 $0xF00  }
0x790: {  	[tilespmem:s21], [sflag:$0x3] =	stream.indirect.gather [spmem:s4], $0x1, s16, s10, $0xb8;
	[tilespmem:$0x1E900] =	vst v63  }
0x791: {  	s2 =	simm.s32 $0xF80;
	s22 =	simm.s32 $0x9B80  }
0x792: {  	[tilespmem:s22], [sflag:$0x3] =	stream.indirect.gather [spmem:s4], $0x1, s2, s10, $0xb8;
	[tilespmem:$0x1E900] =	vst v63  }
0x793: {  	s5 =	simm.s32 $0x1000  }
0x794: {  	[tilespmem:s14], [sflag:$0x3] =	stream.indirect.gather [spmem:s4], $0x1, s5, s10, $0xb8;
	[tilespmem:$0x1E900] =	vst v63  }
0x795: {  	s17 =	simm.s32 $0x9C80;
	s16 =	simm.s32 $0x1080  }
0x796: {  	[tilespmem:s17], [sflag:$0x3] =	stream.indirect.gather [spmem:s4], $0x1, s16, s10, $0xb8;
	[tilespmem:$0x1E900] =	vst v63  }
0x797: {  	s17 =	simm.s32 $0x1100  }
0x798: {  	[tilespmem:s6], [sflag:$0x3] =	stream.indirect.gather [spmem:s4], $0x1, s17, s10, $0xb8;
	[tilespmem:$0x1E900] =	vst v63  }
0x799: {  	s5 =	simm.s32 $0x1180  }
0x79a: {  	[tilespmem:s11], [sflag:$0x3] =	stream.indirect.gather [spmem:s4], $0x1, s5, s10, $0xb8;
	[tilespmem:$0x1E900] =	vst v63  }
0x79b: {  	s11 =	simm.s32 $0x1200  }
0x79c: {  	[tilespmem:s9], [sflag:$0x3] =	stream.indirect.gather [spmem:s4], $0x1, s11, s10, $0xb8;
	[tilespmem:$0x1E900] =	vst v63  }
0x79d: {  	s15 =	simm.s32 $0x1280  }
0x79e: {  	[tilespmem:s0], [sflag:$0x3] =	stream.indirect.gather [spmem:s4], $0x1, s15, s10, $0xb8;
	[tilespmem:$0x1E900] =	vst v63  }
0x79f: {  	s17 =	simm.s32 $0x1300  }
0x7a0: {  	[tilespmem:s31], [sflag:$0x3] =	stream.indirect.gather [spmem:s4], $0x1, s17, s10, $0xb8;
	[tilespmem:$0x1E900] =	vst v63  }
0x7a1: {  	s2 =	simm.s32 $0x1380  }
0x7a2: {  	[tilespmem:s12], [sflag:$0x3] =	stream.indirect.gather [spmem:s4], $0x1, s2, s10, $0xb8;
	[tilespmem:$0x1E900] =	vst v63  }
0x7a3: {  	s5 =	simm.s32 $0x1400  }
0x7a4: {  	[tilespmem:s24], [sflag:$0x3] =	stream.indirect.gather [spmem:s4], $0x1, s5, s10, $0xb8;
	[tilespmem:$0x1E900] =	vst v63  }
0x7a5: {  	s6 =	simm.s32 $0x1480  }
0x7a6: {  	[tilespmem:s26], [sflag:$0x3] =	stream.indirect.gather [spmem:s4], $0x1, s6, s10, $0xb8;
	[tilespmem:$0x1E900] =	vst v63  }
0x7a7: {  	s11 =	simm.s32 $0x1500;
	s12 =	simm.s32 $0xA100  }
0x7a8: {  	[tilespmem:s12], [sflag:$0x3] =	stream.indirect.gather [spmem:s4], $0x1, s11, s10, $0xb8;
	[tilespmem:$0x1E900] =	vst v63  }
0x7a9: {  	s15 =	simm.s32 $0x1580;
	s17 =	simm.s32 $0xA180  }
0x7aa: {  	[tilespmem:s17], [sflag:$0x3] =	stream.indirect.gather [spmem:s4], $0x1, s15, s10, $0xb8;
	[tilespmem:$0x1E900] =	vst v63  }
0x7ab: {  	s24 =	simm.s32 $0x1600;
	s26 =	simm.s32 $0xA200  }
0x7ac: {  	[tilespmem:s26], [sflag:$0x3] =	stream.indirect.gather [spmem:s4], $0x1, s24, s10, $0xb8;
	[tilespmem:$0x1E900] =	vst v63  }
0x7ad: {  	s2 =	simm.s32 $0x1680;
	s5 =	simm.s32 $0xA280  }
0x7ae: {  	[tilespmem:s5], [sflag:$0x3] =	stream.indirect.gather [spmem:s4], $0x1, s2, s10, $0xb8;
	[tilespmem:$0x1E900] =	vst v63  }
0x7af: {  	s6 =	simm.s32 $0x1700;
	s11 =	simm.s32 $0xA300  }
0x7b0: {  	[tilespmem:s11], [sflag:$0x3] =	stream.indirect.gather [spmem:s4], $0x1, s6, s10, $0xb8;
	[tilespmem:$0x1E900] =	vst v63  }
0x7b1: {  	s12 =	simm.s32 $0x1780;
	s15 =	simm.s32 $0xA380  }
0x7b2: {  	[tilespmem:s15], [sflag:$0x3] =	stream.indirect.gather [spmem:s4], $0x1, s12, s10, $0xb8;
	[tilespmem:$0x1E900] =	vst v63  }
0x7b3: {  	_ =	strace $0x80000058  }
0x7b4: {  	[tilespmem:s7], [sflag:$0x1] =	stream.indirect.gather [hbm4b:s20+s10], $0x80, s13, s10, $0x2000b8;
	[tilespmem:$0x1E900] =	vst v63  }
0x7b5: {  	_ = 	snop  }
0x7b6: {  	[tilespmem:s23], [sflag:$0x2] =	stream.indirect.gather [hbm4b:s20+s10], $0x80, s10, s10, $0x2000b8;
	[tilespmem:$0x1E900] =	vst v63  }
0x7b7: {  	_ =	swait.ge [sflag:s18], $0x4000  }
0x7b8: {  	[sflag:s18] =	ssyncset.done $0x0  }
0x7b9: {  	s17 =	simm.s32 $0xC00;
	[sflag:s18] =	ssyncadd.s32 $0xFFFFC000  }
0x7ba: {  	[spmem:s1] =	stream.indirect.scatter.add.f32 [tilespmem:s7], [sflag:$0x5], $0x80, s17, s10, $0x2000b8;
	[tilespmem:$0x1E900] =	vst v63  }
0x7bb: {  	_ =	swait.ge [sflag:s8], $0x4000  }
0x7bc: {  	[sflag:s8] =	ssyncset.done $0x0  }
0x7bd: {  	s24 =	simm.s32 $0x100;
	[sflag:s8] =	ssyncadd.s32 $0xFFFFC000  }
0x7be: {  	[tilespmem:s7], [sflag:$0x1] =	stream.indirect.gather [hbm4b:s20+s10], $0x80, s24, s10, $0x2000b8;
	[tilespmem:$0x1E900] =	vst v63  }
0x7bf: {  	s29 =	simm.s32 $0x9F00;
	_ =	swait.ge [sflag:s19], $0x4000  }
0x7c0: {  	s28 =	simm.s32 $0x9D00;
	s21 =	simm.s32 $0x9C00;
	[sflag:s19] =	ssyncset.done $0x0  }
0x7c1: {  	s22 =	simm.s32 $0x9C80;
	s26 =	simm.s32 $0xC80;
	[sflag:s19] =	ssyncadd.s32 $0xFFFFC000  }
0x7c2: {  	[spmem:s1] =	stream.indirect.scatter.add.f32 [tilespmem:s23], [sflag:$0x5], $0x80, s26, s10, $0x2000b8;
	[tilespmem:$0x1E900] =	vst v63  }
0x7c3: {  	s14 =	simm.s32 $0x9E00;
	s16 =	simm.s32 $0x9D80;
	_ =	swait.ge [sflag:s8], $0x4000  }
0x7c4: {  	s9 =	simm.s32 $0x9E80;
	s31 =	simm.s32 $0x9F80;
	[sflag:s8] =	ssyncset.done $0x0  }
0x7c5: {  	s15 =	simm.s32 $0x180;
	s13 =	simm.s32 $0x400;
	[sflag:s8] =	ssyncadd.s32 $0xFFFFC000  }
.LBB2_15:
0x7c6: {  	[tilespmem:s23], [sflag:$0x2] =	stream.indirect.gather [hbm4b:s20+s10], $0x80, s15, s10, $0x2000b8;
	[tilespmem:$0x1E900] =	vst v63  }
0x7c7: {  	s15 =	smov.u32 s13  }
0x7c8: {  	p1 =	sne.s32 s13, $0x2800;
	s13 =	sadd.s32 $0x400, s13;
	_ =	swait.ge [sflag:s18], $0x4000  }
0x7c9: {  	s15 =	sshra.s32 s15, $0x2;
	[sflag:s18] =	ssyncset.done $0x0  }
0x7ca: {  	s17 =	sadd.s32 $0xC00, s15;
	[sflag:s18] =	ssyncadd.s32 $0xFFFFC000  }
0x7cb: {  	[spmem:s1] =	stream.indirect.scatter.add.f32 [tilespmem:s7], [sflag:$0x5], $0x80, s17, s10, $0x2000b8;
	[tilespmem:$0x1E900] =	vst v63  }
0x7cc: {  	_ =	swait.ge [sflag:s8], $0x4000  }
0x7cd: {  	[sflag:s8] =	ssyncset.done $0x0  }
0x7ce: {  	s17 =	sadd.s32 $0x100, s15;
	[sflag:s8] =	ssyncadd.s32 $0xFFFFC000  }
0x7cf: {  	[tilespmem:s7], [sflag:$0x1] =	stream.indirect.gather [hbm4b:s20+s10], $0x80, s17, s10, $0x2000b8;
	[tilespmem:$0x1E900] =	vst v63  }
0x7d0: {  	_ =	swait.ge [sflag:s19], $0x4000  }
0x7d1: {  	[sflag:s19] =	ssyncset.done $0x0  }
.Ltmp9:
0x7d2: {  	s17 =	sadd.s32 $0xC80, s15;
	[sflag:s19] =	ssyncadd.s32 $0xFFFFC000;
	(pc) =	sbr.rel @p1 .LBB2_15-.Ltmp9, $4  }
0x7d3: {  	[spmem:s1] =	stream.indirect.scatter.add.f32 [tilespmem:s23], [sflag:$0x5], $0x80, s17, s10, $0x2000b8;
	[tilespmem:$0x1E900] =	vst v63  }
0x7d4: {  	_ =	swait.ge [sflag:s8], $0x4000  }
0x7d5: {  	[sflag:s8] =	ssyncset.done $0x0  }
0x7d6: {  	s15 =	sadd.s32 $0x180, s15;
	[sflag:s8] =	ssyncadd.s32 $0xFFFFC000  }
0x7d7: {  	[tilespmem:s23], [sflag:$0x2] =	stream.indirect.gather [hbm4b:s20+s10], $0x80, s15, s10, $0x2000b8;
	[tilespmem:$0x1E900] =	vst v63  }
0x7d8: {  	_ =	swait.ge [sflag:s18], $0x4000  }
0x7d9: {  	[sflag:s18] =	ssyncset.done $0x0  }
0x7da: {  	s0 =	simm.s32 $0x1700;
	[sflag:s18] =	ssyncadd.s32 $0xFFFFC000  }
0x7db: {  	[spmem:s1] =	stream.indirect.scatter.add.f32 [tilespmem:s7], [sflag:$0x5], $0x80, s0, s10, $0x2000b8;
	[tilespmem:$0x1E900] =	vst v63  }
0x7dc: {  	_ =	swait.ge [sflag:s8], $0x4000  }
0x7dd: {  	[sflag:s8] =	ssyncset.done $0x0  }
0x7de: {  	[sflag:s8] =	ssyncadd.s32 $0xFFFFC000  }
0x7df: {  	_ =	swait.ge [sflag:s19], $0x4000  }
0x7e0: {  	[sflag:s19] =	ssyncset.done $0x0  }
0x7e1: {  	s24 =	simm.s32 $0x1780;
	[sflag:s19] =	ssyncadd.s32 $0xFFFFC000  }
0x7e2: {  	[spmem:s1] =	stream.indirect.scatter.add.f32 [tilespmem:s23], [sflag:$0x5], $0x80, s24, s10, $0x2000b8;
	[tilespmem:$0x1E900] =	vst v63  }
0x7e3: {  	_ =	swait.ge [sflag:s8], $0x4000  }
0x7e4: {  	[sflag:s8] =	ssyncset.done $0x0  }
0x7e5: {  	[sflag:s8] =	ssyncadd.s32 $0xFFFFC000  }
0x7e6: {  	_ =	strace $0x90000058  }
0x7e7: {  	_ =	strace $0x80000059  }
0x7e8: {  	_ =	swait.ge [sflag:s25], $0x80  }
0x7e9: {  	[sflag:s25] =	ssyncset.done $0x0  }
0x7ea: {  	[sflag:s25] =	ssyncadd.s32 $0xFFFFFF80  }
0x7eb: {  	_ =	swait.ge [sflag:s25], $0x80  }
0x7ec: {  	[sflag:s25] =	ssyncset.done $0x0  }
0x7ed: {  	[sflag:s25] =	ssyncadd.s32 $0xFFFFFF80  }
0x7ee: {  	_ =	swait.ge [sflag:s25], $0x80  }
0x7ef: {  	[sflag:s25] =	ssyncset.done $0x0  }
0x7f0: {  	[sflag:s25] =	ssyncadd.s32 $0xFFFFFF80  }
0x7f1: {  	_ =	swait.ge [sflag:s25], $0x80  }
0x7f2: {  	[sflag:s25] =	ssyncset.done $0x0  }
0x7f3: {  	[sflag:s25] =	ssyncadd.s32 $0xFFFFFF80  }
0x7f4: {  	_ =	swait.ge [sflag:s25], $0x80  }
0x7f5: {  	[sflag:s25] =	ssyncset.done $0x0  }
0x7f6: {  	[sflag:s25] =	ssyncadd.s32 $0xFFFFFF80  }
0x7f7: {  	_ =	swait.ge [sflag:s25], $0x80  }
0x7f8: {  	[sflag:s25] =	ssyncset.done $0x0  }
0x7f9: {  	[sflag:s25] =	ssyncadd.s32 $0xFFFFFF80  }
0x7fa: {  	_ =	swait.ge [sflag:s25], $0x80  }
0x7fb: {  	[sflag:s25] =	ssyncset.done $0x0  }
0x7fc: {  	[sflag:s25] =	ssyncadd.s32 $0xFFFFFF80  }
0x7fd: {  	_ =	swait.ge [sflag:s25], $0x80  }
0x7fe: {  	[sflag:s25] =	ssyncset.done $0x0  }
0x7ff: {  	[sflag:s25] =	ssyncadd.s32 $0xFFFFFF80  }
0x800: {  	_ =	swait.ge [sflag:s25], $0x80  }
0x801: {  	[sflag:s25] =	ssyncset.done $0x0  }
0x802: {  	[sflag:s25] =	ssyncadd.s32 $0xFFFFFF80  }
0x803: {  	_ =	swait.ge [sflag:s25], $0x80  }
0x804: {  	[sflag:s25] =	ssyncset.done $0x0  }
0x805: {  	[sflag:s25] =	ssyncadd.s32 $0xFFFFFF80  }
0x806: {  	_ =	swait.ge [sflag:s25], $0x80  }
0x807: {  	[sflag:s25] =	ssyncset.done $0x0  }
0x808: {  	[sflag:s25] =	ssyncadd.s32 $0xFFFFFF80  }
0x809: {  	_ =	swait.ge [sflag:s25], $0x80  }
0x80a: {  	[sflag:s25] =	ssyncset.done $0x0  }
0x80b: {  	[sflag:s25] =	ssyncadd.s32 $0xFFFFFF80  }
0x80c: {  	_ =	swait.ge [sflag:s25], $0x80  }
0x80d: {  	[sflag:s25] =	ssyncset.done $0x0  }
0x80e: {  	[sflag:s25] =	ssyncadd.s32 $0xFFFFFF80  }
0x80f: {  	_ =	swait.ge [sflag:s25], $0x80  }
0x810: {  	[sflag:s25] =	ssyncset.done $0x0  }
0x811: {  	[sflag:s25] =	ssyncadd.s32 $0xFFFFFF80  }
0x812: {  	_ =	swait.ge [sflag:s25], $0x80  }
0x813: {  	[sflag:s25] =	ssyncset.done $0x0  }
0x814: {  	[sflag:s25] =	ssyncadd.s32 $0xFFFFFF80  }
0x815: {  	_ =	swait.ge [sflag:s25], $0x80  }
0x816: {  	[sflag:s25] =	ssyncset.done $0x0  }
0x817: {  	[sflag:s25] =	ssyncadd.s32 $0xFFFFFF80  }
0x818: {  	_ =	swait.ge [sflag:s25], $0x80  }
0x819: {  	[sflag:s25] =	ssyncset.done $0x0  }
0x81a: {  	[sflag:s25] =	ssyncadd.s32 $0xFFFFFF80  }
0x81b: {  	_ =	swait.ge [sflag:s25], $0x80  }
0x81c: {  	[sflag:s25] =	ssyncset.done $0x0  }
0x81d: {  	[sflag:s25] =	ssyncadd.s32 $0xFFFFFF80  }
0x81e: {  	_ =	swait.ge [sflag:s25], $0x80  }
0x81f: {  	[sflag:s25] =	ssyncset.done $0x0  }
0x820: {  	[sflag:s25] =	ssyncadd.s32 $0xFFFFFF80  }
0x821: {  	_ =	swait.ge [sflag:s25], $0x80  }
0x822: {  	[sflag:s25] =	ssyncset.done $0x0  }
0x823: {  	[sflag:s25] =	ssyncadd.s32 $0xFFFFFF80  }
0x824: {  	_ =	swait.ge [sflag:s25], $0x80  }
0x825: {  	[sflag:s25] =	ssyncset.done $0x0  }
0x826: {  	[sflag:s25] =	ssyncadd.s32 $0xFFFFFF80  }
0x827: {  	_ =	swait.ge [sflag:s25], $0x80  }
0x828: {  	[sflag:s25] =	ssyncset.done $0x0  }
0x829: {  	[sflag:s25] =	ssyncadd.s32 $0xFFFFFF80  }
0x82a: {  	_ =	swait.ge [sflag:s25], $0x80  }
0x82b: {  	[sflag:s25] =	ssyncset.done $0x0  }
0x82c: {  	[sflag:s25] =	ssyncadd.s32 $0xFFFFFF80  }
0x82d: {  	_ =	swait.ge [sflag:s25], $0x80  }
0x82e: {  	[sflag:s25] =	ssyncset.done $0x0  }
0x82f: {  	s17 =	simm.s32 $0x0;
	s26 =	simm.s32 $0x9800;
	[sflag:s25] =	ssyncadd.s32 $0xFFFFFF80  }
0x830: {  	[spmem:s3] =	stream.indirect.scatter.add.f32 [tilespmem:s26], [sflag:$0x4], $0x1, s17, s10, $0x2000b8;
	[tilespmem:$0x1E900] =	vst v63  }
0x831: {  	s2 =	simm.s32 $0x9880  }
0x832: {  	[spmem:s3] =	stream.indirect.scatter.add.f32 [tilespmem:s2], [sflag:$0x4], $0x1, s10, s10, $0x2000b8;
	[tilespmem:$0x1E900] =	vst v63  }
0x833: {  	s5 =	simm.s32 $0x9900;
	s6 =	simm.s32 $0x100  }
0x834: {  	[spmem:s3] =	stream.indirect.scatter.add.f32 [tilespmem:s5], [sflag:$0x4], $0x1, s6, s10, $0x2000b8;
	[tilespmem:$0x1E900] =	vst v63  }
0x835: {  	s11 =	simm.s32 $0x180;
	s6 =	simm.s32 $0x9980  }
0x836: {  	[spmem:s3] =	stream.indirect.scatter.add.f32 [tilespmem:s6], [sflag:$0x4], $0x1, s11, s10, $0x2000b8;
	[tilespmem:$0x1E900] =	vst v63  }
0x837: {  	s12 =	simm.s32 $0x9A00;
	s13 =	simm.s32 $0x200  }
0x838: {  	[spmem:s3] =	stream.indirect.scatter.add.f32 [tilespmem:s12], [sflag:$0x4], $0x1, s13, s10, $0x2000b8;
	[tilespmem:$0x1E900] =	vst v63  }
0x839: {  	s15 =	simm.s32 $0x280;
	s2 =	simm.s32 $0x9A80  }
0x83a: {  	[spmem:s3] =	stream.indirect.scatter.add.f32 [tilespmem:s2], [sflag:$0x4], $0x1, s15, s10, $0x2000b8;
	[tilespmem:$0x1E900] =	vst v63  }
0x83b: {  	s24 =	simm.s32 $0x300;
	s26 =	simm.s32 $0x9B00  }
0x83c: {  	[spmem:s3] =	stream.indirect.scatter.add.f32 [tilespmem:s26], [sflag:$0x4], $0x1, s24, s10, $0x2000b8;
	[tilespmem:$0x1E900] =	vst v63  }
0x83d: {  	s5 =	simm.s32 $0x9B80;
	s2 =	simm.s32 $0x380  }
0x83e: {  	[spmem:s3] =	stream.indirect.scatter.add.f32 [tilespmem:s5], [sflag:$0x4], $0x1, s2, s10, $0x2000b8;
	[tilespmem:$0x1E900] =	vst v63  }
0x83f: {  	s6 =	simm.s32 $0x400  }
0x840: {  	[spmem:s3] =	stream.indirect.scatter.add.f32 [tilespmem:s21], [sflag:$0x4], $0x1, s6, s10, $0x2000b8;
	[tilespmem:$0x1E900] =	vst v63  }
0x841: {  	s11 =	simm.s32 $0x480  }
0x842: {  	[spmem:s3] =	stream.indirect.scatter.add.f32 [tilespmem:s22], [sflag:$0x4], $0x1, s11, s10, $0x2000b8;
	[tilespmem:$0x1E900] =	vst v63  }
0x843: {  	s12 =	simm.s32 $0x500  }
0x844: {  	[spmem:s3] =	stream.indirect.scatter.add.f32 [tilespmem:s28], [sflag:$0x4], $0x1, s12, s10, $0x2000b8;
	[tilespmem:$0x1E900] =	vst v63  }
0x845: {  	s13 =	simm.s32 $0x580  }
0x846: {  	[spmem:s3] =	stream.indirect.scatter.add.f32 [tilespmem:s16], [sflag:$0x4], $0x1, s13, s10, $0x2000b8;
	[tilespmem:$0x1E900] =	vst v63  }
0x847: {  	s15 =	simm.s32 $0x600  }
0x848: {  	[spmem:s3] =	stream.indirect.scatter.add.f32 [tilespmem:s14], [sflag:$0x4], $0x1, s15, s10, $0x2000b8;
	[tilespmem:$0x1E900] =	vst v63  }
0x849: {  	s24 =	simm.s32 $0x680  }
0x84a: {  	[spmem:s3] =	stream.indirect.scatter.add.f32 [tilespmem:s9], [sflag:$0x4], $0x1, s24, s10, $0x2000b8;
	[tilespmem:$0x1E900] =	vst v63  }
0x84b: {  	s26 =	simm.s32 $0x700  }
0x84c: {  	[spmem:s3] =	stream.indirect.scatter.add.f32 [tilespmem:s29], [sflag:$0x4], $0x1, s26, s10, $0x2000b8;
	[tilespmem:$0x1E900] =	vst v63  }
0x84d: {  	s2 =	simm.s32 $0x780  }
0x84e: {  	[spmem:s3] =	stream.indirect.scatter.add.f32 [tilespmem:s31], [sflag:$0x4], $0x1, s2, s10, $0x2000b8;
	[tilespmem:$0x1E900] =	vst v63  }
0x84f: {  	s5 =	simm.s32 $0xA000;
	s6 =	simm.s32 $0x800  }
0x850: {  	[spmem:s3] =	stream.indirect.scatter.add.f32 [tilespmem:s5], [sflag:$0x4], $0x1, s6, s10, $0x2000b8;
	[tilespmem:$0x1E900] =	vst v63  }
0x851: {  	s11 =	simm.s32 $0xA080;
	s12 =	simm.s32 $0x880  }
0x852: {  	[spmem:s3] =	stream.indirect.scatter.add.f32 [tilespmem:s11], [sflag:$0x4], $0x1, s12, s10, $0x2000b8;
	[tilespmem:$0x1E900] =	vst v63  }
0x853: {  	s13 =	simm.s32 $0xA100;
	s15 =	simm.s32 $0x900  }
0x854: {  	[spmem:s3] =	stream.indirect.scatter.add.f32 [tilespmem:s13], [sflag:$0x4], $0x1, s15, s10, $0x2000b8;
	[tilespmem:$0x1E900] =	vst v63  }
0x855: {  	s24 =	simm.s32 $0xA180;
	s26 =	simm.s32 $0x980  }
0x856: {  	[spmem:s3] =	stream.indirect.scatter.add.f32 [tilespmem:s24], [sflag:$0x4], $0x1, s26, s10, $0x2000b8;
	[tilespmem:$0x1E900] =	vst v63  }
0x857: {  	s5 =	simm.s32 $0xA200;
	s6 =	simm.s32 $0xA00  }
0x858: {  	[spmem:s3] =	stream.indirect.scatter.add.f32 [tilespmem:s5], [sflag:$0x4], $0x1, s6, s10, $0x2000b8;
	[tilespmem:$0x1E900] =	vst v63  }
0x859: {  	s11 =	simm.s32 $0xA280;
	s12 =	simm.s32 $0xA80  }
0x85a: {  	[spmem:s3] =	stream.indirect.scatter.add.f32 [tilespmem:s11], [sflag:$0x4], $0x1, s12, s10, $0x2000b8;
	[tilespmem:$0x1E900] =	vst v63  }
0x85b: {  	s13 =	simm.s32 $0xA300;
	s15 =	simm.s32 $0xB00  }
0x85c: {  	[spmem:s3] =	stream.indirect.scatter.add.f32 [tilespmem:s13], [sflag:$0x4], $0x1, s15, s10, $0x2000b8;
	[tilespmem:$0x1E900] =	vst v63  }
0x85d: {  	s24 =	simm.s32 $0xA380;
	s26 =	simm.s32 $0xB80  }
0x85e: {  	[spmem:s3] =	stream.indirect.scatter.add.f32 [tilespmem:s24], [sflag:$0x4], $0x1, s26, s10, $0x2000b8;
	[tilespmem:$0x1E900] =	vst v63  }
0x85f: {  	_ =	swait.ge [sflag:s30], $0x80  }
0x860: {  	[sflag:s30] =	ssyncset.done $0x0  }
0x861: {  	[sflag:s30] =	ssyncadd.s32 $0xFFFFFF80  }
0x862: {  	_ =	swait.ge [sflag:s30], $0x80  }
0x863: {  	[sflag:s30] =	ssyncset.done $0x0  }
0x864: {  	[sflag:s30] =	ssyncadd.s32 $0xFFFFFF80  }
0x865: {  	_ =	swait.ge [sflag:s30], $0x80  }
0x866: {  	[sflag:s30] =	ssyncset.done $0x0  }
0x867: {  	[sflag:s30] =	ssyncadd.s32 $0xFFFFFF80  }
0x868: {  	_ =	swait.ge [sflag:s30], $0x80  }
0x869: {  	[sflag:s30] =	ssyncset.done $0x0  }
0x86a: {  	[sflag:s30] =	ssyncadd.s32 $0xFFFFFF80  }
0x86b: {  	_ =	swait.ge [sflag:s30], $0x80  }
0x86c: {  	[sflag:s30] =	ssyncset.done $0x0  }
0x86d: {  	[sflag:s30] =	ssyncadd.s32 $0xFFFFFF80  }
0x86e: {  	_ =	swait.ge [sflag:s30], $0x80  }
0x86f: {  	[sflag:s30] =	ssyncset.done $0x0  }
0x870: {  	[sflag:s30] =	ssyncadd.s32 $0xFFFFFF80  }
0x871: {  	_ =	swait.ge [sflag:s30], $0x80  }
0x872: {  	[sflag:s30] =	ssyncset.done $0x0  }
0x873: {  	[sflag:s30] =	ssyncadd.s32 $0xFFFFFF80  }
0x874: {  	_ =	swait.ge [sflag:s30], $0x80  }
0x875: {  	[sflag:s30] =	ssyncset.done $0x0  }
0x876: {  	[sflag:s30] =	ssyncadd.s32 $0xFFFFFF80  }
0x877: {  	_ =	swait.ge [sflag:s30], $0x80  }
0x878: {  	[sflag:s30] =	ssyncset.done $0x0  }
0x879: {  	[sflag:s30] =	ssyncadd.s32 $0xFFFFFF80  }
0x87a: {  	_ =	swait.ge [sflag:s30], $0x80  }
0x87b: {  	[sflag:s30] =	ssyncset.done $0x0  }
0x87c: {  	[sflag:s30] =	ssyncadd.s32 $0xFFFFFF80  }
0x87d: {  	_ =	swait.ge [sflag:s30], $0x80  }
0x87e: {  	[sflag:s30] =	ssyncset.done $0x0  }
0x87f: {  	[sflag:s30] =	ssyncadd.s32 $0xFFFFFF80  }
0x880: {  	_ =	swait.ge [sflag:s30], $0x80  }
0x881: {  	[sflag:s30] =	ssyncset.done $0x0  }
0x882: {  	[sflag:s30] =	ssyncadd.s32 $0xFFFFFF80  }
0x883: {  	_ =	swait.ge [sflag:s30], $0x80  }
0x884: {  	[sflag:s30] =	ssyncset.done $0x0  }
0x885: {  	[sflag:s30] =	ssyncadd.s32 $0xFFFFFF80  }
0x886: {  	_ =	swait.ge [sflag:s30], $0x80  }
0x887: {  	[sflag:s30] =	ssyncset.done $0x0  }
0x888: {  	[sflag:s30] =	ssyncadd.s32 $0xFFFFFF80  }
0x889: {  	_ =	swait.ge [sflag:s30], $0x80  }
0x88a: {  	[sflag:s30] =	ssyncset.done $0x0  }
0x88b: {  	[sflag:s30] =	ssyncadd.s32 $0xFFFFFF80  }
0x88c: {  	_ =	swait.ge [sflag:s30], $0x80  }
0x88d: {  	[sflag:s30] =	ssyncset.done $0x0  }
0x88e: {  	[sflag:s30] =	ssyncadd.s32 $0xFFFFFF80  }
0x88f: {  	_ =	swait.ge [sflag:s30], $0x80  }
0x890: {  	[sflag:s30] =	ssyncset.done $0x0  }
0x891: {  	[sflag:s30] =	ssyncadd.s32 $0xFFFFFF80  }
0x892: {  	_ =	swait.ge [sflag:s30], $0x80  }
0x893: {  	[sflag:s30] =	ssyncset.done $0x0  }
0x894: {  	[sflag:s30] =	ssyncadd.s32 $0xFFFFFF80  }
0x895: {  	_ =	swait.ge [sflag:s30], $0x80  }
0x896: {  	[sflag:s30] =	ssyncset.done $0x0  }
0x897: {  	[sflag:s30] =	ssyncadd.s32 $0xFFFFFF80  }
0x898: {  	_ =	swait.ge [sflag:s30], $0x80  }
0x899: {  	[sflag:s30] =	ssyncset.done $0x0  }
0x89a: {  	[sflag:s30] =	ssyncadd.s32 $0xFFFFFF80  }
0x89b: {  	_ =	swait.ge [sflag:s30], $0x80  }
0x89c: {  	[sflag:s30] =	ssyncset.done $0x0  }
0x89d: {  	[sflag:s30] =	ssyncadd.s32 $0xFFFFFF80  }
0x89e: {  	_ =	swait.ge [sflag:s30], $0x80  }
0x89f: {  	[sflag:s30] =	ssyncset.done $0x0  }
0x8a0: {  	[sflag:s30] =	ssyncadd.s32 $0xFFFFFF80  }
0x8a1: {  	_ =	swait.ge [sflag:s30], $0x80  }
0x8a2: {  	[sflag:s30] =	ssyncset.done $0x0  }
0x8a3: {  	[sflag:s30] =	ssyncadd.s32 $0xFFFFFF80  }
.Ltmp10:
0x8a4: {  	_ =	swait.ge [sflag:s30], $0x80;
	(pc) =	sbr.rel .LBB2_17-.Ltmp10, $4  }
0x8a5: {  	[sflag:s30] =	ssyncset.done $0x0  }
0x8a6: {  	[sflag:s30] =	ssyncadd.s32 $0xFFFFFF80  }
0x8a7: {  	_ =	strace $0x90000059  }
0x8a8: {  	s5 =	sld [smem:$0x7FB]  }
.LBB2_18:
0x8a9: {  	_ =	sfence.sel $0x180000  }
0x8aa: {  	[bflag:$0x0] =	sbarrier.arrive $0xFFFF  }
0x8ab: {  	_ =	strace $0x9000004A  }
0x8ac: {  	s0 =	stileid.u32;
	[bflag:$0x2] =	sbarrier.arrive $0xFFFF  }
0x8ad: {  	p0 =	sne.s32 s0, $0x0;
	s0 =	rddreg [dreg:$0x4]  }
0x8ae: {  	s0 =	sadd.s32 @!p0 $0x100000, s0  }
0x8af: {  	[sflag:s0] =	ssyncadd.tile.s32 @!p0 $0x1;
	_ =	shalt  }
.Lfunc_end2:
_tile_overlayer_lowered:
.L_overlay_start_2:
0x8b0: {  	(tag) =	ssettag $0x2  }
0x8b1: {  	s0 =	rddreg [dreg:$0x0];
	s2 =	stileid.u32  }
0x8b2: {  	s1 =	rddreg [dreg:$0x1];
	p0 =	sne.s32 s2, $0x0  }
0x8b3: {  	s3 =	rddreg [dreg:$0x2];
	[bflag:$0x3] =	sbarrier.arrive $0xFFFF;
	s2 =	simm.s32 @!p0 $0x1C05  }
0x8b4: {  	[timem:s3], [sflag:s2] =	dma.local @!p0 [hbm:s0], s1  }
0x8b5: {  	s0 =	simm.s32 @!p0 $0x5  }
0x8b6: {  	_ =	swait.ge @!p0 [sflag:s0], s1  }
0x8b7: {  	s1 =	ssub.s32 @!p0 $0x0, s1;
	[sflag:s0] =	ssyncset.done @!p0 $0x0  }
0x8b8: {  	[sflag:s0] =	ssyncadd.s32 @!p0 s1  }
0x8b9: {  	[bflag:$0x3] =	sbarrier.arrive $0xFFFF  }
0x8ba: {  	_ =	shalt  }

</sc_bundles>
